<compile_context>
chip_gen: v7x
topology: tpu7x:2x2x1
jax: 0.10.2.dev20260603
libtpu: 0.0.44.dev20260713+nightly
codegen_flags: <defaults>
</compile_context>

<pallas_src>
import functools

import jax
import jax.numpy as jnp
from jax import lax
from jax.experimental import pallas as pl
from jax.experimental.pallas import tpu as pltpu
from jax.experimental.pallas import tpu_sc as plsc

B = 16384
EMB = 64
HID = 128
VOCAB = 1000000

NC = 2
NS = 16
NW = NC * NS
LANE_TILES = (VOCAB + 127) // 128
WAVE = 512
NWAVES = 62
NPAIRS = NWAVES // 2
TAIL_BASE = VOCAB - WAVE
PBUF_ROWS = B + 32
OUT_ROWS = B + NW * 128
ACC = 128


def _process_table(tbl_ref, tail_ref, idx_hbm, out_ref, plist, wbuf,
                   wave0, wave1, acc, bacc, wsem0, wsem1, ssem, lo, hi, jb):
  lane = lax.iota(jnp.int32, 16)

  def junk_fill_bacc():
    for k in range(ACC // 16):
      bacc[pl.ds(k * 16, 16)] = jb + k * 16 + lane

  junk_fill_bacc()

  pltpu.sync_copy(idx_hbm, wbuf.at[pl.ds(0, B)])

  def route(k, off):
    v = wbuf[pl.ds(k * 16, 16)]
    m = (v >= lo) & (v < hi)
    ci = plsc.cumsum(m.astype(jnp.int32))
    pos = jnp.where(m, off + ci - 1, PBUF_ROWS - 1)
    p = ((k * 16 + lane) << 15) | (v - lo)
    plsc.store_scatter(plist, [pos], p)
    return off + jnp.max(ci)

  n = lax.fori_loop(0, B // 16, route, jnp.int32(0), unroll=2)
  plist[pl.ds(n, 16)] = (jb + lane) << 15
  nchunks = (n + 15) // 16

  def flush_issue(acc_n):
    pltpu.async_copy(acc, out_ref.at[bacc], ssem)

  def flush_wait():
    pltpu.make_async_copy(out_ref.at[pl.ds(0, ACC)], acc, ssem).wait()

  def issue(w, buf, sem):
    wc = jnp.minimum(w, NWAVES - 1)
    gb = lo + wc * WAVE
    use_tail = gb + WAVE > VOCAB

    @pl.when(use_tail)
    def _():
      pltpu.async_copy(tail_ref, buf, sem)

    @pl.when(jnp.logical_not(use_tail))
    def _():
      pltpu.async_copy(
          tbl_ref.at[:, pl.ds(pl.multiple_of(gb, 128), WAVE)], buf, sem)

  def process(w, wave, wsem, carry):
    acc_n, pending = carry
    wb = lo + w * WAVE
    use_tail = wb + WAVE > VOCAB
    wqb = jnp.where(use_tail, TAIL_BASE - lo, w * WAVE)

    pltpu.make_async_copy(tbl_ref.at[:, pl.ds(0, WAVE)], wave, wsem).wait()

    def scan(k, nw):
      p = plist[pl.ds(k * 16, 16)]
      c = (p & 0x7FFF) - wqb
      m = (c >= 0) & (c < WAVE)
      ci = plsc.cumsum(m.astype(jnp.int32))
      pos = jnp.where(m, nw + ci - 1, PBUF_ROWS - 1)
      q = ((p >> 15) << 10) | jnp.where(m, c, 0)
      plsc.store_scatter(wbuf, [pos], q)
      return nw + jnp.max(ci)

    nw = lax.fori_loop(0, nchunks, scan, jnp.int32(0))
    wbuf[pl.ds(nw, 16)] = (jb + lane) << 10

    @pl.when(pending > 0)
    def _():
      flush_wait()
      junk_fill_bacc()

    ngrp = jnp.where(nw > 0, (nw + 15) // 16, 0)

    def grp(g, acc_n_):
      @pl.when(acc_n_ + 16 > ACC)
      def _():
        flush_issue(acc_n_)
        flush_wait()
        junk_fill_bacc()

      acc_n_ = jnp.where(acc_n_ + 16 > ACC, 0, acc_n_)
      q = wbuf[pl.ds(g * 16, 16)]
      c16 = q & 1023
      b16 = q >> 10
      ord16 = acc_n_ + lane

      def eloop(e8, _2):
        for ee in range(8):
          e = e8 * 8 + ee
          sp = jnp.full((16,), 1, jnp.int32) * e
          vals = plsc.load_gather(wave, [sp, c16])
          plsc.store_scatter(acc, [ord16, sp], vals)
        return _2

      lax.fori_loop(0, 8, eloop, jnp.int32(0))
      bacc[pl.ds(acc_n_, 16)] = b16
      return acc_n_ + 16

    acc_n = lax.fori_loop(0, ngrp, grp, acc_n)

    do_flush = acc_n > ACC - 16
    @pl.when(do_flush)
    def _():
      flush_issue(acc_n)

    acc_n = jnp.where(do_flush, 0, acc_n)
    return (acc_n, jnp.where(do_flush, 1, 0).astype(jnp.int32))

  issue(0, wave0, wsem0)

  def pair(j, carry):
    w0 = j * 2
    issue(w0 + 1, wave1, wsem1)
    carry = process(w0, wave0, wsem0, carry)
    issue(w0 + 2, wave0, wsem0)
    carry = process(w0 + 1, wave1, wsem1, carry)
    return carry

  acc_n, pending = lax.fori_loop(
      0, NPAIRS, pair, (jnp.int32(0), jnp.int32(0)))
  pltpu.make_async_copy(tbl_ref.at[:, pl.ds(0, WAVE)], wave0, wsem0).wait()

  @pl.when(pending > 0)
  def _():
    flush_wait()
    junk_fill_bacc()

  @pl.when(acc_n > 0)
  def _():
    flush_issue(acc_n)
    flush_wait()
    junk_fill_bacc()


def _sc_gather(uid, iid, ut_t, it_t, u_tail, i_tail):
  mesh = plsc.VectorSubcoreMesh(core_axis_name="c", subcore_axis_name="s")

  @functools.partial(
      pl.kernel,
      mesh=mesh,
      compiler_params=pltpu.CompilerParams(needs_layout_passes=False),
      out_type=[
          jax.ShapeDtypeStruct((OUT_ROWS, HID), jnp.float32),
          jax.ShapeDtypeStruct((OUT_ROWS, HID), jnp.float32),
      ],
      scratch_types=[
          pltpu.VMEM((PBUF_ROWS,), jnp.int32),
          pltpu.VMEM((PBUF_ROWS,), jnp.int32),
          pltpu.VMEM((EMB, WAVE), jnp.float32),
          pltpu.VMEM((EMB, WAVE), jnp.float32),
          pltpu.VMEM((ACC, HID), jnp.float32),
          pltpu.VMEM((ACC,), jnp.int32),
          pltpu.SemaphoreType.DMA,
          pltpu.SemaphoreType.DMA,
          pltpu.SemaphoreType.DMA,
      ],
  )
  def gather_kernel(uid_hbm, iid_hbm, ut_hbm, it_hbm, ut_tail, it_tail,
                    u_out, i_out, plist, wbuf, wave0, wave1, acc, bacc,
                    wsem0, wsem1, ssem):
    wid = lax.axis_index("s") * NC + lax.axis_index("c")
    lo = ((wid * LANE_TILES) // NW) * 128
    hi = (((wid + 1) * LANE_TILES) // NW) * 128
    jb = B + wid * 128
    _process_table(ut_hbm, ut_tail, uid_hbm, u_out, plist, wbuf,
                   wave0, wave1, acc, bacc, wsem0, wsem1, ssem, lo, hi, jb)
    _process_table(it_hbm, it_tail, iid_hbm, i_out, plist, wbuf,
                   wave0, wave1, acc, bacc, wsem0, wsem1, ssem, lo, hi, jb)

  return gather_kernel(uid, iid, ut_t, it_t, u_tail, i_tail)


def _dense_body(u_ref, i_ref, wu_ref, bu_ref, wi_ref, bi_ref, o_ref):
  dn = (((1,), (0,)), ((), ()))
  u = u_ref[...][:, :EMB]
  i = i_ref[...][:, :EMB]
  uf = lax.dot_general(u, wu_ref[...], dn, preferred_element_type=jnp.float32)
  uf = jnp.maximum(uf + bu_ref[...], 0.0)
  itf = lax.dot_general(i, wi_ref[...], dn, preferred_element_type=jnp.float32)
  itf = jnp.maximum(itf + bi_ref[...], 0.0)
  o_ref[...] = jnp.sum(uf * itf, axis=1)


def _tc_dense(u_emb, i_emb, W_u, b_u, W_i, b_i):
  nb = 2048
  grid = B // nb
  return pl.pallas_call(
      _dense_body,
      grid=(grid,),
      in_specs=[
          pl.BlockSpec((nb, HID), lambda b: (b, 0)),
          pl.BlockSpec((nb, HID), lambda b: (b, 0)),
          pl.BlockSpec((EMB, HID), lambda b: (0, 0)),
          pl.BlockSpec((1, HID), lambda b: (0, 0)),
          pl.BlockSpec((EMB, HID), lambda b: (0, 0)),
          pl.BlockSpec((1, HID), lambda b: (0, 0)),
      ],
      out_specs=pl.BlockSpec((nb,), lambda b: (b,)),
      out_shape=jax.ShapeDtypeStruct((B,), jnp.float32),
  )(u_emb, i_emb, W_u, b_u.reshape(1, HID), W_i, b_i.reshape(1, HID))


def kernel(uid_batch, iid_batch, user_table, item_table, W_u, b_u, W_i, b_i):
  ut_t = user_table.T
  it_t = item_table.T
  u_tail = jnp.pad(ut_t[:, TAIL_BASE:], ((0, 0), (0, WAVE - (VOCAB - TAIL_BASE))))
  i_tail = jnp.pad(it_t[:, TAIL_BASE:], ((0, 0), (0, WAVE - (VOCAB - TAIL_BASE))))
  u_emb, i_emb = _sc_gather(uid_batch, iid_batch, ut_t, it_t, u_tail, i_tail)
  return _tc_dense(u_emb, i_emb, W_u, b_u, W_i, b_i)

# --- scband reference (transcript-rebuilt; emitter-appended) ---
"""Pipeline reference for scband-rec-model-52776558133655 (READ-ONLY COPY).

The authoritative reference and input builder live on the scoring server;
editing this copy changes nothing except your own understanding.
"""

import jax, jax.numpy as jnp
import numpy as np

USR_NUM = 1000000
ITEM_NUM = 1000000
EMB_USR = 64
EMB_ITEM = 64
HIDDEN = 128
BATCH = 16384


def setup_inputs(seed: int = 0) -> dict:
    key = jax.random.key(seed)
    k_uid, k_iid, k_ut, k_it, k_wu, k_bu, k_wi, k_bi = jax.random.split(key, 8)
    uid_batch = jax.random.randint(k_uid, (BATCH,), 0, USR_NUM, dtype=jnp.int64 if jax.config.jax_enable_x64 else jnp.int32)
    iid_batch = jax.random.randint(k_iid, (BATCH,), 0, ITEM_NUM, dtype=jnp.int64 if jax.config.jax_enable_x64 else jnp.int32)
    user_table = jax.random.normal(k_ut, (USR_NUM, EMB_USR), dtype=jnp.float32)
    item_table = jax.random.normal(k_it, (ITEM_NUM, EMB_ITEM), dtype=jnp.float32)
    W_u = jax.random.normal(k_wu, (EMB_USR, HIDDEN), dtype=jnp.float32) * (1.0 / np.sqrt(EMB_USR))
    b_u = jax.random.normal(k_bu, (HIDDEN,), dtype=jnp.float32) * 0.01
    W_i = jax.random.normal(k_wi, (EMB_ITEM, HIDDEN), dtype=jnp.float32) * (1.0 / np.sqrt(EMB_ITEM))
    b_i = jax.random.normal(k_bi, (HIDDEN,), dtype=jnp.float32) * 0.01
    return {
        "uid_batch": uid_batch,
        "iid_batch": iid_batch,
        "user_table": user_table,
        "item_table": item_table,
        "W_u": W_u,
        "b_u": b_u,
        "W_i": W_i,
        "b_i": b_i,
    }


def reference(uid_batch, iid_batch, user_table, item_table, W_u, b_u, W_i, b_i):
    # Embedding lookups (gather)
    u_emb = jnp.take(user_table, uid_batch, axis=0)   # [B, EMB_USR]
    i_emb = jnp.take(item_table, iid_batch, axis=0)   # [B, EMB_ITEM]
    # Feature layers
    u_feat = jnp.maximum(u_emb @ W_u + b_u, 0.0)      # [B, HIDDEN]
    i_feat = jnp.maximum(i_emb @ W_i + b_i, 0.0)      # [B, HIDDEN]
    # bmm of [B,1,H] x [B,H,1] == rowwise dot product, then squeeze
    output = jnp.sum(u_feat * i_feat, axis=-1)        # [B]
    return output

if __name__ == "__main__":
    import jax
    _d = setup_inputs()
    print(jax.jit(kernel)(*tuple(_d.values())))

</pallas_src>

<mosaic_0001>
#map = affine_map<(d0, d1) -> (0)>
#map1 = affine_map<(d0, d1) -> (0, 0)>
module attributes {stable_mosaic.version = 14 : i64} {
  func.func @gather_kernel(%arg0: i32, %arg1: i32, %arg2: memref<16384xi32, #tpu.memory_space<hbm>>, %arg3: memref<16384xi32, #tpu.memory_space<hbm>>, %arg4: memref<64x1000000xf32, #tpu.memory_space<hbm>>, %arg5: memref<64x1000000xf32, #tpu.memory_space<hbm>>, %arg6: memref<64x512xf32, #tpu.memory_space<hbm>>, %arg7: memref<64x512xf32, #tpu.memory_space<hbm>>, %arg8: memref<20480x128xf32, #tpu.memory_space<hbm>>, %arg9: memref<20480x128xf32, #tpu.memory_space<hbm>>, %arg10: memref<16416xi32, #tpu.memory_space<vmem>>, %arg11: memref<16416xi32, #tpu.memory_space<vmem>>, %arg12: memref<64x512xf32, #tpu.memory_space<vmem>>, %arg13: memref<64x512xf32, #tpu.memory_space<vmem>>, %arg14: memref<128x128xf32, #tpu.memory_space<vmem>>, %arg15: memref<128xi32, #tpu.memory_space<vmem>>, %arg16: memref<!tpu.dma_semaphore, #tpu.memory_space<semaphore_mem>>, %arg17: memref<!tpu.dma_semaphore, #tpu.memory_space<semaphore_mem>>, %arg18: memref<!tpu.dma_semaphore, #tpu.memory_space<semaphore_mem>>) attributes {dimension_semantics = [#tpu.dimension_semantics<core_parallel>, #tpu.dimension_semantics<subcore_parallel>], iteration_bounds = array<i64: 2, 16>, scalar_prefetch = 0 : i64, scratch_operands = 9 : i64, tpu.core_type = #tpu.core_type<sc_vector_subcore>, window_params = [{transform_indices = #map}, {transform_indices = #map}, {transform_indices = #map1}, {transform_indices = #map1}, {transform_indices = #map1}, {transform_indices = #map1}, {transform_indices = #map1}, {transform_indices = #map1}]} {
    %mul3A = arith.constant 2 : i32
    %mul3A_0 = arith.muli %arg1, %mul3A : i32
    %add3A = arith.addi %mul3A_0, %arg0 : i32
    %mul3A_1 = arith.constant 7813 : i32
    %mul3A_2 = arith.muli %add3A, %mul3A_1 : i32
    %jit3A = arith.constant 32 : i32
    %div3A = arith.divsi %mul3A_2, %jit3A : i32
    %sign3A = arith.constant 0 : i32
    %sign3A_3 = arith.cmpi sgt, %mul3A_2, %sign3A : i32
    %sign3A_4 = arith.extui %sign3A_3 : i1 to i32
    %sign3A_5 = arith.constant 0 : i32
    %sign3A_6 = arith.cmpi slt, %mul3A_2, %sign3A_5 : i32
    %sign3A_7 = arith.extui %sign3A_6 : i1 to i32
    %sign3A_8 = arith.subi %sign3A_4, %sign3A_7 : i32
    %sign3A_9 = arith.constant 0 : i32
    %sign3A_10 = arith.cmpi sgt, %jit3A, %sign3A_9 : i32
    %sign3A_11 = arith.extui %sign3A_10 : i1 to i32
    %sign3A_12 = arith.constant 0 : i32
    %sign3A_13 = arith.cmpi slt, %jit3A, %sign3A_12 : i32
    %sign3A_14 = arith.extui %sign3A_13 : i1 to i32
    %sign3A_15 = arith.subi %sign3A_11, %sign3A_14 : i32
    %ne3A = arith.cmpi ne, %sign3A_8, %sign3A_15 : i32
    %rem3A = arith.remsi %mul3A_2, %jit3A : i32
    %ne3A_16 = arith.constant 0 : i32
    %ne3A_17 = arith.cmpi ne, %rem3A, %ne3A_16 : i32
    %and3A = arith.andi %ne3A, %ne3A_17 : i1
    %sub3A = arith.constant 1 : i32
    %sub3A_18 = arith.subi %div3A, %sub3A : i32
    %select_n3A = arith.select %and3A, %sub3A_18, %div3A : i32
    %mul3A_19 = arith.constant 128 : i32
    %mul3A_20 = arith.muli %select_n3A, %mul3A_19 : i32
    %add3A_21 = arith.constant 1 : i32
    %add3A_22 = arith.addi %add3A, %add3A_21 : i32
    %mul3A_23 = arith.constant 7813 : i32
    %mul3A_24 = arith.muli %add3A_22, %mul3A_23 : i32
    %jit3A_25 = arith.constant 32 : i32
    %div3A_26 = arith.divsi %mul3A_24, %jit3A_25 : i32
    %sign3A_27 = arith.constant 0 : i32
    %sign3A_28 = arith.cmpi sgt, %mul3A_24, %sign3A_27 : i32
    %sign3A_29 = arith.extui %sign3A_28 : i1 to i32
    %sign3A_30 = arith.constant 0 : i32
    %sign3A_31 = arith.cmpi slt, %mul3A_24, %sign3A_30 : i32
    %sign3A_32 = arith.extui %sign3A_31 : i1 to i32
    %sign3A_33 = arith.subi %sign3A_29, %sign3A_32 : i32
    %sign3A_34 = arith.constant 0 : i32
    %sign3A_35 = arith.cmpi sgt, %jit3A_25, %sign3A_34 : i32
    %sign3A_36 = arith.extui %sign3A_35 : i1 to i32
    %sign3A_37 = arith.constant 0 : i32
    %sign3A_38 = arith.cmpi slt, %jit3A_25, %sign3A_37 : i32
    %sign3A_39 = arith.extui %sign3A_38 : i1 to i32
    %sign3A_40 = arith.subi %sign3A_36, %sign3A_39 : i32
    %ne3A_41 = arith.cmpi ne, %sign3A_33, %sign3A_40 : i32
    %rem3A_42 = arith.remsi %mul3A_24, %jit3A_25 : i32
    %ne3A_43 = arith.constant 0 : i32
    %ne3A_44 = arith.cmpi ne, %rem3A_42, %ne3A_43 : i32
    %and3A_45 = arith.andi %ne3A_41, %ne3A_44 : i1
    %sub3A_46 = arith.constant 1 : i32
    %sub3A_47 = arith.subi %div3A_26, %sub3A_46 : i32
    %select_n3A_48 = arith.select %and3A_45, %sub3A_47, %div3A_26 : i32
    %mul3A_49 = arith.constant 128 : i32
    %mul3A_50 = arith.muli %select_n3A_48, %mul3A_49 : i32
    %mul3A_51 = arith.constant 128 : i32
    %mul3A_52 = arith.muli %add3A, %mul3A_51 : i32
    %add3A_53 = arith.constant 16384 : i32
    %add3A_54 = arith.addi %add3A_53, %mul3A_52 : i32
    %iota3A = tpu.iota {dimensions = array<i32: 0>} : vector<16xi32>
    %add3A_55 = arith.constant 0 : i32
    %add3A_56 = arith.addi %add3A_54, %add3A_55 : i32
    %add3A_57 = vector.broadcast %add3A_56 : i32 to vector<16xi32>
    %add3A_58 = arith.addi %add3A_57, %iota3A : vector<16xi32>
    %swap3A = arith.constant 0 : index
    %swap3A_59 = tpu.vector_load %arg15[%swap3A] {strides = array<i32>} : memref<128xi32, #tpu.memory_space<vmem>>, vector<16xi32>,
    tpu.vector_store %arg15[%swap3A], %add3A_58 {strides = array<i32>} : memref<128xi32, #tpu.memory_space<vmem>>, vector<16xi32>,
    %add3A_60 = arith.constant 16 : i32
    %add3A_61 = arith.addi %add3A_54, %add3A_60 : i32
    %add3A_62 = vector.broadcast %add3A_61 : i32 to vector<16xi32>
    %add3A_63 = arith.addi %add3A_62, %iota3A : vector<16xi32>
    %swap3A_64 = arith.constant 16 : index
    %swap3A_65 = tpu.vector_load %arg15[%swap3A_64] {strides = array<i32>} : memref<128xi32, #tpu.memory_space<vmem>>, vector<16xi32>,
    tpu.vector_store %arg15[%swap3A_64], %add3A_63 {strides = array<i32>} : memref<128xi32, #tpu.memory_space<vmem>>, vector<16xi32>,
    %add3A_66 = arith.constant 32 : i32
    %add3A_67 = arith.addi %add3A_54, %add3A_66 : i32
    %add3A_68 = vector.broadcast %add3A_67 : i32 to vector<16xi32>
    %add3A_69 = arith.addi %add3A_68, %iota3A : vector<16xi32>
    %swap3A_70 = arith.constant 32 : index
    %swap3A_71 = tpu.vector_load %arg15[%swap3A_70] {strides = array<i32>} : memref<128xi32, #tpu.memory_space<vmem>>, vector<16xi32>,
    tpu.vector_store %arg15[%swap3A_70], %add3A_69 {strides = array<i32>} : memref<128xi32, #tpu.memory_space<vmem>>, vector<16xi32>,
    %add3A_72 = arith.constant 48 : i32
    %add3A_73 = arith.addi %add3A_54, %add3A_72 : i32
    %add3A_74 = vector.broadcast %add3A_73 : i32 to vector<16xi32>
    %add3A_75 = arith.addi %add3A_74, %iota3A : vector<16xi32>
    %swap3A_76 = arith.constant 48 : index
    %swap3A_77 = tpu.vector_load %arg15[%swap3A_76] {strides = array<i32>} : memref<128xi32, #tpu.memory_space<vmem>>, vector<16xi32>,
    tpu.vector_store %arg15[%swap3A_76], %add3A_75 {strides = array<i32>} : memref<128xi32, #tpu.memory_space<vmem>>, vector<16xi32>,
    %add3A_78 = arith.constant 64 : i32
    %add3A_79 = arith.addi %add3A_54, %add3A_78 : i32
    %add3A_80 = vector.broadcast %add3A_79 : i32 to vector<16xi32>
    %add3A_81 = arith.addi %add3A_80, %iota3A : vector<16xi32>
    %swap3A_82 = arith.constant 64 : index
    %swap3A_83 = tpu.vector_load %arg15[%swap3A_82] {strides = array<i32>} : memref<128xi32, #tpu.memory_space<vmem>>, vector<16xi32>,
    tpu.vector_store %arg15[%swap3A_82], %add3A_81 {strides = array<i32>} : memref<128xi32, #tpu.memory_space<vmem>>, vector<16xi32>,
    %add3A_84 = arith.constant 80 : i32
    %add3A_85 = arith.addi %add3A_54, %add3A_84 : i32
    %add3A_86 = vector.broadcast %add3A_85 : i32 to vector<16xi32>
    %add3A_87 = arith.addi %add3A_86, %iota3A : vector<16xi32>
    %swap3A_88 = arith.constant 80 : index
    %swap3A_89 = tpu.vector_load %arg15[%swap3A_88] {strides = array<i32>} : memref<128xi32, #tpu.memory_space<vmem>>, vector<16xi32>,
    tpu.vector_store %arg15[%swap3A_88], %add3A_87 {strides = array<i32>} : memref<128xi32, #tpu.memory_space<vmem>>, vector<16xi32>,
    %add3A_90 = arith.constant 96 : i32
    %add3A_91 = arith.addi %add3A_54, %add3A_90 : i32
    %add3A_92 = vector.broadcast %add3A_91 : i32 to vector<16xi32>
    %add3A_93 = arith.addi %add3A_92, %iota3A : vector<16xi32>
    %swap3A_94 = arith.constant 96 : index
    %swap3A_95 = tpu.vector_load %arg15[%swap3A_94] {strides = array<i32>} : memref<128xi32, #tpu.memory_space<vmem>>, vector<16xi32>,
    tpu.vector_store %arg15[%swap3A_94], %add3A_93 {strides = array<i32>} : memref<128xi32, #tpu.memory_space<vmem>>, vector<16xi32>,
    %add3A_96 = arith.constant 112 : i32
    %add3A_97 = arith.addi %add3A_54, %add3A_96 : i32
    %add3A_98 = vector.broadcast %add3A_97 : i32 to vector<16xi32>
    %add3A_99 = arith.addi %add3A_98, %iota3A : vector<16xi32>
    %swap3A_100 = arith.constant 112 : index
    %swap3A_101 = tpu.vector_load %arg15[%swap3A_100] {strides = array<i32>} : memref<128xi32, #tpu.memory_space<vmem>>, vector<16xi32>,
    tpu.vector_store %arg15[%swap3A_100], %add3A_99 {strides = array<i32>} : memref<128xi32, #tpu.memory_space<vmem>>, vector<16xi32>,
    "tpu.region"() ({
      %run_scoped3A = tpu.sem_alloc : memref<!tpu.dma_semaphore, #tpu.memory_space<semaphore_mem>>
      %dma_start3A = arith.constant 0 : i32
      %dma_start3A_307 = tpu.memref_slice %arg11[%dma_start3A] : memref<16416xi32, #tpu.memory_space<vmem>> -> memref<16384xi32, #tpu.memory_space<vmem>>
      %dma_start3A_308 = arith.constant 0 : i32
      %dma_start3A_309 = tpu.memref_slice %arg11[%dma_start3A_308] : memref<16416xi32, #tpu.memory_space<vmem>> -> memref<16384xi32, #tpu.memory_space<vmem>>
      tpu.enqueue_dma source(%arg2 : memref<16384xi32, #tpu.memory_space<hbm>>) target(%dma_start3A_309 : memref<16384xi32, #tpu.memory_space<vmem>>) target_semaphore(%run_scoped3A : memref<!tpu.dma_semaphore, #tpu.memory_space<semaphore_mem>>)
      %dma_wait3A_310 = arith.constant 0 : i32
      %dma_wait3A_311 = tpu.memref_slice %arg11[%dma_wait3A_310] : memref<16416xi32, #tpu.memory_space<vmem>> -> memref<16384xi32, #tpu.memory_space<vmem>>
      %dma_wait3A_312 = arith.constant 0 : i32
      %dma_wait3A_313 = tpu.memref_slice %arg11[%dma_wait3A_312] : memref<16416xi32, #tpu.memory_space<vmem>> -> memref<16384xi32, #tpu.memory_space<vmem>>
      tpu.wait_dma2 semaphore(%run_scoped3A : memref<!tpu.dma_semaphore, #tpu.memory_space<semaphore_mem>>) src(%arg2 : memref<16384xi32, #tpu.memory_space<hbm>>) dst(%dma_wait3A_313 : memref<16384xi32, #tpu.memory_space<vmem>>)
      tpu.yield
    }) : () -> ()
    %scan3A = arith.constant 0 : i32
    %scan3A_102 = arith.constant 0 : i32
    %scan3A_103 = arith.constant 1024 : i32
    %scan3A_104 = arith.addi %scan3A_102, %scan3A_103 : i32
    %scan3A_105 = arith.constant 2 : i32
    %scan3A_106 = scf.for %scan3A_307 = %scan3A_102 to %scan3A_104 step %scan3A_105 iter_args(%scan3A_308 = %scan3A) -> (i32)  : i32 {
      %mul3A_309 = arith.constant 16 : i32
      %mul3A_310 = arith.muli %scan3A_307, %mul3A_309 : i32
      %get3A = arith.index_cast %mul3A_310 : i32 to index
      %get3A_311 = tpu.vector_load %arg11[%get3A] {strides = array<i32>} : memref<16416xi32, #tpu.memory_space<vmem>>, vector<16xi32>,
      %ge3A = vector.broadcast %mul3A_20 : i32 to vector<16xi32>
      %ge3A_312 = arith.cmpi sge, %get3A_311, %ge3A : vector<16xi32>
      %lt3A = vector.broadcast %mul3A_50 : i32 to vector<16xi32>
      %lt3A_313 = arith.cmpi slt, %get3A_311, %lt3A : vector<16xi32>
      %and3A_314 = arith.andi %ge3A_312, %lt3A_313 : vector<16xi1>
      %convert_element_type3A_315 = arith.extui %and3A_314 : vector<16xi1> to vector<16xi32>
      %broadcast_in_dim3A = arith.constant true
      %broadcast_in_dim3A_316 = vector.broadcast %broadcast_in_dim3A : i1 to vector<16xi1>
      %masked_cumsum3A = tpu.scan <sum>, %convert_element_type3A_315 masked %broadcast_in_dim3A_316 : vector<16xi32>, vector<16xi1> -> vector<16xi32>
      %add3A_317 = vector.broadcast %scan3A_308 : i32 to vector<16xi32>
      %add3A_318 = arith.addi %add3A_317, %masked_cumsum3A : vector<16xi32>
      %sub3A_319 = arith.constant 1 : i32
      %sub3A_320 = vector.broadcast %sub3A_319 : i32 to vector<16xi32>
      %sub3A_321 = arith.subi %add3A_318, %sub3A_320 : vector<16xi32>
      %jit3A_322 = arith.constant 16415 : i32
      %broadcast_in_dim3A_323 = vector.broadcast %jit3A_322 : i32 to vector<16xi32>
      %select_n3A_324 = arith.select %and3A_314, %sub3A_321, %broadcast_in_dim3A_323 : vector<16xi1>, vector<16xi32>
      %mul3A_325 = arith.constant 16 : i32
      %mul3A_326 = arith.muli %scan3A_307, %mul3A_325 : i32
      %add3A_327 = vector.broadcast %mul3A_326 : i32 to vector<16xi32>
      %add3A_328 = arith.addi %add3A_327, %iota3A : vector<16xi32>
      %shift_left3A_329 = arith.constant 15 : i32
      %shift_left3A_330 = vector.broadcast %shift_left3A_329 : i32 to vector<16xi32>
      %shift_left3A_331 = arith.shli %add3A_328, %shift_left3A_330 : vector<16xi32>
      %sub3A_332 = vector.broadcast %mul3A_20 : i32 to vector<16xi32>
      %sub3A_333 = arith.subi %get3A_311, %sub3A_332 : vector<16xi32>
      %or3A = arith.ori %shift_left3A_331, %sub3A_333 : vector<16xi32>
      tpu.vector_store_idx %arg10[%select_n3A_324], %or3A : memref<16416xi32, #tpu.memory_space<vmem>>[vector<16xi32>], vector<16xi32>,
      %reduce_max3A = arith.constant true
      %reduce_max3A_334 = vector.broadcast %reduce_max3A : i1 to vector<16xi1>
      %reduce_max3A_335 = arith.constant -2147483648 : i32
      %reduce_max3A_336 = vector.broadcast %reduce_max3A_335 : i32 to vector<16xi32>
      %reduce_max3A_337 = arith.xori %masked_cumsum3A, %reduce_max3A_336 : vector<16xi32>
      %reduce_max3A_338 = tpu.scan <max>, %reduce_max3A_337 masked %reduce_max3A_334 : vector<16xi32>, vector<16xi1> -> vector<16xi32>
      %reduce_max3A_339 = arith.xori %reduce_max3A_338, %reduce_max3A_336 : vector<16xi32>
      %reduce_max3A_340 = vector.extract %reduce_max3A_339[15] : i32 from vector<16xi32>
      %add3A_341 = arith.addi %scan3A_308, %reduce_max3A_340 : i32
      %scan3A_342 = arith.constant 1 : i32
      %scan3A_343 = arith.addi %scan3A_307, %scan3A_342 : i32
      %mul3A_344 = arith.constant 16 : i32
      %mul3A_345 = arith.muli %scan3A_343, %mul3A_344 : i32
      %get3A_346 = arith.index_cast %mul3A_345 : i32 to index
      %get3A_347 = tpu.vector_load %arg11[%get3A_346] {strides = array<i32>} : memref<16416xi32, #tpu.memory_space<vmem>>, vector<16xi32>,
      %ge3A_348 = vector.broadcast %mul3A_20 : i32 to vector<16xi32>
      %ge3A_349 = arith.cmpi sge, %get3A_347, %ge3A_348 : vector<16xi32>
      %lt3A_350 = vector.broadcast %mul3A_50 : i32 to vector<16xi32>
      %lt3A_351 = arith.cmpi slt, %get3A_347, %lt3A_350 : vector<16xi32>
      %and3A_352 = arith.andi %ge3A_349, %lt3A_351 : vector<16xi1>
      %convert_element_type3A_353 = arith.extui %and3A_352 : vector<16xi1> to vector<16xi32>
      %broadcast_in_dim3A_354 = arith.constant true
      %broadcast_in_dim3A_355 = vector.broadcast %broadcast_in_dim3A_354 : i1 to vector<16xi1>
      %masked_cumsum3A_356 = tpu.scan <sum>, %convert_element_type3A_353 masked %broadcast_in_dim3A_355 : vector<16xi32>, vector<16xi1> -> vector<16xi32>
      %add3A_357 = vector.broadcast %add3A_341 : i32 to vector<16xi32>
      %add3A_358 = arith.addi %add3A_357, %masked_cumsum3A_356 : vector<16xi32>
      %sub3A_359 = arith.constant 1 : i32
      %sub3A_360 = vector.broadcast %sub3A_359 : i32 to vector<16xi32>
      %sub3A_361 = arith.subi %add3A_358, %sub3A_360 : vector<16xi32>
      %jit3A_362 = arith.constant 16415 : i32
      %broadcast_in_dim3A_363 = vector.broadcast %jit3A_362 : i32 to vector<16xi32>
      %select_n3A_364 = arith.select %and3A_352, %sub3A_361, %broadcast_in_dim3A_363 : vector<16xi1>, vector<16xi32>
      %mul3A_365 = arith.constant 16 : i32
      %mul3A_366 = arith.muli %scan3A_343, %mul3A_365 : i32
      %add3A_367 = vector.broadcast %mul3A_366 : i32 to vector<16xi32>
      %add3A_368 = arith.addi %add3A_367, %iota3A : vector<16xi32>
      %shift_left3A_369 = arith.constant 15 : i32
      %shift_left3A_370 = vector.broadcast %shift_left3A_369 : i32 to vector<16xi32>
      %shift_left3A_371 = arith.shli %add3A_368, %shift_left3A_370 : vector<16xi32>
      %sub3A_372 = vector.broadcast %mul3A_20 : i32 to vector<16xi32>
      %sub3A_373 = arith.subi %get3A_347, %sub3A_372 : vector<16xi32>
      %or3A_374 = arith.ori %shift_left3A_371, %sub3A_373 : vector<16xi32>
      tpu.vector_store_idx %arg10[%select_n3A_364], %or3A_374 : memref<16416xi32, #tpu.memory_space<vmem>>[vector<16xi32>], vector<16xi32>,
      %reduce_max3A_375 = arith.constant true
      %reduce_max3A_376 = vector.broadcast %reduce_max3A_375 : i1 to vector<16xi1>
      %reduce_max3A_377 = arith.constant -2147483648 : i32
      %reduce_max3A_378 = vector.broadcast %reduce_max3A_377 : i32 to vector<16xi32>
      %reduce_max3A_379 = arith.xori %masked_cumsum3A_356, %reduce_max3A_378 : vector<16xi32>
      %reduce_max3A_380 = tpu.scan <max>, %reduce_max3A_379 masked %reduce_max3A_376 : vector<16xi32>, vector<16xi1> -> vector<16xi32>
      %reduce_max3A_381 = arith.xori %reduce_max3A_380, %reduce_max3A_378 : vector<16xi32>
      %reduce_max3A_382 = vector.extract %reduce_max3A_381[15] : i32 from vector<16xi32>
      %add3A_383 = arith.addi %add3A_341, %reduce_max3A_382 : i32
      scf.yield %add3A_383 : i32
    }
    %scan3A_107 = arith.constant 1024 : i32
    %add3A_108 = vector.broadcast %add3A_54 : i32 to vector<16xi32>
    %add3A_109 = arith.addi %add3A_108, %iota3A : vector<16xi32>
    %shift_left3A = arith.constant 15 : i32
    %shift_left3A_110 = vector.broadcast %shift_left3A : i32 to vector<16xi32>
    %shift_left3A_111 = arith.shli %add3A_109, %shift_left3A_110 : vector<16xi32>
    %swap3A_112 = arith.index_cast %scan3A_106 : i32 to index
    %swap3A_113 = tpu.vector_load %arg10[%swap3A_112] {strides = array<i32>} : memref<16416xi32, #tpu.memory_space<vmem>>, vector<16xi32>,
    tpu.vector_store %arg10[%swap3A_112], %shift_left3A_111 {strides = array<i32>} : memref<16416xi32, #tpu.memory_space<vmem>>, vector<16xi32>,
    %add3A_114 = arith.constant 15 : i32
    %add3A_115 = arith.addi %scan3A_106, %add3A_114 : i32
    %jit3A_116 = arith.constant 16 : i32
    %div3A_117 = arith.divsi %add3A_115, %jit3A_116 : i32
    %sign3A_118 = arith.constant 0 : i32
    %sign3A_119 = arith.cmpi sgt, %add3A_115, %sign3A_118 : i32
    %sign3A_120 = arith.extui %sign3A_119 : i1 to i32
    %sign3A_121 = arith.constant 0 : i32
    %sign3A_122 = arith.cmpi slt, %add3A_115, %sign3A_121 : i32
    %sign3A_123 = arith.extui %sign3A_122 : i1 to i32
    %sign3A_124 = arith.subi %sign3A_120, %sign3A_123 : i32
    %sign3A_125 = arith.constant 0 : i32
    %sign3A_126 = arith.cmpi sgt, %jit3A_116, %sign3A_125 : i32
    %sign3A_127 = arith.extui %sign3A_126 : i1 to i32
    %sign3A_128 = arith.constant 0 : i32
    %sign3A_129 = arith.cmpi slt, %jit3A_116, %sign3A_128 : i32
    %sign3A_130 = arith.extui %sign3A_129 : i1 to i32
    %sign3A_131 = arith.subi %sign3A_127, %sign3A_130 : i32
    %ne3A_132 = arith.cmpi ne, %sign3A_124, %sign3A_131 : i32
    %rem3A_133 = arith.remsi %add3A_115, %jit3A_116 : i32
    %ne3A_134 = arith.constant 0 : i32
    %ne3A_135 = arith.cmpi ne, %rem3A_133, %ne3A_134 : i32
    %and3A_136 = arith.andi %ne3A_132, %ne3A_135 : i1
    %sub3A_137 = arith.constant 1 : i32
    %sub3A_138 = arith.subi %div3A_117, %sub3A_137 : i32
    %select_n3A_139 = arith.select %and3A_136, %sub3A_138, %div3A_117 : i32
    %min3A = arith.constant 0 : i32
    %min3A_140 = arith.constant 61 : i32
    %min3A_141 = arith.minsi %min3A, %min3A_140 : i32
    %mul3A_142 = arith.constant 512 : i32
    %mul3A_143 = arith.muli %min3A_141, %mul3A_142 : i32
    %add3A_144 = arith.addi %mul3A_20, %mul3A_143 : i32
    %add3A_145 = arith.constant 512 : i32
    %add3A_146 = arith.addi %add3A_144, %add3A_145 : i32
    %gt3A = arith.constant 1000000 : i32
    %gt3A_147 = arith.cmpi sgt, %add3A_146, %gt3A : i32
    %convert_element_type3A = arith.extui %gt3A_147 : i1 to i32
    %cond3A = arith.constant 0 : i32
    %cond3A_148 = arith.cmpi ne, %convert_element_type3A, %cond3A : i32
    scf.if %cond3A_148 {
      tpu.enqueue_dma source(%arg6 : memref<64x512xf32, #tpu.memory_space<hbm>>) target(%arg12 : memref<64x512xf32, #tpu.memory_space<vmem>>) target_semaphore(%arg16 : memref<!tpu.dma_semaphore, #tpu.memory_space<semaphore_mem>>)
    } else {
    }
    %not3A = arith.constant true
    %not3A_149 = arith.xori %gt3A_147, %not3A : i1
    %convert_element_type3A_150 = arith.extui %not3A_149 : i1 to i32
    %cond3A_151 = arith.constant 0 : i32
    %cond3A_152 = arith.cmpi ne, %convert_element_type3A_150, %cond3A_151 : i32
    scf.if %cond3A_152 {
      %multiple_of3A = tpu.assume_multiple %add3A_144, 128 : i32
      %dma_start3A = arith.constant 0 : i32
      %dma_start3A_307 = tpu.memref_slice %arg4[%dma_start3A, %multiple_of3A] : memref<64x1000000xf32, #tpu.memory_space<hbm>> -> memref<64x512xf32, #tpu.memory_space<hbm>>
      %dma_start3A_308 = arith.constant 0 : i32
      %dma_start3A_309 = tpu.memref_slice %arg4[%dma_start3A_308, %multiple_of3A] : memref<64x1000000xf32, #tpu.memory_space<hbm>> -> memref<64x512xf32, #tpu.memory_space<hbm>>
      tpu.enqueue_dma source(%dma_start3A_309 : memref<64x512xf32, #tpu.memory_space<hbm>>) target(%arg12 : memref<64x512xf32, #tpu.memory_space<vmem>>) target_semaphore(%arg16 : memref<!tpu.dma_semaphore, #tpu.memory_space<semaphore_mem>>)
    } else {
    }
    %scan3A_153 = arith.constant 0 : i32
    %scan3A_154 = arith.constant 0 : i32
    %scan3A_155 = arith.constant 0 : i32
    %scan3A_156 = arith.constant 31 : i32
    %scan3A_157 = arith.addi %scan3A_155, %scan3A_156 : i32
    %scan3A_158 = arith.constant 1 : i32
    %scan3A_159:2 = scf.for %scan3A_307 = %scan3A_155 to %scan3A_157 step %scan3A_158 iter_args(%scan3A_308 = %scan3A_153, %scan3A_309 = %scan3A_154) -> (i32, i32)  : i32 {
      %mul3A_310 = arith.constant 2 : i32
      %mul3A_311 = arith.muli %scan3A_307, %mul3A_310 : i32
      %add3A_312 = arith.constant 1 : i32
      %add3A_313 = arith.addi %mul3A_311, %add3A_312 : i32
      %min3A_314 = arith.constant 61 : i32
      %min3A_315 = arith.minsi %add3A_313, %min3A_314 : i32
      %mul3A_316 = arith.constant 512 : i32
      %mul3A_317 = arith.muli %min3A_315, %mul3A_316 : i32
      %add3A_318 = arith.addi %mul3A_20, %mul3A_317 : i32
      %add3A_319 = arith.constant 512 : i32
      %add3A_320 = arith.addi %add3A_318, %add3A_319 : i32
      %gt3A_321 = arith.constant 1000000 : i32
      %gt3A_322 = arith.cmpi sgt, %add3A_320, %gt3A_321 : i32
      %convert_element_type3A_323 = arith.extui %gt3A_322 : i1 to i32
      %cond3A_324 = arith.constant 0 : i32
      %cond3A_325 = arith.cmpi ne, %convert_element_type3A_323, %cond3A_324 : i32
      scf.if %cond3A_325 {
        tpu.enqueue_dma source(%arg6 : memref<64x512xf32, #tpu.memory_space<hbm>>) target(%arg13 : memref<64x512xf32, #tpu.memory_space<vmem>>) target_semaphore(%arg17 : memref<!tpu.dma_semaphore, #tpu.memory_space<semaphore_mem>>)
      } else {
      }
      %not3A_326 = arith.constant true
      %not3A_327 = arith.xori %gt3A_322, %not3A_326 : i1
      %convert_element_type3A_328 = arith.extui %not3A_327 : i1 to i32
      %cond3A_329 = arith.constant 0 : i32
      %cond3A_330 = arith.cmpi ne, %convert_element_type3A_328, %cond3A_329 : i32
      scf.if %cond3A_330 {
        %multiple_of3A = tpu.assume_multiple %add3A_318, 128 : i32
        %dma_start3A = arith.constant 0 : i32
        %dma_start3A_537 = tpu.memref_slice %arg4[%dma_start3A, %multiple_of3A] : memref<64x1000000xf32, #tpu.memory_space<hbm>> -> memref<64x512xf32, #tpu.memory_space<hbm>>
        %dma_start3A_538 = arith.constant 0 : i32
        %dma_start3A_539 = tpu.memref_slice %arg4[%dma_start3A_538, %multiple_of3A] : memref<64x1000000xf32, #tpu.memory_space<hbm>> -> memref<64x512xf32, #tpu.memory_space<hbm>>
        tpu.enqueue_dma source(%dma_start3A_539 : memref<64x512xf32, #tpu.memory_space<hbm>>) target(%arg13 : memref<64x512xf32, #tpu.memory_space<vmem>>) target_semaphore(%arg17 : memref<!tpu.dma_semaphore, #tpu.memory_space<semaphore_mem>>)
      } else {
      }
      %mul3A_331 = arith.constant 512 : i32
      %mul3A_332 = arith.muli %mul3A_311, %mul3A_331 : i32
      %add3A_333 = arith.addi %mul3A_20, %mul3A_332 : i32
      %add3A_334 = arith.constant 512 : i32
      %add3A_335 = arith.addi %add3A_333, %add3A_334 : i32
      %gt3A_336 = arith.constant 1000000 : i32
      %gt3A_337 = arith.cmpi sgt, %add3A_335, %gt3A_336 : i32
      %sub3A_338 = arith.constant 999488 : i32
      %sub3A_339 = arith.subi %sub3A_338, %mul3A_20 : i32
      %mul3A_340 = arith.constant 512 : i32
      %mul3A_341 = arith.muli %mul3A_311, %mul3A_340 : i32
      %select_n3A_342 = arith.select %gt3A_337, %sub3A_339, %mul3A_341 : i32
      %dma_wait3A_343 = arith.constant 0 : i32
      %dma_wait3A_344 = arith.constant 0 : i32
      %dma_wait3A_345 = tpu.memref_slice %arg4[%dma_wait3A_343, %dma_wait3A_344] : memref<64x1000000xf32, #tpu.memory_space<hbm>> -> memref<64x512xf32, #tpu.memory_space<hbm>>
      %dma_wait3A_346 = arith.constant 0 : i32
      %dma_wait3A_347 = arith.constant 0 : i32
      %dma_wait3A_348 = tpu.memref_slice %arg4[%dma_wait3A_346, %dma_wait3A_347] : memref<64x1000000xf32, #tpu.memory_space<hbm>> -> memref<64x512xf32, #tpu.memory_space<hbm>>
      tpu.wait_dma2 semaphore(%arg16 : memref<!tpu.dma_semaphore, #tpu.memory_space<semaphore_mem>>) src(%dma_wait3A_348 : memref<64x512xf32, #tpu.memory_space<hbm>>) dst(%arg12 : memref<64x512xf32, #tpu.memory_space<vmem>>)
      %while3A = arith.constant 0 : i32
      %while3A_349 = arith.constant 0 : i32
      %while3A_350 = arith.subi %select_n3A_139, %while3A : i32
      %while3A_351 = arith.addi %while3A, %while3A_350 : i32
      %while3A_352 = arith.constant 1 : i32
      %while3A_353 = arith.divsi %while3A_350, %while3A_352 : i32
      %while3A_354 = arith.muli %while3A_353, %while3A_352 : i32
      %while3A_355 = arith.addi %while3A, %while3A_354 : i32
      %while3A_356 = arith.constant 1 : i32
      %while3A_357 = scf.for %while3A_537 = %while3A to %while3A_355 step %while3A_356 iter_args(%while3A_538 = %while3A_349) -> (i32)  : i32 {
        %mul3A_539 = arith.constant 16 : i32
        %mul3A_540 = arith.muli %while3A_537, %mul3A_539 : i32
        %get3A = arith.index_cast %mul3A_540 : i32 to index
        %get3A_541 = tpu.vector_load %arg10[%get3A] {strides = array<i32>} : memref<16416xi32, #tpu.memory_space<vmem>>, vector<16xi32>,
        %and3A_542 = arith.constant 32767 : i32
        %and3A_543 = vector.broadcast %and3A_542 : i32 to vector<16xi32>
        %and3A_544 = arith.andi %get3A_541, %and3A_543 : vector<16xi32>
        %sub3A_545 = vector.broadcast %select_n3A_342 : i32 to vector<16xi32>
        %sub3A_546 = arith.subi %and3A_544, %sub3A_545 : vector<16xi32>
        %ge3A = arith.constant 0 : i32
        %ge3A_547 = vector.broadcast %ge3A : i32 to vector<16xi32>
        %ge3A_548 = arith.cmpi sge, %sub3A_546, %ge3A_547 : vector<16xi32>
        %lt3A = arith.constant 512 : i32
        %lt3A_549 = vector.broadcast %lt3A : i32 to vector<16xi32>
        %lt3A_550 = arith.cmpi slt, %sub3A_546, %lt3A_549 : vector<16xi32>
        %and3A_551 = arith.andi %ge3A_548, %lt3A_550 : vector<16xi1>
        %convert_element_type3A_552 = arith.extui %and3A_551 : vector<16xi1> to vector<16xi32>
        %broadcast_in_dim3A = arith.constant true
        %broadcast_in_dim3A_553 = vector.broadcast %broadcast_in_dim3A : i1 to vector<16xi1>
        %masked_cumsum3A = tpu.scan <sum>, %convert_element_type3A_552 masked %broadcast_in_dim3A_553 : vector<16xi32>, vector<16xi1> -> vector<16xi32>
        %add3A_554 = vector.broadcast %while3A_538 : i32 to vector<16xi32>
        %add3A_555 = arith.addi %add3A_554, %masked_cumsum3A : vector<16xi32>
        %sub3A_556 = arith.constant 1 : i32
        %sub3A_557 = vector.broadcast %sub3A_556 : i32 to vector<16xi32>
        %sub3A_558 = arith.subi %add3A_555, %sub3A_557 : vector<16xi32>
        %jit3A_559 = arith.constant 16415 : i32
        %broadcast_in_dim3A_560 = vector.broadcast %jit3A_559 : i32 to vector<16xi32>
        %select_n3A_561 = arith.select %and3A_551, %sub3A_558, %broadcast_in_dim3A_560 : vector<16xi1>, vector<16xi32>
        %shift_right_arithmetic3A = arith.constant 15 : i32
        %shift_right_arithmetic3A_562 = vector.broadcast %shift_right_arithmetic3A : i32 to vector<16xi32>
        %shift_right_arithmetic3A_563 = arith.shrsi %get3A_541, %shift_right_arithmetic3A_562 : vector<16xi32>
        %shift_left3A_564 = arith.constant 10 : i32
        %shift_left3A_565 = vector.broadcast %shift_left3A_564 : i32 to vector<16xi32>
        %shift_left3A_566 = arith.shli %shift_right_arithmetic3A_563, %shift_left3A_565 : vector<16xi32>
        %jit3A_567 = arith.constant 0 : i32
        %broadcast_in_dim3A_568 = vector.broadcast %jit3A_567 : i32 to vector<16xi32>
        %select_n3A_569 = arith.select %and3A_551, %sub3A_546, %broadcast_in_dim3A_568 : vector<16xi1>, vector<16xi32>
        %or3A = arith.ori %shift_left3A_566, %select_n3A_569 : vector<16xi32>
        tpu.vector_store_idx %arg11[%select_n3A_561], %or3A : memref<16416xi32, #tpu.memory_space<vmem>>[vector<16xi32>], vector<16xi32>,
        %reduce_max3A = arith.constant true
        %reduce_max3A_570 = vector.broadcast %reduce_max3A : i1 to vector<16xi1>
        %reduce_max3A_571 = arith.constant -2147483648 : i32
        %reduce_max3A_572 = vector.broadcast %reduce_max3A_571 : i32 to vector<16xi32>
        %reduce_max3A_573 = arith.xori %masked_cumsum3A, %reduce_max3A_572 : vector<16xi32>
        %reduce_max3A_574 = tpu.scan <max>, %reduce_max3A_573 masked %reduce_max3A_570 : vector<16xi32>, vector<16xi1> -> vector<16xi32>
        %reduce_max3A_575 = arith.xori %reduce_max3A_574, %reduce_max3A_572 : vector<16xi32>
        %reduce_max3A_576 = vector.extract %reduce_max3A_575[15] : i32 from vector<16xi32>
        %add3A_577 = arith.addi %while3A_538, %reduce_max3A_576 : i32
        scf.yield %add3A_577 : i32
      }
      %while3A_358 = arith.constant 1 : i32
      %while3A_359 = scf.for %while3A_537 = %while3A_355 to %while3A_351 step %while3A_358 iter_args(%while3A_538 = %while3A_357) -> (i32)  : i32 {
        %mul3A_539 = arith.constant 16 : i32
        %mul3A_540 = arith.muli %while3A_537, %mul3A_539 : i32
        %get3A = arith.index_cast %mul3A_540 : i32 to index
        %get3A_541 = tpu.vector_load %arg10[%get3A] {strides = array<i32>} : memref<16416xi32, #tpu.memory_space<vmem>>, vector<16xi32>,
        %and3A_542 = arith.constant 32767 : i32
        %and3A_543 = vector.broadcast %and3A_542 : i32 to vector<16xi32>
        %and3A_544 = arith.andi %get3A_541, %and3A_543 : vector<16xi32>
        %sub3A_545 = vector.broadcast %select_n3A_342 : i32 to vector<16xi32>
        %sub3A_546 = arith.subi %and3A_544, %sub3A_545 : vector<16xi32>
        %ge3A = arith.constant 0 : i32
        %ge3A_547 = vector.broadcast %ge3A : i32 to vector<16xi32>
        %ge3A_548 = arith.cmpi sge, %sub3A_546, %ge3A_547 : vector<16xi32>
        %lt3A = arith.constant 512 : i32
        %lt3A_549 = vector.broadcast %lt3A : i32 to vector<16xi32>
        %lt3A_550 = arith.cmpi slt, %sub3A_546, %lt3A_549 : vector<16xi32>
        %and3A_551 = arith.andi %ge3A_548, %lt3A_550 : vector<16xi1>
        %convert_element_type3A_552 = arith.extui %and3A_551 : vector<16xi1> to vector<16xi32>
        %broadcast_in_dim3A = arith.constant true
        %broadcast_in_dim3A_553 = vector.broadcast %broadcast_in_dim3A : i1 to vector<16xi1>
        %masked_cumsum3A = tpu.scan <sum>, %convert_element_type3A_552 masked %broadcast_in_dim3A_553 : vector<16xi32>, vector<16xi1> -> vector<16xi32>
        %add3A_554 = vector.broadcast %while3A_538 : i32 to vector<16xi32>
        %add3A_555 = arith.addi %add3A_554, %masked_cumsum3A : vector<16xi32>
        %sub3A_556 = arith.constant 1 : i32
        %sub3A_557 = vector.broadcast %sub3A_556 : i32 to vector<16xi32>
        %sub3A_558 = arith.subi %add3A_555, %sub3A_557 : vector<16xi32>
        %jit3A_559 = arith.constant 16415 : i32
        %broadcast_in_dim3A_560 = vector.broadcast %jit3A_559 : i32 to vector<16xi32>
        %select_n3A_561 = arith.select %and3A_551, %sub3A_558, %broadcast_in_dim3A_560 : vector<16xi1>, vector<16xi32>
        %shift_right_arithmetic3A = arith.constant 15 : i32
        %shift_right_arithmetic3A_562 = vector.broadcast %shift_right_arithmetic3A : i32 to vector<16xi32>
        %shift_right_arithmetic3A_563 = arith.shrsi %get3A_541, %shift_right_arithmetic3A_562 : vector<16xi32>
        %shift_left3A_564 = arith.constant 10 : i32
        %shift_left3A_565 = vector.broadcast %shift_left3A_564 : i32 to vector<16xi32>
        %shift_left3A_566 = arith.shli %shift_right_arithmetic3A_563, %shift_left3A_565 : vector<16xi32>
        %jit3A_567 = arith.constant 0 : i32
        %broadcast_in_dim3A_568 = vector.broadcast %jit3A_567 : i32 to vector<16xi32>
        %select_n3A_569 = arith.select %and3A_551, %sub3A_546, %broadcast_in_dim3A_568 : vector<16xi1>, vector<16xi32>
        %or3A = arith.ori %shift_left3A_566, %select_n3A_569 : vector<16xi32>
        tpu.vector_store_idx %arg11[%select_n3A_561], %or3A : memref<16416xi32, #tpu.memory_space<vmem>>[vector<16xi32>], vector<16xi32>,
        %reduce_max3A = arith.constant true
        %reduce_max3A_570 = vector.broadcast %reduce_max3A : i1 to vector<16xi1>
        %reduce_max3A_571 = arith.constant -2147483648 : i32
        %reduce_max3A_572 = vector.broadcast %reduce_max3A_571 : i32 to vector<16xi32>
        %reduce_max3A_573 = arith.xori %masked_cumsum3A, %reduce_max3A_572 : vector<16xi32>
        %reduce_max3A_574 = tpu.scan <max>, %reduce_max3A_573 masked %reduce_max3A_570 : vector<16xi32>, vector<16xi1> -> vector<16xi32>
        %reduce_max3A_575 = arith.xori %reduce_max3A_574, %reduce_max3A_572 : vector<16xi32>
        %reduce_max3A_576 = vector.extract %reduce_max3A_575[15] : i32 from vector<16xi32>
        %add3A_577 = arith.addi %while3A_538, %reduce_max3A_576 : i32
        scf.yield %add3A_577 : i32
      }
      %add3A_360 = vector.broadcast %add3A_54 : i32 to vector<16xi32>
      %add3A_361 = arith.addi %add3A_360, %iota3A : vector<16xi32>
      %shift_left3A_362 = arith.constant 10 : i32
      %shift_left3A_363 = vector.broadcast %shift_left3A_362 : i32 to vector<16xi32>
      %shift_left3A_364 = arith.shli %add3A_361, %shift_left3A_363 : vector<16xi32>
      %swap3A_365 = arith.index_cast %while3A_359 : i32 to index
      %swap3A_366 = tpu.vector_load %arg11[%swap3A_365] {strides = array<i32>} : memref<16416xi32, #tpu.memory_space<vmem>>, vector<16xi32>,
      tpu.vector_store %arg11[%swap3A_365], %shift_left3A_364 {strides = array<i32>} : memref<16416xi32, #tpu.memory_space<vmem>>, vector<16xi32>,
      %gt3A_367 = arith.constant 0 : i32
      %gt3A_368 = arith.cmpi sgt, %scan3A_309, %gt3A_367 : i32
      %convert_element_type3A_369 = arith.extui %gt3A_368 : i1 to i32
      %cond3A_370 = arith.constant 0 : i32
      %cond3A_371 = arith.cmpi ne, %convert_element_type3A_369, %cond3A_370 : i32
      scf.if %cond3A_371 {
        %dma_wait3A_537 = arith.constant 0 : i32
        %dma_wait3A_538 = arith.constant 0 : i32
        %dma_wait3A_539 = tpu.memref_slice %arg8[%dma_wait3A_537, %dma_wait3A_538] : memref<20480x128xf32, #tpu.memory_space<hbm>> -> memref<128x128xf32, #tpu.memory_space<hbm>>
        %dma_wait3A_540 = arith.constant 0 : i32
        %dma_wait3A_541 = arith.constant 0 : i32
        %dma_wait3A_542 = tpu.memref_slice %arg8[%dma_wait3A_540, %dma_wait3A_541] : memref<20480x128xf32, #tpu.memory_space<hbm>> -> memref<128x128xf32, #tpu.memory_space<hbm>>
        tpu.wait_dma2 semaphore(%arg18 : memref<!tpu.dma_semaphore, #tpu.memory_space<semaphore_mem>>) src(%dma_wait3A_542 : memref<128x128xf32, #tpu.memory_space<hbm>>) dst(%arg14 : memref<128x128xf32, #tpu.memory_space<vmem>>)
        %add3A_543 = arith.constant 0 : i32
        %add3A_544 = arith.addi %add3A_54, %add3A_543 : i32
        %add3A_545 = vector.broadcast %add3A_544 : i32 to vector<16xi32>
        %add3A_546 = arith.addi %add3A_545, %iota3A : vector<16xi32>
        %swap3A_547 = arith.constant 0 : index
        %swap3A_548 = tpu.vector_load %arg15[%swap3A_547] {strides = array<i32>} : memref<128xi32, #tpu.memory_space<vmem>>, vector<16xi32>,
        tpu.vector_store %arg15[%swap3A_547], %add3A_546 {strides = array<i32>} : memref<128xi32, #tpu.memory_space<vmem>>, vector<16xi32>,
        %add3A_549 = arith.constant 16 : i32
        %add3A_550 = arith.addi %add3A_54, %add3A_549 : i32
        %add3A_551 = vector.broadcast %add3A_550 : i32 to vector<16xi32>
        %add3A_552 = arith.addi %add3A_551, %iota3A : vector<16xi32>
        %swap3A_553 = arith.constant 16 : index
        %swap3A_554 = tpu.vector_load %arg15[%swap3A_553] {strides = array<i32>} : memref<128xi32, #tpu.memory_space<vmem>>, vector<16xi32>,
        tpu.vector_store %arg15[%swap3A_553], %add3A_552 {strides = array<i32>} : memref<128xi32, #tpu.memory_space<vmem>>, vector<16xi32>,
        %add3A_555 = arith.constant 32 : i32
        %add3A_556 = arith.addi %add3A_54, %add3A_555 : i32
        %add3A_557 = vector.broadcast %add3A_556 : i32 to vector<16xi32>
        %add3A_558 = arith.addi %add3A_557, %iota3A : vector<16xi32>
        %swap3A_559 = arith.constant 32 : index
        %swap3A_560 = tpu.vector_load %arg15[%swap3A_559] {strides = array<i32>} : memref<128xi32, #tpu.memory_space<vmem>>, vector<16xi32>,
        tpu.vector_store %arg15[%swap3A_559], %add3A_558 {strides = array<i32>} : memref<128xi32, #tpu.memory_space<vmem>>, vector<16xi32>,
        %add3A_561 = arith.constant 48 : i32
        %add3A_562 = arith.addi %add3A_54, %add3A_561 : i32
        %add3A_563 = vector.broadcast %add3A_562 : i32 to vector<16xi32>
        %add3A_564 = arith.addi %add3A_563, %iota3A : vector<16xi32>
        %swap3A_565 = arith.constant 48 : index
        %swap3A_566 = tpu.vector_load %arg15[%swap3A_565] {strides = array<i32>} : memref<128xi32, #tpu.memory_space<vmem>>, vector<16xi32>,
        tpu.vector_store %arg15[%swap3A_565], %add3A_564 {strides = array<i32>} : memref<128xi32, #tpu.memory_space<vmem>>, vector<16xi32>,
        %add3A_567 = arith.constant 64 : i32
        %add3A_568 = arith.addi %add3A_54, %add3A_567 : i32
        %add3A_569 = vector.broadcast %add3A_568 : i32 to vector<16xi32>
        %add3A_570 = arith.addi %add3A_569, %iota3A : vector<16xi32>
        %swap3A_571 = arith.constant 64 : index
        %swap3A_572 = tpu.vector_load %arg15[%swap3A_571] {strides = array<i32>} : memref<128xi32, #tpu.memory_space<vmem>>, vector<16xi32>,
        tpu.vector_store %arg15[%swap3A_571], %add3A_570 {strides = array<i32>} : memref<128xi32, #tpu.memory_space<vmem>>, vector<16xi32>,
        %add3A_573 = arith.constant 80 : i32
        %add3A_574 = arith.addi %add3A_54, %add3A_573 : i32
        %add3A_575 = vector.broadcast %add3A_574 : i32 to vector<16xi32>
        %add3A_576 = arith.addi %add3A_575, %iota3A : vector<16xi32>
        %swap3A_577 = arith.constant 80 : index
        %swap3A_578 = tpu.vector_load %arg15[%swap3A_577] {strides = array<i32>} : memref<128xi32, #tpu.memory_space<vmem>>, vector<16xi32>,
        tpu.vector_store %arg15[%swap3A_577], %add3A_576 {strides = array<i32>} : memref<128xi32, #tpu.memory_space<vmem>>, vector<16xi32>,
        %add3A_579 = arith.constant 96 : i32
        %add3A_580 = arith.addi %add3A_54, %add3A_579 : i32
        %add3A_581 = vector.broadcast %add3A_580 : i32 to vector<16xi32>
        %add3A_582 = arith.addi %add3A_581, %iota3A : vector<16xi32>
        %swap3A_583 = arith.constant 96 : index
        %swap3A_584 = tpu.vector_load %arg15[%swap3A_583] {strides = array<i32>} : memref<128xi32, #tpu.memory_space<vmem>>, vector<16xi32>,
        tpu.vector_store %arg15[%swap3A_583], %add3A_582 {strides = array<i32>} : memref<128xi32, #tpu.memory_space<vmem>>, vector<16xi32>,
        %add3A_585 = arith.constant 112 : i32
        %add3A_586 = arith.addi %add3A_54, %add3A_585 : i32
        %add3A_587 = vector.broadcast %add3A_586 : i32 to vector<16xi32>
        %add3A_588 = arith.addi %add3A_587, %iota3A : vector<16xi32>
        %swap3A_589 = arith.constant 112 : index
        %swap3A_590 = tpu.vector_load %arg15[%swap3A_589] {strides = array<i32>} : memref<128xi32, #tpu.memory_space<vmem>>, vector<16xi32>,
        tpu.vector_store %arg15[%swap3A_589], %add3A_588 {strides = array<i32>} : memref<128xi32, #tpu.memory_space<vmem>>, vector<16xi32>,
      } else {
      }
      %gt3A_372 = arith.constant 0 : i32
      %gt3A_373 = arith.cmpi sgt, %while3A_359, %gt3A_372 : i32
      %add3A_374 = arith.constant 15 : i32
      %add3A_375 = arith.addi %while3A_359, %add3A_374 : i32
      %jit3A_376 = arith.constant 16 : i32
      %div3A_377 = arith.divsi %add3A_375, %jit3A_376 : i32
      %sign3A_378 = arith.constant 0 : i32
      %sign3A_379 = arith.cmpi sgt, %add3A_375, %sign3A_378 : i32
      %sign3A_380 = arith.extui %sign3A_379 : i1 to i32
      %sign3A_381 = arith.constant 0 : i32
      %sign3A_382 = arith.cmpi slt, %add3A_375, %sign3A_381 : i32
      %sign3A_383 = arith.extui %sign3A_382 : i1 to i32
      %sign3A_384 = arith.subi %sign3A_380, %sign3A_383 : i32
      %sign3A_385 = arith.constant 0 : i32
      %sign3A_386 = arith.cmpi sgt, %jit3A_376, %sign3A_385 : i32
      %sign3A_387 = arith.extui %sign3A_386 : i1 to i32
      %sign3A_388 = arith.constant 0 : i32
      %sign3A_389 = arith.cmpi slt, %jit3A_376, %sign3A_388 : i32
      %sign3A_390 = arith.extui %sign3A_389 : i1 to i32
      %sign3A_391 = arith.subi %sign3A_387, %sign3A_390 : i32
      %ne3A_392 = arith.cmpi ne, %sign3A_384, %sign3A_391 : i32
      %rem3A_393 = arith.remsi %add3A_375, %jit3A_376 : i32
      %ne3A_394 = arith.constant 0 : i32
      %ne3A_395 = arith.cmpi ne, %rem3A_393, %ne3A_394 : i32
      %and3A_396 = arith.andi %ne3A_392, %ne3A_395 : i1
      %sub3A_397 = arith.constant 1 : i32
      %sub3A_398 = arith.subi %div3A_377, %sub3A_397 : i32
      %select_n3A_399 = arith.select %and3A_396, %sub3A_398, %div3A_377 : i32
      %jit3A_400 = arith.constant 0 : i32
      %select_n3A_401 = arith.select %gt3A_373, %select_n3A_399, %jit3A_400 : i32
      %while3A_402 = arith.constant 0 : i32
      %while3A_403 = arith.subi %select_n3A_401, %while3A_402 : i32
      %while3A_404 = arith.addi %while3A_402, %while3A_403 : i32
      %while3A_405 = arith.constant 1 : i32
      %while3A_406 = arith.divsi %while3A_403, %while3A_405 : i32
      %while3A_407 = arith.muli %while3A_406, %while3A_405 : i32
      %while3A_408 = arith.addi %while3A_402, %while3A_407 : i32
      %while3A_409 = arith.constant 1 : i32
      %while3A_410 = scf.for %while3A_537 = %while3A_402 to %while3A_408 step %while3A_409 iter_args(%while3A_538 = %scan3A_308) -> (i32)  : i32 {
        %add3A_539 = arith.constant 16 : i32
        %add3A_540 = arith.addi %while3A_538, %add3A_539 : i32
        %gt3A_541 = arith.constant 128 : i32
        %gt3A_542 = arith.cmpi sgt, %add3A_540, %gt3A_541 : i32
        %convert_element_type3A_543 = arith.extui %gt3A_542 : i1 to i32
        %cond3A_544 = arith.constant 0 : i32
        %cond3A_545 = arith.cmpi ne, %convert_element_type3A_543, %cond3A_544 : i32
        scf.if %cond3A_545 {
          %dma_start3A = arith.constant 0 : i32
          %dma_start3A_572 = arith.constant 0 : i32
          %dma_start3A_573 = tpu.memref_slice %arg8[%dma_start3A, %dma_start3A_572] : memref<20480x128xf32, #tpu.memory_space<hbm>> -> memref<20480x128xf32, #tpu.memory_space<hbm>>
          tpu.enqueue_indirect_dma source(%arg14 : memref<128x128xf32, #tpu.memory_space<vmem>>) target(%dma_start3A_573 : memref<20480x128xf32, #tpu.memory_space<hbm>>) offsets(%arg15 : memref<128xi32, #tpu.memory_space<vmem>>) semaphore(%arg18 : memref<!tpu.dma_semaphore, #tpu.memory_space<semaphore_mem>>)
          %dma_wait3A_574 = arith.constant 0 : i32
          %dma_wait3A_575 = arith.constant 0 : i32
          %dma_wait3A_576 = tpu.memref_slice %arg8[%dma_wait3A_574, %dma_wait3A_575] : memref<20480x128xf32, #tpu.memory_space<hbm>> -> memref<128x128xf32, #tpu.memory_space<hbm>>
          %dma_wait3A_577 = arith.constant 0 : i32
          %dma_wait3A_578 = arith.constant 0 : i32
          %dma_wait3A_579 = tpu.memref_slice %arg8[%dma_wait3A_577, %dma_wait3A_578] : memref<20480x128xf32, #tpu.memory_space<hbm>> -> memref<128x128xf32, #tpu.memory_space<hbm>>
          tpu.wait_dma2 semaphore(%arg18 : memref<!tpu.dma_semaphore, #tpu.memory_space<semaphore_mem>>) src(%dma_wait3A_579 : memref<128x128xf32, #tpu.memory_space<hbm>>) dst(%arg14 : memref<128x128xf32, #tpu.memory_space<vmem>>)
          %add3A_580 = arith.constant 0 : i32
          %add3A_581 = arith.addi %add3A_54, %add3A_580 : i32
          %add3A_582 = vector.broadcast %add3A_581 : i32 to vector<16xi32>
          %add3A_583 = arith.addi %add3A_582, %iota3A : vector<16xi32>
          %swap3A_584 = arith.constant 0 : index
          %swap3A_585 = tpu.vector_load %arg15[%swap3A_584] {strides = array<i32>} : memref<128xi32, #tpu.memory_space<vmem>>, vector<16xi32>,
          tpu.vector_store %arg15[%swap3A_584], %add3A_583 {strides = array<i32>} : memref<128xi32, #tpu.memory_space<vmem>>, vector<16xi32>,
          %add3A_586 = arith.constant 16 : i32
          %add3A_587 = arith.addi %add3A_54, %add3A_586 : i32
          %add3A_588 = vector.broadcast %add3A_587 : i32 to vector<16xi32>
          %add3A_589 = arith.addi %add3A_588, %iota3A : vector<16xi32>
          %swap3A_590 = arith.constant 16 : index
          %swap3A_591 = tpu.vector_load %arg15[%swap3A_590] {strides = array<i32>} : memref<128xi32, #tpu.memory_space<vmem>>, vector<16xi32>,
          tpu.vector_store %arg15[%swap3A_590], %add3A_589 {strides = array<i32>} : memref<128xi32, #tpu.memory_space<vmem>>, vector<16xi32>,
          %add3A_592 = arith.constant 32 : i32
          %add3A_593 = arith.addi %add3A_54, %add3A_592 : i32
          %add3A_594 = vector.broadcast %add3A_593 : i32 to vector<16xi32>
          %add3A_595 = arith.addi %add3A_594, %iota3A : vector<16xi32>
          %swap3A_596 = arith.constant 32 : index
          %swap3A_597 = tpu.vector_load %arg15[%swap3A_596] {strides = array<i32>} : memref<128xi32, #tpu.memory_space<vmem>>, vector<16xi32>,
          tpu.vector_store %arg15[%swap3A_596], %add3A_595 {strides = array<i32>} : memref<128xi32, #tpu.memory_space<vmem>>, vector<16xi32>,
          %add3A_598 = arith.constant 48 : i32
          %add3A_599 = arith.addi %add3A_54, %add3A_598 : i32
          %add3A_600 = vector.broadcast %add3A_599 : i32 to vector<16xi32>
          %add3A_601 = arith.addi %add3A_600, %iota3A : vector<16xi32>
          %swap3A_602 = arith.constant 48 : index
          %swap3A_603 = tpu.vector_load %arg15[%swap3A_602] {strides = array<i32>} : memref<128xi32, #tpu.memory_space<vmem>>, vector<16xi32>,
          tpu.vector_store %arg15[%swap3A_602], %add3A_601 {strides = array<i32>} : memref<128xi32, #tpu.memory_space<vmem>>, vector<16xi32>,
          %add3A_604 = arith.constant 64 : i32
          %add3A_605 = arith.addi %add3A_54, %add3A_604 : i32
          %add3A_606 = vector.broadcast %add3A_605 : i32 to vector<16xi32>
          %add3A_607 = arith.addi %add3A_606, %iota3A : vector<16xi32>
          %swap3A_608 = arith.constant 64 : index
          %swap3A_609 = tpu.vector_load %arg15[%swap3A_608] {strides = array<i32>} : memref<128xi32, #tpu.memory_space<vmem>>, vector<16xi32>,
          tpu.vector_store %arg15[%swap3A_608], %add3A_607 {strides = array<i32>} : memref<128xi32, #tpu.memory_space<vmem>>, vector<16xi32>,
          %add3A_610 = arith.constant 80 : i32
          %add3A_611 = arith.addi %add3A_54, %add3A_610 : i32
          %add3A_612 = vector.broadcast %add3A_611 : i32 to vector<16xi32>
          %add3A_613 = arith.addi %add3A_612, %iota3A : vector<16xi32>
          %swap3A_614 = arith.constant 80 : index
          %swap3A_615 = tpu.vector_load %arg15[%swap3A_614] {strides = array<i32>} : memref<128xi32, #tpu.memory_space<vmem>>, vector<16xi32>,
          tpu.vector_store %arg15[%swap3A_614], %add3A_613 {strides = array<i32>} : memref<128xi32, #tpu.memory_space<vmem>>, vector<16xi32>,
          %add3A_616 = arith.constant 96 : i32
          %add3A_617 = arith.addi %add3A_54, %add3A_616 : i32
          %add3A_618 = vector.broadcast %add3A_617 : i32 to vector<16xi32>
          %add3A_619 = arith.addi %add3A_618, %iota3A : vector<16xi32>
          %swap3A_620 = arith.constant 96 : index
          %swap3A_621 = tpu.vector_load %arg15[%swap3A_620] {strides = array<i32>} : memref<128xi32, #tpu.memory_space<vmem>>, vector<16xi32>,
          tpu.vector_store %arg15[%swap3A_620], %add3A_619 {strides = array<i32>} : memref<128xi32, #tpu.memory_space<vmem>>, vector<16xi32>,
          %add3A_622 = arith.constant 112 : i32
          %add3A_623 = arith.addi %add3A_54, %add3A_622 : i32
          %add3A_624 = vector.broadcast %add3A_623 : i32 to vector<16xi32>
          %add3A_625 = arith.addi %add3A_624, %iota3A : vector<16xi32>
          %swap3A_626 = arith.constant 112 : index
          %swap3A_627 = tpu.vector_load %arg15[%swap3A_626] {strides = array<i32>} : memref<128xi32, #tpu.memory_space<vmem>>, vector<16xi32>,
          tpu.vector_store %arg15[%swap3A_626], %add3A_625 {strides = array<i32>} : memref<128xi32, #tpu.memory_space<vmem>>, vector<16xi32>,
        } else {
        }
        %add3A_546 = arith.constant 16 : i32
        %add3A_547 = arith.addi %while3A_538, %add3A_546 : i32
        %gt3A_548 = arith.constant 128 : i32
        %gt3A_549 = arith.cmpi sgt, %add3A_547, %gt3A_548 : i32
        %jit3A_550 = arith.constant 0 : i32
        %select_n3A_551 = arith.select %gt3A_549, %jit3A_550, %while3A_538 : i32
        %mul3A_552 = arith.constant 16 : i32
        %mul3A_553 = arith.muli %while3A_537, %mul3A_552 : i32
        %get3A = arith.index_cast %mul3A_553 : i32 to index
        %get3A_554 = tpu.vector_load %arg11[%get3A] {strides = array<i32>} : memref<16416xi32, #tpu.memory_space<vmem>>, vector<16xi32>,
        %and3A_555 = arith.constant 1023 : i32
        %and3A_556 = vector.broadcast %and3A_555 : i32 to vector<16xi32>
        %and3A_557 = arith.andi %get3A_554, %and3A_556 : vector<16xi32>
        %shift_right_arithmetic3A = arith.constant 10 : i32
        %shift_right_arithmetic3A_558 = vector.broadcast %shift_right_arithmetic3A : i32 to vector<16xi32>
        %shift_right_arithmetic3A_559 = arith.shrsi %get3A_554, %shift_right_arithmetic3A_558 : vector<16xi32>
        %add3A_560 = vector.broadcast %select_n3A_551 : i32 to vector<16xi32>
        %add3A_561 = arith.addi %add3A_560, %iota3A : vector<16xi32>
        %scan3A_562 = arith.constant 0 : i32
        %scan3A_563 = arith.constant 0 : i32
        %scan3A_564 = arith.constant 8 : i32
        %scan3A_565 = arith.addi %scan3A_563, %scan3A_564 : i32
        %scan3A_566 = arith.constant 1 : i32
        scf.for %scan3A_572 = %scan3A_563 to %scan3A_565 step %scan3A_566  : i32 {
          %mul3A_573 = arith.constant 8 : i32
          %mul3A_574 = arith.muli %scan3A_572, %mul3A_573 : i32
          %add3A_575 = arith.constant 0 : i32
          %add3A_576 = arith.addi %mul3A_574, %add3A_575 : i32
          %broadcast_in_dim3A = arith.constant 1 : i32
          %broadcast_in_dim3A_577 = vector.broadcast %broadcast_in_dim3A : i32 to vector<16xi32>
          %mul3A_578 = vector.broadcast %add3A_576 : i32 to vector<16xi32>
          %mul3A_579 = arith.muli %broadcast_in_dim3A_577, %mul3A_578 : vector<16xi32>
          %gather3A = tpu.vector_load_idx %arg12[%mul3A_579, %and3A_557] : memref<64x512xf32, #tpu.memory_space<vmem>>[vector<16xi32>, vector<16xi32>], vector<16xf32>,
          tpu.vector_store_idx %arg14[%add3A_561, %mul3A_579], %gather3A : memref<128x128xf32, #tpu.memory_space<vmem>>[vector<16xi32>, vector<16xi32>], vector<16xf32>,
          %mul3A_580 = arith.constant 8 : i32
          %mul3A_581 = arith.muli %scan3A_572, %mul3A_580 : i32
          %add3A_582 = arith.constant 1 : i32
          %add3A_583 = arith.addi %mul3A_581, %add3A_582 : i32
          %broadcast_in_dim3A_584 = arith.constant 1 : i32
          %broadcast_in_dim3A_585 = vector.broadcast %broadcast_in_dim3A_584 : i32 to vector<16xi32>
          %mul3A_586 = vector.broadcast %add3A_583 : i32 to vector<16xi32>
          %mul3A_587 = arith.muli %broadcast_in_dim3A_585, %mul3A_586 : vector<16xi32>
          %gather3A_588 = tpu.vector_load_idx %arg12[%mul3A_587, %and3A_557] : memref<64x512xf32, #tpu.memory_space<vmem>>[vector<16xi32>, vector<16xi32>], vector<16xf32>,
          tpu.vector_store_idx %arg14[%add3A_561, %mul3A_587], %gather3A_588 : memref<128x128xf32, #tpu.memory_space<vmem>>[vector<16xi32>, vector<16xi32>], vector<16xf32>,
          %mul3A_589 = arith.constant 8 : i32
          %mul3A_590 = arith.muli %scan3A_572, %mul3A_589 : i32
          %add3A_591 = arith.constant 2 : i32
          %add3A_592 = arith.addi %mul3A_590, %add3A_591 : i32
          %broadcast_in_dim3A_593 = arith.constant 1 : i32
          %broadcast_in_dim3A_594 = vector.broadcast %broadcast_in_dim3A_593 : i32 to vector<16xi32>
          %mul3A_595 = vector.broadcast %add3A_592 : i32 to vector<16xi32>
          %mul3A_596 = arith.muli %broadcast_in_dim3A_594, %mul3A_595 : vector<16xi32>
          %gather3A_597 = tpu.vector_load_idx %arg12[%mul3A_596, %and3A_557] : memref<64x512xf32, #tpu.memory_space<vmem>>[vector<16xi32>, vector<16xi32>], vector<16xf32>,
          tpu.vector_store_idx %arg14[%add3A_561, %mul3A_596], %gather3A_597 : memref<128x128xf32, #tpu.memory_space<vmem>>[vector<16xi32>, vector<16xi32>], vector<16xf32>,
          %mul3A_598 = arith.constant 8 : i32
          %mul3A_599 = arith.muli %scan3A_572, %mul3A_598 : i32
          %add3A_600 = arith.constant 3 : i32
          %add3A_601 = arith.addi %mul3A_599, %add3A_600 : i32
          %broadcast_in_dim3A_602 = arith.constant 1 : i32
          %broadcast_in_dim3A_603 = vector.broadcast %broadcast_in_dim3A_602 : i32 to vector<16xi32>
          %mul3A_604 = vector.broadcast %add3A_601 : i32 to vector<16xi32>
          %mul3A_605 = arith.muli %broadcast_in_dim3A_603, %mul3A_604 : vector<16xi32>
          %gather3A_606 = tpu.vector_load_idx %arg12[%mul3A_605, %and3A_557] : memref<64x512xf32, #tpu.memory_space<vmem>>[vector<16xi32>, vector<16xi32>], vector<16xf32>,
          tpu.vector_store_idx %arg14[%add3A_561, %mul3A_605], %gather3A_606 : memref<128x128xf32, #tpu.memory_space<vmem>>[vector<16xi32>, vector<16xi32>], vector<16xf32>,
          %mul3A_607 = arith.constant 8 : i32
          %mul3A_608 = arith.muli %scan3A_572, %mul3A_607 : i32
          %add3A_609 = arith.constant 4 : i32
          %add3A_610 = arith.addi %mul3A_608, %add3A_609 : i32
          %broadcast_in_dim3A_611 = arith.constant 1 : i32
          %broadcast_in_dim3A_612 = vector.broadcast %broadcast_in_dim3A_611 : i32 to vector<16xi32>
          %mul3A_613 = vector.broadcast %add3A_610 : i32 to vector<16xi32>
          %mul3A_614 = arith.muli %broadcast_in_dim3A_612, %mul3A_613 : vector<16xi32>
          %gather3A_615 = tpu.vector_load_idx %arg12[%mul3A_614, %and3A_557] : memref<64x512xf32, #tpu.memory_space<vmem>>[vector<16xi32>, vector<16xi32>], vector<16xf32>,
          tpu.vector_store_idx %arg14[%add3A_561, %mul3A_614], %gather3A_615 : memref<128x128xf32, #tpu.memory_space<vmem>>[vector<16xi32>, vector<16xi32>], vector<16xf32>,
          %mul3A_616 = arith.constant 8 : i32
          %mul3A_617 = arith.muli %scan3A_572, %mul3A_616 : i32
          %add3A_618 = arith.constant 5 : i32
          %add3A_619 = arith.addi %mul3A_617, %add3A_618 : i32
          %broadcast_in_dim3A_620 = arith.constant 1 : i32
          %broadcast_in_dim3A_621 = vector.broadcast %broadcast_in_dim3A_620 : i32 to vector<16xi32>
          %mul3A_622 = vector.broadcast %add3A_619 : i32 to vector<16xi32>
          %mul3A_623 = arith.muli %broadcast_in_dim3A_621, %mul3A_622 : vector<16xi32>
          %gather3A_624 = tpu.vector_load_idx %arg12[%mul3A_623, %and3A_557] : memref<64x512xf32, #tpu.memory_space<vmem>>[vector<16xi32>, vector<16xi32>], vector<16xf32>,
          tpu.vector_store_idx %arg14[%add3A_561, %mul3A_623], %gather3A_624 : memref<128x128xf32, #tpu.memory_space<vmem>>[vector<16xi32>, vector<16xi32>], vector<16xf32>,
          %mul3A_625 = arith.constant 8 : i32
          %mul3A_626 = arith.muli %scan3A_572, %mul3A_625 : i32
          %add3A_627 = arith.constant 6 : i32
          %add3A_628 = arith.addi %mul3A_626, %add3A_627 : i32
          %broadcast_in_dim3A_629 = arith.constant 1 : i32
          %broadcast_in_dim3A_630 = vector.broadcast %broadcast_in_dim3A_629 : i32 to vector<16xi32>
          %mul3A_631 = vector.broadcast %add3A_628 : i32 to vector<16xi32>
          %mul3A_632 = arith.muli %broadcast_in_dim3A_630, %mul3A_631 : vector<16xi32>
          %gather3A_633 = tpu.vector_load_idx %arg12[%mul3A_632, %and3A_557] : memref<64x512xf32, #tpu.memory_space<vmem>>[vector<16xi32>, vector<16xi32>], vector<16xf32>,
          tpu.vector_store_idx %arg14[%add3A_561, %mul3A_632], %gather3A_633 : memref<128x128xf32, #tpu.memory_space<vmem>>[vector<16xi32>, vector<16xi32>], vector<16xf32>,
          %mul3A_634 = arith.constant 8 : i32
          %mul3A_635 = arith.muli %scan3A_572, %mul3A_634 : i32
          %add3A_636 = arith.constant 7 : i32
          %add3A_637 = arith.addi %mul3A_635, %add3A_636 : i32
          %broadcast_in_dim3A_638 = arith.constant 1 : i32
          %broadcast_in_dim3A_639 = vector.broadcast %broadcast_in_dim3A_638 : i32 to vector<16xi32>
          %mul3A_640 = vector.broadcast %add3A_637 : i32 to vector<16xi32>
          %mul3A_641 = arith.muli %broadcast_in_dim3A_639, %mul3A_640 : vector<16xi32>
          %gather3A_642 = tpu.vector_load_idx %arg12[%mul3A_641, %and3A_557] : memref<64x512xf32, #tpu.memory_space<vmem>>[vector<16xi32>, vector<16xi32>], vector<16xf32>,
          tpu.vector_store_idx %arg14[%add3A_561, %mul3A_641], %gather3A_642 : memref<128x128xf32, #tpu.memory_space<vmem>>[vector<16xi32>, vector<16xi32>], vector<16xf32>,
        }
        %scan3A_567 = arith.constant 8 : i32
        %swap3A_568 = arith.index_cast %select_n3A_551 : i32 to index
        %swap3A_569 = tpu.vector_load %arg15[%swap3A_568] {strides = array<i32>} : memref<128xi32, #tpu.memory_space<vmem>>, vector<16xi32>,
        tpu.vector_store %arg15[%swap3A_568], %shift_right_arithmetic3A_559 {strides = array<i32>} : memref<128xi32, #tpu.memory_space<vmem>>, vector<16xi32>,
        %add3A_570 = arith.constant 16 : i32
        %add3A_571 = arith.addi %select_n3A_551, %add3A_570 : i32
        scf.yield %add3A_571 : i32
      }
      %while3A_411 = arith.constant 1 : i32
      %while3A_412 = scf.for %while3A_537 = %while3A_408 to %while3A_404 step %while3A_411 iter_args(%while3A_538 = %while3A_410) -> (i32)  : i32 {
        %add3A_539 = arith.constant 16 : i32
        %add3A_540 = arith.addi %while3A_538, %add3A_539 : i32
        %gt3A_541 = arith.constant 128 : i32
        %gt3A_542 = arith.cmpi sgt, %add3A_540, %gt3A_541 : i32
        %convert_element_type3A_543 = arith.extui %gt3A_542 : i1 to i32
        %cond3A_544 = arith.constant 0 : i32
        %cond3A_545 = arith.cmpi ne, %convert_element_type3A_543, %cond3A_544 : i32
        scf.if %cond3A_545 {
          %dma_start3A = arith.constant 0 : i32
          %dma_start3A_572 = arith.constant 0 : i32
          %dma_start3A_573 = tpu.memref_slice %arg8[%dma_start3A, %dma_start3A_572] : memref<20480x128xf32, #tpu.memory_space<hbm>> -> memref<20480x128xf32, #tpu.memory_space<hbm>>
          tpu.enqueue_indirect_dma source(%arg14 : memref<128x128xf32, #tpu.memory_space<vmem>>) target(%dma_start3A_573 : memref<20480x128xf32, #tpu.memory_space<hbm>>) offsets(%arg15 : memref<128xi32, #tpu.memory_space<vmem>>) semaphore(%arg18 : memref<!tpu.dma_semaphore, #tpu.memory_space<semaphore_mem>>)
          %dma_wait3A_574 = arith.constant 0 : i32
          %dma_wait3A_575 = arith.constant 0 : i32
          %dma_wait3A_576 = tpu.memref_slice %arg8[%dma_wait3A_574, %dma_wait3A_575] : memref<20480x128xf32, #tpu.memory_space<hbm>> -> memref<128x128xf32, #tpu.memory_space<hbm>>
          %dma_wait3A_577 = arith.constant 0 : i32
          %dma_wait3A_578 = arith.constant 0 : i32
          %dma_wait3A_579 = tpu.memref_slice %arg8[%dma_wait3A_577, %dma_wait3A_578] : memref<20480x128xf32, #tpu.memory_space<hbm>> -> memref<128x128xf32, #tpu.memory_space<hbm>>
          tpu.wait_dma2 semaphore(%arg18 : memref<!tpu.dma_semaphore, #tpu.memory_space<semaphore_mem>>) src(%dma_wait3A_579 : memref<128x128xf32, #tpu.memory_space<hbm>>) dst(%arg14 : memref<128x128xf32, #tpu.memory_space<vmem>>)
          %add3A_580 = arith.constant 0 : i32
          %add3A_581 = arith.addi %add3A_54, %add3A_580 : i32
          %add3A_582 = vector.broadcast %add3A_581 : i32 to vector<16xi32>
          %add3A_583 = arith.addi %add3A_582, %iota3A : vector<16xi32>
          %swap3A_584 = arith.constant 0 : index
          %swap3A_585 = tpu.vector_load %arg15[%swap3A_584] {strides = array<i32>} : memref<128xi32, #tpu.memory_space<vmem>>, vector<16xi32>,
          tpu.vector_store %arg15[%swap3A_584], %add3A_583 {strides = array<i32>} : memref<128xi32, #tpu.memory_space<vmem>>, vector<16xi32>,
          %add3A_586 = arith.constant 16 : i32
          %add3A_587 = arith.addi %add3A_54, %add3A_586 : i32
          %add3A_588 = vector.broadcast %add3A_587 : i32 to vector<16xi32>
          %add3A_589 = arith.addi %add3A_588, %iota3A : vector<16xi32>
          %swap3A_590 = arith.constant 16 : index
          %swap3A_591 = tpu.vector_load %arg15[%swap3A_590] {strides = array<i32>} : memref<128xi32, #tpu.memory_space<vmem>>, vector<16xi32>,
          tpu.vector_store %arg15[%swap3A_590], %add3A_589 {strides = array<i32>} : memref<128xi32, #tpu.memory_space<vmem>>, vector<16xi32>,
          %add3A_592 = arith.constant 32 : i32
          %add3A_593 = arith.addi %add3A_54, %add3A_592 : i32
          %add3A_594 = vector.broadcast %add3A_593 : i32 to vector<16xi32>
          %add3A_595 = arith.addi %add3A_594, %iota3A : vector<16xi32>
          %swap3A_596 = arith.constant 32 : index
          %swap3A_597 = tpu.vector_load %arg15[%swap3A_596] {strides = array<i32>} : memref<128xi32, #tpu.memory_space<vmem>>, vector<16xi32>,
          tpu.vector_store %arg15[%swap3A_596], %add3A_595 {strides = array<i32>} : memref<128xi32, #tpu.memory_space<vmem>>, vector<16xi32>,
          %add3A_598 = arith.constant 48 : i32
          %add3A_599 = arith.addi %add3A_54, %add3A_598 : i32
          %add3A_600 = vector.broadcast %add3A_599 : i32 to vector<16xi32>
          %add3A_601 = arith.addi %add3A_600, %iota3A : vector<16xi32>
          %swap3A_602 = arith.constant 48 : index
          %swap3A_603 = tpu.vector_load %arg15[%swap3A_602] {strides = array<i32>} : memref<128xi32, #tpu.memory_space<vmem>>, vector<16xi32>,
          tpu.vector_store %arg15[%swap3A_602], %add3A_601 {strides = array<i32>} : memref<128xi32, #tpu.memory_space<vmem>>, vector<16xi32>,
          %add3A_604 = arith.constant 64 : i32
          %add3A_605 = arith.addi %add3A_54, %add3A_604 : i32
          %add3A_606 = vector.broadcast %add3A_605 : i32 to vector<16xi32>
          %add3A_607 = arith.addi %add3A_606, %iota3A : vector<16xi32>
          %swap3A_608 = arith.constant 64 : index
          %swap3A_609 = tpu.vector_load %arg15[%swap3A_608] {strides = array<i32>} : memref<128xi32, #tpu.memory_space<vmem>>, vector<16xi32>,
          tpu.vector_store %arg15[%swap3A_608], %add3A_607 {strides = array<i32>} : memref<128xi32, #tpu.memory_space<vmem>>, vector<16xi32>,
          %add3A_610 = arith.constant 80 : i32
          %add3A_611 = arith.addi %add3A_54, %add3A_610 : i32
          %add3A_612 = vector.broadcast %add3A_611 : i32 to vector<16xi32>
          %add3A_613 = arith.addi %add3A_612, %iota3A : vector<16xi32>
          %swap3A_614 = arith.constant 80 : index
          %swap3A_615 = tpu.vector_load %arg15[%swap3A_614] {strides = array<i32>} : memref<128xi32, #tpu.memory_space<vmem>>, vector<16xi32>,
          tpu.vector_store %arg15[%swap3A_614], %add3A_613 {strides = array<i32>} : memref<128xi32, #tpu.memory_space<vmem>>, vector<16xi32>,
          %add3A_616 = arith.constant 96 : i32
          %add3A_617 = arith.addi %add3A_54, %add3A_616 : i32
          %add3A_618 = vector.broadcast %add3A_617 : i32 to vector<16xi32>
          %add3A_619 = arith.addi %add3A_618, %iota3A : vector<16xi32>
          %swap3A_620 = arith.constant 96 : index
          %swap3A_621 = tpu.vector_load %arg15[%swap3A_620] {strides = array<i32>} : memref<128xi32, #tpu.memory_space<vmem>>, vector<16xi32>,
          tpu.vector_store %arg15[%swap3A_620], %add3A_619 {strides = array<i32>} : memref<128xi32, #tpu.memory_space<vmem>>, vector<16xi32>,
          %add3A_622 = arith.constant 112 : i32
          %add3A_623 = arith.addi %add3A_54, %add3A_622 : i32
          %add3A_624 = vector.broadcast %add3A_623 : i32 to vector<16xi32>
          %add3A_625 = arith.addi %add3A_624, %iota3A : vector<16xi32>
          %swap3A_626 = arith.constant 112 : index
          %swap3A_627 = tpu.vector_load %arg15[%swap3A_626] {strides = array<i32>} : memref<128xi32, #tpu.memory_space<vmem>>, vector<16xi32>,
          tpu.vector_store %arg15[%swap3A_626], %add3A_625 {strides = array<i32>} : memref<128xi32, #tpu.memory_space<vmem>>, vector<16xi32>,
        } else {
        }
        %add3A_546 = arith.constant 16 : i32
        %add3A_547 = arith.addi %while3A_538, %add3A_546 : i32
        %gt3A_548 = arith.constant 128 : i32
        %gt3A_549 = arith.cmpi sgt, %add3A_547, %gt3A_548 : i32
        %jit3A_550 = arith.constant 0 : i32
        %select_n3A_551 = arith.select %gt3A_549, %jit3A_550, %while3A_538 : i32
        %mul3A_552 = arith.constant 16 : i32
        %mul3A_553 = arith.muli %while3A_537, %mul3A_552 : i32
        %get3A = arith.index_cast %mul3A_553 : i32 to index
        %get3A_554 = tpu.vector_load %arg11[%get3A] {strides = array<i32>} : memref<16416xi32, #tpu.memory_space<vmem>>, vector<16xi32>,
        %and3A_555 = arith.constant 1023 : i32
        %and3A_556 = vector.broadcast %and3A_555 : i32 to vector<16xi32>
        %and3A_557 = arith.andi %get3A_554, %and3A_556 : vector<16xi32>
        %shift_right_arithmetic3A = arith.constant 10 : i32
        %shift_right_arithmetic3A_558 = vector.broadcast %shift_right_arithmetic3A : i32 to vector<16xi32>
        %shift_right_arithmetic3A_559 = arith.shrsi %get3A_554, %shift_right_arithmetic3A_558 : vector<16xi32>
        %add3A_560 = vector.broadcast %select_n3A_551 : i32 to vector<16xi32>
        %add3A_561 = arith.addi %add3A_560, %iota3A : vector<16xi32>
        %scan3A_562 = arith.constant 0 : i32
        %scan3A_563 = arith.constant 0 : i32
        %scan3A_564 = arith.constant 8 : i32
        %scan3A_565 = arith.addi %scan3A_563, %scan3A_564 : i32
        %scan3A_566 = arith.constant 1 : i32
        scf.for %scan3A_572 = %scan3A_563 to %scan3A_565 step %scan3A_566  : i32 {
          %mul3A_573 = arith.constant 8 : i32
          %mul3A_574 = arith.muli %scan3A_572, %mul3A_573 : i32
          %add3A_575 = arith.constant 0 : i32
          %add3A_576 = arith.addi %mul3A_574, %add3A_575 : i32
          %broadcast_in_dim3A = arith.constant 1 : i32
          %broadcast_in_dim3A_577 = vector.broadcast %broadcast_in_dim3A : i32 to vector<16xi32>
          %mul3A_578 = vector.broadcast %add3A_576 : i32 to vector<16xi32>
          %mul3A_579 = arith.muli %broadcast_in_dim3A_577, %mul3A_578 : vector<16xi32>
          %gather3A = tpu.vector_load_idx %arg12[%mul3A_579, %and3A_557] : memref<64x512xf32, #tpu.memory_space<vmem>>[vector<16xi32>, vector<16xi32>], vector<16xf32>,
          tpu.vector_store_idx %arg14[%add3A_561, %mul3A_579], %gather3A : memref<128x128xf32, #tpu.memory_space<vmem>>[vector<16xi32>, vector<16xi32>], vector<16xf32>,
          %mul3A_580 = arith.constant 8 : i32
          %mul3A_581 = arith.muli %scan3A_572, %mul3A_580 : i32
          %add3A_582 = arith.constant 1 : i32
          %add3A_583 = arith.addi %mul3A_581, %add3A_582 : i32
          %broadcast_in_dim3A_584 = arith.constant 1 : i32
          %broadcast_in_dim3A_585 = vector.broadcast %broadcast_in_dim3A_584 : i32 to vector<16xi32>
          %mul3A_586 = vector.broadcast %add3A_583 : i32 to vector<16xi32>
          %mul3A_587 = arith.muli %broadcast_in_dim3A_585, %mul3A_586 : vector<16xi32>
          %gather3A_588 = tpu.vector_load_idx %arg12[%mul3A_587, %and3A_557] : memref<64x512xf32, #tpu.memory_space<vmem>>[vector<16xi32>, vector<16xi32>], vector<16xf32>,
          tpu.vector_store_idx %arg14[%add3A_561, %mul3A_587], %gather3A_588 : memref<128x128xf32, #tpu.memory_space<vmem>>[vector<16xi32>, vector<16xi32>], vector<16xf32>,
          %mul3A_589 = arith.constant 8 : i32
          %mul3A_590 = arith.muli %scan3A_572, %mul3A_589 : i32
          %add3A_591 = arith.constant 2 : i32
          %add3A_592 = arith.addi %mul3A_590, %add3A_591 : i32
          %broadcast_in_dim3A_593 = arith.constant 1 : i32
          %broadcast_in_dim3A_594 = vector.broadcast %broadcast_in_dim3A_593 : i32 to vector<16xi32>
          %mul3A_595 = vector.broadcast %add3A_592 : i32 to vector<16xi32>
          %mul3A_596 = arith.muli %broadcast_in_dim3A_594, %mul3A_595 : vector<16xi32>
          %gather3A_597 = tpu.vector_load_idx %arg12[%mul3A_596, %and3A_557] : memref<64x512xf32, #tpu.memory_space<vmem>>[vector<16xi32>, vector<16xi32>], vector<16xf32>,
          tpu.vector_store_idx %arg14[%add3A_561, %mul3A_596], %gather3A_597 : memref<128x128xf32, #tpu.memory_space<vmem>>[vector<16xi32>, vector<16xi32>], vector<16xf32>,
          %mul3A_598 = arith.constant 8 : i32
          %mul3A_599 = arith.muli %scan3A_572, %mul3A_598 : i32
          %add3A_600 = arith.constant 3 : i32
          %add3A_601 = arith.addi %mul3A_599, %add3A_600 : i32
          %broadcast_in_dim3A_602 = arith.constant 1 : i32
          %broadcast_in_dim3A_603 = vector.broadcast %broadcast_in_dim3A_602 : i32 to vector<16xi32>
          %mul3A_604 = vector.broadcast %add3A_601 : i32 to vector<16xi32>
          %mul3A_605 = arith.muli %broadcast_in_dim3A_603, %mul3A_604 : vector<16xi32>
          %gather3A_606 = tpu.vector_load_idx %arg12[%mul3A_605, %and3A_557] : memref<64x512xf32, #tpu.memory_space<vmem>>[vector<16xi32>, vector<16xi32>], vector<16xf32>,
          tpu.vector_store_idx %arg14[%add3A_561, %mul3A_605], %gather3A_606 : memref<128x128xf32, #tpu.memory_space<vmem>>[vector<16xi32>, vector<16xi32>], vector<16xf32>,
          %mul3A_607 = arith.constant 8 : i32
          %mul3A_608 = arith.muli %scan3A_572, %mul3A_607 : i32
          %add3A_609 = arith.constant 4 : i32
          %add3A_610 = arith.addi %mul3A_608, %add3A_609 : i32
          %broadcast_in_dim3A_611 = arith.constant 1 : i32
          %broadcast_in_dim3A_612 = vector.broadcast %broadcast_in_dim3A_611 : i32 to vector<16xi32>
          %mul3A_613 = vector.broadcast %add3A_610 : i32 to vector<16xi32>
          %mul3A_614 = arith.muli %broadcast_in_dim3A_612, %mul3A_613 : vector<16xi32>
          %gather3A_615 = tpu.vector_load_idx %arg12[%mul3A_614, %and3A_557] : memref<64x512xf32, #tpu.memory_space<vmem>>[vector<16xi32>, vector<16xi32>], vector<16xf32>,
          tpu.vector_store_idx %arg14[%add3A_561, %mul3A_614], %gather3A_615 : memref<128x128xf32, #tpu.memory_space<vmem>>[vector<16xi32>, vector<16xi32>], vector<16xf32>,
          %mul3A_616 = arith.constant 8 : i32
          %mul3A_617 = arith.muli %scan3A_572, %mul3A_616 : i32
          %add3A_618 = arith.constant 5 : i32
          %add3A_619 = arith.addi %mul3A_617, %add3A_618 : i32
          %broadcast_in_dim3A_620 = arith.constant 1 : i32
          %broadcast_in_dim3A_621 = vector.broadcast %broadcast_in_dim3A_620 : i32 to vector<16xi32>
          %mul3A_622 = vector.broadcast %add3A_619 : i32 to vector<16xi32>
          %mul3A_623 = arith.muli %broadcast_in_dim3A_621, %mul3A_622 : vector<16xi32>
          %gather3A_624 = tpu.vector_load_idx %arg12[%mul3A_623, %and3A_557] : memref<64x512xf32, #tpu.memory_space<vmem>>[vector<16xi32>, vector<16xi32>], vector<16xf32>,
          tpu.vector_store_idx %arg14[%add3A_561, %mul3A_623], %gather3A_624 : memref<128x128xf32, #tpu.memory_space<vmem>>[vector<16xi32>, vector<16xi32>], vector<16xf32>,
          %mul3A_625 = arith.constant 8 : i32
          %mul3A_626 = arith.muli %scan3A_572, %mul3A_625 : i32
          %add3A_627 = arith.constant 6 : i32
          %add3A_628 = arith.addi %mul3A_626, %add3A_627 : i32
          %broadcast_in_dim3A_629 = arith.constant 1 : i32
          %broadcast_in_dim3A_630 = vector.broadcast %broadcast_in_dim3A_629 : i32 to vector<16xi32>
          %mul3A_631 = vector.broadcast %add3A_628 : i32 to vector<16xi32>
          %mul3A_632 = arith.muli %broadcast_in_dim3A_630, %mul3A_631 : vector<16xi32>
          %gather3A_633 = tpu.vector_load_idx %arg12[%mul3A_632, %and3A_557] : memref<64x512xf32, #tpu.memory_space<vmem>>[vector<16xi32>, vector<16xi32>], vector<16xf32>,
          tpu.vector_store_idx %arg14[%add3A_561, %mul3A_632], %gather3A_633 : memref<128x128xf32, #tpu.memory_space<vmem>>[vector<16xi32>, vector<16xi32>], vector<16xf32>,
          %mul3A_634 = arith.constant 8 : i32
          %mul3A_635 = arith.muli %scan3A_572, %mul3A_634 : i32
          %add3A_636 = arith.constant 7 : i32
          %add3A_637 = arith.addi %mul3A_635, %add3A_636 : i32
          %broadcast_in_dim3A_638 = arith.constant 1 : i32
          %broadcast_in_dim3A_639 = vector.broadcast %broadcast_in_dim3A_638 : i32 to vector<16xi32>
          %mul3A_640 = vector.broadcast %add3A_637 : i32 to vector<16xi32>
          %mul3A_641 = arith.muli %broadcast_in_dim3A_639, %mul3A_640 : vector<16xi32>
          %gather3A_642 = tpu.vector_load_idx %arg12[%mul3A_641, %and3A_557] : memref<64x512xf32, #tpu.memory_space<vmem>>[vector<16xi32>, vector<16xi32>], vector<16xf32>,
          tpu.vector_store_idx %arg14[%add3A_561, %mul3A_641], %gather3A_642 : memref<128x128xf32, #tpu.memory_space<vmem>>[vector<16xi32>, vector<16xi32>], vector<16xf32>,
        }
        %scan3A_567 = arith.constant 8 : i32
        %swap3A_568 = arith.index_cast %select_n3A_551 : i32 to index
        %swap3A_569 = tpu.vector_load %arg15[%swap3A_568] {strides = array<i32>} : memref<128xi32, #tpu.memory_space<vmem>>, vector<16xi32>,
        tpu.vector_store %arg15[%swap3A_568], %shift_right_arithmetic3A_559 {strides = array<i32>} : memref<128xi32, #tpu.memory_space<vmem>>, vector<16xi32>,
        %add3A_570 = arith.constant 16 : i32
        %add3A_571 = arith.addi %select_n3A_551, %add3A_570 : i32
        scf.yield %add3A_571 : i32
      }
      %gt3A_413 = arith.constant 112 : i32
      %gt3A_414 = arith.cmpi sgt, %while3A_412, %gt3A_413 : i32
      %convert_element_type3A_415 = arith.extui %gt3A_414 : i1 to i32
      %cond3A_416 = arith.constant 0 : i32
      %cond3A_417 = arith.cmpi ne, %convert_element_type3A_415, %cond3A_416 : i32
      scf.if %cond3A_417 {
        %dma_start3A = arith.constant 0 : i32
        %dma_start3A_537 = arith.constant 0 : i32
        %dma_start3A_538 = tpu.memref_slice %arg8[%dma_start3A, %dma_start3A_537] : memref<20480x128xf32, #tpu.memory_space<hbm>> -> memref<20480x128xf32, #tpu.memory_space<hbm>>
        tpu.enqueue_indirect_dma source(%arg14 : memref<128x128xf32, #tpu.memory_space<vmem>>) target(%dma_start3A_538 : memref<20480x128xf32, #tpu.memory_space<hbm>>) offsets(%arg15 : memref<128xi32, #tpu.memory_space<vmem>>) semaphore(%arg18 : memref<!tpu.dma_semaphore, #tpu.memory_space<semaphore_mem>>)
      } else {
      }
      %jit3A_418 = arith.constant 0 : i32
      %select_n3A_419 = arith.select %gt3A_414, %jit3A_418, %while3A_412 : i32
      %jit3A_420 = arith.constant 1 : i32
      %jit3A_421 = arith.constant 0 : i32
      %select_n3A_422 = arith.select %gt3A_414, %jit3A_420, %jit3A_421 : i32
      %add3A_423 = arith.constant 2 : i32
      %add3A_424 = arith.addi %mul3A_311, %add3A_423 : i32
      %min3A_425 = arith.constant 61 : i32
      %min3A_426 = arith.minsi %add3A_424, %min3A_425 : i32
      %mul3A_427 = arith.constant 512 : i32
      %mul3A_428 = arith.muli %min3A_426, %mul3A_427 : i32
      %add3A_429 = arith.addi %mul3A_20, %mul3A_428 : i32
      %add3A_430 = arith.constant 512 : i32
      %add3A_431 = arith.addi %add3A_429, %add3A_430 : i32
      %gt3A_432 = arith.constant 1000000 : i32
      %gt3A_433 = arith.cmpi sgt, %add3A_431, %gt3A_432 : i32
      %convert_element_type3A_434 = arith.extui %gt3A_433 : i1 to i32
      %cond3A_435 = arith.constant 0 : i32
      %cond3A_436 = arith.cmpi ne, %convert_element_type3A_434, %cond3A_435 : i32
      scf.if %cond3A_436 {
        tpu.enqueue_dma source(%arg6 : memref<64x512xf32, #tpu.memory_space<hbm>>) target(%arg12 : memref<64x512xf32, #tpu.memory_space<vmem>>) target_semaphore(%arg16 : memref<!tpu.dma_semaphore, #tpu.memory_space<semaphore_mem>>)
      } else {
      }
      %not3A_437 = arith.constant true
      %not3A_438 = arith.xori %gt3A_433, %not3A_437 : i1
      %convert_element_type3A_439 = arith.extui %not3A_438 : i1 to i32
      %cond3A_440 = arith.constant 0 : i32
      %cond3A_441 = arith.cmpi ne, %convert_element_type3A_439, %cond3A_440 : i32
      scf.if %cond3A_441 {
        %multiple_of3A = tpu.assume_multiple %add3A_429, 128 : i32
        %dma_start3A = arith.constant 0 : i32
        %dma_start3A_537 = tpu.memref_slice %arg4[%dma_start3A, %multiple_of3A] : memref<64x1000000xf32, #tpu.memory_space<hbm>> -> memref<64x512xf32, #tpu.memory_space<hbm>>
        %dma_start3A_538 = arith.constant 0 : i32
        %dma_start3A_539 = tpu.memref_slice %arg4[%dma_start3A_538, %multiple_of3A] : memref<64x1000000xf32, #tpu.memory_space<hbm>> -> memref<64x512xf32, #tpu.memory_space<hbm>>
        tpu.enqueue_dma source(%dma_start3A_539 : memref<64x512xf32, #tpu.memory_space<hbm>>) target(%arg12 : memref<64x512xf32, #tpu.memory_space<vmem>>) target_semaphore(%arg16 : memref<!tpu.dma_semaphore, #tpu.memory_space<semaphore_mem>>)
      } else {
      }
      %add3A_442 = arith.constant 1 : i32
      %add3A_443 = arith.addi %mul3A_311, %add3A_442 : i32
      %mul3A_444 = arith.constant 512 : i32
      %mul3A_445 = arith.muli %add3A_443, %mul3A_444 : i32
      %add3A_446 = arith.addi %mul3A_20, %mul3A_445 : i32
      %add3A_447 = arith.constant 512 : i32
      %add3A_448 = arith.addi %add3A_446, %add3A_447 : i32
      %gt3A_449 = arith.constant 1000000 : i32
      %gt3A_450 = arith.cmpi sgt, %add3A_448, %gt3A_449 : i32
      %sub3A_451 = arith.constant 999488 : i32
      %sub3A_452 = arith.subi %sub3A_451, %mul3A_20 : i32
      %mul3A_453 = arith.constant 512 : i32
      %mul3A_454 = arith.muli %add3A_443, %mul3A_453 : i32
      %select_n3A_455 = arith.select %gt3A_450, %sub3A_452, %mul3A_454 : i32
      %dma_wait3A_456 = arith.constant 0 : i32
      %dma_wait3A_457 = arith.constant 0 : i32
      %dma_wait3A_458 = tpu.memref_slice %arg4[%dma_wait3A_456, %dma_wait3A_457] : memref<64x1000000xf32, #tpu.memory_space<hbm>> -> memref<64x512xf32, #tpu.memory_space<hbm>>
      %dma_wait3A_459 = arith.constant 0 : i32
      %dma_wait3A_460 = arith.constant 0 : i32
      %dma_wait3A_461 = tpu.memref_slice %arg4[%dma_wait3A_459, %dma_wait3A_460] : memref<64x1000000xf32, #tpu.memory_space<hbm>> -> memref<64x512xf32, #tpu.memory_space<hbm>>
      tpu.wait_dma2 semaphore(%arg17 : memref<!tpu.dma_semaphore, #tpu.memory_space<semaphore_mem>>) src(%dma_wait3A_461 : memref<64x512xf32, #tpu.memory_space<hbm>>) dst(%arg13 : memref<64x512xf32, #tpu.memory_space<vmem>>)
      %while3A_462 = arith.constant 0 : i32
      %while3A_463 = arith.constant 0 : i32
      %while3A_464 = arith.subi %select_n3A_139, %while3A_462 : i32
      %while3A_465 = arith.addi %while3A_462, %while3A_464 : i32
      %while3A_466 = arith.constant 1 : i32
      %while3A_467 = arith.divsi %while3A_464, %while3A_466 : i32
      %while3A_468 = arith.muli %while3A_467, %while3A_466 : i32
      %while3A_469 = arith.addi %while3A_462, %while3A_468 : i32
      %while3A_470 = arith.constant 1 : i32
      %while3A_471 = scf.for %while3A_537 = %while3A_462 to %while3A_469 step %while3A_470 iter_args(%while3A_538 = %while3A_463) -> (i32)  : i32 {
        %mul3A_539 = arith.constant 16 : i32
        %mul3A_540 = arith.muli %while3A_537, %mul3A_539 : i32
        %get3A = arith.index_cast %mul3A_540 : i32 to index
        %get3A_541 = tpu.vector_load %arg10[%get3A] {strides = array<i32>} : memref<16416xi32, #tpu.memory_space<vmem>>, vector<16xi32>,
        %and3A_542 = arith.constant 32767 : i32
        %and3A_543 = vector.broadcast %and3A_542 : i32 to vector<16xi32>
        %and3A_544 = arith.andi %get3A_541, %and3A_543 : vector<16xi32>
        %sub3A_545 = vector.broadcast %select_n3A_455 : i32 to vector<16xi32>
        %sub3A_546 = arith.subi %and3A_544, %sub3A_545 : vector<16xi32>
        %ge3A = arith.constant 0 : i32
        %ge3A_547 = vector.broadcast %ge3A : i32 to vector<16xi32>
        %ge3A_548 = arith.cmpi sge, %sub3A_546, %ge3A_547 : vector<16xi32>
        %lt3A = arith.constant 512 : i32
        %lt3A_549 = vector.broadcast %lt3A : i32 to vector<16xi32>
        %lt3A_550 = arith.cmpi slt, %sub3A_546, %lt3A_549 : vector<16xi32>
        %and3A_551 = arith.andi %ge3A_548, %lt3A_550 : vector<16xi1>
        %convert_element_type3A_552 = arith.extui %and3A_551 : vector<16xi1> to vector<16xi32>
        %broadcast_in_dim3A = arith.constant true
        %broadcast_in_dim3A_553 = vector.broadcast %broadcast_in_dim3A : i1 to vector<16xi1>
        %masked_cumsum3A = tpu.scan <sum>, %convert_element_type3A_552 masked %broadcast_in_dim3A_553 : vector<16xi32>, vector<16xi1> -> vector<16xi32>
        %add3A_554 = vector.broadcast %while3A_538 : i32 to vector<16xi32>
        %add3A_555 = arith.addi %add3A_554, %masked_cumsum3A : vector<16xi32>
        %sub3A_556 = arith.constant 1 : i32
        %sub3A_557 = vector.broadcast %sub3A_556 : i32 to vector<16xi32>
        %sub3A_558 = arith.subi %add3A_555, %sub3A_557 : vector<16xi32>
        %jit3A_559 = arith.constant 16415 : i32
        %broadcast_in_dim3A_560 = vector.broadcast %jit3A_559 : i32 to vector<16xi32>
        %select_n3A_561 = arith.select %and3A_551, %sub3A_558, %broadcast_in_dim3A_560 : vector<16xi1>, vector<16xi32>
        %shift_right_arithmetic3A = arith.constant 15 : i32
        %shift_right_arithmetic3A_562 = vector.broadcast %shift_right_arithmetic3A : i32 to vector<16xi32>
        %shift_right_arithmetic3A_563 = arith.shrsi %get3A_541, %shift_right_arithmetic3A_562 : vector<16xi32>
        %shift_left3A_564 = arith.constant 10 : i32
        %shift_left3A_565 = vector.broadcast %shift_left3A_564 : i32 to vector<16xi32>
        %shift_left3A_566 = arith.shli %shift_right_arithmetic3A_563, %shift_left3A_565 : vector<16xi32>
        %jit3A_567 = arith.constant 0 : i32
        %broadcast_in_dim3A_568 = vector.broadcast %jit3A_567 : i32 to vector<16xi32>
        %select_n3A_569 = arith.select %and3A_551, %sub3A_546, %broadcast_in_dim3A_568 : vector<16xi1>, vector<16xi32>
        %or3A = arith.ori %shift_left3A_566, %select_n3A_569 : vector<16xi32>
        tpu.vector_store_idx %arg11[%select_n3A_561], %or3A : memref<16416xi32, #tpu.memory_space<vmem>>[vector<16xi32>], vector<16xi32>,
        %reduce_max3A = arith.constant true
        %reduce_max3A_570 = vector.broadcast %reduce_max3A : i1 to vector<16xi1>
        %reduce_max3A_571 = arith.constant -2147483648 : i32
        %reduce_max3A_572 = vector.broadcast %reduce_max3A_571 : i32 to vector<16xi32>
        %reduce_max3A_573 = arith.xori %masked_cumsum3A, %reduce_max3A_572 : vector<16xi32>
        %reduce_max3A_574 = tpu.scan <max>, %reduce_max3A_573 masked %reduce_max3A_570 : vector<16xi32>, vector<16xi1> -> vector<16xi32>
        %reduce_max3A_575 = arith.xori %reduce_max3A_574, %reduce_max3A_572 : vector<16xi32>
        %reduce_max3A_576 = vector.extract %reduce_max3A_575[15] : i32 from vector<16xi32>
        %add3A_577 = arith.addi %while3A_538, %reduce_max3A_576 : i32
        scf.yield %add3A_577 : i32
      }
      %while3A_472 = arith.constant 1 : i32
      %while3A_473 = scf.for %while3A_537 = %while3A_469 to %while3A_465 step %while3A_472 iter_args(%while3A_538 = %while3A_471) -> (i32)  : i32 {
        %mul3A_539 = arith.constant 16 : i32
        %mul3A_540 = arith.muli %while3A_537, %mul3A_539 : i32
        %get3A = arith.index_cast %mul3A_540 : i32 to index
        %get3A_541 = tpu.vector_load %arg10[%get3A] {strides = array<i32>} : memref<16416xi32, #tpu.memory_space<vmem>>, vector<16xi32>,
        %and3A_542 = arith.constant 32767 : i32
        %and3A_543 = vector.broadcast %and3A_542 : i32 to vector<16xi32>
        %and3A_544 = arith.andi %get3A_541, %and3A_543 : vector<16xi32>
        %sub3A_545 = vector.broadcast %select_n3A_455 : i32 to vector<16xi32>
        %sub3A_546 = arith.subi %and3A_544, %sub3A_545 : vector<16xi32>
        %ge3A = arith.constant 0 : i32
        %ge3A_547 = vector.broadcast %ge3A : i32 to vector<16xi32>
        %ge3A_548 = arith.cmpi sge, %sub3A_546, %ge3A_547 : vector<16xi32>
        %lt3A = arith.constant 512 : i32
        %lt3A_549 = vector.broadcast %lt3A : i32 to vector<16xi32>
        %lt3A_550 = arith.cmpi slt, %sub3A_546, %lt3A_549 : vector<16xi32>
        %and3A_551 = arith.andi %ge3A_548, %lt3A_550 : vector<16xi1>
        %convert_element_type3A_552 = arith.extui %and3A_551 : vector<16xi1> to vector<16xi32>
        %broadcast_in_dim3A = arith.constant true
        %broadcast_in_dim3A_553 = vector.broadcast %broadcast_in_dim3A : i1 to vector<16xi1>
        %masked_cumsum3A = tpu.scan <sum>, %convert_element_type3A_552 masked %broadcast_in_dim3A_553 : vector<16xi32>, vector<16xi1> -> vector<16xi32>
        %add3A_554 = vector.broadcast %while3A_538 : i32 to vector<16xi32>
        %add3A_555 = arith.addi %add3A_554, %masked_cumsum3A : vector<16xi32>
        %sub3A_556 = arith.constant 1 : i32
        %sub3A_557 = vector.broadcast %sub3A_556 : i32 to vector<16xi32>
        %sub3A_558 = arith.subi %add3A_555, %sub3A_557 : vector<16xi32>
        %jit3A_559 = arith.constant 16415 : i32
        %broadcast_in_dim3A_560 = vector.broadcast %jit3A_559 : i32 to vector<16xi32>
        %select_n3A_561 = arith.select %and3A_551, %sub3A_558, %broadcast_in_dim3A_560 : vector<16xi1>, vector<16xi32>
        %shift_right_arithmetic3A = arith.constant 15 : i32
        %shift_right_arithmetic3A_562 = vector.broadcast %shift_right_arithmetic3A : i32 to vector<16xi32>
        %shift_right_arithmetic3A_563 = arith.shrsi %get3A_541, %shift_right_arithmetic3A_562 : vector<16xi32>
        %shift_left3A_564 = arith.constant 10 : i32
        %shift_left3A_565 = vector.broadcast %shift_left3A_564 : i32 to vector<16xi32>
        %shift_left3A_566 = arith.shli %shift_right_arithmetic3A_563, %shift_left3A_565 : vector<16xi32>
        %jit3A_567 = arith.constant 0 : i32
        %broadcast_in_dim3A_568 = vector.broadcast %jit3A_567 : i32 to vector<16xi32>
        %select_n3A_569 = arith.select %and3A_551, %sub3A_546, %broadcast_in_dim3A_568 : vector<16xi1>, vector<16xi32>
        %or3A = arith.ori %shift_left3A_566, %select_n3A_569 : vector<16xi32>
        tpu.vector_store_idx %arg11[%select_n3A_561], %or3A : memref<16416xi32, #tpu.memory_space<vmem>>[vector<16xi32>], vector<16xi32>,
        %reduce_max3A = arith.constant true
        %reduce_max3A_570 = vector.broadcast %reduce_max3A : i1 to vector<16xi1>
        %reduce_max3A_571 = arith.constant -2147483648 : i32
        %reduce_max3A_572 = vector.broadcast %reduce_max3A_571 : i32 to vector<16xi32>
        %reduce_max3A_573 = arith.xori %masked_cumsum3A, %reduce_max3A_572 : vector<16xi32>
        %reduce_max3A_574 = tpu.scan <max>, %reduce_max3A_573 masked %reduce_max3A_570 : vector<16xi32>, vector<16xi1> -> vector<16xi32>
        %reduce_max3A_575 = arith.xori %reduce_max3A_574, %reduce_max3A_572 : vector<16xi32>
        %reduce_max3A_576 = vector.extract %reduce_max3A_575[15] : i32 from vector<16xi32>
        %add3A_577 = arith.addi %while3A_538, %reduce_max3A_576 : i32
        scf.yield %add3A_577 : i32
      }
      %add3A_474 = vector.broadcast %add3A_54 : i32 to vector<16xi32>
      %add3A_475 = arith.addi %add3A_474, %iota3A : vector<16xi32>
      %shift_left3A_476 = arith.constant 10 : i32
      %shift_left3A_477 = vector.broadcast %shift_left3A_476 : i32 to vector<16xi32>
      %shift_left3A_478 = arith.shli %add3A_475, %shift_left3A_477 : vector<16xi32>
      %swap3A_479 = arith.index_cast %while3A_473 : i32 to index
      %swap3A_480 = tpu.vector_load %arg11[%swap3A_479] {strides = array<i32>} : memref<16416xi32, #tpu.memory_space<vmem>>, vector<16xi32>,
      tpu.vector_store %arg11[%swap3A_479], %shift_left3A_478 {strides = array<i32>} : memref<16416xi32, #tpu.memory_space<vmem>>, vector<16xi32>,
      %gt3A_481 = arith.constant 0 : i32
      %gt3A_482 = arith.cmpi sgt, %select_n3A_422, %gt3A_481 : i32
      %convert_element_type3A_483 = arith.extui %gt3A_482 : i1 to i32
      %cond3A_484 = arith.constant 0 : i32
      %cond3A_485 = arith.cmpi ne, %convert_element_type3A_483, %cond3A_484 : i32
      scf.if %cond3A_485 {
        %dma_wait3A_537 = arith.constant 0 : i32
        %dma_wait3A_538 = arith.constant 0 : i32
        %dma_wait3A_539 = tpu.memref_slice %arg8[%dma_wait3A_537, %dma_wait3A_538] : memref<20480x128xf32, #tpu.memory_space<hbm>> -> memref<128x128xf32, #tpu.memory_space<hbm>>
        %dma_wait3A_540 = arith.constant 0 : i32
        %dma_wait3A_541 = arith.constant 0 : i32
        %dma_wait3A_542 = tpu.memref_slice %arg8[%dma_wait3A_540, %dma_wait3A_541] : memref<20480x128xf32, #tpu.memory_space<hbm>> -> memref<128x128xf32, #tpu.memory_space<hbm>>
        tpu.wait_dma2 semaphore(%arg18 : memref<!tpu.dma_semaphore, #tpu.memory_space<semaphore_mem>>) src(%dma_wait3A_542 : memref<128x128xf32, #tpu.memory_space<hbm>>) dst(%arg14 : memref<128x128xf32, #tpu.memory_space<vmem>>)
        %add3A_543 = arith.constant 0 : i32
        %add3A_544 = arith.addi %add3A_54, %add3A_543 : i32
        %add3A_545 = vector.broadcast %add3A_544 : i32 to vector<16xi32>
        %add3A_546 = arith.addi %add3A_545, %iota3A : vector<16xi32>
        %swap3A_547 = arith.constant 0 : index
        %swap3A_548 = tpu.vector_load %arg15[%swap3A_547] {strides = array<i32>} : memref<128xi32, #tpu.memory_space<vmem>>, vector<16xi32>,
        tpu.vector_store %arg15[%swap3A_547], %add3A_546 {strides = array<i32>} : memref<128xi32, #tpu.memory_space<vmem>>, vector<16xi32>,
        %add3A_549 = arith.constant 16 : i32
        %add3A_550 = arith.addi %add3A_54, %add3A_549 : i32
        %add3A_551 = vector.broadcast %add3A_550 : i32 to vector<16xi32>
        %add3A_552 = arith.addi %add3A_551, %iota3A : vector<16xi32>
        %swap3A_553 = arith.constant 16 : index
        %swap3A_554 = tpu.vector_load %arg15[%swap3A_553] {strides = array<i32>} : memref<128xi32, #tpu.memory_space<vmem>>, vector<16xi32>,
        tpu.vector_store %arg15[%swap3A_553], %add3A_552 {strides = array<i32>} : memref<128xi32, #tpu.memory_space<vmem>>, vector<16xi32>,
        %add3A_555 = arith.constant 32 : i32
        %add3A_556 = arith.addi %add3A_54, %add3A_555 : i32
        %add3A_557 = vector.broadcast %add3A_556 : i32 to vector<16xi32>
        %add3A_558 = arith.addi %add3A_557, %iota3A : vector<16xi32>
        %swap3A_559 = arith.constant 32 : index
        %swap3A_560 = tpu.vector_load %arg15[%swap3A_559] {strides = array<i32>} : memref<128xi32, #tpu.memory_space<vmem>>, vector<16xi32>,
        tpu.vector_store %arg15[%swap3A_559], %add3A_558 {strides = array<i32>} : memref<128xi32, #tpu.memory_space<vmem>>, vector<16xi32>,
        %add3A_561 = arith.constant 48 : i32
        %add3A_562 = arith.addi %add3A_54, %add3A_561 : i32
        %add3A_563 = vector.broadcast %add3A_562 : i32 to vector<16xi32>
        %add3A_564 = arith.addi %add3A_563, %iota3A : vector<16xi32>
        %swap3A_565 = arith.constant 48 : index
        %swap3A_566 = tpu.vector_load %arg15[%swap3A_565] {strides = array<i32>} : memref<128xi32, #tpu.memory_space<vmem>>, vector<16xi32>,
        tpu.vector_store %arg15[%swap3A_565], %add3A_564 {strides = array<i32>} : memref<128xi32, #tpu.memory_space<vmem>>, vector<16xi32>,
        %add3A_567 = arith.constant 64 : i32
        %add3A_568 = arith.addi %add3A_54, %add3A_567 : i32
        %add3A_569 = vector.broadcast %add3A_568 : i32 to vector<16xi32>
        %add3A_570 = arith.addi %add3A_569, %iota3A : vector<16xi32>
        %swap3A_571 = arith.constant 64 : index
        %swap3A_572 = tpu.vector_load %arg15[%swap3A_571] {strides = array<i32>} : memref<128xi32, #tpu.memory_space<vmem>>, vector<16xi32>,
        tpu.vector_store %arg15[%swap3A_571], %add3A_570 {strides = array<i32>} : memref<128xi32, #tpu.memory_space<vmem>>, vector<16xi32>,
        %add3A_573 = arith.constant 80 : i32
        %add3A_574 = arith.addi %add3A_54, %add3A_573 : i32
        %add3A_575 = vector.broadcast %add3A_574 : i32 to vector<16xi32>
        %add3A_576 = arith.addi %add3A_575, %iota3A : vector<16xi32>
        %swap3A_577 = arith.constant 80 : index
        %swap3A_578 = tpu.vector_load %arg15[%swap3A_577] {strides = array<i32>} : memref<128xi32, #tpu.memory_space<vmem>>, vector<16xi32>,
        tpu.vector_store %arg15[%swap3A_577], %add3A_576 {strides = array<i32>} : memref<128xi32, #tpu.memory_space<vmem>>, vector<16xi32>,
        %add3A_579 = arith.constant 96 : i32
        %add3A_580 = arith.addi %add3A_54, %add3A_579 : i32
        %add3A_581 = vector.broadcast %add3A_580 : i32 to vector<16xi32>
        %add3A_582 = arith.addi %add3A_581, %iota3A : vector<16xi32>
        %swap3A_583 = arith.constant 96 : index
        %swap3A_584 = tpu.vector_load %arg15[%swap3A_583] {strides = array<i32>} : memref<128xi32, #tpu.memory_space<vmem>>, vector<16xi32>,
        tpu.vector_store %arg15[%swap3A_583], %add3A_582 {strides = array<i32>} : memref<128xi32, #tpu.memory_space<vmem>>, vector<16xi32>,
        %add3A_585 = arith.constant 112 : i32
        %add3A_586 = arith.addi %add3A_54, %add3A_585 : i32
        %add3A_587 = vector.broadcast %add3A_586 : i32 to vector<16xi32>
        %add3A_588 = arith.addi %add3A_587, %iota3A : vector<16xi32>
        %swap3A_589 = arith.constant 112 : index
        %swap3A_590 = tpu.vector_load %arg15[%swap3A_589] {strides = array<i32>} : memref<128xi32, #tpu.memory_space<vmem>>, vector<16xi32>,
        tpu.vector_store %arg15[%swap3A_589], %add3A_588 {strides = array<i32>} : memref<128xi32, #tpu.memory_space<vmem>>, vector<16xi32>,
      } else {
      }
      %gt3A_486 = arith.constant 0 : i32
      %gt3A_487 = arith.cmpi sgt, %while3A_473, %gt3A_486 : i32
      %add3A_488 = arith.constant 15 : i32
      %add3A_489 = arith.addi %while3A_473, %add3A_488 : i32
      %jit3A_490 = arith.constant 16 : i32
      %div3A_491 = arith.divsi %add3A_489, %jit3A_490 : i32
      %sign3A_492 = arith.constant 0 : i32
      %sign3A_493 = arith.cmpi sgt, %add3A_489, %sign3A_492 : i32
      %sign3A_494 = arith.extui %sign3A_493 : i1 to i32
      %sign3A_495 = arith.constant 0 : i32
      %sign3A_496 = arith.cmpi slt, %add3A_489, %sign3A_495 : i32
      %sign3A_497 = arith.extui %sign3A_496 : i1 to i32
      %sign3A_498 = arith.subi %sign3A_494, %sign3A_497 : i32
      %sign3A_499 = arith.constant 0 : i32
      %sign3A_500 = arith.cmpi sgt, %jit3A_490, %sign3A_499 : i32
      %sign3A_501 = arith.extui %sign3A_500 : i1 to i32
      %sign3A_502 = arith.constant 0 : i32
      %sign3A_503 = arith.cmpi slt, %jit3A_490, %sign3A_502 : i32
      %sign3A_504 = arith.extui %sign3A_503 : i1 to i32
      %sign3A_505 = arith.subi %sign3A_501, %sign3A_504 : i32
      %ne3A_506 = arith.cmpi ne, %sign3A_498, %sign3A_505 : i32
      %rem3A_507 = arith.remsi %add3A_489, %jit3A_490 : i32
      %ne3A_508 = arith.constant 0 : i32
      %ne3A_509 = arith.cmpi ne, %rem3A_507, %ne3A_508 : i32
      %and3A_510 = arith.andi %ne3A_506, %ne3A_509 : i1
      %sub3A_511 = arith.constant 1 : i32
      %sub3A_512 = arith.subi %div3A_491, %sub3A_511 : i32
      %select_n3A_513 = arith.select %and3A_510, %sub3A_512, %div3A_491 : i32
      %jit3A_514 = arith.constant 0 : i32
      %select_n3A_515 = arith.select %gt3A_487, %select_n3A_513, %jit3A_514 : i32
      %while3A_516 = arith.constant 0 : i32
      %while3A_517 = arith.subi %select_n3A_515, %while3A_516 : i32
      %while3A_518 = arith.addi %while3A_516, %while3A_517 : i32
      %while3A_519 = arith.constant 1 : i32
      %while3A_520 = arith.divsi %while3A_517, %while3A_519 : i32
      %while3A_521 = arith.muli %while3A_520, %while3A_519 : i32
      %while3A_522 = arith.addi %while3A_516, %while3A_521 : i32
      %while3A_523 = arith.constant 1 : i32
      %while3A_524 = scf.for %while3A_537 = %while3A_516 to %while3A_522 step %while3A_523 iter_args(%while3A_538 = %select_n3A_419) -> (i32)  : i32 {
        %add3A_539 = arith.constant 16 : i32
        %add3A_540 = arith.addi %while3A_538, %add3A_539 : i32
        %gt3A_541 = arith.constant 128 : i32
        %gt3A_542 = arith.cmpi sgt, %add3A_540, %gt3A_541 : i32
        %convert_element_type3A_543 = arith.extui %gt3A_542 : i1 to i32
        %cond3A_544 = arith.constant 0 : i32
        %cond3A_545 = arith.cmpi ne, %convert_element_type3A_543, %cond3A_544 : i32
        scf.if %cond3A_545 {
          %dma_start3A = arith.constant 0 : i32
          %dma_start3A_572 = arith.constant 0 : i32
          %dma_start3A_573 = tpu.memref_slice %arg8[%dma_start3A, %dma_start3A_572] : memref<20480x128xf32, #tpu.memory_space<hbm>> -> memref<20480x128xf32, #tpu.memory_space<hbm>>
          tpu.enqueue_indirect_dma source(%arg14 : memref<128x128xf32, #tpu.memory_space<vmem>>) target(%dma_start3A_573 : memref<20480x128xf32, #tpu.memory_space<hbm>>) offsets(%arg15 : memref<128xi32, #tpu.memory_space<vmem>>) semaphore(%arg18 : memref<!tpu.dma_semaphore, #tpu.memory_space<semaphore_mem>>)
          %dma_wait3A_574 = arith.constant 0 : i32
          %dma_wait3A_575 = arith.constant 0 : i32
          %dma_wait3A_576 = tpu.memref_slice %arg8[%dma_wait3A_574, %dma_wait3A_575] : memref<20480x128xf32, #tpu.memory_space<hbm>> -> memref<128x128xf32, #tpu.memory_space<hbm>>
          %dma_wait3A_577 = arith.constant 0 : i32
          %dma_wait3A_578 = arith.constant 0 : i32
          %dma_wait3A_579 = tpu.memref_slice %arg8[%dma_wait3A_577, %dma_wait3A_578] : memref<20480x128xf32, #tpu.memory_space<hbm>> -> memref<128x128xf32, #tpu.memory_space<hbm>>
          tpu.wait_dma2 semaphore(%arg18 : memref<!tpu.dma_semaphore, #tpu.memory_space<semaphore_mem>>) src(%dma_wait3A_579 : memref<128x128xf32, #tpu.memory_space<hbm>>) dst(%arg14 : memref<128x128xf32, #tpu.memory_space<vmem>>)
          %add3A_580 = arith.constant 0 : i32
          %add3A_581 = arith.addi %add3A_54, %add3A_580 : i32
          %add3A_582 = vector.broadcast %add3A_581 : i32 to vector<16xi32>
          %add3A_583 = arith.addi %add3A_582, %iota3A : vector<16xi32>
          %swap3A_584 = arith.constant 0 : index
          %swap3A_585 = tpu.vector_load %arg15[%swap3A_584] {strides = array<i32>} : memref<128xi32, #tpu.memory_space<vmem>>, vector<16xi32>,
          tpu.vector_store %arg15[%swap3A_584], %add3A_583 {strides = array<i32>} : memref<128xi32, #tpu.memory_space<vmem>>, vector<16xi32>,
          %add3A_586 = arith.constant 16 : i32
          %add3A_587 = arith.addi %add3A_54, %add3A_586 : i32
          %add3A_588 = vector.broadcast %add3A_587 : i32 to vector<16xi32>
          %add3A_589 = arith.addi %add3A_588, %iota3A : vector<16xi32>
          %swap3A_590 = arith.constant 16 : index
          %swap3A_591 = tpu.vector_load %arg15[%swap3A_590] {strides = array<i32>} : memref<128xi32, #tpu.memory_space<vmem>>, vector<16xi32>,
          tpu.vector_store %arg15[%swap3A_590], %add3A_589 {strides = array<i32>} : memref<128xi32, #tpu.memory_space<vmem>>, vector<16xi32>,
          %add3A_592 = arith.constant 32 : i32
          %add3A_593 = arith.addi %add3A_54, %add3A_592 : i32
          %add3A_594 = vector.broadcast %add3A_593 : i32 to vector<16xi32>
          %add3A_595 = arith.addi %add3A_594, %iota3A : vector<16xi32>
          %swap3A_596 = arith.constant 32 : index
          %swap3A_597 = tpu.vector_load %arg15[%swap3A_596] {strides = array<i32>} : memref<128xi32, #tpu.memory_space<vmem>>, vector<16xi32>,
          tpu.vector_store %arg15[%swap3A_596], %add3A_595 {strides = array<i32>} : memref<128xi32, #tpu.memory_space<vmem>>, vector<16xi32>,
          %add3A_598 = arith.constant 48 : i32
          %add3A_599 = arith.addi %add3A_54, %add3A_598 : i32
          %add3A_600 = vector.broadcast %add3A_599 : i32 to vector<16xi32>
          %add3A_601 = arith.addi %add3A_600, %iota3A : vector<16xi32>
          %swap3A_602 = arith.constant 48 : index
          %swap3A_603 = tpu.vector_load %arg15[%swap3A_602] {strides = array<i32>} : memref<128xi32, #tpu.memory_space<vmem>>, vector<16xi32>,
          tpu.vector_store %arg15[%swap3A_602], %add3A_601 {strides = array<i32>} : memref<128xi32, #tpu.memory_space<vmem>>, vector<16xi32>,
          %add3A_604 = arith.constant 64 : i32
          %add3A_605 = arith.addi %add3A_54, %add3A_604 : i32
          %add3A_606 = vector.broadcast %add3A_605 : i32 to vector<16xi32>
          %add3A_607 = arith.addi %add3A_606, %iota3A : vector<16xi32>
          %swap3A_608 = arith.constant 64 : index
          %swap3A_609 = tpu.vector_load %arg15[%swap3A_608] {strides = array<i32>} : memref<128xi32, #tpu.memory_space<vmem>>, vector<16xi32>,
          tpu.vector_store %arg15[%swap3A_608], %add3A_607 {strides = array<i32>} : memref<128xi32, #tpu.memory_space<vmem>>, vector<16xi32>,
          %add3A_610 = arith.constant 80 : i32
          %add3A_611 = arith.addi %add3A_54, %add3A_610 : i32
          %add3A_612 = vector.broadcast %add3A_611 : i32 to vector<16xi32>
          %add3A_613 = arith.addi %add3A_612, %iota3A : vector<16xi32>
          %swap3A_614 = arith.constant 80 : index
          %swap3A_615 = tpu.vector_load %arg15[%swap3A_614] {strides = array<i32>} : memref<128xi32, #tpu.memory_space<vmem>>, vector<16xi32>,
          tpu.vector_store %arg15[%swap3A_614], %add3A_613 {strides = array<i32>} : memref<128xi32, #tpu.memory_space<vmem>>, vector<16xi32>,
          %add3A_616 = arith.constant 96 : i32
          %add3A_617 = arith.addi %add3A_54, %add3A_616 : i32
          %add3A_618 = vector.broadcast %add3A_617 : i32 to vector<16xi32>
          %add3A_619 = arith.addi %add3A_618, %iota3A : vector<16xi32>
          %swap3A_620 = arith.constant 96 : index
          %swap3A_621 = tpu.vector_load %arg15[%swap3A_620] {strides = array<i32>} : memref<128xi32, #tpu.memory_space<vmem>>, vector<16xi32>,
          tpu.vector_store %arg15[%swap3A_620], %add3A_619 {strides = array<i32>} : memref<128xi32, #tpu.memory_space<vmem>>, vector<16xi32>,
          %add3A_622 = arith.constant 112 : i32
          %add3A_623 = arith.addi %add3A_54, %add3A_622 : i32
          %add3A_624 = vector.broadcast %add3A_623 : i32 to vector<16xi32>
          %add3A_625 = arith.addi %add3A_624, %iota3A : vector<16xi32>
          %swap3A_626 = arith.constant 112 : index
          %swap3A_627 = tpu.vector_load %arg15[%swap3A_626] {strides = array<i32>} : memref<128xi32, #tpu.memory_space<vmem>>, vector<16xi32>,
          tpu.vector_store %arg15[%swap3A_626], %add3A_625 {strides = array<i32>} : memref<128xi32, #tpu.memory_space<vmem>>, vector<16xi32>,
        } else {
        }
        %add3A_546 = arith.constant 16 : i32
        %add3A_547 = arith.addi %while3A_538, %add3A_546 : i32
        %gt3A_548 = arith.constant 128 : i32
        %gt3A_549 = arith.cmpi sgt, %add3A_547, %gt3A_548 : i32
        %jit3A_550 = arith.constant 0 : i32
        %select_n3A_551 = arith.select %gt3A_549, %jit3A_550, %while3A_538 : i32
        %mul3A_552 = arith.constant 16 : i32
        %mul3A_553 = arith.muli %while3A_537, %mul3A_552 : i32
        %get3A = arith.index_cast %mul3A_553 : i32 to index
        %get3A_554 = tpu.vector_load %arg11[%get3A] {strides = array<i32>} : memref<16416xi32, #tpu.memory_space<vmem>>, vector<16xi32>,
        %and3A_555 = arith.constant 1023 : i32
        %and3A_556 = vector.broadcast %and3A_555 : i32 to vector<16xi32>
        %and3A_557 = arith.andi %get3A_554, %and3A_556 : vector<16xi32>
        %shift_right_arithmetic3A = arith.constant 10 : i32
        %shift_right_arithmetic3A_558 = vector.broadcast %shift_right_arithmetic3A : i32 to vector<16xi32>
        %shift_right_arithmetic3A_559 = arith.shrsi %get3A_554, %shift_right_arithmetic3A_558 : vector<16xi32>
        %add3A_560 = vector.broadcast %select_n3A_551 : i32 to vector<16xi32>
        %add3A_561 = arith.addi %add3A_560, %iota3A : vector<16xi32>
        %scan3A_562 = arith.constant 0 : i32
        %scan3A_563 = arith.constant 0 : i32
        %scan3A_564 = arith.constant 8 : i32
        %scan3A_565 = arith.addi %scan3A_563, %scan3A_564 : i32
        %scan3A_566 = arith.constant 1 : i32
        scf.for %scan3A_572 = %scan3A_563 to %scan3A_565 step %scan3A_566  : i32 {
          %mul3A_573 = arith.constant 8 : i32
          %mul3A_574 = arith.muli %scan3A_572, %mul3A_573 : i32
          %add3A_575 = arith.constant 0 : i32
          %add3A_576 = arith.addi %mul3A_574, %add3A_575 : i32
          %broadcast_in_dim3A = arith.constant 1 : i32
          %broadcast_in_dim3A_577 = vector.broadcast %broadcast_in_dim3A : i32 to vector<16xi32>
          %mul3A_578 = vector.broadcast %add3A_576 : i32 to vector<16xi32>
          %mul3A_579 = arith.muli %broadcast_in_dim3A_577, %mul3A_578 : vector<16xi32>
          %gather3A = tpu.vector_load_idx %arg13[%mul3A_579, %and3A_557] : memref<64x512xf32, #tpu.memory_space<vmem>>[vector<16xi32>, vector<16xi32>], vector<16xf32>,
          tpu.vector_store_idx %arg14[%add3A_561, %mul3A_579], %gather3A : memref<128x128xf32, #tpu.memory_space<vmem>>[vector<16xi32>, vector<16xi32>], vector<16xf32>,
          %mul3A_580 = arith.constant 8 : i32
          %mul3A_581 = arith.muli %scan3A_572, %mul3A_580 : i32
          %add3A_582 = arith.constant 1 : i32
          %add3A_583 = arith.addi %mul3A_581, %add3A_582 : i32
          %broadcast_in_dim3A_584 = arith.constant 1 : i32
          %broadcast_in_dim3A_585 = vector.broadcast %broadcast_in_dim3A_584 : i32 to vector<16xi32>
          %mul3A_586 = vector.broadcast %add3A_583 : i32 to vector<16xi32>
          %mul3A_587 = arith.muli %broadcast_in_dim3A_585, %mul3A_586 : vector<16xi32>
          %gather3A_588 = tpu.vector_load_idx %arg13[%mul3A_587, %and3A_557] : memref<64x512xf32, #tpu.memory_space<vmem>>[vector<16xi32>, vector<16xi32>], vector<16xf32>,
          tpu.vector_store_idx %arg14[%add3A_561, %mul3A_587], %gather3A_588 : memref<128x128xf32, #tpu.memory_space<vmem>>[vector<16xi32>, vector<16xi32>], vector<16xf32>,
          %mul3A_589 = arith.constant 8 : i32
          %mul3A_590 = arith.muli %scan3A_572, %mul3A_589 : i32
          %add3A_591 = arith.constant 2 : i32
          %add3A_592 = arith.addi %mul3A_590, %add3A_591 : i32
          %broadcast_in_dim3A_593 = arith.constant 1 : i32
          %broadcast_in_dim3A_594 = vector.broadcast %broadcast_in_dim3A_593 : i32 to vector<16xi32>
          %mul3A_595 = vector.broadcast %add3A_592 : i32 to vector<16xi32>
          %mul3A_596 = arith.muli %broadcast_in_dim3A_594, %mul3A_595 : vector<16xi32>
          %gather3A_597 = tpu.vector_load_idx %arg13[%mul3A_596, %and3A_557] : memref<64x512xf32, #tpu.memory_space<vmem>>[vector<16xi32>, vector<16xi32>], vector<16xf32>,
          tpu.vector_store_idx %arg14[%add3A_561, %mul3A_596], %gather3A_597 : memref<128x128xf32, #tpu.memory_space<vmem>>[vector<16xi32>, vector<16xi32>], vector<16xf32>,
          %mul3A_598 = arith.constant 8 : i32
          %mul3A_599 = arith.muli %scan3A_572, %mul3A_598 : i32
          %add3A_600 = arith.constant 3 : i32
          %add3A_601 = arith.addi %mul3A_599, %add3A_600 : i32
          %broadcast_in_dim3A_602 = arith.constant 1 : i32
          %broadcast_in_dim3A_603 = vector.broadcast %broadcast_in_dim3A_602 : i32 to vector<16xi32>
          %mul3A_604 = vector.broadcast %add3A_601 : i32 to vector<16xi32>
          %mul3A_605 = arith.muli %broadcast_in_dim3A_603, %mul3A_604 : vector<16xi32>
          %gather3A_606 = tpu.vector_load_idx %arg13[%mul3A_605, %and3A_557] : memref<64x512xf32, #tpu.memory_space<vmem>>[vector<16xi32>, vector<16xi32>], vector<16xf32>,
          tpu.vector_store_idx %arg14[%add3A_561, %mul3A_605], %gather3A_606 : memref<128x128xf32, #tpu.memory_space<vmem>>[vector<16xi32>, vector<16xi32>], vector<16xf32>,
          %mul3A_607 = arith.constant 8 : i32
          %mul3A_608 = arith.muli %scan3A_572, %mul3A_607 : i32
          %add3A_609 = arith.constant 4 : i32
          %add3A_610 = arith.addi %mul3A_608, %add3A_609 : i32
          %broadcast_in_dim3A_611 = arith.constant 1 : i32
          %broadcast_in_dim3A_612 = vector.broadcast %broadcast_in_dim3A_611 : i32 to vector<16xi32>
          %mul3A_613 = vector.broadcast %add3A_610 : i32 to vector<16xi32>
          %mul3A_614 = arith.muli %broadcast_in_dim3A_612, %mul3A_613 : vector<16xi32>
          %gather3A_615 = tpu.vector_load_idx %arg13[%mul3A_614, %and3A_557] : memref<64x512xf32, #tpu.memory_space<vmem>>[vector<16xi32>, vector<16xi32>], vector<16xf32>,
          tpu.vector_store_idx %arg14[%add3A_561, %mul3A_614], %gather3A_615 : memref<128x128xf32, #tpu.memory_space<vmem>>[vector<16xi32>, vector<16xi32>], vector<16xf32>,
          %mul3A_616 = arith.constant 8 : i32
          %mul3A_617 = arith.muli %scan3A_572, %mul3A_616 : i32
          %add3A_618 = arith.constant 5 : i32
          %add3A_619 = arith.addi %mul3A_617, %add3A_618 : i32
          %broadcast_in_dim3A_620 = arith.constant 1 : i32
          %broadcast_in_dim3A_621 = vector.broadcast %broadcast_in_dim3A_620 : i32 to vector<16xi32>
          %mul3A_622 = vector.broadcast %add3A_619 : i32 to vector<16xi32>
          %mul3A_623 = arith.muli %broadcast_in_dim3A_621, %mul3A_622 : vector<16xi32>
          %gather3A_624 = tpu.vector_load_idx %arg13[%mul3A_623, %and3A_557] : memref<64x512xf32, #tpu.memory_space<vmem>>[vector<16xi32>, vector<16xi32>], vector<16xf32>,
          tpu.vector_store_idx %arg14[%add3A_561, %mul3A_623], %gather3A_624 : memref<128x128xf32, #tpu.memory_space<vmem>>[vector<16xi32>, vector<16xi32>], vector<16xf32>,
          %mul3A_625 = arith.constant 8 : i32
          %mul3A_626 = arith.muli %scan3A_572, %mul3A_625 : i32
          %add3A_627 = arith.constant 6 : i32
          %add3A_628 = arith.addi %mul3A_626, %add3A_627 : i32
          %broadcast_in_dim3A_629 = arith.constant 1 : i32
          %broadcast_in_dim3A_630 = vector.broadcast %broadcast_in_dim3A_629 : i32 to vector<16xi32>
          %mul3A_631 = vector.broadcast %add3A_628 : i32 to vector<16xi32>
          %mul3A_632 = arith.muli %broadcast_in_dim3A_630, %mul3A_631 : vector<16xi32>
          %gather3A_633 = tpu.vector_load_idx %arg13[%mul3A_632, %and3A_557] : memref<64x512xf32, #tpu.memory_space<vmem>>[vector<16xi32>, vector<16xi32>], vector<16xf32>,
          tpu.vector_store_idx %arg14[%add3A_561, %mul3A_632], %gather3A_633 : memref<128x128xf32, #tpu.memory_space<vmem>>[vector<16xi32>, vector<16xi32>], vector<16xf32>,
          %mul3A_634 = arith.constant 8 : i32
          %mul3A_635 = arith.muli %scan3A_572, %mul3A_634 : i32
          %add3A_636 = arith.constant 7 : i32
          %add3A_637 = arith.addi %mul3A_635, %add3A_636 : i32
          %broadcast_in_dim3A_638 = arith.constant 1 : i32
          %broadcast_in_dim3A_639 = vector.broadcast %broadcast_in_dim3A_638 : i32 to vector<16xi32>
          %mul3A_640 = vector.broadcast %add3A_637 : i32 to vector<16xi32>
          %mul3A_641 = arith.muli %broadcast_in_dim3A_639, %mul3A_640 : vector<16xi32>
          %gather3A_642 = tpu.vector_load_idx %arg13[%mul3A_641, %and3A_557] : memref<64x512xf32, #tpu.memory_space<vmem>>[vector<16xi32>, vector<16xi32>], vector<16xf32>,
          tpu.vector_store_idx %arg14[%add3A_561, %mul3A_641], %gather3A_642 : memref<128x128xf32, #tpu.memory_space<vmem>>[vector<16xi32>, vector<16xi32>], vector<16xf32>,
        }
        %scan3A_567 = arith.constant 8 : i32
        %swap3A_568 = arith.index_cast %select_n3A_551 : i32 to index
        %swap3A_569 = tpu.vector_load %arg15[%swap3A_568] {strides = array<i32>} : memref<128xi32, #tpu.memory_space<vmem>>, vector<16xi32>,
        tpu.vector_store %arg15[%swap3A_568], %shift_right_arithmetic3A_559 {strides = array<i32>} : memref<128xi32, #tpu.memory_space<vmem>>, vector<16xi32>,
        %add3A_570 = arith.constant 16 : i32
        %add3A_571 = arith.addi %select_n3A_551, %add3A_570 : i32
        scf.yield %add3A_571 : i32
      }
      %while3A_525 = arith.constant 1 : i32
      %while3A_526 = scf.for %while3A_537 = %while3A_522 to %while3A_518 step %while3A_525 iter_args(%while3A_538 = %while3A_524) -> (i32)  : i32 {
        %add3A_539 = arith.constant 16 : i32
        %add3A_540 = arith.addi %while3A_538, %add3A_539 : i32
        %gt3A_541 = arith.constant 128 : i32
        %gt3A_542 = arith.cmpi sgt, %add3A_540, %gt3A_541 : i32
        %convert_element_type3A_543 = arith.extui %gt3A_542 : i1 to i32
        %cond3A_544 = arith.constant 0 : i32
        %cond3A_545 = arith.cmpi ne, %convert_element_type3A_543, %cond3A_544 : i32
        scf.if %cond3A_545 {
          %dma_start3A = arith.constant 0 : i32
          %dma_start3A_572 = arith.constant 0 : i32
          %dma_start3A_573 = tpu.memref_slice %arg8[%dma_start3A, %dma_start3A_572] : memref<20480x128xf32, #tpu.memory_space<hbm>> -> memref<20480x128xf32, #tpu.memory_space<hbm>>
          tpu.enqueue_indirect_dma source(%arg14 : memref<128x128xf32, #tpu.memory_space<vmem>>) target(%dma_start3A_573 : memref<20480x128xf32, #tpu.memory_space<hbm>>) offsets(%arg15 : memref<128xi32, #tpu.memory_space<vmem>>) semaphore(%arg18 : memref<!tpu.dma_semaphore, #tpu.memory_space<semaphore_mem>>)
          %dma_wait3A_574 = arith.constant 0 : i32
          %dma_wait3A_575 = arith.constant 0 : i32
          %dma_wait3A_576 = tpu.memref_slice %arg8[%dma_wait3A_574, %dma_wait3A_575] : memref<20480x128xf32, #tpu.memory_space<hbm>> -> memref<128x128xf32, #tpu.memory_space<hbm>>
          %dma_wait3A_577 = arith.constant 0 : i32
          %dma_wait3A_578 = arith.constant 0 : i32
          %dma_wait3A_579 = tpu.memref_slice %arg8[%dma_wait3A_577, %dma_wait3A_578] : memref<20480x128xf32, #tpu.memory_space<hbm>> -> memref<128x128xf32, #tpu.memory_space<hbm>>
          tpu.wait_dma2 semaphore(%arg18 : memref<!tpu.dma_semaphore, #tpu.memory_space<semaphore_mem>>) src(%dma_wait3A_579 : memref<128x128xf32, #tpu.memory_space<hbm>>) dst(%arg14 : memref<128x128xf32, #tpu.memory_space<vmem>>)
          %add3A_580 = arith.constant 0 : i32
          %add3A_581 = arith.addi %add3A_54, %add3A_580 : i32
          %add3A_582 = vector.broadcast %add3A_581 : i32 to vector<16xi32>
          %add3A_583 = arith.addi %add3A_582, %iota3A : vector<16xi32>
          %swap3A_584 = arith.constant 0 : index
          %swap3A_585 = tpu.vector_load %arg15[%swap3A_584] {strides = array<i32>} : memref<128xi32, #tpu.memory_space<vmem>>, vector<16xi32>,
          tpu.vector_store %arg15[%swap3A_584], %add3A_583 {strides = array<i32>} : memref<128xi32, #tpu.memory_space<vmem>>, vector<16xi32>,
          %add3A_586 = arith.constant 16 : i32
          %add3A_587 = arith.addi %add3A_54, %add3A_586 : i32
          %add3A_588 = vector.broadcast %add3A_587 : i32 to vector<16xi32>
          %add3A_589 = arith.addi %add3A_588, %iota3A : vector<16xi32>
          %swap3A_590 = arith.constant 16 : index
          %swap3A_591 = tpu.vector_load %arg15[%swap3A_590] {strides = array<i32>} : memref<128xi32, #tpu.memory_space<vmem>>, vector<16xi32>,
          tpu.vector_store %arg15[%swap3A_590], %add3A_589 {strides = array<i32>} : memref<128xi32, #tpu.memory_space<vmem>>, vector<16xi32>,
          %add3A_592 = arith.constant 32 : i32
          %add3A_593 = arith.addi %add3A_54, %add3A_592 : i32
          %add3A_594 = vector.broadcast %add3A_593 : i32 to vector<16xi32>
          %add3A_595 = arith.addi %add3A_594, %iota3A : vector<16xi32>
          %swap3A_596 = arith.constant 32 : index
          %swap3A_597 = tpu.vector_load %arg15[%swap3A_596] {strides = array<i32>} : memref<128xi32, #tpu.memory_space<vmem>>, vector<16xi32>,
          tpu.vector_store %arg15[%swap3A_596], %add3A_595 {strides = array<i32>} : memref<128xi32, #tpu.memory_space<vmem>>, vector<16xi32>,
          %add3A_598 = arith.constant 48 : i32
          %add3A_599 = arith.addi %add3A_54, %add3A_598 : i32
          %add3A_600 = vector.broadcast %add3A_599 : i32 to vector<16xi32>
          %add3A_601 = arith.addi %add3A_600, %iota3A : vector<16xi32>
          %swap3A_602 = arith.constant 48 : index
          %swap3A_603 = tpu.vector_load %arg15[%swap3A_602] {strides = array<i32>} : memref<128xi32, #tpu.memory_space<vmem>>, vector<16xi32>,
          tpu.vector_store %arg15[%swap3A_602], %add3A_601 {strides = array<i32>} : memref<128xi32, #tpu.memory_space<vmem>>, vector<16xi32>,
          %add3A_604 = arith.constant 64 : i32
          %add3A_605 = arith.addi %add3A_54, %add3A_604 : i32
          %add3A_606 = vector.broadcast %add3A_605 : i32 to vector<16xi32>
          %add3A_607 = arith.addi %add3A_606, %iota3A : vector<16xi32>
          %swap3A_608 = arith.constant 64 : index
          %swap3A_609 = tpu.vector_load %arg15[%swap3A_608] {strides = array<i32>} : memref<128xi32, #tpu.memory_space<vmem>>, vector<16xi32>,
          tpu.vector_store %arg15[%swap3A_608], %add3A_607 {strides = array<i32>} : memref<128xi32, #tpu.memory_space<vmem>>, vector<16xi32>,
          %add3A_610 = arith.constant 80 : i32
          %add3A_611 = arith.addi %add3A_54, %add3A_610 : i32
          %add3A_612 = vector.broadcast %add3A_611 : i32 to vector<16xi32>
          %add3A_613 = arith.addi %add3A_612, %iota3A : vector<16xi32>
          %swap3A_614 = arith.constant 80 : index
          %swap3A_615 = tpu.vector_load %arg15[%swap3A_614] {strides = array<i32>} : memref<128xi32, #tpu.memory_space<vmem>>, vector<16xi32>,
          tpu.vector_store %arg15[%swap3A_614], %add3A_613 {strides = array<i32>} : memref<128xi32, #tpu.memory_space<vmem>>, vector<16xi32>,
          %add3A_616 = arith.constant 96 : i32
          %add3A_617 = arith.addi %add3A_54, %add3A_616 : i32
          %add3A_618 = vector.broadcast %add3A_617 : i32 to vector<16xi32>
          %add3A_619 = arith.addi %add3A_618, %iota3A : vector<16xi32>
          %swap3A_620 = arith.constant 96 : index
          %swap3A_621 = tpu.vector_load %arg15[%swap3A_620] {strides = array<i32>} : memref<128xi32, #tpu.memory_space<vmem>>, vector<16xi32>,
          tpu.vector_store %arg15[%swap3A_620], %add3A_619 {strides = array<i32>} : memref<128xi32, #tpu.memory_space<vmem>>, vector<16xi32>,
          %add3A_622 = arith.constant 112 : i32
          %add3A_623 = arith.addi %add3A_54, %add3A_622 : i32
          %add3A_624 = vector.broadcast %add3A_623 : i32 to vector<16xi32>
          %add3A_625 = arith.addi %add3A_624, %iota3A : vector<16xi32>
          %swap3A_626 = arith.constant 112 : index
          %swap3A_627 = tpu.vector_load %arg15[%swap3A_626] {strides = array<i32>} : memref<128xi32, #tpu.memory_space<vmem>>, vector<16xi32>,
          tpu.vector_store %arg15[%swap3A_626], %add3A_625 {strides = array<i32>} : memref<128xi32, #tpu.memory_space<vmem>>, vector<16xi32>,
        } else {
        }
        %add3A_546 = arith.constant 16 : i32
        %add3A_547 = arith.addi %while3A_538, %add3A_546 : i32
        %gt3A_548 = arith.constant 128 : i32
        %gt3A_549 = arith.cmpi sgt, %add3A_547, %gt3A_548 : i32
        %jit3A_550 = arith.constant 0 : i32
        %select_n3A_551 = arith.select %gt3A_549, %jit3A_550, %while3A_538 : i32
        %mul3A_552 = arith.constant 16 : i32
        %mul3A_553 = arith.muli %while3A_537, %mul3A_552 : i32
        %get3A = arith.index_cast %mul3A_553 : i32 to index
        %get3A_554 = tpu.vector_load %arg11[%get3A] {strides = array<i32>} : memref<16416xi32, #tpu.memory_space<vmem>>, vector<16xi32>,
        %and3A_555 = arith.constant 1023 : i32
        %and3A_556 = vector.broadcast %and3A_555 : i32 to vector<16xi32>
        %and3A_557 = arith.andi %get3A_554, %and3A_556 : vector<16xi32>
        %shift_right_arithmetic3A = arith.constant 10 : i32
        %shift_right_arithmetic3A_558 = vector.broadcast %shift_right_arithmetic3A : i32 to vector<16xi32>
        %shift_right_arithmetic3A_559 = arith.shrsi %get3A_554, %shift_right_arithmetic3A_558 : vector<16xi32>
        %add3A_560 = vector.broadcast %select_n3A_551 : i32 to vector<16xi32>
        %add3A_561 = arith.addi %add3A_560, %iota3A : vector<16xi32>
        %scan3A_562 = arith.constant 0 : i32
        %scan3A_563 = arith.constant 0 : i32
        %scan3A_564 = arith.constant 8 : i32
        %scan3A_565 = arith.addi %scan3A_563, %scan3A_564 : i32
        %scan3A_566 = arith.constant 1 : i32
        scf.for %scan3A_572 = %scan3A_563 to %scan3A_565 step %scan3A_566  : i32 {
          %mul3A_573 = arith.constant 8 : i32
          %mul3A_574 = arith.muli %scan3A_572, %mul3A_573 : i32
          %add3A_575 = arith.constant 0 : i32
          %add3A_576 = arith.addi %mul3A_574, %add3A_575 : i32
          %broadcast_in_dim3A = arith.constant 1 : i32
          %broadcast_in_dim3A_577 = vector.broadcast %broadcast_in_dim3A : i32 to vector<16xi32>
          %mul3A_578 = vector.broadcast %add3A_576 : i32 to vector<16xi32>
          %mul3A_579 = arith.muli %broadcast_in_dim3A_577, %mul3A_578 : vector<16xi32>
          %gather3A = tpu.vector_load_idx %arg13[%mul3A_579, %and3A_557] : memref<64x512xf32, #tpu.memory_space<vmem>>[vector<16xi32>, vector<16xi32>], vector<16xf32>,
          tpu.vector_store_idx %arg14[%add3A_561, %mul3A_579], %gather3A : memref<128x128xf32, #tpu.memory_space<vmem>>[vector<16xi32>, vector<16xi32>], vector<16xf32>,
          %mul3A_580 = arith.constant 8 : i32
          %mul3A_581 = arith.muli %scan3A_572, %mul3A_580 : i32
          %add3A_582 = arith.constant 1 : i32
          %add3A_583 = arith.addi %mul3A_581, %add3A_582 : i32
          %broadcast_in_dim3A_584 = arith.constant 1 : i32
          %broadcast_in_dim3A_585 = vector.broadcast %broadcast_in_dim3A_584 : i32 to vector<16xi32>
          %mul3A_586 = vector.broadcast %add3A_583 : i32 to vector<16xi32>
          %mul3A_587 = arith.muli %broadcast_in_dim3A_585, %mul3A_586 : vector<16xi32>
          %gather3A_588 = tpu.vector_load_idx %arg13[%mul3A_587, %and3A_557] : memref<64x512xf32, #tpu.memory_space<vmem>>[vector<16xi32>, vector<16xi32>], vector<16xf32>,
          tpu.vector_store_idx %arg14[%add3A_561, %mul3A_587], %gather3A_588 : memref<128x128xf32, #tpu.memory_space<vmem>>[vector<16xi32>, vector<16xi32>], vector<16xf32>,
          %mul3A_589 = arith.constant 8 : i32
          %mul3A_590 = arith.muli %scan3A_572, %mul3A_589 : i32
          %add3A_591 = arith.constant 2 : i32
          %add3A_592 = arith.addi %mul3A_590, %add3A_591 : i32
          %broadcast_in_dim3A_593 = arith.constant 1 : i32
          %broadcast_in_dim3A_594 = vector.broadcast %broadcast_in_dim3A_593 : i32 to vector<16xi32>
          %mul3A_595 = vector.broadcast %add3A_592 : i32 to vector<16xi32>
          %mul3A_596 = arith.muli %broadcast_in_dim3A_594, %mul3A_595 : vector<16xi32>
          %gather3A_597 = tpu.vector_load_idx %arg13[%mul3A_596, %and3A_557] : memref<64x512xf32, #tpu.memory_space<vmem>>[vector<16xi32>, vector<16xi32>], vector<16xf32>,
          tpu.vector_store_idx %arg14[%add3A_561, %mul3A_596], %gather3A_597 : memref<128x128xf32, #tpu.memory_space<vmem>>[vector<16xi32>, vector<16xi32>], vector<16xf32>,
          %mul3A_598 = arith.constant 8 : i32
          %mul3A_599 = arith.muli %scan3A_572, %mul3A_598 : i32
          %add3A_600 = arith.constant 3 : i32
          %add3A_601 = arith.addi %mul3A_599, %add3A_600 : i32
          %broadcast_in_dim3A_602 = arith.constant 1 : i32
          %broadcast_in_dim3A_603 = vector.broadcast %broadcast_in_dim3A_602 : i32 to vector<16xi32>
          %mul3A_604 = vector.broadcast %add3A_601 : i32 to vector<16xi32>
          %mul3A_605 = arith.muli %broadcast_in_dim3A_603, %mul3A_604 : vector<16xi32>
          %gather3A_606 = tpu.vector_load_idx %arg13[%mul3A_605, %and3A_557] : memref<64x512xf32, #tpu.memory_space<vmem>>[vector<16xi32>, vector<16xi32>], vector<16xf32>,
          tpu.vector_store_idx %arg14[%add3A_561, %mul3A_605], %gather3A_606 : memref<128x128xf32, #tpu.memory_space<vmem>>[vector<16xi32>, vector<16xi32>], vector<16xf32>,
          %mul3A_607 = arith.constant 8 : i32
          %mul3A_608 = arith.muli %scan3A_572, %mul3A_607 : i32
          %add3A_609 = arith.constant 4 : i32
          %add3A_610 = arith.addi %mul3A_608, %add3A_609 : i32
          %broadcast_in_dim3A_611 = arith.constant 1 : i32
          %broadcast_in_dim3A_612 = vector.broadcast %broadcast_in_dim3A_611 : i32 to vector<16xi32>
          %mul3A_613 = vector.broadcast %add3A_610 : i32 to vector<16xi32>
          %mul3A_614 = arith.muli %broadcast_in_dim3A_612, %mul3A_613 : vector<16xi32>
          %gather3A_615 = tpu.vector_load_idx %arg13[%mul3A_614, %and3A_557] : memref<64x512xf32, #tpu.memory_space<vmem>>[vector<16xi32>, vector<16xi32>], vector<16xf32>,
          tpu.vector_store_idx %arg14[%add3A_561, %mul3A_614], %gather3A_615 : memref<128x128xf32, #tpu.memory_space<vmem>>[vector<16xi32>, vector<16xi32>], vector<16xf32>,
          %mul3A_616 = arith.constant 8 : i32
          %mul3A_617 = arith.muli %scan3A_572, %mul3A_616 : i32
          %add3A_618 = arith.constant 5 : i32
          %add3A_619 = arith.addi %mul3A_617, %add3A_618 : i32
          %broadcast_in_dim3A_620 = arith.constant 1 : i32
          %broadcast_in_dim3A_621 = vector.broadcast %broadcast_in_dim3A_620 : i32 to vector<16xi32>
          %mul3A_622 = vector.broadcast %add3A_619 : i32 to vector<16xi32>
          %mul3A_623 = arith.muli %broadcast_in_dim3A_621, %mul3A_622 : vector<16xi32>
          %gather3A_624 = tpu.vector_load_idx %arg13[%mul3A_623, %and3A_557] : memref<64x512xf32, #tpu.memory_space<vmem>>[vector<16xi32>, vector<16xi32>], vector<16xf32>,
          tpu.vector_store_idx %arg14[%add3A_561, %mul3A_623], %gather3A_624 : memref<128x128xf32, #tpu.memory_space<vmem>>[vector<16xi32>, vector<16xi32>], vector<16xf32>,
          %mul3A_625 = arith.constant 8 : i32
          %mul3A_626 = arith.muli %scan3A_572, %mul3A_625 : i32
          %add3A_627 = arith.constant 6 : i32
          %add3A_628 = arith.addi %mul3A_626, %add3A_627 : i32
          %broadcast_in_dim3A_629 = arith.constant 1 : i32
          %broadcast_in_dim3A_630 = vector.broadcast %broadcast_in_dim3A_629 : i32 to vector<16xi32>
          %mul3A_631 = vector.broadcast %add3A_628 : i32 to vector<16xi32>
          %mul3A_632 = arith.muli %broadcast_in_dim3A_630, %mul3A_631 : vector<16xi32>
          %gather3A_633 = tpu.vector_load_idx %arg13[%mul3A_632, %and3A_557] : memref<64x512xf32, #tpu.memory_space<vmem>>[vector<16xi32>, vector<16xi32>], vector<16xf32>,
          tpu.vector_store_idx %arg14[%add3A_561, %mul3A_632], %gather3A_633 : memref<128x128xf32, #tpu.memory_space<vmem>>[vector<16xi32>, vector<16xi32>], vector<16xf32>,
          %mul3A_634 = arith.constant 8 : i32
          %mul3A_635 = arith.muli %scan3A_572, %mul3A_634 : i32
          %add3A_636 = arith.constant 7 : i32
          %add3A_637 = arith.addi %mul3A_635, %add3A_636 : i32
          %broadcast_in_dim3A_638 = arith.constant 1 : i32
          %broadcast_in_dim3A_639 = vector.broadcast %broadcast_in_dim3A_638 : i32 to vector<16xi32>
          %mul3A_640 = vector.broadcast %add3A_637 : i32 to vector<16xi32>
          %mul3A_641 = arith.muli %broadcast_in_dim3A_639, %mul3A_640 : vector<16xi32>
          %gather3A_642 = tpu.vector_load_idx %arg13[%mul3A_641, %and3A_557] : memref<64x512xf32, #tpu.memory_space<vmem>>[vector<16xi32>, vector<16xi32>], vector<16xf32>,
          tpu.vector_store_idx %arg14[%add3A_561, %mul3A_641], %gather3A_642 : memref<128x128xf32, #tpu.memory_space<vmem>>[vector<16xi32>, vector<16xi32>], vector<16xf32>,
        }
        %scan3A_567 = arith.constant 8 : i32
        %swap3A_568 = arith.index_cast %select_n3A_551 : i32 to index
        %swap3A_569 = tpu.vector_load %arg15[%swap3A_568] {strides = array<i32>} : memref<128xi32, #tpu.memory_space<vmem>>, vector<16xi32>,
        tpu.vector_store %arg15[%swap3A_568], %shift_right_arithmetic3A_559 {strides = array<i32>} : memref<128xi32, #tpu.memory_space<vmem>>, vector<16xi32>,
        %add3A_570 = arith.constant 16 : i32
        %add3A_571 = arith.addi %select_n3A_551, %add3A_570 : i32
        scf.yield %add3A_571 : i32
      }
      %gt3A_527 = arith.constant 112 : i32
      %gt3A_528 = arith.cmpi sgt, %while3A_526, %gt3A_527 : i32
      %convert_element_type3A_529 = arith.extui %gt3A_528 : i1 to i32
      %cond3A_530 = arith.constant 0 : i32
      %cond3A_531 = arith.cmpi ne, %convert_element_type3A_529, %cond3A_530 : i32
      scf.if %cond3A_531 {
        %dma_start3A = arith.constant 0 : i32
        %dma_start3A_537 = arith.constant 0 : i32
        %dma_start3A_538 = tpu.memref_slice %arg8[%dma_start3A, %dma_start3A_537] : memref<20480x128xf32, #tpu.memory_space<hbm>> -> memref<20480x128xf32, #tpu.memory_space<hbm>>
        tpu.enqueue_indirect_dma source(%arg14 : memref<128x128xf32, #tpu.memory_space<vmem>>) target(%dma_start3A_538 : memref<20480x128xf32, #tpu.memory_space<hbm>>) offsets(%arg15 : memref<128xi32, #tpu.memory_space<vmem>>) semaphore(%arg18 : memref<!tpu.dma_semaphore, #tpu.memory_space<semaphore_mem>>)
      } else {
      }
      %jit3A_532 = arith.constant 0 : i32
      %select_n3A_533 = arith.select %gt3A_528, %jit3A_532, %while3A_526 : i32
      %jit3A_534 = arith.constant 1 : i32
      %jit3A_535 = arith.constant 0 : i32
      %select_n3A_536 = arith.select %gt3A_528, %jit3A_534, %jit3A_535 : i32
      scf.yield %select_n3A_533, %select_n3A_536 : i32, i32
    }
    %scan3A_160 = arith.constant 31 : i32
    %dma_wait3A = arith.constant 0 : i32
    %dma_wait3A_161 = arith.constant 0 : i32
    %dma_wait3A_162 = tpu.memref_slice %arg4[%dma_wait3A, %dma_wait3A_161] : memref<64x1000000xf32, #tpu.memory_space<hbm>> -> memref<64x512xf32, #tpu.memory_space<hbm>>
    %dma_wait3A_163 = arith.constant 0 : i32
    %dma_wait3A_164 = arith.constant 0 : i32
    %dma_wait3A_165 = tpu.memref_slice %arg4[%dma_wait3A_163, %dma_wait3A_164] : memref<64x1000000xf32, #tpu.memory_space<hbm>> -> memref<64x512xf32, #tpu.memory_space<hbm>>
    tpu.wait_dma2 semaphore(%arg16 : memref<!tpu.dma_semaphore, #tpu.memory_space<semaphore_mem>>) src(%dma_wait3A_165 : memref<64x512xf32, #tpu.memory_space<hbm>>) dst(%arg12 : memref<64x512xf32, #tpu.memory_space<vmem>>)
    %gt3A_166 = arith.constant 0 : i32
    %gt3A_167 = arith.cmpi sgt, %scan3A_159#1, %gt3A_166 : i32
    %convert_element_type3A_168 = arith.extui %gt3A_167 : i1 to i32
    %cond3A_169 = arith.constant 0 : i32
    %cond3A_170 = arith.cmpi ne, %convert_element_type3A_168, %cond3A_169 : i32
    scf.if %cond3A_170 {
      %dma_wait3A_307 = arith.constant 0 : i32
      %dma_wait3A_308 = arith.constant 0 : i32
      %dma_wait3A_309 = tpu.memref_slice %arg8[%dma_wait3A_307, %dma_wait3A_308] : memref<20480x128xf32, #tpu.memory_space<hbm>> -> memref<128x128xf32, #tpu.memory_space<hbm>>
      %dma_wait3A_310 = arith.constant 0 : i32
      %dma_wait3A_311 = arith.constant 0 : i32
      %dma_wait3A_312 = tpu.memref_slice %arg8[%dma_wait3A_310, %dma_wait3A_311] : memref<20480x128xf32, #tpu.memory_space<hbm>> -> memref<128x128xf32, #tpu.memory_space<hbm>>
      tpu.wait_dma2 semaphore(%arg18 : memref<!tpu.dma_semaphore, #tpu.memory_space<semaphore_mem>>) src(%dma_wait3A_312 : memref<128x128xf32, #tpu.memory_space<hbm>>) dst(%arg14 : memref<128x128xf32, #tpu.memory_space<vmem>>)
      %add3A_313 = arith.constant 0 : i32
      %add3A_314 = arith.addi %add3A_54, %add3A_313 : i32
      %add3A_315 = vector.broadcast %add3A_314 : i32 to vector<16xi32>
      %add3A_316 = arith.addi %add3A_315, %iota3A : vector<16xi32>
      %swap3A_317 = arith.constant 0 : index
      %swap3A_318 = tpu.vector_load %arg15[%swap3A_317] {strides = array<i32>} : memref<128xi32, #tpu.memory_space<vmem>>, vector<16xi32>,
      tpu.vector_store %arg15[%swap3A_317], %add3A_316 {strides = array<i32>} : memref<128xi32, #tpu.memory_space<vmem>>, vector<16xi32>,
      %add3A_319 = arith.constant 16 : i32
      %add3A_320 = arith.addi %add3A_54, %add3A_319 : i32
      %add3A_321 = vector.broadcast %add3A_320 : i32 to vector<16xi32>
      %add3A_322 = arith.addi %add3A_321, %iota3A : vector<16xi32>
      %swap3A_323 = arith.constant 16 : index
      %swap3A_324 = tpu.vector_load %arg15[%swap3A_323] {strides = array<i32>} : memref<128xi32, #tpu.memory_space<vmem>>, vector<16xi32>,
      tpu.vector_store %arg15[%swap3A_323], %add3A_322 {strides = array<i32>} : memref<128xi32, #tpu.memory_space<vmem>>, vector<16xi32>,
      %add3A_325 = arith.constant 32 : i32
      %add3A_326 = arith.addi %add3A_54, %add3A_325 : i32
      %add3A_327 = vector.broadcast %add3A_326 : i32 to vector<16xi32>
      %add3A_328 = arith.addi %add3A_327, %iota3A : vector<16xi32>
      %swap3A_329 = arith.constant 32 : index
      %swap3A_330 = tpu.vector_load %arg15[%swap3A_329] {strides = array<i32>} : memref<128xi32, #tpu.memory_space<vmem>>, vector<16xi32>,
      tpu.vector_store %arg15[%swap3A_329], %add3A_328 {strides = array<i32>} : memref<128xi32, #tpu.memory_space<vmem>>, vector<16xi32>,
      %add3A_331 = arith.constant 48 : i32
      %add3A_332 = arith.addi %add3A_54, %add3A_331 : i32
      %add3A_333 = vector.broadcast %add3A_332 : i32 to vector<16xi32>
      %add3A_334 = arith.addi %add3A_333, %iota3A : vector<16xi32>
      %swap3A_335 = arith.constant 48 : index
      %swap3A_336 = tpu.vector_load %arg15[%swap3A_335] {strides = array<i32>} : memref<128xi32, #tpu.memory_space<vmem>>, vector<16xi32>,
      tpu.vector_store %arg15[%swap3A_335], %add3A_334 {strides = array<i32>} : memref<128xi32, #tpu.memory_space<vmem>>, vector<16xi32>,
      %add3A_337 = arith.constant 64 : i32
      %add3A_338 = arith.addi %add3A_54, %add3A_337 : i32
      %add3A_339 = vector.broadcast %add3A_338 : i32 to vector<16xi32>
      %add3A_340 = arith.addi %add3A_339, %iota3A : vector<16xi32>
      %swap3A_341 = arith.constant 64 : index
      %swap3A_342 = tpu.vector_load %arg15[%swap3A_341] {strides = array<i32>} : memref<128xi32, #tpu.memory_space<vmem>>, vector<16xi32>,
      tpu.vector_store %arg15[%swap3A_341], %add3A_340 {strides = array<i32>} : memref<128xi32, #tpu.memory_space<vmem>>, vector<16xi32>,
      %add3A_343 = arith.constant 80 : i32
      %add3A_344 = arith.addi %add3A_54, %add3A_343 : i32
      %add3A_345 = vector.broadcast %add3A_344 : i32 to vector<16xi32>
      %add3A_346 = arith.addi %add3A_345, %iota3A : vector<16xi32>
      %swap3A_347 = arith.constant 80 : index
      %swap3A_348 = tpu.vector_load %arg15[%swap3A_347] {strides = array<i32>} : memref<128xi32, #tpu.memory_space<vmem>>, vector<16xi32>,
      tpu.vector_store %arg15[%swap3A_347], %add3A_346 {strides = array<i32>} : memref<128xi32, #tpu.memory_space<vmem>>, vector<16xi32>,
      %add3A_349 = arith.constant 96 : i32
      %add3A_350 = arith.addi %add3A_54, %add3A_349 : i32
      %add3A_351 = vector.broadcast %add3A_350 : i32 to vector<16xi32>
      %add3A_352 = arith.addi %add3A_351, %iota3A : vector<16xi32>
      %swap3A_353 = arith.constant 96 : index
      %swap3A_354 = tpu.vector_load %arg15[%swap3A_353] {strides = array<i32>} : memref<128xi32, #tpu.memory_space<vmem>>, vector<16xi32>,
      tpu.vector_store %arg15[%swap3A_353], %add3A_352 {strides = array<i32>} : memref<128xi32, #tpu.memory_space<vmem>>, vector<16xi32>,
      %add3A_355 = arith.constant 112 : i32
      %add3A_356 = arith.addi %add3A_54, %add3A_355 : i32
      %add3A_357 = vector.broadcast %add3A_356 : i32 to vector<16xi32>
      %add3A_358 = arith.addi %add3A_357, %iota3A : vector<16xi32>
      %swap3A_359 = arith.constant 112 : index
      %swap3A_360 = tpu.vector_load %arg15[%swap3A_359] {strides = array<i32>} : memref<128xi32, #tpu.memory_space<vmem>>, vector<16xi32>,
      tpu.vector_store %arg15[%swap3A_359], %add3A_358 {strides = array<i32>} : memref<128xi32, #tpu.memory_space<vmem>>, vector<16xi32>,
    } else {
    }
    %gt3A_171 = arith.constant 0 : i32
    %gt3A_172 = arith.cmpi sgt, %scan3A_159#0, %gt3A_171 : i32
    %convert_element_type3A_173 = arith.extui %gt3A_172 : i1 to i32
    %cond3A_174 = arith.constant 0 : i32
    %cond3A_175 = arith.cmpi ne, %convert_element_type3A_173, %cond3A_174 : i32
    scf.if %cond3A_175 {
      %dma_start3A = arith.constant 0 : i32
      %dma_start3A_307 = arith.constant 0 : i32
      %dma_start3A_308 = tpu.memref_slice %arg8[%dma_start3A, %dma_start3A_307] : memref<20480x128xf32, #tpu.memory_space<hbm>> -> memref<20480x128xf32, #tpu.memory_space<hbm>>
      tpu.enqueue_indirect_dma source(%arg14 : memref<128x128xf32, #tpu.memory_space<vmem>>) target(%dma_start3A_308 : memref<20480x128xf32, #tpu.memory_space<hbm>>) offsets(%arg15 : memref<128xi32, #tpu.memory_space<vmem>>) semaphore(%arg18 : memref<!tpu.dma_semaphore, #tpu.memory_space<semaphore_mem>>)
      %dma_wait3A_309 = arith.constant 0 : i32
      %dma_wait3A_310 = arith.constant 0 : i32
      %dma_wait3A_311 = tpu.memref_slice %arg8[%dma_wait3A_309, %dma_wait3A_310] : memref<20480x128xf32, #tpu.memory_space<hbm>> -> memref<128x128xf32, #tpu.memory_space<hbm>>
      %dma_wait3A_312 = arith.constant 0 : i32
      %dma_wait3A_313 = arith.constant 0 : i32
      %dma_wait3A_314 = tpu.memref_slice %arg8[%dma_wait3A_312, %dma_wait3A_313] : memref<20480x128xf32, #tpu.memory_space<hbm>> -> memref<128x128xf32, #tpu.memory_space<hbm>>
      tpu.wait_dma2 semaphore(%arg18 : memref<!tpu.dma_semaphore, #tpu.memory_space<semaphore_mem>>) src(%dma_wait3A_314 : memref<128x128xf32, #tpu.memory_space<hbm>>) dst(%arg14 : memref<128x128xf32, #tpu.memory_space<vmem>>)
      %add3A_315 = arith.constant 0 : i32
      %add3A_316 = arith.addi %add3A_54, %add3A_315 : i32
      %add3A_317 = vector.broadcast %add3A_316 : i32 to vector<16xi32>
      %add3A_318 = arith.addi %add3A_317, %iota3A : vector<16xi32>
      %swap3A_319 = arith.constant 0 : index
      %swap3A_320 = tpu.vector_load %arg15[%swap3A_319] {strides = array<i32>} : memref<128xi32, #tpu.memory_space<vmem>>, vector<16xi32>,
      tpu.vector_store %arg15[%swap3A_319], %add3A_318 {strides = array<i32>} : memref<128xi32, #tpu.memory_space<vmem>>, vector<16xi32>,
      %add3A_321 = arith.constant 16 : i32
      %add3A_322 = arith.addi %add3A_54, %add3A_321 : i32
      %add3A_323 = vector.broadcast %add3A_322 : i32 to vector<16xi32>
      %add3A_324 = arith.addi %add3A_323, %iota3A : vector<16xi32>
      %swap3A_325 = arith.constant 16 : index
      %swap3A_326 = tpu.vector_load %arg15[%swap3A_325] {strides = array<i32>} : memref<128xi32, #tpu.memory_space<vmem>>, vector<16xi32>,
      tpu.vector_store %arg15[%swap3A_325], %add3A_324 {strides = array<i32>} : memref<128xi32, #tpu.memory_space<vmem>>, vector<16xi32>,
      %add3A_327 = arith.constant 32 : i32
      %add3A_328 = arith.addi %add3A_54, %add3A_327 : i32
      %add3A_329 = vector.broadcast %add3A_328 : i32 to vector<16xi32>
      %add3A_330 = arith.addi %add3A_329, %iota3A : vector<16xi32>
      %swap3A_331 = arith.constant 32 : index
      %swap3A_332 = tpu.vector_load %arg15[%swap3A_331] {strides = array<i32>} : memref<128xi32, #tpu.memory_space<vmem>>, vector<16xi32>,
      tpu.vector_store %arg15[%swap3A_331], %add3A_330 {strides = array<i32>} : memref<128xi32, #tpu.memory_space<vmem>>, vector<16xi32>,
      %add3A_333 = arith.constant 48 : i32
      %add3A_334 = arith.addi %add3A_54, %add3A_333 : i32
      %add3A_335 = vector.broadcast %add3A_334 : i32 to vector<16xi32>
      %add3A_336 = arith.addi %add3A_335, %iota3A : vector<16xi32>
      %swap3A_337 = arith.constant 48 : index
      %swap3A_338 = tpu.vector_load %arg15[%swap3A_337] {strides = array<i32>} : memref<128xi32, #tpu.memory_space<vmem>>, vector<16xi32>,
      tpu.vector_store %arg15[%swap3A_337], %add3A_336 {strides = array<i32>} : memref<128xi32, #tpu.memory_space<vmem>>, vector<16xi32>,
      %add3A_339 = arith.constant 64 : i32
      %add3A_340 = arith.addi %add3A_54, %add3A_339 : i32
      %add3A_341 = vector.broadcast %add3A_340 : i32 to vector<16xi32>
      %add3A_342 = arith.addi %add3A_341, %iota3A : vector<16xi32>
      %swap3A_343 = arith.constant 64 : index
      %swap3A_344 = tpu.vector_load %arg15[%swap3A_343] {strides = array<i32>} : memref<128xi32, #tpu.memory_space<vmem>>, vector<16xi32>,
      tpu.vector_store %arg15[%swap3A_343], %add3A_342 {strides = array<i32>} : memref<128xi32, #tpu.memory_space<vmem>>, vector<16xi32>,
      %add3A_345 = arith.constant 80 : i32
      %add3A_346 = arith.addi %add3A_54, %add3A_345 : i32
      %add3A_347 = vector.broadcast %add3A_346 : i32 to vector<16xi32>
      %add3A_348 = arith.addi %add3A_347, %iota3A : vector<16xi32>
      %swap3A_349 = arith.constant 80 : index
      %swap3A_350 = tpu.vector_load %arg15[%swap3A_349] {strides = array<i32>} : memref<128xi32, #tpu.memory_space<vmem>>, vector<16xi32>,
      tpu.vector_store %arg15[%swap3A_349], %add3A_348 {strides = array<i32>} : memref<128xi32, #tpu.memory_space<vmem>>, vector<16xi32>,
      %add3A_351 = arith.constant 96 : i32
      %add3A_352 = arith.addi %add3A_54, %add3A_351 : i32
      %add3A_353 = vector.broadcast %add3A_352 : i32 to vector<16xi32>
      %add3A_354 = arith.addi %add3A_353, %iota3A : vector<16xi32>
      %swap3A_355 = arith.constant 96 : index
      %swap3A_356 = tpu.vector_load %arg15[%swap3A_355] {strides = array<i32>} : memref<128xi32, #tpu.memory_space<vmem>>, vector<16xi32>,
      tpu.vector_store %arg15[%swap3A_355], %add3A_354 {strides = array<i32>} : memref<128xi32, #tpu.memory_space<vmem>>, vector<16xi32>,
      %add3A_357 = arith.constant 112 : i32
      %add3A_358 = arith.addi %add3A_54, %add3A_357 : i32
      %add3A_359 = vector.broadcast %add3A_358 : i32 to vector<16xi32>
      %add3A_360 = arith.addi %add3A_359, %iota3A : vector<16xi32>
      %swap3A_361 = arith.constant 112 : index
      %swap3A_362 = tpu.vector_load %arg15[%swap3A_361] {strides = array<i32>} : memref<128xi32, #tpu.memory_space<vmem>>, vector<16xi32>,
      tpu.vector_store %arg15[%swap3A_361], %add3A_360 {strides = array<i32>} : memref<128xi32, #tpu.memory_space<vmem>>, vector<16xi32>,
    } else {
    }
    %iota3A_176 = tpu.iota {dimensions = array<i32: 0>} : vector<16xi32>
    %add3A_177 = arith.constant 0 : i32
    %add3A_178 = arith.addi %add3A_54, %add3A_177 : i32
    %add3A_179 = vector.broadcast %add3A_178 : i32 to vector<16xi32>
    %add3A_180 = arith.addi %add3A_179, %iota3A_176 : vector<16xi32>
    %swap3A_181 = arith.constant 0 : index
    %swap3A_182 = tpu.vector_load %arg15[%swap3A_181] {strides = array<i32>} : memref<128xi32, #tpu.memory_space<vmem>>, vector<16xi32>,
    tpu.vector_store %arg15[%swap3A_181], %add3A_180 {strides = array<i32>} : memref<128xi32, #tpu.memory_space<vmem>>, vector<16xi32>,
    %add3A_183 = arith.constant 16 : i32
    %add3A_184 = arith.addi %add3A_54, %add3A_183 : i32
    %add3A_185 = vector.broadcast %add3A_184 : i32 to vector<16xi32>
    %add3A_186 = arith.addi %add3A_185, %iota3A_176 : vector<16xi32>
    %swap3A_187 = arith.constant 16 : index
    %swap3A_188 = tpu.vector_load %arg15[%swap3A_187] {strides = array<i32>} : memref<128xi32, #tpu.memory_space<vmem>>, vector<16xi32>,
    tpu.vector_store %arg15[%swap3A_187], %add3A_186 {strides = array<i32>} : memref<128xi32, #tpu.memory_space<vmem>>, vector<16xi32>,
    %add3A_189 = arith.constant 32 : i32
    %add3A_190 = arith.addi %add3A_54, %add3A_189 : i32
    %add3A_191 = vector.broadcast %add3A_190 : i32 to vector<16xi32>
    %add3A_192 = arith.addi %add3A_191, %iota3A_176 : vector<16xi32>
    %swap3A_193 = arith.constant 32 : index
    %swap3A_194 = tpu.vector_load %arg15[%swap3A_193] {strides = array<i32>} : memref<128xi32, #tpu.memory_space<vmem>>, vector<16xi32>,
    tpu.vector_store %arg15[%swap3A_193], %add3A_192 {strides = array<i32>} : memref<128xi32, #tpu.memory_space<vmem>>, vector<16xi32>,
    %add3A_195 = arith.constant 48 : i32
    %add3A_196 = arith.addi %add3A_54, %add3A_195 : i32
    %add3A_197 = vector.broadcast %add3A_196 : i32 to vector<16xi32>
    %add3A_198 = arith.addi %add3A_197, %iota3A_176 : vector<16xi32>
    %swap3A_199 = arith.constant 48 : index
    %swap3A_200 = tpu.vector_load %arg15[%swap3A_199] {strides = array<i32>} : memref<128xi32, #tpu.memory_space<vmem>>, vector<16xi32>,
    tpu.vector_store %arg15[%swap3A_199], %add3A_198 {strides = array<i32>} : memref<128xi32, #tpu.memory_space<vmem>>, vector<16xi32>,
    %add3A_201 = arith.constant 64 : i32
    %add3A_202 = arith.addi %add3A_54, %add3A_201 : i32
    %add3A_203 = vector.broadcast %add3A_202 : i32 to vector<16xi32>
    %add3A_204 = arith.addi %add3A_203, %iota3A_176 : vector<16xi32>
    %swap3A_205 = arith.constant 64 : index
    %swap3A_206 = tpu.vector_load %arg15[%swap3A_205] {strides = array<i32>} : memref<128xi32, #tpu.memory_space<vmem>>, vector<16xi32>,
    tpu.vector_store %arg15[%swap3A_205], %add3A_204 {strides = array<i32>} : memref<128xi32, #tpu.memory_space<vmem>>, vector<16xi32>,
    %add3A_207 = arith.constant 80 : i32
    %add3A_208 = arith.addi %add3A_54, %add3A_207 : i32
    %add3A_209 = vector.broadcast %add3A_208 : i32 to vector<16xi32>
    %add3A_210 = arith.addi %add3A_209, %iota3A_176 : vector<16xi32>
    %swap3A_211 = arith.constant 80 : index
    %swap3A_212 = tpu.vector_load %arg15[%swap3A_211] {strides = array<i32>} : memref<128xi32, #tpu.memory_space<vmem>>, vector<16xi32>,
    tpu.vector_store %arg15[%swap3A_211], %add3A_210 {strides = array<i32>} : memref<128xi32, #tpu.memory_space<vmem>>, vector<16xi32>,
    %add3A_213 = arith.constant 96 : i32
    %add3A_214 = arith.addi %add3A_54, %add3A_213 : i32
    %add3A_215 = vector.broadcast %add3A_214 : i32 to vector<16xi32>
    %add3A_216 = arith.addi %add3A_215, %iota3A_176 : vector<16xi32>
    %swap3A_217 = arith.constant 96 : index
    %swap3A_218 = tpu.vector_load %arg15[%swap3A_217] {strides = array<i32>} : memref<128xi32, #tpu.memory_space<vmem>>, vector<16xi32>,
    tpu.vector_store %arg15[%swap3A_217], %add3A_216 {strides = array<i32>} : memref<128xi32, #tpu.memory_space<vmem>>, vector<16xi32>,
    %add3A_219 = arith.constant 112 : i32
    %add3A_220 = arith.addi %add3A_54, %add3A_219 : i32
    %add3A_221 = vector.broadcast %add3A_220 : i32 to vector<16xi32>
    %add3A_222 = arith.addi %add3A_221, %iota3A_176 : vector<16xi32>
    %swap3A_223 = arith.constant 112 : index
    %swap3A_224 = tpu.vector_load %arg15[%swap3A_223] {strides = array<i32>} : memref<128xi32, #tpu.memory_space<vmem>>, vector<16xi32>,
    tpu.vector_store %arg15[%swap3A_223], %add3A_222 {strides = array<i32>} : memref<128xi32, #tpu.memory_space<vmem>>, vector<16xi32>,
    "tpu.region"() ({
      %run_scoped3A = tpu.sem_alloc : memref<!tpu.dma_semaphore, #tpu.memory_space<semaphore_mem>>
      %dma_start3A = arith.constant 0 : i32
      %dma_start3A_307 = tpu.memref_slice %arg11[%dma_start3A] : memref<16416xi32, #tpu.memory_space<vmem>> -> memref<16384xi32, #tpu.memory_space<vmem>>
      %dma_start3A_308 = arith.constant 0 : i32
      %dma_start3A_309 = tpu.memref_slice %arg11[%dma_start3A_308] : memref<16416xi32, #tpu.memory_space<vmem>> -> memref<16384xi32, #tpu.memory_space<vmem>>
      tpu.enqueue_dma source(%arg3 : memref<16384xi32, #tpu.memory_space<hbm>>) target(%dma_start3A_309 : memref<16384xi32, #tpu.memory_space<vmem>>) target_semaphore(%run_scoped3A : memref<!tpu.dma_semaphore, #tpu.memory_space<semaphore_mem>>)
      %dma_wait3A_310 = arith.constant 0 : i32
      %dma_wait3A_311 = tpu.memref_slice %arg11[%dma_wait3A_310] : memref<16416xi32, #tpu.memory_space<vmem>> -> memref<16384xi32, #tpu.memory_space<vmem>>
      %dma_wait3A_312 = arith.constant 0 : i32
      %dma_wait3A_313 = tpu.memref_slice %arg11[%dma_wait3A_312] : memref<16416xi32, #tpu.memory_space<vmem>> -> memref<16384xi32, #tpu.memory_space<vmem>>
      tpu.wait_dma2 semaphore(%run_scoped3A : memref<!tpu.dma_semaphore, #tpu.memory_space<semaphore_mem>>) src(%arg3 : memref<16384xi32, #tpu.memory_space<hbm>>) dst(%dma_wait3A_313 : memref<16384xi32, #tpu.memory_space<vmem>>)
      tpu.yield
    }) : () -> ()
    %scan3A_225 = arith.constant 0 : i32
    %scan3A_226 = arith.constant 0 : i32
    %scan3A_227 = arith.constant 1024 : i32
    %scan3A_228 = arith.addi %scan3A_226, %scan3A_227 : i32
    %scan3A_229 = arith.constant 2 : i32
    %scan3A_230 = scf.for %scan3A_307 = %scan3A_226 to %scan3A_228 step %scan3A_229 iter_args(%scan3A_308 = %scan3A_225) -> (i32)  : i32 {
      %mul3A_309 = arith.constant 16 : i32
      %mul3A_310 = arith.muli %scan3A_307, %mul3A_309 : i32
      %get3A = arith.index_cast %mul3A_310 : i32 to index
      %get3A_311 = tpu.vector_load %arg11[%get3A] {strides = array<i32>} : memref<16416xi32, #tpu.memory_space<vmem>>, vector<16xi32>,
      %ge3A = vector.broadcast %mul3A_20 : i32 to vector<16xi32>
      %ge3A_312 = arith.cmpi sge, %get3A_311, %ge3A : vector<16xi32>
      %lt3A = vector.broadcast %mul3A_50 : i32 to vector<16xi32>
      %lt3A_313 = arith.cmpi slt, %get3A_311, %lt3A : vector<16xi32>
      %and3A_314 = arith.andi %ge3A_312, %lt3A_313 : vector<16xi1>
      %convert_element_type3A_315 = arith.extui %and3A_314 : vector<16xi1> to vector<16xi32>
      %broadcast_in_dim3A = arith.constant true
      %broadcast_in_dim3A_316 = vector.broadcast %broadcast_in_dim3A : i1 to vector<16xi1>
      %masked_cumsum3A = tpu.scan <sum>, %convert_element_type3A_315 masked %broadcast_in_dim3A_316 : vector<16xi32>, vector<16xi1> -> vector<16xi32>
      %add3A_317 = vector.broadcast %scan3A_308 : i32 to vector<16xi32>
      %add3A_318 = arith.addi %add3A_317, %masked_cumsum3A : vector<16xi32>
      %sub3A_319 = arith.constant 1 : i32
      %sub3A_320 = vector.broadcast %sub3A_319 : i32 to vector<16xi32>
      %sub3A_321 = arith.subi %add3A_318, %sub3A_320 : vector<16xi32>
      %jit3A_322 = arith.constant 16415 : i32
      %broadcast_in_dim3A_323 = vector.broadcast %jit3A_322 : i32 to vector<16xi32>
      %select_n3A_324 = arith.select %and3A_314, %sub3A_321, %broadcast_in_dim3A_323 : vector<16xi1>, vector<16xi32>
      %mul3A_325 = arith.constant 16 : i32
      %mul3A_326 = arith.muli %scan3A_307, %mul3A_325 : i32
      %add3A_327 = vector.broadcast %mul3A_326 : i32 to vector<16xi32>
      %add3A_328 = arith.addi %add3A_327, %iota3A_176 : vector<16xi32>
      %shift_left3A_329 = arith.constant 15 : i32
      %shift_left3A_330 = vector.broadcast %shift_left3A_329 : i32 to vector<16xi32>
      %shift_left3A_331 = arith.shli %add3A_328, %shift_left3A_330 : vector<16xi32>
      %sub3A_332 = vector.broadcast %mul3A_20 : i32 to vector<16xi32>
      %sub3A_333 = arith.subi %get3A_311, %sub3A_332 : vector<16xi32>
      %or3A = arith.ori %shift_left3A_331, %sub3A_333 : vector<16xi32>
      tpu.vector_store_idx %arg10[%select_n3A_324], %or3A : memref<16416xi32, #tpu.memory_space<vmem>>[vector<16xi32>], vector<16xi32>,
      %reduce_max3A = arith.constant true
      %reduce_max3A_334 = vector.broadcast %reduce_max3A : i1 to vector<16xi1>
      %reduce_max3A_335 = arith.constant -2147483648 : i32
      %reduce_max3A_336 = vector.broadcast %reduce_max3A_335 : i32 to vector<16xi32>
      %reduce_max3A_337 = arith.xori %masked_cumsum3A, %reduce_max3A_336 : vector<16xi32>
      %reduce_max3A_338 = tpu.scan <max>, %reduce_max3A_337 masked %reduce_max3A_334 : vector<16xi32>, vector<16xi1> -> vector<16xi32>
      %reduce_max3A_339 = arith.xori %reduce_max3A_338, %reduce_max3A_336 : vector<16xi32>
      %reduce_max3A_340 = vector.extract %reduce_max3A_339[15] : i32 from vector<16xi32>
      %add3A_341 = arith.addi %scan3A_308, %reduce_max3A_340 : i32
      %scan3A_342 = arith.constant 1 : i32
      %scan3A_343 = arith.addi %scan3A_307, %scan3A_342 : i32
      %mul3A_344 = arith.constant 16 : i32
      %mul3A_345 = arith.muli %scan3A_343, %mul3A_344 : i32
      %get3A_346 = arith.index_cast %mul3A_345 : i32 to index
      %get3A_347 = tpu.vector_load %arg11[%get3A_346] {strides = array<i32>} : memref<16416xi32, #tpu.memory_space<vmem>>, vector<16xi32>,
      %ge3A_348 = vector.broadcast %mul3A_20 : i32 to vector<16xi32>
      %ge3A_349 = arith.cmpi sge, %get3A_347, %ge3A_348 : vector<16xi32>
      %lt3A_350 = vector.broadcast %mul3A_50 : i32 to vector<16xi32>
      %lt3A_351 = arith.cmpi slt, %get3A_347, %lt3A_350 : vector<16xi32>
      %and3A_352 = arith.andi %ge3A_349, %lt3A_351 : vector<16xi1>
      %convert_element_type3A_353 = arith.extui %and3A_352 : vector<16xi1> to vector<16xi32>
      %broadcast_in_dim3A_354 = arith.constant true
      %broadcast_in_dim3A_355 = vector.broadcast %broadcast_in_dim3A_354 : i1 to vector<16xi1>
      %masked_cumsum3A_356 = tpu.scan <sum>, %convert_element_type3A_353 masked %broadcast_in_dim3A_355 : vector<16xi32>, vector<16xi1> -> vector<16xi32>
      %add3A_357 = vector.broadcast %add3A_341 : i32 to vector<16xi32>
      %add3A_358 = arith.addi %add3A_357, %masked_cumsum3A_356 : vector<16xi32>
      %sub3A_359 = arith.constant 1 : i32
      %sub3A_360 = vector.broadcast %sub3A_359 : i32 to vector<16xi32>
      %sub3A_361 = arith.subi %add3A_358, %sub3A_360 : vector<16xi32>
      %jit3A_362 = arith.constant 16415 : i32
      %broadcast_in_dim3A_363 = vector.broadcast %jit3A_362 : i32 to vector<16xi32>
      %select_n3A_364 = arith.select %and3A_352, %sub3A_361, %broadcast_in_dim3A_363 : vector<16xi1>, vector<16xi32>
      %mul3A_365 = arith.constant 16 : i32
      %mul3A_366 = arith.muli %scan3A_343, %mul3A_365 : i32
      %add3A_367 = vector.broadcast %mul3A_366 : i32 to vector<16xi32>
      %add3A_368 = arith.addi %add3A_367, %iota3A_176 : vector<16xi32>
      %shift_left3A_369 = arith.constant 15 : i32
      %shift_left3A_370 = vector.broadcast %shift_left3A_369 : i32 to vector<16xi32>
      %shift_left3A_371 = arith.shli %add3A_368, %shift_left3A_370 : vector<16xi32>
      %sub3A_372 = vector.broadcast %mul3A_20 : i32 to vector<16xi32>
      %sub3A_373 = arith.subi %get3A_347, %sub3A_372 : vector<16xi32>
      %or3A_374 = arith.ori %shift_left3A_371, %sub3A_373 : vector<16xi32>
      tpu.vector_store_idx %arg10[%select_n3A_364], %or3A_374 : memref<16416xi32, #tpu.memory_space<vmem>>[vector<16xi32>], vector<16xi32>,
      %reduce_max3A_375 = arith.constant true
      %reduce_max3A_376 = vector.broadcast %reduce_max3A_375 : i1 to vector<16xi1>
      %reduce_max3A_377 = arith.constant -2147483648 : i32
      %reduce_max3A_378 = vector.broadcast %reduce_max3A_377 : i32 to vector<16xi32>
      %reduce_max3A_379 = arith.xori %masked_cumsum3A_356, %reduce_max3A_378 : vector<16xi32>
      %reduce_max3A_380 = tpu.scan <max>, %reduce_max3A_379 masked %reduce_max3A_376 : vector<16xi32>, vector<16xi1> -> vector<16xi32>
      %reduce_max3A_381 = arith.xori %reduce_max3A_380, %reduce_max3A_378 : vector<16xi32>
      %reduce_max3A_382 = vector.extract %reduce_max3A_381[15] : i32 from vector<16xi32>
      %add3A_383 = arith.addi %add3A_341, %reduce_max3A_382 : i32
      scf.yield %add3A_383 : i32
    }
    %scan3A_231 = arith.constant 1024 : i32
    %add3A_232 = vector.broadcast %add3A_54 : i32 to vector<16xi32>
    %add3A_233 = arith.addi %add3A_232, %iota3A_176 : vector<16xi32>
    %shift_left3A_234 = arith.constant 15 : i32
    %shift_left3A_235 = vector.broadcast %shift_left3A_234 : i32 to vector<16xi32>
    %shift_left3A_236 = arith.shli %add3A_233, %shift_left3A_235 : vector<16xi32>
    %swap3A_237 = arith.index_cast %scan3A_230 : i32 to index
    %swap3A_238 = tpu.vector_load %arg10[%swap3A_237] {strides = array<i32>} : memref<16416xi32, #tpu.memory_space<vmem>>, vector<16xi32>,
    tpu.vector_store %arg10[%swap3A_237], %shift_left3A_236 {strides = array<i32>} : memref<16416xi32, #tpu.memory_space<vmem>>, vector<16xi32>,
    %add3A_239 = arith.constant 15 : i32
    %add3A_240 = arith.addi %scan3A_230, %add3A_239 : i32
    %jit3A_241 = arith.constant 16 : i32
    %div3A_242 = arith.divsi %add3A_240, %jit3A_241 : i32
    %sign3A_243 = arith.constant 0 : i32
    %sign3A_244 = arith.cmpi sgt, %add3A_240, %sign3A_243 : i32
    %sign3A_245 = arith.extui %sign3A_244 : i1 to i32
    %sign3A_246 = arith.constant 0 : i32
    %sign3A_247 = arith.cmpi slt, %add3A_240, %sign3A_246 : i32
    %sign3A_248 = arith.extui %sign3A_247 : i1 to i32
    %sign3A_249 = arith.subi %sign3A_245, %sign3A_248 : i32
    %sign3A_250 = arith.constant 0 : i32
    %sign3A_251 = arith.cmpi sgt, %jit3A_241, %sign3A_250 : i32
    %sign3A_252 = arith.extui %sign3A_251 : i1 to i32
    %sign3A_253 = arith.constant 0 : i32
    %sign3A_254 = arith.cmpi slt, %jit3A_241, %sign3A_253 : i32
    %sign3A_255 = arith.extui %sign3A_254 : i1 to i32
    %sign3A_256 = arith.subi %sign3A_252, %sign3A_255 : i32
    %ne3A_257 = arith.cmpi ne, %sign3A_249, %sign3A_256 : i32
    %rem3A_258 = arith.remsi %add3A_240, %jit3A_241 : i32
    %ne3A_259 = arith.constant 0 : i32
    %ne3A_260 = arith.cmpi ne, %rem3A_258, %ne3A_259 : i32
    %and3A_261 = arith.andi %ne3A_257, %ne3A_260 : i1
    %sub3A_262 = arith.constant 1 : i32
    %sub3A_263 = arith.subi %div3A_242, %sub3A_262 : i32
    %select_n3A_264 = arith.select %and3A_261, %sub3A_263, %div3A_242 : i32
    %min3A_265 = arith.constant 0 : i32
    %min3A_266 = arith.constant 61 : i32
    %min3A_267 = arith.minsi %min3A_265, %min3A_266 : i32
    %mul3A_268 = arith.constant 512 : i32
    %mul3A_269 = arith.muli %min3A_267, %mul3A_268 : i32
    %add3A_270 = arith.addi %mul3A_20, %mul3A_269 : i32
    %add3A_271 = arith.constant 512 : i32
    %add3A_272 = arith.addi %add3A_270, %add3A_271 : i32
    %gt3A_273 = arith.constant 1000000 : i32
    %gt3A_274 = arith.cmpi sgt, %add3A_272, %gt3A_273 : i32
    %convert_element_type3A_275 = arith.extui %gt3A_274 : i1 to i32
    %cond3A_276 = arith.constant 0 : i32
    %cond3A_277 = arith.cmpi ne, %convert_element_type3A_275, %cond3A_276 : i32
    scf.if %cond3A_277 {
      tpu.enqueue_dma source(%arg7 : memref<64x512xf32, #tpu.memory_space<hbm>>) target(%arg12 : memref<64x512xf32, #tpu.memory_space<vmem>>) target_semaphore(%arg16 : memref<!tpu.dma_semaphore, #tpu.memory_space<semaphore_mem>>)
    } else {
    }
    %not3A_278 = arith.constant true
    %not3A_279 = arith.xori %gt3A_274, %not3A_278 : i1
    %convert_element_type3A_280 = arith.extui %not3A_279 : i1 to i32
    %cond3A_281 = arith.constant 0 : i32
    %cond3A_282 = arith.cmpi ne, %convert_element_type3A_280, %cond3A_281 : i32
    scf.if %cond3A_282 {
      %multiple_of3A = tpu.assume_multiple %add3A_270, 128 : i32
      %dma_start3A = arith.constant 0 : i32
      %dma_start3A_307 = tpu.memref_slice %arg5[%dma_start3A, %multiple_of3A] : memref<64x1000000xf32, #tpu.memory_space<hbm>> -> memref<64x512xf32, #tpu.memory_space<hbm>>
      %dma_start3A_308 = arith.constant 0 : i32
      %dma_start3A_309 = tpu.memref_slice %arg5[%dma_start3A_308, %multiple_of3A] : memref<64x1000000xf32, #tpu.memory_space<hbm>> -> memref<64x512xf32, #tpu.memory_space<hbm>>
      tpu.enqueue_dma source(%dma_start3A_309 : memref<64x512xf32, #tpu.memory_space<hbm>>) target(%arg12 : memref<64x512xf32, #tpu.memory_space<vmem>>) target_semaphore(%arg16 : memref<!tpu.dma_semaphore, #tpu.memory_space<semaphore_mem>>)
    } else {
    }
    %scan3A_283 = arith.constant 0 : i32
    %scan3A_284 = arith.constant 0 : i32
    %scan3A_285 = arith.constant 0 : i32
    %scan3A_286 = arith.constant 31 : i32
    %scan3A_287 = arith.addi %scan3A_285, %scan3A_286 : i32
    %scan3A_288 = arith.constant 1 : i32
    %scan3A_289:2 = scf.for %scan3A_307 = %scan3A_285 to %scan3A_287 step %scan3A_288 iter_args(%scan3A_308 = %scan3A_283, %scan3A_309 = %scan3A_284) -> (i32, i32)  : i32 {
      %mul3A_310 = arith.constant 2 : i32
      %mul3A_311 = arith.muli %scan3A_307, %mul3A_310 : i32
      %add3A_312 = arith.constant 1 : i32
      %add3A_313 = arith.addi %mul3A_311, %add3A_312 : i32
      %min3A_314 = arith.constant 61 : i32
      %min3A_315 = arith.minsi %add3A_313, %min3A_314 : i32
      %mul3A_316 = arith.constant 512 : i32
      %mul3A_317 = arith.muli %min3A_315, %mul3A_316 : i32
      %add3A_318 = arith.addi %mul3A_20, %mul3A_317 : i32
      %add3A_319 = arith.constant 512 : i32
      %add3A_320 = arith.addi %add3A_318, %add3A_319 : i32
      %gt3A_321 = arith.constant 1000000 : i32
      %gt3A_322 = arith.cmpi sgt, %add3A_320, %gt3A_321 : i32
      %convert_element_type3A_323 = arith.extui %gt3A_322 : i1 to i32
      %cond3A_324 = arith.constant 0 : i32
      %cond3A_325 = arith.cmpi ne, %convert_element_type3A_323, %cond3A_324 : i32
      scf.if %cond3A_325 {
        tpu.enqueue_dma source(%arg7 : memref<64x512xf32, #tpu.memory_space<hbm>>) target(%arg13 : memref<64x512xf32, #tpu.memory_space<vmem>>) target_semaphore(%arg17 : memref<!tpu.dma_semaphore, #tpu.memory_space<semaphore_mem>>)
      } else {
      }
      %not3A_326 = arith.constant true
      %not3A_327 = arith.xori %gt3A_322, %not3A_326 : i1
      %convert_element_type3A_328 = arith.extui %not3A_327 : i1 to i32
      %cond3A_329 = arith.constant 0 : i32
      %cond3A_330 = arith.cmpi ne, %convert_element_type3A_328, %cond3A_329 : i32
      scf.if %cond3A_330 {
        %multiple_of3A = tpu.assume_multiple %add3A_318, 128 : i32
        %dma_start3A = arith.constant 0 : i32
        %dma_start3A_537 = tpu.memref_slice %arg5[%dma_start3A, %multiple_of3A] : memref<64x1000000xf32, #tpu.memory_space<hbm>> -> memref<64x512xf32, #tpu.memory_space<hbm>>
        %dma_start3A_538 = arith.constant 0 : i32
        %dma_start3A_539 = tpu.memref_slice %arg5[%dma_start3A_538, %multiple_of3A] : memref<64x1000000xf32, #tpu.memory_space<hbm>> -> memref<64x512xf32, #tpu.memory_space<hbm>>
        tpu.enqueue_dma source(%dma_start3A_539 : memref<64x512xf32, #tpu.memory_space<hbm>>) target(%arg13 : memref<64x512xf32, #tpu.memory_space<vmem>>) target_semaphore(%arg17 : memref<!tpu.dma_semaphore, #tpu.memory_space<semaphore_mem>>)
      } else {
      }
      %mul3A_331 = arith.constant 512 : i32
      %mul3A_332 = arith.muli %mul3A_311, %mul3A_331 : i32
      %add3A_333 = arith.addi %mul3A_20, %mul3A_332 : i32
      %add3A_334 = arith.constant 512 : i32
      %add3A_335 = arith.addi %add3A_333, %add3A_334 : i32
      %gt3A_336 = arith.constant 1000000 : i32
      %gt3A_337 = arith.cmpi sgt, %add3A_335, %gt3A_336 : i32
      %sub3A_338 = arith.constant 999488 : i32
      %sub3A_339 = arith.subi %sub3A_338, %mul3A_20 : i32
      %mul3A_340 = arith.constant 512 : i32
      %mul3A_341 = arith.muli %mul3A_311, %mul3A_340 : i32
      %select_n3A_342 = arith.select %gt3A_337, %sub3A_339, %mul3A_341 : i32
      %dma_wait3A_343 = arith.constant 0 : i32
      %dma_wait3A_344 = arith.constant 0 : i32
      %dma_wait3A_345 = tpu.memref_slice %arg5[%dma_wait3A_343, %dma_wait3A_344] : memref<64x1000000xf32, #tpu.memory_space<hbm>> -> memref<64x512xf32, #tpu.memory_space<hbm>>
      %dma_wait3A_346 = arith.constant 0 : i32
      %dma_wait3A_347 = arith.constant 0 : i32
      %dma_wait3A_348 = tpu.memref_slice %arg5[%dma_wait3A_346, %dma_wait3A_347] : memref<64x1000000xf32, #tpu.memory_space<hbm>> -> memref<64x512xf32, #tpu.memory_space<hbm>>
      tpu.wait_dma2 semaphore(%arg16 : memref<!tpu.dma_semaphore, #tpu.memory_space<semaphore_mem>>) src(%dma_wait3A_348 : memref<64x512xf32, #tpu.memory_space<hbm>>) dst(%arg12 : memref<64x512xf32, #tpu.memory_space<vmem>>)
      %while3A = arith.constant 0 : i32
      %while3A_349 = arith.constant 0 : i32
      %while3A_350 = arith.subi %select_n3A_264, %while3A : i32
      %while3A_351 = arith.addi %while3A, %while3A_350 : i32
      %while3A_352 = arith.constant 1 : i32
      %while3A_353 = arith.divsi %while3A_350, %while3A_352 : i32
      %while3A_354 = arith.muli %while3A_353, %while3A_352 : i32
      %while3A_355 = arith.addi %while3A, %while3A_354 : i32
      %while3A_356 = arith.constant 1 : i32
      %while3A_357 = scf.for %while3A_537 = %while3A to %while3A_355 step %while3A_356 iter_args(%while3A_538 = %while3A_349) -> (i32)  : i32 {
        %mul3A_539 = arith.constant 16 : i32
        %mul3A_540 = arith.muli %while3A_537, %mul3A_539 : i32
        %get3A = arith.index_cast %mul3A_540 : i32 to index
        %get3A_541 = tpu.vector_load %arg10[%get3A] {strides = array<i32>} : memref<16416xi32, #tpu.memory_space<vmem>>, vector<16xi32>,
        %and3A_542 = arith.constant 32767 : i32
        %and3A_543 = vector.broadcast %and3A_542 : i32 to vector<16xi32>
        %and3A_544 = arith.andi %get3A_541, %and3A_543 : vector<16xi32>
        %sub3A_545 = vector.broadcast %select_n3A_342 : i32 to vector<16xi32>
        %sub3A_546 = arith.subi %and3A_544, %sub3A_545 : vector<16xi32>
        %ge3A = arith.constant 0 : i32
        %ge3A_547 = vector.broadcast %ge3A : i32 to vector<16xi32>
        %ge3A_548 = arith.cmpi sge, %sub3A_546, %ge3A_547 : vector<16xi32>
        %lt3A = arith.constant 512 : i32
        %lt3A_549 = vector.broadcast %lt3A : i32 to vector<16xi32>
        %lt3A_550 = arith.cmpi slt, %sub3A_546, %lt3A_549 : vector<16xi32>
        %and3A_551 = arith.andi %ge3A_548, %lt3A_550 : vector<16xi1>
        %convert_element_type3A_552 = arith.extui %and3A_551 : vector<16xi1> to vector<16xi32>
        %broadcast_in_dim3A = arith.constant true
        %broadcast_in_dim3A_553 = vector.broadcast %broadcast_in_dim3A : i1 to vector<16xi1>
        %masked_cumsum3A = tpu.scan <sum>, %convert_element_type3A_552 masked %broadcast_in_dim3A_553 : vector<16xi32>, vector<16xi1> -> vector<16xi32>
        %add3A_554 = vector.broadcast %while3A_538 : i32 to vector<16xi32>
        %add3A_555 = arith.addi %add3A_554, %masked_cumsum3A : vector<16xi32>
        %sub3A_556 = arith.constant 1 : i32
        %sub3A_557 = vector.broadcast %sub3A_556 : i32 to vector<16xi32>
        %sub3A_558 = arith.subi %add3A_555, %sub3A_557 : vector<16xi32>
        %jit3A_559 = arith.constant 16415 : i32
        %broadcast_in_dim3A_560 = vector.broadcast %jit3A_559 : i32 to vector<16xi32>
        %select_n3A_561 = arith.select %and3A_551, %sub3A_558, %broadcast_in_dim3A_560 : vector<16xi1>, vector<16xi32>
        %shift_right_arithmetic3A = arith.constant 15 : i32
        %shift_right_arithmetic3A_562 = vector.broadcast %shift_right_arithmetic3A : i32 to vector<16xi32>
        %shift_right_arithmetic3A_563 = arith.shrsi %get3A_541, %shift_right_arithmetic3A_562 : vector<16xi32>
        %shift_left3A_564 = arith.constant 10 : i32
        %shift_left3A_565 = vector.broadcast %shift_left3A_564 : i32 to vector<16xi32>
        %shift_left3A_566 = arith.shli %shift_right_arithmetic3A_563, %shift_left3A_565 : vector<16xi32>
        %jit3A_567 = arith.constant 0 : i32
        %broadcast_in_dim3A_568 = vector.broadcast %jit3A_567 : i32 to vector<16xi32>
        %select_n3A_569 = arith.select %and3A_551, %sub3A_546, %broadcast_in_dim3A_568 : vector<16xi1>, vector<16xi32>
        %or3A = arith.ori %shift_left3A_566, %select_n3A_569 : vector<16xi32>
        tpu.vector_store_idx %arg11[%select_n3A_561], %or3A : memref<16416xi32, #tpu.memory_space<vmem>>[vector<16xi32>], vector<16xi32>,
        %reduce_max3A = arith.constant true
        %reduce_max3A_570 = vector.broadcast %reduce_max3A : i1 to vector<16xi1>
        %reduce_max3A_571 = arith.constant -2147483648 : i32
        %reduce_max3A_572 = vector.broadcast %reduce_max3A_571 : i32 to vector<16xi32>
        %reduce_max3A_573 = arith.xori %masked_cumsum3A, %reduce_max3A_572 : vector<16xi32>
        %reduce_max3A_574 = tpu.scan <max>, %reduce_max3A_573 masked %reduce_max3A_570 : vector<16xi32>, vector<16xi1> -> vector<16xi32>
        %reduce_max3A_575 = arith.xori %reduce_max3A_574, %reduce_max3A_572 : vector<16xi32>
        %reduce_max3A_576 = vector.extract %reduce_max3A_575[15] : i32 from vector<16xi32>
        %add3A_577 = arith.addi %while3A_538, %reduce_max3A_576 : i32
        scf.yield %add3A_577 : i32
      }
      %while3A_358 = arith.constant 1 : i32
      %while3A_359 = scf.for %while3A_537 = %while3A_355 to %while3A_351 step %while3A_358 iter_args(%while3A_538 = %while3A_357) -> (i32)  : i32 {
        %mul3A_539 = arith.constant 16 : i32
        %mul3A_540 = arith.muli %while3A_537, %mul3A_539 : i32
        %get3A = arith.index_cast %mul3A_540 : i32 to index
        %get3A_541 = tpu.vector_load %arg10[%get3A] {strides = array<i32>} : memref<16416xi32, #tpu.memory_space<vmem>>, vector<16xi32>,
        %and3A_542 = arith.constant 32767 : i32
        %and3A_543 = vector.broadcast %and3A_542 : i32 to vector<16xi32>
        %and3A_544 = arith.andi %get3A_541, %and3A_543 : vector<16xi32>
        %sub3A_545 = vector.broadcast %select_n3A_342 : i32 to vector<16xi32>
        %sub3A_546 = arith.subi %and3A_544, %sub3A_545 : vector<16xi32>
        %ge3A = arith.constant 0 : i32
        %ge3A_547 = vector.broadcast %ge3A : i32 to vector<16xi32>
        %ge3A_548 = arith.cmpi sge, %sub3A_546, %ge3A_547 : vector<16xi32>
        %lt3A = arith.constant 512 : i32
        %lt3A_549 = vector.broadcast %lt3A : i32 to vector<16xi32>
        %lt3A_550 = arith.cmpi slt, %sub3A_546, %lt3A_549 : vector<16xi32>
        %and3A_551 = arith.andi %ge3A_548, %lt3A_550 : vector<16xi1>
        %convert_element_type3A_552 = arith.extui %and3A_551 : vector<16xi1> to vector<16xi32>
        %broadcast_in_dim3A = arith.constant true
        %broadcast_in_dim3A_553 = vector.broadcast %broadcast_in_dim3A : i1 to vector<16xi1>
        %masked_cumsum3A = tpu.scan <sum>, %convert_element_type3A_552 masked %broadcast_in_dim3A_553 : vector<16xi32>, vector<16xi1> -> vector<16xi32>
        %add3A_554 = vector.broadcast %while3A_538 : i32 to vector<16xi32>
        %add3A_555 = arith.addi %add3A_554, %masked_cumsum3A : vector<16xi32>
        %sub3A_556 = arith.constant 1 : i32
        %sub3A_557 = vector.broadcast %sub3A_556 : i32 to vector<16xi32>
        %sub3A_558 = arith.subi %add3A_555, %sub3A_557 : vector<16xi32>
        %jit3A_559 = arith.constant 16415 : i32
        %broadcast_in_dim3A_560 = vector.broadcast %jit3A_559 : i32 to vector<16xi32>
        %select_n3A_561 = arith.select %and3A_551, %sub3A_558, %broadcast_in_dim3A_560 : vector<16xi1>, vector<16xi32>
        %shift_right_arithmetic3A = arith.constant 15 : i32
        %shift_right_arithmetic3A_562 = vector.broadcast %shift_right_arithmetic3A : i32 to vector<16xi32>
        %shift_right_arithmetic3A_563 = arith.shrsi %get3A_541, %shift_right_arithmetic3A_562 : vector<16xi32>
        %shift_left3A_564 = arith.constant 10 : i32
        %shift_left3A_565 = vector.broadcast %shift_left3A_564 : i32 to vector<16xi32>
        %shift_left3A_566 = arith.shli %shift_right_arithmetic3A_563, %shift_left3A_565 : vector<16xi32>
        %jit3A_567 = arith.constant 0 : i32
        %broadcast_in_dim3A_568 = vector.broadcast %jit3A_567 : i32 to vector<16xi32>
        %select_n3A_569 = arith.select %and3A_551, %sub3A_546, %broadcast_in_dim3A_568 : vector<16xi1>, vector<16xi32>
        %or3A = arith.ori %shift_left3A_566, %select_n3A_569 : vector<16xi32>
        tpu.vector_store_idx %arg11[%select_n3A_561], %or3A : memref<16416xi32, #tpu.memory_space<vmem>>[vector<16xi32>], vector<16xi32>,
        %reduce_max3A = arith.constant true
        %reduce_max3A_570 = vector.broadcast %reduce_max3A : i1 to vector<16xi1>
        %reduce_max3A_571 = arith.constant -2147483648 : i32
        %reduce_max3A_572 = vector.broadcast %reduce_max3A_571 : i32 to vector<16xi32>
        %reduce_max3A_573 = arith.xori %masked_cumsum3A, %reduce_max3A_572 : vector<16xi32>
        %reduce_max3A_574 = tpu.scan <max>, %reduce_max3A_573 masked %reduce_max3A_570 : vector<16xi32>, vector<16xi1> -> vector<16xi32>
        %reduce_max3A_575 = arith.xori %reduce_max3A_574, %reduce_max3A_572 : vector<16xi32>
        %reduce_max3A_576 = vector.extract %reduce_max3A_575[15] : i32 from vector<16xi32>
        %add3A_577 = arith.addi %while3A_538, %reduce_max3A_576 : i32
        scf.yield %add3A_577 : i32
      }
      %add3A_360 = vector.broadcast %add3A_54 : i32 to vector<16xi32>
      %add3A_361 = arith.addi %add3A_360, %iota3A_176 : vector<16xi32>
      %shift_left3A_362 = arith.constant 10 : i32
      %shift_left3A_363 = vector.broadcast %shift_left3A_362 : i32 to vector<16xi32>
      %shift_left3A_364 = arith.shli %add3A_361, %shift_left3A_363 : vector<16xi32>
      %swap3A_365 = arith.index_cast %while3A_359 : i32 to index
      %swap3A_366 = tpu.vector_load %arg11[%swap3A_365] {strides = array<i32>} : memref<16416xi32, #tpu.memory_space<vmem>>, vector<16xi32>,
      tpu.vector_store %arg11[%swap3A_365], %shift_left3A_364 {strides = array<i32>} : memref<16416xi32, #tpu.memory_space<vmem>>, vector<16xi32>,
      %gt3A_367 = arith.constant 0 : i32
      %gt3A_368 = arith.cmpi sgt, %scan3A_309, %gt3A_367 : i32
      %convert_element_type3A_369 = arith.extui %gt3A_368 : i1 to i32
      %cond3A_370 = arith.constant 0 : i32
      %cond3A_371 = arith.cmpi ne, %convert_element_type3A_369, %cond3A_370 : i32
      scf.if %cond3A_371 {
        %dma_wait3A_537 = arith.constant 0 : i32
        %dma_wait3A_538 = arith.constant 0 : i32
        %dma_wait3A_539 = tpu.memref_slice %arg9[%dma_wait3A_537, %dma_wait3A_538] : memref<20480x128xf32, #tpu.memory_space<hbm>> -> memref<128x128xf32, #tpu.memory_space<hbm>>
        %dma_wait3A_540 = arith.constant 0 : i32
        %dma_wait3A_541 = arith.constant 0 : i32
        %dma_wait3A_542 = tpu.memref_slice %arg9[%dma_wait3A_540, %dma_wait3A_541] : memref<20480x128xf32, #tpu.memory_space<hbm>> -> memref<128x128xf32, #tpu.memory_space<hbm>>
        tpu.wait_dma2 semaphore(%arg18 : memref<!tpu.dma_semaphore, #tpu.memory_space<semaphore_mem>>) src(%dma_wait3A_542 : memref<128x128xf32, #tpu.memory_space<hbm>>) dst(%arg14 : memref<128x128xf32, #tpu.memory_space<vmem>>)
        %add3A_543 = arith.constant 0 : i32
        %add3A_544 = arith.addi %add3A_54, %add3A_543 : i32
        %add3A_545 = vector.broadcast %add3A_544 : i32 to vector<16xi32>
        %add3A_546 = arith.addi %add3A_545, %iota3A_176 : vector<16xi32>
        %swap3A_547 = arith.constant 0 : index
        %swap3A_548 = tpu.vector_load %arg15[%swap3A_547] {strides = array<i32>} : memref<128xi32, #tpu.memory_space<vmem>>, vector<16xi32>,
        tpu.vector_store %arg15[%swap3A_547], %add3A_546 {strides = array<i32>} : memref<128xi32, #tpu.memory_space<vmem>>, vector<16xi32>,
        %add3A_549 = arith.constant 16 : i32
        %add3A_550 = arith.addi %add3A_54, %add3A_549 : i32
        %add3A_551 = vector.broadcast %add3A_550 : i32 to vector<16xi32>
        %add3A_552 = arith.addi %add3A_551, %iota3A_176 : vector<16xi32>
        %swap3A_553 = arith.constant 16 : index
        %swap3A_554 = tpu.vector_load %arg15[%swap3A_553] {strides = array<i32>} : memref<128xi32, #tpu.memory_space<vmem>>, vector<16xi32>,
        tpu.vector_store %arg15[%swap3A_553], %add3A_552 {strides = array<i32>} : memref<128xi32, #tpu.memory_space<vmem>>, vector<16xi32>,
        %add3A_555 = arith.constant 32 : i32
        %add3A_556 = arith.addi %add3A_54, %add3A_555 : i32
        %add3A_557 = vector.broadcast %add3A_556 : i32 to vector<16xi32>
        %add3A_558 = arith.addi %add3A_557, %iota3A_176 : vector<16xi32>
        %swap3A_559 = arith.constant 32 : index
        %swap3A_560 = tpu.vector_load %arg15[%swap3A_559] {strides = array<i32>} : memref<128xi32, #tpu.memory_space<vmem>>, vector<16xi32>,
        tpu.vector_store %arg15[%swap3A_559], %add3A_558 {strides = array<i32>} : memref<128xi32, #tpu.memory_space<vmem>>, vector<16xi32>,
        %add3A_561 = arith.constant 48 : i32
        %add3A_562 = arith.addi %add3A_54, %add3A_561 : i32
        %add3A_563 = vector.broadcast %add3A_562 : i32 to vector<16xi32>
        %add3A_564 = arith.addi %add3A_563, %iota3A_176 : vector<16xi32>
        %swap3A_565 = arith.constant 48 : index
        %swap3A_566 = tpu.vector_load %arg15[%swap3A_565] {strides = array<i32>} : memref<128xi32, #tpu.memory_space<vmem>>, vector<16xi32>,
        tpu.vector_store %arg15[%swap3A_565], %add3A_564 {strides = array<i32>} : memref<128xi32, #tpu.memory_space<vmem>>, vector<16xi32>,
        %add3A_567 = arith.constant 64 : i32
        %add3A_568 = arith.addi %add3A_54, %add3A_567 : i32
        %add3A_569 = vector.broadcast %add3A_568 : i32 to vector<16xi32>
        %add3A_570 = arith.addi %add3A_569, %iota3A_176 : vector<16xi32>
        %swap3A_571 = arith.constant 64 : index
        %swap3A_572 = tpu.vector_load %arg15[%swap3A_571] {strides = array<i32>} : memref<128xi32, #tpu.memory_space<vmem>>, vector<16xi32>,
        tpu.vector_store %arg15[%swap3A_571], %add3A_570 {strides = array<i32>} : memref<128xi32, #tpu.memory_space<vmem>>, vector<16xi32>,
        %add3A_573 = arith.constant 80 : i32
        %add3A_574 = arith.addi %add3A_54, %add3A_573 : i32
        %add3A_575 = vector.broadcast %add3A_574 : i32 to vector<16xi32>
        %add3A_576 = arith.addi %add3A_575, %iota3A_176 : vector<16xi32>
        %swap3A_577 = arith.constant 80 : index
        %swap3A_578 = tpu.vector_load %arg15[%swap3A_577] {strides = array<i32>} : memref<128xi32, #tpu.memory_space<vmem>>, vector<16xi32>,
        tpu.vector_store %arg15[%swap3A_577], %add3A_576 {strides = array<i32>} : memref<128xi32, #tpu.memory_space<vmem>>, vector<16xi32>,
        %add3A_579 = arith.constant 96 : i32
        %add3A_580 = arith.addi %add3A_54, %add3A_579 : i32
        %add3A_581 = vector.broadcast %add3A_580 : i32 to vector<16xi32>
        %add3A_582 = arith.addi %add3A_581, %iota3A_176 : vector<16xi32>
        %swap3A_583 = arith.constant 96 : index
        %swap3A_584 = tpu.vector_load %arg15[%swap3A_583] {strides = array<i32>} : memref<128xi32, #tpu.memory_space<vmem>>, vector<16xi32>,
        tpu.vector_store %arg15[%swap3A_583], %add3A_582 {strides = array<i32>} : memref<128xi32, #tpu.memory_space<vmem>>, vector<16xi32>,
        %add3A_585 = arith.constant 112 : i32
        %add3A_586 = arith.addi %add3A_54, %add3A_585 : i32
        %add3A_587 = vector.broadcast %add3A_586 : i32 to vector<16xi32>
        %add3A_588 = arith.addi %add3A_587, %iota3A_176 : vector<16xi32>
        %swap3A_589 = arith.constant 112 : index
        %swap3A_590 = tpu.vector_load %arg15[%swap3A_589] {strides = array<i32>} : memref<128xi32, #tpu.memory_space<vmem>>, vector<16xi32>,
        tpu.vector_store %arg15[%swap3A_589], %add3A_588 {strides = array<i32>} : memref<128xi32, #tpu.memory_space<vmem>>, vector<16xi32>,
      } else {
      }
      %gt3A_372 = arith.constant 0 : i32
      %gt3A_373 = arith.cmpi sgt, %while3A_359, %gt3A_372 : i32
      %add3A_374 = arith.constant 15 : i32
      %add3A_375 = arith.addi %while3A_359, %add3A_374 : i32
      %jit3A_376 = arith.constant 16 : i32
      %div3A_377 = arith.divsi %add3A_375, %jit3A_376 : i32
      %sign3A_378 = arith.constant 0 : i32
      %sign3A_379 = arith.cmpi sgt, %add3A_375, %sign3A_378 : i32
      %sign3A_380 = arith.extui %sign3A_379 : i1 to i32
      %sign3A_381 = arith.constant 0 : i32
      %sign3A_382 = arith.cmpi slt, %add3A_375, %sign3A_381 : i32
      %sign3A_383 = arith.extui %sign3A_382 : i1 to i32
      %sign3A_384 = arith.subi %sign3A_380, %sign3A_383 : i32
      %sign3A_385 = arith.constant 0 : i32
      %sign3A_386 = arith.cmpi sgt, %jit3A_376, %sign3A_385 : i32
      %sign3A_387 = arith.extui %sign3A_386 : i1 to i32
      %sign3A_388 = arith.constant 0 : i32
      %sign3A_389 = arith.cmpi slt, %jit3A_376, %sign3A_388 : i32
      %sign3A_390 = arith.extui %sign3A_389 : i1 to i32
      %sign3A_391 = arith.subi %sign3A_387, %sign3A_390 : i32
      %ne3A_392 = arith.cmpi ne, %sign3A_384, %sign3A_391 : i32
      %rem3A_393 = arith.remsi %add3A_375, %jit3A_376 : i32
      %ne3A_394 = arith.constant 0 : i32
      %ne3A_395 = arith.cmpi ne, %rem3A_393, %ne3A_394 : i32
      %and3A_396 = arith.andi %ne3A_392, %ne3A_395 : i1
      %sub3A_397 = arith.constant 1 : i32
      %sub3A_398 = arith.subi %div3A_377, %sub3A_397 : i32
      %select_n3A_399 = arith.select %and3A_396, %sub3A_398, %div3A_377 : i32
      %jit3A_400 = arith.constant 0 : i32
      %select_n3A_401 = arith.select %gt3A_373, %select_n3A_399, %jit3A_400 : i32
      %while3A_402 = arith.constant 0 : i32
      %while3A_403 = arith.subi %select_n3A_401, %while3A_402 : i32
      %while3A_404 = arith.addi %while3A_402, %while3A_403 : i32
      %while3A_405 = arith.constant 1 : i32
      %while3A_406 = arith.divsi %while3A_403, %while3A_405 : i32
      %while3A_407 = arith.muli %while3A_406, %while3A_405 : i32
      %while3A_408 = arith.addi %while3A_402, %while3A_407 : i32
      %while3A_409 = arith.constant 1 : i32
      %while3A_410 = scf.for %while3A_537 = %while3A_402 to %while3A_408 step %while3A_409 iter_args(%while3A_538 = %scan3A_308) -> (i32)  : i32 {
        %add3A_539 = arith.constant 16 : i32
        %add3A_540 = arith.addi %while3A_538, %add3A_539 : i32
        %gt3A_541 = arith.constant 128 : i32
        %gt3A_542 = arith.cmpi sgt, %add3A_540, %gt3A_541 : i32
        %convert_element_type3A_543 = arith.extui %gt3A_542 : i1 to i32
        %cond3A_544 = arith.constant 0 : i32
        %cond3A_545 = arith.cmpi ne, %convert_element_type3A_543, %cond3A_544 : i32
        scf.if %cond3A_545 {
          %dma_start3A = arith.constant 0 : i32
          %dma_start3A_572 = arith.constant 0 : i32
          %dma_start3A_573 = tpu.memref_slice %arg9[%dma_start3A, %dma_start3A_572] : memref<20480x128xf32, #tpu.memory_space<hbm>> -> memref<20480x128xf32, #tpu.memory_space<hbm>>
          tpu.enqueue_indirect_dma source(%arg14 : memref<128x128xf32, #tpu.memory_space<vmem>>) target(%dma_start3A_573 : memref<20480x128xf32, #tpu.memory_space<hbm>>) offsets(%arg15 : memref<128xi32, #tpu.memory_space<vmem>>) semaphore(%arg18 : memref<!tpu.dma_semaphore, #tpu.memory_space<semaphore_mem>>)
          %dma_wait3A_574 = arith.constant 0 : i32
          %dma_wait3A_575 = arith.constant 0 : i32
          %dma_wait3A_576 = tpu.memref_slice %arg9[%dma_wait3A_574, %dma_wait3A_575] : memref<20480x128xf32, #tpu.memory_space<hbm>> -> memref<128x128xf32, #tpu.memory_space<hbm>>
          %dma_wait3A_577 = arith.constant 0 : i32
          %dma_wait3A_578 = arith.constant 0 : i32
          %dma_wait3A_579 = tpu.memref_slice %arg9[%dma_wait3A_577, %dma_wait3A_578] : memref<20480x128xf32, #tpu.memory_space<hbm>> -> memref<128x128xf32, #tpu.memory_space<hbm>>
          tpu.wait_dma2 semaphore(%arg18 : memref<!tpu.dma_semaphore, #tpu.memory_space<semaphore_mem>>) src(%dma_wait3A_579 : memref<128x128xf32, #tpu.memory_space<hbm>>) dst(%arg14 : memref<128x128xf32, #tpu.memory_space<vmem>>)
          %add3A_580 = arith.constant 0 : i32
          %add3A_581 = arith.addi %add3A_54, %add3A_580 : i32
          %add3A_582 = vector.broadcast %add3A_581 : i32 to vector<16xi32>
          %add3A_583 = arith.addi %add3A_582, %iota3A_176 : vector<16xi32>
          %swap3A_584 = arith.constant 0 : index
          %swap3A_585 = tpu.vector_load %arg15[%swap3A_584] {strides = array<i32>} : memref<128xi32, #tpu.memory_space<vmem>>, vector<16xi32>,
          tpu.vector_store %arg15[%swap3A_584], %add3A_583 {strides = array<i32>} : memref<128xi32, #tpu.memory_space<vmem>>, vector<16xi32>,
          %add3A_586 = arith.constant 16 : i32
          %add3A_587 = arith.addi %add3A_54, %add3A_586 : i32
          %add3A_588 = vector.broadcast %add3A_587 : i32 to vector<16xi32>
          %add3A_589 = arith.addi %add3A_588, %iota3A_176 : vector<16xi32>
          %swap3A_590 = arith.constant 16 : index
          %swap3A_591 = tpu.vector_load %arg15[%swap3A_590] {strides = array<i32>} : memref<128xi32, #tpu.memory_space<vmem>>, vector<16xi32>,
          tpu.vector_store %arg15[%swap3A_590], %add3A_589 {strides = array<i32>} : memref<128xi32, #tpu.memory_space<vmem>>, vector<16xi32>,
          %add3A_592 = arith.constant 32 : i32
          %add3A_593 = arith.addi %add3A_54, %add3A_592 : i32
          %add3A_594 = vector.broadcast %add3A_593 : i32 to vector<16xi32>
          %add3A_595 = arith.addi %add3A_594, %iota3A_176 : vector<16xi32>
          %swap3A_596 = arith.constant 32 : index
          %swap3A_597 = tpu.vector_load %arg15[%swap3A_596] {strides = array<i32>} : memref<128xi32, #tpu.memory_space<vmem>>, vector<16xi32>,
          tpu.vector_store %arg15[%swap3A_596], %add3A_595 {strides = array<i32>} : memref<128xi32, #tpu.memory_space<vmem>>, vector<16xi32>,
          %add3A_598 = arith.constant 48 : i32
          %add3A_599 = arith.addi %add3A_54, %add3A_598 : i32
          %add3A_600 = vector.broadcast %add3A_599 : i32 to vector<16xi32>
          %add3A_601 = arith.addi %add3A_600, %iota3A_176 : vector<16xi32>
          %swap3A_602 = arith.constant 48 : index
          %swap3A_603 = tpu.vector_load %arg15[%swap3A_602] {strides = array<i32>} : memref<128xi32, #tpu.memory_space<vmem>>, vector<16xi32>,
          tpu.vector_store %arg15[%swap3A_602], %add3A_601 {strides = array<i32>} : memref<128xi32, #tpu.memory_space<vmem>>, vector<16xi32>,
          %add3A_604 = arith.constant 64 : i32
          %add3A_605 = arith.addi %add3A_54, %add3A_604 : i32
          %add3A_606 = vector.broadcast %add3A_605 : i32 to vector<16xi32>
          %add3A_607 = arith.addi %add3A_606, %iota3A_176 : vector<16xi32>
          %swap3A_608 = arith.constant 64 : index
          %swap3A_609 = tpu.vector_load %arg15[%swap3A_608] {strides = array<i32>} : memref<128xi32, #tpu.memory_space<vmem>>, vector<16xi32>,
          tpu.vector_store %arg15[%swap3A_608], %add3A_607 {strides = array<i32>} : memref<128xi32, #tpu.memory_space<vmem>>, vector<16xi32>,
          %add3A_610 = arith.constant 80 : i32
          %add3A_611 = arith.addi %add3A_54, %add3A_610 : i32
          %add3A_612 = vector.broadcast %add3A_611 : i32 to vector<16xi32>
          %add3A_613 = arith.addi %add3A_612, %iota3A_176 : vector<16xi32>
          %swap3A_614 = arith.constant 80 : index
          %swap3A_615 = tpu.vector_load %arg15[%swap3A_614] {strides = array<i32>} : memref<128xi32, #tpu.memory_space<vmem>>, vector<16xi32>,
          tpu.vector_store %arg15[%swap3A_614], %add3A_613 {strides = array<i32>} : memref<128xi32, #tpu.memory_space<vmem>>, vector<16xi32>,
          %add3A_616 = arith.constant 96 : i32
          %add3A_617 = arith.addi %add3A_54, %add3A_616 : i32
          %add3A_618 = vector.broadcast %add3A_617 : i32 to vector<16xi32>
          %add3A_619 = arith.addi %add3A_618, %iota3A_176 : vector<16xi32>
          %swap3A_620 = arith.constant 96 : index
          %swap3A_621 = tpu.vector_load %arg15[%swap3A_620] {strides = array<i32>} : memref<128xi32, #tpu.memory_space<vmem>>, vector<16xi32>,
          tpu.vector_store %arg15[%swap3A_620], %add3A_619 {strides = array<i32>} : memref<128xi32, #tpu.memory_space<vmem>>, vector<16xi32>,
          %add3A_622 = arith.constant 112 : i32
          %add3A_623 = arith.addi %add3A_54, %add3A_622 : i32
          %add3A_624 = vector.broadcast %add3A_623 : i32 to vector<16xi32>
          %add3A_625 = arith.addi %add3A_624, %iota3A_176 : vector<16xi32>
          %swap3A_626 = arith.constant 112 : index
          %swap3A_627 = tpu.vector_load %arg15[%swap3A_626] {strides = array<i32>} : memref<128xi32, #tpu.memory_space<vmem>>, vector<16xi32>,
          tpu.vector_store %arg15[%swap3A_626], %add3A_625 {strides = array<i32>} : memref<128xi32, #tpu.memory_space<vmem>>, vector<16xi32>,
        } else {
        }
        %add3A_546 = arith.constant 16 : i32
        %add3A_547 = arith.addi %while3A_538, %add3A_546 : i32
        %gt3A_548 = arith.constant 128 : i32
        %gt3A_549 = arith.cmpi sgt, %add3A_547, %gt3A_548 : i32
        %jit3A_550 = arith.constant 0 : i32
        %select_n3A_551 = arith.select %gt3A_549, %jit3A_550, %while3A_538 : i32
        %mul3A_552 = arith.constant 16 : i32
        %mul3A_553 = arith.muli %while3A_537, %mul3A_552 : i32
        %get3A = arith.index_cast %mul3A_553 : i32 to index
        %get3A_554 = tpu.vector_load %arg11[%get3A] {strides = array<i32>} : memref<16416xi32, #tpu.memory_space<vmem>>, vector<16xi32>,
        %and3A_555 = arith.constant 1023 : i32
        %and3A_556 = vector.broadcast %and3A_555 : i32 to vector<16xi32>
        %and3A_557 = arith.andi %get3A_554, %and3A_556 : vector<16xi32>
        %shift_right_arithmetic3A = arith.constant 10 : i32
        %shift_right_arithmetic3A_558 = vector.broadcast %shift_right_arithmetic3A : i32 to vector<16xi32>
        %shift_right_arithmetic3A_559 = arith.shrsi %get3A_554, %shift_right_arithmetic3A_558 : vector<16xi32>
        %add3A_560 = vector.broadcast %select_n3A_551 : i32 to vector<16xi32>
        %add3A_561 = arith.addi %add3A_560, %iota3A_176 : vector<16xi32>
        %scan3A_562 = arith.constant 0 : i32
        %scan3A_563 = arith.constant 0 : i32
        %scan3A_564 = arith.constant 8 : i32
        %scan3A_565 = arith.addi %scan3A_563, %scan3A_564 : i32
        %scan3A_566 = arith.constant 1 : i32
        scf.for %scan3A_572 = %scan3A_563 to %scan3A_565 step %scan3A_566  : i32 {
          %mul3A_573 = arith.constant 8 : i32
          %mul3A_574 = arith.muli %scan3A_572, %mul3A_573 : i32
          %add3A_575 = arith.constant 0 : i32
          %add3A_576 = arith.addi %mul3A_574, %add3A_575 : i32
          %broadcast_in_dim3A = arith.constant 1 : i32
          %broadcast_in_dim3A_577 = vector.broadcast %broadcast_in_dim3A : i32 to vector<16xi32>
          %mul3A_578 = vector.broadcast %add3A_576 : i32 to vector<16xi32>
          %mul3A_579 = arith.muli %broadcast_in_dim3A_577, %mul3A_578 : vector<16xi32>
          %gather3A = tpu.vector_load_idx %arg12[%mul3A_579, %and3A_557] : memref<64x512xf32, #tpu.memory_space<vmem>>[vector<16xi32>, vector<16xi32>], vector<16xf32>,
          tpu.vector_store_idx %arg14[%add3A_561, %mul3A_579], %gather3A : memref<128x128xf32, #tpu.memory_space<vmem>>[vector<16xi32>, vector<16xi32>], vector<16xf32>,
          %mul3A_580 = arith.constant 8 : i32
          %mul3A_581 = arith.muli %scan3A_572, %mul3A_580 : i32
          %add3A_582 = arith.constant 1 : i32
          %add3A_583 = arith.addi %mul3A_581, %add3A_582 : i32
          %broadcast_in_dim3A_584 = arith.constant 1 : i32
          %broadcast_in_dim3A_585 = vector.broadcast %broadcast_in_dim3A_584 : i32 to vector<16xi32>
          %mul3A_586 = vector.broadcast %add3A_583 : i32 to vector<16xi32>
          %mul3A_587 = arith.muli %broadcast_in_dim3A_585, %mul3A_586 : vector<16xi32>
          %gather3A_588 = tpu.vector_load_idx %arg12[%mul3A_587, %and3A_557] : memref<64x512xf32, #tpu.memory_space<vmem>>[vector<16xi32>, vector<16xi32>], vector<16xf32>,
          tpu.vector_store_idx %arg14[%add3A_561, %mul3A_587], %gather3A_588 : memref<128x128xf32, #tpu.memory_space<vmem>>[vector<16xi32>, vector<16xi32>], vector<16xf32>,
          %mul3A_589 = arith.constant 8 : i32
          %mul3A_590 = arith.muli %scan3A_572, %mul3A_589 : i32
          %add3A_591 = arith.constant 2 : i32
          %add3A_592 = arith.addi %mul3A_590, %add3A_591 : i32
          %broadcast_in_dim3A_593 = arith.constant 1 : i32
          %broadcast_in_dim3A_594 = vector.broadcast %broadcast_in_dim3A_593 : i32 to vector<16xi32>
          %mul3A_595 = vector.broadcast %add3A_592 : i32 to vector<16xi32>
          %mul3A_596 = arith.muli %broadcast_in_dim3A_594, %mul3A_595 : vector<16xi32>
          %gather3A_597 = tpu.vector_load_idx %arg12[%mul3A_596, %and3A_557] : memref<64x512xf32, #tpu.memory_space<vmem>>[vector<16xi32>, vector<16xi32>], vector<16xf32>,
          tpu.vector_store_idx %arg14[%add3A_561, %mul3A_596], %gather3A_597 : memref<128x128xf32, #tpu.memory_space<vmem>>[vector<16xi32>, vector<16xi32>], vector<16xf32>,
          %mul3A_598 = arith.constant 8 : i32
          %mul3A_599 = arith.muli %scan3A_572, %mul3A_598 : i32
          %add3A_600 = arith.constant 3 : i32
          %add3A_601 = arith.addi %mul3A_599, %add3A_600 : i32
          %broadcast_in_dim3A_602 = arith.constant 1 : i32
          %broadcast_in_dim3A_603 = vector.broadcast %broadcast_in_dim3A_602 : i32 to vector<16xi32>
          %mul3A_604 = vector.broadcast %add3A_601 : i32 to vector<16xi32>
          %mul3A_605 = arith.muli %broadcast_in_dim3A_603, %mul3A_604 : vector<16xi32>
          %gather3A_606 = tpu.vector_load_idx %arg12[%mul3A_605, %and3A_557] : memref<64x512xf32, #tpu.memory_space<vmem>>[vector<16xi32>, vector<16xi32>], vector<16xf32>,
          tpu.vector_store_idx %arg14[%add3A_561, %mul3A_605], %gather3A_606 : memref<128x128xf32, #tpu.memory_space<vmem>>[vector<16xi32>, vector<16xi32>], vector<16xf32>,
          %mul3A_607 = arith.constant 8 : i32
          %mul3A_608 = arith.muli %scan3A_572, %mul3A_607 : i32
          %add3A_609 = arith.constant 4 : i32
          %add3A_610 = arith.addi %mul3A_608, %add3A_609 : i32
          %broadcast_in_dim3A_611 = arith.constant 1 : i32
          %broadcast_in_dim3A_612 = vector.broadcast %broadcast_in_dim3A_611 : i32 to vector<16xi32>
          %mul3A_613 = vector.broadcast %add3A_610 : i32 to vector<16xi32>
          %mul3A_614 = arith.muli %broadcast_in_dim3A_612, %mul3A_613 : vector<16xi32>
          %gather3A_615 = tpu.vector_load_idx %arg12[%mul3A_614, %and3A_557] : memref<64x512xf32, #tpu.memory_space<vmem>>[vector<16xi32>, vector<16xi32>], vector<16xf32>,
          tpu.vector_store_idx %arg14[%add3A_561, %mul3A_614], %gather3A_615 : memref<128x128xf32, #tpu.memory_space<vmem>>[vector<16xi32>, vector<16xi32>], vector<16xf32>,
          %mul3A_616 = arith.constant 8 : i32
          %mul3A_617 = arith.muli %scan3A_572, %mul3A_616 : i32
          %add3A_618 = arith.constant 5 : i32
          %add3A_619 = arith.addi %mul3A_617, %add3A_618 : i32
          %broadcast_in_dim3A_620 = arith.constant 1 : i32
          %broadcast_in_dim3A_621 = vector.broadcast %broadcast_in_dim3A_620 : i32 to vector<16xi32>
          %mul3A_622 = vector.broadcast %add3A_619 : i32 to vector<16xi32>
          %mul3A_623 = arith.muli %broadcast_in_dim3A_621, %mul3A_622 : vector<16xi32>
          %gather3A_624 = tpu.vector_load_idx %arg12[%mul3A_623, %and3A_557] : memref<64x512xf32, #tpu.memory_space<vmem>>[vector<16xi32>, vector<16xi32>], vector<16xf32>,
          tpu.vector_store_idx %arg14[%add3A_561, %mul3A_623], %gather3A_624 : memref<128x128xf32, #tpu.memory_space<vmem>>[vector<16xi32>, vector<16xi32>], vector<16xf32>,
          %mul3A_625 = arith.constant 8 : i32
          %mul3A_626 = arith.muli %scan3A_572, %mul3A_625 : i32
          %add3A_627 = arith.constant 6 : i32
          %add3A_628 = arith.addi %mul3A_626, %add3A_627 : i32
          %broadcast_in_dim3A_629 = arith.constant 1 : i32
          %broadcast_in_dim3A_630 = vector.broadcast %broadcast_in_dim3A_629 : i32 to vector<16xi32>
          %mul3A_631 = vector.broadcast %add3A_628 : i32 to vector<16xi32>
          %mul3A_632 = arith.muli %broadcast_in_dim3A_630, %mul3A_631 : vector<16xi32>
          %gather3A_633 = tpu.vector_load_idx %arg12[%mul3A_632, %and3A_557] : memref<64x512xf32, #tpu.memory_space<vmem>>[vector<16xi32>, vector<16xi32>], vector<16xf32>,
          tpu.vector_store_idx %arg14[%add3A_561, %mul3A_632], %gather3A_633 : memref<128x128xf32, #tpu.memory_space<vmem>>[vector<16xi32>, vector<16xi32>], vector<16xf32>,
          %mul3A_634 = arith.constant 8 : i32
          %mul3A_635 = arith.muli %scan3A_572, %mul3A_634 : i32
          %add3A_636 = arith.constant 7 : i32
          %add3A_637 = arith.addi %mul3A_635, %add3A_636 : i32
          %broadcast_in_dim3A_638 = arith.constant 1 : i32
          %broadcast_in_dim3A_639 = vector.broadcast %broadcast_in_dim3A_638 : i32 to vector<16xi32>
          %mul3A_640 = vector.broadcast %add3A_637 : i32 to vector<16xi32>
          %mul3A_641 = arith.muli %broadcast_in_dim3A_639, %mul3A_640 : vector<16xi32>
          %gather3A_642 = tpu.vector_load_idx %arg12[%mul3A_641, %and3A_557] : memref<64x512xf32, #tpu.memory_space<vmem>>[vector<16xi32>, vector<16xi32>], vector<16xf32>,
          tpu.vector_store_idx %arg14[%add3A_561, %mul3A_641], %gather3A_642 : memref<128x128xf32, #tpu.memory_space<vmem>>[vector<16xi32>, vector<16xi32>], vector<16xf32>,
        }
        %scan3A_567 = arith.constant 8 : i32
        %swap3A_568 = arith.index_cast %select_n3A_551 : i32 to index
        %swap3A_569 = tpu.vector_load %arg15[%swap3A_568] {strides = array<i32>} : memref<128xi32, #tpu.memory_space<vmem>>, vector<16xi32>,
        tpu.vector_store %arg15[%swap3A_568], %shift_right_arithmetic3A_559 {strides = array<i32>} : memref<128xi32, #tpu.memory_space<vmem>>, vector<16xi32>,
        %add3A_570 = arith.constant 16 : i32
        %add3A_571 = arith.addi %select_n3A_551, %add3A_570 : i32
        scf.yield %add3A_571 : i32
      }
      %while3A_411 = arith.constant 1 : i32
      %while3A_412 = scf.for %while3A_537 = %while3A_408 to %while3A_404 step %while3A_411 iter_args(%while3A_538 = %while3A_410) -> (i32)  : i32 {
        %add3A_539 = arith.constant 16 : i32
        %add3A_540 = arith.addi %while3A_538, %add3A_539 : i32
        %gt3A_541 = arith.constant 128 : i32
        %gt3A_542 = arith.cmpi sgt, %add3A_540, %gt3A_541 : i32
        %convert_element_type3A_543 = arith.extui %gt3A_542 : i1 to i32
        %cond3A_544 = arith.constant 0 : i32
        %cond3A_545 = arith.cmpi ne, %convert_element_type3A_543, %cond3A_544 : i32
        scf.if %cond3A_545 {
          %dma_start3A = arith.constant 0 : i32
          %dma_start3A_572 = arith.constant 0 : i32
          %dma_start3A_573 = tpu.memref_slice %arg9[%dma_start3A, %dma_start3A_572] : memref<20480x128xf32, #tpu.memory_space<hbm>> -> memref<20480x128xf32, #tpu.memory_space<hbm>>
          tpu.enqueue_indirect_dma source(%arg14 : memref<128x128xf32, #tpu.memory_space<vmem>>) target(%dma_start3A_573 : memref<20480x128xf32, #tpu.memory_space<hbm>>) offsets(%arg15 : memref<128xi32, #tpu.memory_space<vmem>>) semaphore(%arg18 : memref<!tpu.dma_semaphore, #tpu.memory_space<semaphore_mem>>)
          %dma_wait3A_574 = arith.constant 0 : i32
          %dma_wait3A_575 = arith.constant 0 : i32
          %dma_wait3A_576 = tpu.memref_slice %arg9[%dma_wait3A_574, %dma_wait3A_575] : memref<20480x128xf32, #tpu.memory_space<hbm>> -> memref<128x128xf32, #tpu.memory_space<hbm>>
          %dma_wait3A_577 = arith.constant 0 : i32
          %dma_wait3A_578 = arith.constant 0 : i32
          %dma_wait3A_579 = tpu.memref_slice %arg9[%dma_wait3A_577, %dma_wait3A_578] : memref<20480x128xf32, #tpu.memory_space<hbm>> -> memref<128x128xf32, #tpu.memory_space<hbm>>
          tpu.wait_dma2 semaphore(%arg18 : memref<!tpu.dma_semaphore, #tpu.memory_space<semaphore_mem>>) src(%dma_wait3A_579 : memref<128x128xf32, #tpu.memory_space<hbm>>) dst(%arg14 : memref<128x128xf32, #tpu.memory_space<vmem>>)
          %add3A_580 = arith.constant 0 : i32
          %add3A_581 = arith.addi %add3A_54, %add3A_580 : i32
          %add3A_582 = vector.broadcast %add3A_581 : i32 to vector<16xi32>
          %add3A_583 = arith.addi %add3A_582, %iota3A_176 : vector<16xi32>
          %swap3A_584 = arith.constant 0 : index
          %swap3A_585 = tpu.vector_load %arg15[%swap3A_584] {strides = array<i32>} : memref<128xi32, #tpu.memory_space<vmem>>, vector<16xi32>,
          tpu.vector_store %arg15[%swap3A_584], %add3A_583 {strides = array<i32>} : memref<128xi32, #tpu.memory_space<vmem>>, vector<16xi32>,
          %add3A_586 = arith.constant 16 : i32
          %add3A_587 = arith.addi %add3A_54, %add3A_586 : i32
          %add3A_588 = vector.broadcast %add3A_587 : i32 to vector<16xi32>
          %add3A_589 = arith.addi %add3A_588, %iota3A_176 : vector<16xi32>
          %swap3A_590 = arith.constant 16 : index
          %swap3A_591 = tpu.vector_load %arg15[%swap3A_590] {strides = array<i32>} : memref<128xi32, #tpu.memory_space<vmem>>, vector<16xi32>,
          tpu.vector_store %arg15[%swap3A_590], %add3A_589 {strides = array<i32>} : memref<128xi32, #tpu.memory_space<vmem>>, vector<16xi32>,
          %add3A_592 = arith.constant 32 : i32
          %add3A_593 = arith.addi %add3A_54, %add3A_592 : i32
          %add3A_594 = vector.broadcast %add3A_593 : i32 to vector<16xi32>
          %add3A_595 = arith.addi %add3A_594, %iota3A_176 : vector<16xi32>
          %swap3A_596 = arith.constant 32 : index
          %swap3A_597 = tpu.vector_load %arg15[%swap3A_596] {strides = array<i32>} : memref<128xi32, #tpu.memory_space<vmem>>, vector<16xi32>,
          tpu.vector_store %arg15[%swap3A_596], %add3A_595 {strides = array<i32>} : memref<128xi32, #tpu.memory_space<vmem>>, vector<16xi32>,
          %add3A_598 = arith.constant 48 : i32
          %add3A_599 = arith.addi %add3A_54, %add3A_598 : i32
          %add3A_600 = vector.broadcast %add3A_599 : i32 to vector<16xi32>
          %add3A_601 = arith.addi %add3A_600, %iota3A_176 : vector<16xi32>
          %swap3A_602 = arith.constant 48 : index
          %swap3A_603 = tpu.vector_load %arg15[%swap3A_602] {strides = array<i32>} : memref<128xi32, #tpu.memory_space<vmem>>, vector<16xi32>,
          tpu.vector_store %arg15[%swap3A_602], %add3A_601 {strides = array<i32>} : memref<128xi32, #tpu.memory_space<vmem>>, vector<16xi32>,
          %add3A_604 = arith.constant 64 : i32
          %add3A_605 = arith.addi %add3A_54, %add3A_604 : i32
          %add3A_606 = vector.broadcast %add3A_605 : i32 to vector<16xi32>
          %add3A_607 = arith.addi %add3A_606, %iota3A_176 : vector<16xi32>
          %swap3A_608 = arith.constant 64 : index
          %swap3A_609 = tpu.vector_load %arg15[%swap3A_608] {strides = array<i32>} : memref<128xi32, #tpu.memory_space<vmem>>, vector<16xi32>,
          tpu.vector_store %arg15[%swap3A_608], %add3A_607 {strides = array<i32>} : memref<128xi32, #tpu.memory_space<vmem>>, vector<16xi32>,
          %add3A_610 = arith.constant 80 : i32
          %add3A_611 = arith.addi %add3A_54, %add3A_610 : i32
          %add3A_612 = vector.broadcast %add3A_611 : i32 to vector<16xi32>
          %add3A_613 = arith.addi %add3A_612, %iota3A_176 : vector<16xi32>
          %swap3A_614 = arith.constant 80 : index
          %swap3A_615 = tpu.vector_load %arg15[%swap3A_614] {strides = array<i32>} : memref<128xi32, #tpu.memory_space<vmem>>, vector<16xi32>,
          tpu.vector_store %arg15[%swap3A_614], %add3A_613 {strides = array<i32>} : memref<128xi32, #tpu.memory_space<vmem>>, vector<16xi32>,
          %add3A_616 = arith.constant 96 : i32
          %add3A_617 = arith.addi %add3A_54, %add3A_616 : i32
          %add3A_618 = vector.broadcast %add3A_617 : i32 to vector<16xi32>
          %add3A_619 = arith.addi %add3A_618, %iota3A_176 : vector<16xi32>
          %swap3A_620 = arith.constant 96 : index
          %swap3A_621 = tpu.vector_load %arg15[%swap3A_620] {strides = array<i32>} : memref<128xi32, #tpu.memory_space<vmem>>, vector<16xi32>,
          tpu.vector_store %arg15[%swap3A_620], %add3A_619 {strides = array<i32>} : memref<128xi32, #tpu.memory_space<vmem>>, vector<16xi32>,
          %add3A_622 = arith.constant 112 : i32
          %add3A_623 = arith.addi %add3A_54, %add3A_622 : i32
          %add3A_624 = vector.broadcast %add3A_623 : i32 to vector<16xi32>
          %add3A_625 = arith.addi %add3A_624, %iota3A_176 : vector<16xi32>
          %swap3A_626 = arith.constant 112 : index
          %swap3A_627 = tpu.vector_load %arg15[%swap3A_626] {strides = array<i32>} : memref<128xi32, #tpu.memory_space<vmem>>, vector<16xi32>,
          tpu.vector_store %arg15[%swap3A_626], %add3A_625 {strides = array<i32>} : memref<128xi32, #tpu.memory_space<vmem>>, vector<16xi32>,
        } else {
        }
        %add3A_546 = arith.constant 16 : i32
        %add3A_547 = arith.addi %while3A_538, %add3A_546 : i32
        %gt3A_548 = arith.constant 128 : i32
        %gt3A_549 = arith.cmpi sgt, %add3A_547, %gt3A_548 : i32
        %jit3A_550 = arith.constant 0 : i32
        %select_n3A_551 = arith.select %gt3A_549, %jit3A_550, %while3A_538 : i32
        %mul3A_552 = arith.constant 16 : i32
        %mul3A_553 = arith.muli %while3A_537, %mul3A_552 : i32
        %get3A = arith.index_cast %mul3A_553 : i32 to index
        %get3A_554 = tpu.vector_load %arg11[%get3A] {strides = array<i32>} : memref<16416xi32, #tpu.memory_space<vmem>>, vector<16xi32>,
        %and3A_555 = arith.constant 1023 : i32
        %and3A_556 = vector.broadcast %and3A_555 : i32 to vector<16xi32>
        %and3A_557 = arith.andi %get3A_554, %and3A_556 : vector<16xi32>
        %shift_right_arithmetic3A = arith.constant 10 : i32
        %shift_right_arithmetic3A_558 = vector.broadcast %shift_right_arithmetic3A : i32 to vector<16xi32>
        %shift_right_arithmetic3A_559 = arith.shrsi %get3A_554, %shift_right_arithmetic3A_558 : vector<16xi32>
        %add3A_560 = vector.broadcast %select_n3A_551 : i32 to vector<16xi32>
        %add3A_561 = arith.addi %add3A_560, %iota3A_176 : vector<16xi32>
        %scan3A_562 = arith.constant 0 : i32
        %scan3A_563 = arith.constant 0 : i32
        %scan3A_564 = arith.constant 8 : i32
        %scan3A_565 = arith.addi %scan3A_563, %scan3A_564 : i32
        %scan3A_566 = arith.constant 1 : i32
        scf.for %scan3A_572 = %scan3A_563 to %scan3A_565 step %scan3A_566  : i32 {
          %mul3A_573 = arith.constant 8 : i32
          %mul3A_574 = arith.muli %scan3A_572, %mul3A_573 : i32
          %add3A_575 = arith.constant 0 : i32
          %add3A_576 = arith.addi %mul3A_574, %add3A_575 : i32
          %broadcast_in_dim3A = arith.constant 1 : i32
          %broadcast_in_dim3A_577 = vector.broadcast %broadcast_in_dim3A : i32 to vector<16xi32>
          %mul3A_578 = vector.broadcast %add3A_576 : i32 to vector<16xi32>
          %mul3A_579 = arith.muli %broadcast_in_dim3A_577, %mul3A_578 : vector<16xi32>
          %gather3A = tpu.vector_load_idx %arg12[%mul3A_579, %and3A_557] : memref<64x512xf32, #tpu.memory_space<vmem>>[vector<16xi32>, vector<16xi32>], vector<16xf32>,
          tpu.vector_store_idx %arg14[%add3A_561, %mul3A_579], %gather3A : memref<128x128xf32, #tpu.memory_space<vmem>>[vector<16xi32>, vector<16xi32>], vector<16xf32>,
          %mul3A_580 = arith.constant 8 : i32
          %mul3A_581 = arith.muli %scan3A_572, %mul3A_580 : i32
          %add3A_582 = arith.constant 1 : i32
          %add3A_583 = arith.addi %mul3A_581, %add3A_582 : i32
          %broadcast_in_dim3A_584 = arith.constant 1 : i32
          %broadcast_in_dim3A_585 = vector.broadcast %broadcast_in_dim3A_584 : i32 to vector<16xi32>
          %mul3A_586 = vector.broadcast %add3A_583 : i32 to vector<16xi32>
          %mul3A_587 = arith.muli %broadcast_in_dim3A_585, %mul3A_586 : vector<16xi32>
          %gather3A_588 = tpu.vector_load_idx %arg12[%mul3A_587, %and3A_557] : memref<64x512xf32, #tpu.memory_space<vmem>>[vector<16xi32>, vector<16xi32>], vector<16xf32>,
          tpu.vector_store_idx %arg14[%add3A_561, %mul3A_587], %gather3A_588 : memref<128x128xf32, #tpu.memory_space<vmem>>[vector<16xi32>, vector<16xi32>], vector<16xf32>,
          %mul3A_589 = arith.constant 8 : i32
          %mul3A_590 = arith.muli %scan3A_572, %mul3A_589 : i32
          %add3A_591 = arith.constant 2 : i32
          %add3A_592 = arith.addi %mul3A_590, %add3A_591 : i32
          %broadcast_in_dim3A_593 = arith.constant 1 : i32
          %broadcast_in_dim3A_594 = vector.broadcast %broadcast_in_dim3A_593 : i32 to vector<16xi32>
          %mul3A_595 = vector.broadcast %add3A_592 : i32 to vector<16xi32>
          %mul3A_596 = arith.muli %broadcast_in_dim3A_594, %mul3A_595 : vector<16xi32>
          %gather3A_597 = tpu.vector_load_idx %arg12[%mul3A_596, %and3A_557] : memref<64x512xf32, #tpu.memory_space<vmem>>[vector<16xi32>, vector<16xi32>], vector<16xf32>,
          tpu.vector_store_idx %arg14[%add3A_561, %mul3A_596], %gather3A_597 : memref<128x128xf32, #tpu.memory_space<vmem>>[vector<16xi32>, vector<16xi32>], vector<16xf32>,
          %mul3A_598 = arith.constant 8 : i32
          %mul3A_599 = arith.muli %scan3A_572, %mul3A_598 : i32
          %add3A_600 = arith.constant 3 : i32
          %add3A_601 = arith.addi %mul3A_599, %add3A_600 : i32
          %broadcast_in_dim3A_602 = arith.constant 1 : i32
          %broadcast_in_dim3A_603 = vector.broadcast %broadcast_in_dim3A_602 : i32 to vector<16xi32>
          %mul3A_604 = vector.broadcast %add3A_601 : i32 to vector<16xi32>
          %mul3A_605 = arith.muli %broadcast_in_dim3A_603, %mul3A_604 : vector<16xi32>
          %gather3A_606 = tpu.vector_load_idx %arg12[%mul3A_605, %and3A_557] : memref<64x512xf32, #tpu.memory_space<vmem>>[vector<16xi32>, vector<16xi32>], vector<16xf32>,
          tpu.vector_store_idx %arg14[%add3A_561, %mul3A_605], %gather3A_606 : memref<128x128xf32, #tpu.memory_space<vmem>>[vector<16xi32>, vector<16xi32>], vector<16xf32>,
          %mul3A_607 = arith.constant 8 : i32
          %mul3A_608 = arith.muli %scan3A_572, %mul3A_607 : i32
          %add3A_609 = arith.constant 4 : i32
          %add3A_610 = arith.addi %mul3A_608, %add3A_609 : i32
          %broadcast_in_dim3A_611 = arith.constant 1 : i32
          %broadcast_in_dim3A_612 = vector.broadcast %broadcast_in_dim3A_611 : i32 to vector<16xi32>
          %mul3A_613 = vector.broadcast %add3A_610 : i32 to vector<16xi32>
          %mul3A_614 = arith.muli %broadcast_in_dim3A_612, %mul3A_613 : vector<16xi32>
          %gather3A_615 = tpu.vector_load_idx %arg12[%mul3A_614, %and3A_557] : memref<64x512xf32, #tpu.memory_space<vmem>>[vector<16xi32>, vector<16xi32>], vector<16xf32>,
          tpu.vector_store_idx %arg14[%add3A_561, %mul3A_614], %gather3A_615 : memref<128x128xf32, #tpu.memory_space<vmem>>[vector<16xi32>, vector<16xi32>], vector<16xf32>,
          %mul3A_616 = arith.constant 8 : i32
          %mul3A_617 = arith.muli %scan3A_572, %mul3A_616 : i32
          %add3A_618 = arith.constant 5 : i32
          %add3A_619 = arith.addi %mul3A_617, %add3A_618 : i32
          %broadcast_in_dim3A_620 = arith.constant 1 : i32
          %broadcast_in_dim3A_621 = vector.broadcast %broadcast_in_dim3A_620 : i32 to vector<16xi32>
          %mul3A_622 = vector.broadcast %add3A_619 : i32 to vector<16xi32>
          %mul3A_623 = arith.muli %broadcast_in_dim3A_621, %mul3A_622 : vector<16xi32>
          %gather3A_624 = tpu.vector_load_idx %arg12[%mul3A_623, %and3A_557] : memref<64x512xf32, #tpu.memory_space<vmem>>[vector<16xi32>, vector<16xi32>], vector<16xf32>,
          tpu.vector_store_idx %arg14[%add3A_561, %mul3A_623], %gather3A_624 : memref<128x128xf32, #tpu.memory_space<vmem>>[vector<16xi32>, vector<16xi32>], vector<16xf32>,
          %mul3A_625 = arith.constant 8 : i32
          %mul3A_626 = arith.muli %scan3A_572, %mul3A_625 : i32
          %add3A_627 = arith.constant 6 : i32
          %add3A_628 = arith.addi %mul3A_626, %add3A_627 : i32
          %broadcast_in_dim3A_629 = arith.constant 1 : i32
          %broadcast_in_dim3A_630 = vector.broadcast %broadcast_in_dim3A_629 : i32 to vector<16xi32>
          %mul3A_631 = vector.broadcast %add3A_628 : i32 to vector<16xi32>
          %mul3A_632 = arith.muli %broadcast_in_dim3A_630, %mul3A_631 : vector<16xi32>
          %gather3A_633 = tpu.vector_load_idx %arg12[%mul3A_632, %and3A_557] : memref<64x512xf32, #tpu.memory_space<vmem>>[vector<16xi32>, vector<16xi32>], vector<16xf32>,
          tpu.vector_store_idx %arg14[%add3A_561, %mul3A_632], %gather3A_633 : memref<128x128xf32, #tpu.memory_space<vmem>>[vector<16xi32>, vector<16xi32>], vector<16xf32>,
          %mul3A_634 = arith.constant 8 : i32
          %mul3A_635 = arith.muli %scan3A_572, %mul3A_634 : i32
          %add3A_636 = arith.constant 7 : i32
          %add3A_637 = arith.addi %mul3A_635, %add3A_636 : i32
          %broadcast_in_dim3A_638 = arith.constant 1 : i32
          %broadcast_in_dim3A_639 = vector.broadcast %broadcast_in_dim3A_638 : i32 to vector<16xi32>
          %mul3A_640 = vector.broadcast %add3A_637 : i32 to vector<16xi32>
          %mul3A_641 = arith.muli %broadcast_in_dim3A_639, %mul3A_640 : vector<16xi32>
          %gather3A_642 = tpu.vector_load_idx %arg12[%mul3A_641, %and3A_557] : memref<64x512xf32, #tpu.memory_space<vmem>>[vector<16xi32>, vector<16xi32>], vector<16xf32>,
          tpu.vector_store_idx %arg14[%add3A_561, %mul3A_641], %gather3A_642 : memref<128x128xf32, #tpu.memory_space<vmem>>[vector<16xi32>, vector<16xi32>], vector<16xf32>,
        }
        %scan3A_567 = arith.constant 8 : i32
        %swap3A_568 = arith.index_cast %select_n3A_551 : i32 to index
        %swap3A_569 = tpu.vector_load %arg15[%swap3A_568] {strides = array<i32>} : memref<128xi32, #tpu.memory_space<vmem>>, vector<16xi32>,
        tpu.vector_store %arg15[%swap3A_568], %shift_right_arithmetic3A_559 {strides = array<i32>} : memref<128xi32, #tpu.memory_space<vmem>>, vector<16xi32>,
        %add3A_570 = arith.constant 16 : i32
        %add3A_571 = arith.addi %select_n3A_551, %add3A_570 : i32
        scf.yield %add3A_571 : i32
      }
      %gt3A_413 = arith.constant 112 : i32
      %gt3A_414 = arith.cmpi sgt, %while3A_412, %gt3A_413 : i32
      %convert_element_type3A_415 = arith.extui %gt3A_414 : i1 to i32
      %cond3A_416 = arith.constant 0 : i32
      %cond3A_417 = arith.cmpi ne, %convert_element_type3A_415, %cond3A_416 : i32
      scf.if %cond3A_417 {
        %dma_start3A = arith.constant 0 : i32
        %dma_start3A_537 = arith.constant 0 : i32
        %dma_start3A_538 = tpu.memref_slice %arg9[%dma_start3A, %dma_start3A_537] : memref<20480x128xf32, #tpu.memory_space<hbm>> -> memref<20480x128xf32, #tpu.memory_space<hbm>>
        tpu.enqueue_indirect_dma source(%arg14 : memref<128x128xf32, #tpu.memory_space<vmem>>) target(%dma_start3A_538 : memref<20480x128xf32, #tpu.memory_space<hbm>>) offsets(%arg15 : memref<128xi32, #tpu.memory_space<vmem>>) semaphore(%arg18 : memref<!tpu.dma_semaphore, #tpu.memory_space<semaphore_mem>>)
      } else {
      }
      %jit3A_418 = arith.constant 0 : i32
      %select_n3A_419 = arith.select %gt3A_414, %jit3A_418, %while3A_412 : i32
      %jit3A_420 = arith.constant 1 : i32
      %jit3A_421 = arith.constant 0 : i32
      %select_n3A_422 = arith.select %gt3A_414, %jit3A_420, %jit3A_421 : i32
      %add3A_423 = arith.constant 2 : i32
      %add3A_424 = arith.addi %mul3A_311, %add3A_423 : i32
      %min3A_425 = arith.constant 61 : i32
      %min3A_426 = arith.minsi %add3A_424, %min3A_425 : i32
      %mul3A_427 = arith.constant 512 : i32
      %mul3A_428 = arith.muli %min3A_426, %mul3A_427 : i32
      %add3A_429 = arith.addi %mul3A_20, %mul3A_428 : i32
      %add3A_430 = arith.constant 512 : i32
      %add3A_431 = arith.addi %add3A_429, %add3A_430 : i32
      %gt3A_432 = arith.constant 1000000 : i32
      %gt3A_433 = arith.cmpi sgt, %add3A_431, %gt3A_432 : i32
      %convert_element_type3A_434 = arith.extui %gt3A_433 : i1 to i32
      %cond3A_435 = arith.constant 0 : i32
      %cond3A_436 = arith.cmpi ne, %convert_element_type3A_434, %cond3A_435 : i32
      scf.if %cond3A_436 {
        tpu.enqueue_dma source(%arg7 : memref<64x512xf32, #tpu.memory_space<hbm>>) target(%arg12 : memref<64x512xf32, #tpu.memory_space<vmem>>) target_semaphore(%arg16 : memref<!tpu.dma_semaphore, #tpu.memory_space<semaphore_mem>>)
      } else {
      }
      %not3A_437 = arith.constant true
      %not3A_438 = arith.xori %gt3A_433, %not3A_437 : i1
      %convert_element_type3A_439 = arith.extui %not3A_438 : i1 to i32
      %cond3A_440 = arith.constant 0 : i32
      %cond3A_441 = arith.cmpi ne, %convert_element_type3A_439, %cond3A_440 : i32
      scf.if %cond3A_441 {
        %multiple_of3A = tpu.assume_multiple %add3A_429, 128 : i32
        %dma_start3A = arith.constant 0 : i32
        %dma_start3A_537 = tpu.memref_slice %arg5[%dma_start3A, %multiple_of3A] : memref<64x1000000xf32, #tpu.memory_space<hbm>> -> memref<64x512xf32, #tpu.memory_space<hbm>>
        %dma_start3A_538 = arith.constant 0 : i32
        %dma_start3A_539 = tpu.memref_slice %arg5[%dma_start3A_538, %multiple_of3A] : memref<64x1000000xf32, #tpu.memory_space<hbm>> -> memref<64x512xf32, #tpu.memory_space<hbm>>
        tpu.enqueue_dma source(%dma_start3A_539 : memref<64x512xf32, #tpu.memory_space<hbm>>) target(%arg12 : memref<64x512xf32, #tpu.memory_space<vmem>>) target_semaphore(%arg16 : memref<!tpu.dma_semaphore, #tpu.memory_space<semaphore_mem>>)
      } else {
      }
      %add3A_442 = arith.constant 1 : i32
      %add3A_443 = arith.addi %mul3A_311, %add3A_442 : i32
      %mul3A_444 = arith.constant 512 : i32
      %mul3A_445 = arith.muli %add3A_443, %mul3A_444 : i32
      %add3A_446 = arith.addi %mul3A_20, %mul3A_445 : i32
      %add3A_447 = arith.constant 512 : i32
      %add3A_448 = arith.addi %add3A_446, %add3A_447 : i32
      %gt3A_449 = arith.constant 1000000 : i32
      %gt3A_450 = arith.cmpi sgt, %add3A_448, %gt3A_449 : i32
      %sub3A_451 = arith.constant 999488 : i32
      %sub3A_452 = arith.subi %sub3A_451, %mul3A_20 : i32
      %mul3A_453 = arith.constant 512 : i32
      %mul3A_454 = arith.muli %add3A_443, %mul3A_453 : i32
      %select_n3A_455 = arith.select %gt3A_450, %sub3A_452, %mul3A_454 : i32
      %dma_wait3A_456 = arith.constant 0 : i32
      %dma_wait3A_457 = arith.constant 0 : i32
      %dma_wait3A_458 = tpu.memref_slice %arg5[%dma_wait3A_456, %dma_wait3A_457] : memref<64x1000000xf32, #tpu.memory_space<hbm>> -> memref<64x512xf32, #tpu.memory_space<hbm>>
      %dma_wait3A_459 = arith.constant 0 : i32
      %dma_wait3A_460 = arith.constant 0 : i32
      %dma_wait3A_461 = tpu.memref_slice %arg5[%dma_wait3A_459, %dma_wait3A_460] : memref<64x1000000xf32, #tpu.memory_space<hbm>> -> memref<64x512xf32, #tpu.memory_space<hbm>>
      tpu.wait_dma2 semaphore(%arg17 : memref<!tpu.dma_semaphore, #tpu.memory_space<semaphore_mem>>) src(%dma_wait3A_461 : memref<64x512xf32, #tpu.memory_space<hbm>>) dst(%arg13 : memref<64x512xf32, #tpu.memory_space<vmem>>)
      %while3A_462 = arith.constant 0 : i32
      %while3A_463 = arith.constant 0 : i32
      %while3A_464 = arith.subi %select_n3A_264, %while3A_462 : i32
      %while3A_465 = arith.addi %while3A_462, %while3A_464 : i32
      %while3A_466 = arith.constant 1 : i32
      %while3A_467 = arith.divsi %while3A_464, %while3A_466 : i32
      %while3A_468 = arith.muli %while3A_467, %while3A_466 : i32
      %while3A_469 = arith.addi %while3A_462, %while3A_468 : i32
      %while3A_470 = arith.constant 1 : i32
      %while3A_471 = scf.for %while3A_537 = %while3A_462 to %while3A_469 step %while3A_470 iter_args(%while3A_538 = %while3A_463) -> (i32)  : i32 {
        %mul3A_539 = arith.constant 16 : i32
        %mul3A_540 = arith.muli %while3A_537, %mul3A_539 : i32
        %get3A = arith.index_cast %mul3A_540 : i32 to index
        %get3A_541 = tpu.vector_load %arg10[%get3A] {strides = array<i32>} : memref<16416xi32, #tpu.memory_space<vmem>>, vector<16xi32>,
        %and3A_542 = arith.constant 32767 : i32
        %and3A_543 = vector.broadcast %and3A_542 : i32 to vector<16xi32>
        %and3A_544 = arith.andi %get3A_541, %and3A_543 : vector<16xi32>
        %sub3A_545 = vector.broadcast %select_n3A_455 : i32 to vector<16xi32>
        %sub3A_546 = arith.subi %and3A_544, %sub3A_545 : vector<16xi32>
        %ge3A = arith.constant 0 : i32
        %ge3A_547 = vector.broadcast %ge3A : i32 to vector<16xi32>
        %ge3A_548 = arith.cmpi sge, %sub3A_546, %ge3A_547 : vector<16xi32>
        %lt3A = arith.constant 512 : i32
        %lt3A_549 = vector.broadcast %lt3A : i32 to vector<16xi32>
        %lt3A_550 = arith.cmpi slt, %sub3A_546, %lt3A_549 : vector<16xi32>
        %and3A_551 = arith.andi %ge3A_548, %lt3A_550 : vector<16xi1>
        %convert_element_type3A_552 = arith.extui %and3A_551 : vector<16xi1> to vector<16xi32>
        %broadcast_in_dim3A = arith.constant true
        %broadcast_in_dim3A_553 = vector.broadcast %broadcast_in_dim3A : i1 to vector<16xi1>
        %masked_cumsum3A = tpu.scan <sum>, %convert_element_type3A_552 masked %broadcast_in_dim3A_553 : vector<16xi32>, vector<16xi1> -> vector<16xi32>
        %add3A_554 = vector.broadcast %while3A_538 : i32 to vector<16xi32>
        %add3A_555 = arith.addi %add3A_554, %masked_cumsum3A : vector<16xi32>
        %sub3A_556 = arith.constant 1 : i32
        %sub3A_557 = vector.broadcast %sub3A_556 : i32 to vector<16xi32>
        %sub3A_558 = arith.subi %add3A_555, %sub3A_557 : vector<16xi32>
        %jit3A_559 = arith.constant 16415 : i32
        %broadcast_in_dim3A_560 = vector.broadcast %jit3A_559 : i32 to vector<16xi32>
        %select_n3A_561 = arith.select %and3A_551, %sub3A_558, %broadcast_in_dim3A_560 : vector<16xi1>, vector<16xi32>
        %shift_right_arithmetic3A = arith.constant 15 : i32
        %shift_right_arithmetic3A_562 = vector.broadcast %shift_right_arithmetic3A : i32 to vector<16xi32>
        %shift_right_arithmetic3A_563 = arith.shrsi %get3A_541, %shift_right_arithmetic3A_562 : vector<16xi32>
        %shift_left3A_564 = arith.constant 10 : i32
        %shift_left3A_565 = vector.broadcast %shift_left3A_564 : i32 to vector<16xi32>
        %shift_left3A_566 = arith.shli %shift_right_arithmetic3A_563, %shift_left3A_565 : vector<16xi32>
        %jit3A_567 = arith.constant 0 : i32
        %broadcast_in_dim3A_568 = vector.broadcast %jit3A_567 : i32 to vector<16xi32>
        %select_n3A_569 = arith.select %and3A_551, %sub3A_546, %broadcast_in_dim3A_568 : vector<16xi1>, vector<16xi32>
        %or3A = arith.ori %shift_left3A_566, %select_n3A_569 : vector<16xi32>
        tpu.vector_store_idx %arg11[%select_n3A_561], %or3A : memref<16416xi32, #tpu.memory_space<vmem>>[vector<16xi32>], vector<16xi32>,
        %reduce_max3A = arith.constant true
        %reduce_max3A_570 = vector.broadcast %reduce_max3A : i1 to vector<16xi1>
        %reduce_max3A_571 = arith.constant -2147483648 : i32
        %reduce_max3A_572 = vector.broadcast %reduce_max3A_571 : i32 to vector<16xi32>
        %reduce_max3A_573 = arith.xori %masked_cumsum3A, %reduce_max3A_572 : vector<16xi32>
        %reduce_max3A_574 = tpu.scan <max>, %reduce_max3A_573 masked %reduce_max3A_570 : vector<16xi32>, vector<16xi1> -> vector<16xi32>
        %reduce_max3A_575 = arith.xori %reduce_max3A_574, %reduce_max3A_572 : vector<16xi32>
        %reduce_max3A_576 = vector.extract %reduce_max3A_575[15] : i32 from vector<16xi32>
        %add3A_577 = arith.addi %while3A_538, %reduce_max3A_576 : i32
        scf.yield %add3A_577 : i32
      }
      %while3A_472 = arith.constant 1 : i32
      %while3A_473 = scf.for %while3A_537 = %while3A_469 to %while3A_465 step %while3A_472 iter_args(%while3A_538 = %while3A_471) -> (i32)  : i32 {
        %mul3A_539 = arith.constant 16 : i32
        %mul3A_540 = arith.muli %while3A_537, %mul3A_539 : i32
        %get3A = arith.index_cast %mul3A_540 : i32 to index
        %get3A_541 = tpu.vector_load %arg10[%get3A] {strides = array<i32>} : memref<16416xi32, #tpu.memory_space<vmem>>, vector<16xi32>,
        %and3A_542 = arith.constant 32767 : i32
        %and3A_543 = vector.broadcast %and3A_542 : i32 to vector<16xi32>
        %and3A_544 = arith.andi %get3A_541, %and3A_543 : vector<16xi32>
        %sub3A_545 = vector.broadcast %select_n3A_455 : i32 to vector<16xi32>
        %sub3A_546 = arith.subi %and3A_544, %sub3A_545 : vector<16xi32>
        %ge3A = arith.constant 0 : i32
        %ge3A_547 = vector.broadcast %ge3A : i32 to vector<16xi32>
        %ge3A_548 = arith.cmpi sge, %sub3A_546, %ge3A_547 : vector<16xi32>
        %lt3A = arith.constant 512 : i32
        %lt3A_549 = vector.broadcast %lt3A : i32 to vector<16xi32>
        %lt3A_550 = arith.cmpi slt, %sub3A_546, %lt3A_549 : vector<16xi32>
        %and3A_551 = arith.andi %ge3A_548, %lt3A_550 : vector<16xi1>
        %convert_element_type3A_552 = arith.extui %and3A_551 : vector<16xi1> to vector<16xi32>
        %broadcast_in_dim3A = arith.constant true
        %broadcast_in_dim3A_553 = vector.broadcast %broadcast_in_dim3A : i1 to vector<16xi1>
        %masked_cumsum3A = tpu.scan <sum>, %convert_element_type3A_552 masked %broadcast_in_dim3A_553 : vector<16xi32>, vector<16xi1> -> vector<16xi32>
        %add3A_554 = vector.broadcast %while3A_538 : i32 to vector<16xi32>
        %add3A_555 = arith.addi %add3A_554, %masked_cumsum3A : vector<16xi32>
        %sub3A_556 = arith.constant 1 : i32
        %sub3A_557 = vector.broadcast %sub3A_556 : i32 to vector<16xi32>
        %sub3A_558 = arith.subi %add3A_555, %sub3A_557 : vector<16xi32>
        %jit3A_559 = arith.constant 16415 : i32
        %broadcast_in_dim3A_560 = vector.broadcast %jit3A_559 : i32 to vector<16xi32>
        %select_n3A_561 = arith.select %and3A_551, %sub3A_558, %broadcast_in_dim3A_560 : vector<16xi1>, vector<16xi32>
        %shift_right_arithmetic3A = arith.constant 15 : i32
        %shift_right_arithmetic3A_562 = vector.broadcast %shift_right_arithmetic3A : i32 to vector<16xi32>
        %shift_right_arithmetic3A_563 = arith.shrsi %get3A_541, %shift_right_arithmetic3A_562 : vector<16xi32>
        %shift_left3A_564 = arith.constant 10 : i32
        %shift_left3A_565 = vector.broadcast %shift_left3A_564 : i32 to vector<16xi32>
        %shift_left3A_566 = arith.shli %shift_right_arithmetic3A_563, %shift_left3A_565 : vector<16xi32>
        %jit3A_567 = arith.constant 0 : i32
        %broadcast_in_dim3A_568 = vector.broadcast %jit3A_567 : i32 to vector<16xi32>
        %select_n3A_569 = arith.select %and3A_551, %sub3A_546, %broadcast_in_dim3A_568 : vector<16xi1>, vector<16xi32>
        %or3A = arith.ori %shift_left3A_566, %select_n3A_569 : vector<16xi32>
        tpu.vector_store_idx %arg11[%select_n3A_561], %or3A : memref<16416xi32, #tpu.memory_space<vmem>>[vector<16xi32>], vector<16xi32>,
        %reduce_max3A = arith.constant true
        %reduce_max3A_570 = vector.broadcast %reduce_max3A : i1 to vector<16xi1>
        %reduce_max3A_571 = arith.constant -2147483648 : i32
        %reduce_max3A_572 = vector.broadcast %reduce_max3A_571 : i32 to vector<16xi32>
        %reduce_max3A_573 = arith.xori %masked_cumsum3A, %reduce_max3A_572 : vector<16xi32>
        %reduce_max3A_574 = tpu.scan <max>, %reduce_max3A_573 masked %reduce_max3A_570 : vector<16xi32>, vector<16xi1> -> vector<16xi32>
        %reduce_max3A_575 = arith.xori %reduce_max3A_574, %reduce_max3A_572 : vector<16xi32>
        %reduce_max3A_576 = vector.extract %reduce_max3A_575[15] : i32 from vector<16xi32>
        %add3A_577 = arith.addi %while3A_538, %reduce_max3A_576 : i32
        scf.yield %add3A_577 : i32
      }
      %add3A_474 = vector.broadcast %add3A_54 : i32 to vector<16xi32>
      %add3A_475 = arith.addi %add3A_474, %iota3A_176 : vector<16xi32>
      %shift_left3A_476 = arith.constant 10 : i32
      %shift_left3A_477 = vector.broadcast %shift_left3A_476 : i32 to vector<16xi32>
      %shift_left3A_478 = arith.shli %add3A_475, %shift_left3A_477 : vector<16xi32>
      %swap3A_479 = arith.index_cast %while3A_473 : i32 to index
      %swap3A_480 = tpu.vector_load %arg11[%swap3A_479] {strides = array<i32>} : memref<16416xi32, #tpu.memory_space<vmem>>, vector<16xi32>,
      tpu.vector_store %arg11[%swap3A_479], %shift_left3A_478 {strides = array<i32>} : memref<16416xi32, #tpu.memory_space<vmem>>, vector<16xi32>,
      %gt3A_481 = arith.constant 0 : i32
      %gt3A_482 = arith.cmpi sgt, %select_n3A_422, %gt3A_481 : i32
      %convert_element_type3A_483 = arith.extui %gt3A_482 : i1 to i32
      %cond3A_484 = arith.constant 0 : i32
      %cond3A_485 = arith.cmpi ne, %convert_element_type3A_483, %cond3A_484 : i32
      scf.if %cond3A_485 {
        %dma_wait3A_537 = arith.constant 0 : i32
        %dma_wait3A_538 = arith.constant 0 : i32
        %dma_wait3A_539 = tpu.memref_slice %arg9[%dma_wait3A_537, %dma_wait3A_538] : memref<20480x128xf32, #tpu.memory_space<hbm>> -> memref<128x128xf32, #tpu.memory_space<hbm>>
        %dma_wait3A_540 = arith.constant 0 : i32
        %dma_wait3A_541 = arith.constant 0 : i32
        %dma_wait3A_542 = tpu.memref_slice %arg9[%dma_wait3A_540, %dma_wait3A_541] : memref<20480x128xf32, #tpu.memory_space<hbm>> -> memref<128x128xf32, #tpu.memory_space<hbm>>
        tpu.wait_dma2 semaphore(%arg18 : memref<!tpu.dma_semaphore, #tpu.memory_space<semaphore_mem>>) src(%dma_wait3A_542 : memref<128x128xf32, #tpu.memory_space<hbm>>) dst(%arg14 : memref<128x128xf32, #tpu.memory_space<vmem>>)
        %add3A_543 = arith.constant 0 : i32
        %add3A_544 = arith.addi %add3A_54, %add3A_543 : i32
        %add3A_545 = vector.broadcast %add3A_544 : i32 to vector<16xi32>
        %add3A_546 = arith.addi %add3A_545, %iota3A_176 : vector<16xi32>
        %swap3A_547 = arith.constant 0 : index
        %swap3A_548 = tpu.vector_load %arg15[%swap3A_547] {strides = array<i32>} : memref<128xi32, #tpu.memory_space<vmem>>, vector<16xi32>,
        tpu.vector_store %arg15[%swap3A_547], %add3A_546 {strides = array<i32>} : memref<128xi32, #tpu.memory_space<vmem>>, vector<16xi32>,
        %add3A_549 = arith.constant 16 : i32
        %add3A_550 = arith.addi %add3A_54, %add3A_549 : i32
        %add3A_551 = vector.broadcast %add3A_550 : i32 to vector<16xi32>
        %add3A_552 = arith.addi %add3A_551, %iota3A_176 : vector<16xi32>
        %swap3A_553 = arith.constant 16 : index
        %swap3A_554 = tpu.vector_load %arg15[%swap3A_553] {strides = array<i32>} : memref<128xi32, #tpu.memory_space<vmem>>, vector<16xi32>,
        tpu.vector_store %arg15[%swap3A_553], %add3A_552 {strides = array<i32>} : memref<128xi32, #tpu.memory_space<vmem>>, vector<16xi32>,
        %add3A_555 = arith.constant 32 : i32
        %add3A_556 = arith.addi %add3A_54, %add3A_555 : i32
        %add3A_557 = vector.broadcast %add3A_556 : i32 to vector<16xi32>
        %add3A_558 = arith.addi %add3A_557, %iota3A_176 : vector<16xi32>
        %swap3A_559 = arith.constant 32 : index
        %swap3A_560 = tpu.vector_load %arg15[%swap3A_559] {strides = array<i32>} : memref<128xi32, #tpu.memory_space<vmem>>, vector<16xi32>,
        tpu.vector_store %arg15[%swap3A_559], %add3A_558 {strides = array<i32>} : memref<128xi32, #tpu.memory_space<vmem>>, vector<16xi32>,
        %add3A_561 = arith.constant 48 : i32
        %add3A_562 = arith.addi %add3A_54, %add3A_561 : i32
        %add3A_563 = vector.broadcast %add3A_562 : i32 to vector<16xi32>
        %add3A_564 = arith.addi %add3A_563, %iota3A_176 : vector<16xi32>
        %swap3A_565 = arith.constant 48 : index
        %swap3A_566 = tpu.vector_load %arg15[%swap3A_565] {strides = array<i32>} : memref<128xi32, #tpu.memory_space<vmem>>, vector<16xi32>,
        tpu.vector_store %arg15[%swap3A_565], %add3A_564 {strides = array<i32>} : memref<128xi32, #tpu.memory_space<vmem>>, vector<16xi32>,
        %add3A_567 = arith.constant 64 : i32
        %add3A_568 = arith.addi %add3A_54, %add3A_567 : i32
        %add3A_569 = vector.broadcast %add3A_568 : i32 to vector<16xi32>
        %add3A_570 = arith.addi %add3A_569, %iota3A_176 : vector<16xi32>
        %swap3A_571 = arith.constant 64 : index
        %swap3A_572 = tpu.vector_load %arg15[%swap3A_571] {strides = array<i32>} : memref<128xi32, #tpu.memory_space<vmem>>, vector<16xi32>,
        tpu.vector_store %arg15[%swap3A_571], %add3A_570 {strides = array<i32>} : memref<128xi32, #tpu.memory_space<vmem>>, vector<16xi32>,
        %add3A_573 = arith.constant 80 : i32
        %add3A_574 = arith.addi %add3A_54, %add3A_573 : i32
        %add3A_575 = vector.broadcast %add3A_574 : i32 to vector<16xi32>
        %add3A_576 = arith.addi %add3A_575, %iota3A_176 : vector<16xi32>
        %swap3A_577 = arith.constant 80 : index
        %swap3A_578 = tpu.vector_load %arg15[%swap3A_577] {strides = array<i32>} : memref<128xi32, #tpu.memory_space<vmem>>, vector<16xi32>,
        tpu.vector_store %arg15[%swap3A_577], %add3A_576 {strides = array<i32>} : memref<128xi32, #tpu.memory_space<vmem>>, vector<16xi32>,
        %add3A_579 = arith.constant 96 : i32
        %add3A_580 = arith.addi %add3A_54, %add3A_579 : i32
        %add3A_581 = vector.broadcast %add3A_580 : i32 to vector<16xi32>
        %add3A_582 = arith.addi %add3A_581, %iota3A_176 : vector<16xi32>
        %swap3A_583 = arith.constant 96 : index
        %swap3A_584 = tpu.vector_load %arg15[%swap3A_583] {strides = array<i32>} : memref<128xi32, #tpu.memory_space<vmem>>, vector<16xi32>,
        tpu.vector_store %arg15[%swap3A_583], %add3A_582 {strides = array<i32>} : memref<128xi32, #tpu.memory_space<vmem>>, vector<16xi32>,
        %add3A_585 = arith.constant 112 : i32
        %add3A_586 = arith.addi %add3A_54, %add3A_585 : i32
        %add3A_587 = vector.broadcast %add3A_586 : i32 to vector<16xi32>
        %add3A_588 = arith.addi %add3A_587, %iota3A_176 : vector<16xi32>
        %swap3A_589 = arith.constant 112 : index
        %swap3A_590 = tpu.vector_load %arg15[%swap3A_589] {strides = array<i32>} : memref<128xi32, #tpu.memory_space<vmem>>, vector<16xi32>,
        tpu.vector_store %arg15[%swap3A_589], %add3A_588 {strides = array<i32>} : memref<128xi32, #tpu.memory_space<vmem>>, vector<16xi32>,
      } else {
      }
      %gt3A_486 = arith.constant 0 : i32
      %gt3A_487 = arith.cmpi sgt, %while3A_473, %gt3A_486 : i32
      %add3A_488 = arith.constant 15 : i32
      %add3A_489 = arith.addi %while3A_473, %add3A_488 : i32
      %jit3A_490 = arith.constant 16 : i32
      %div3A_491 = arith.divsi %add3A_489, %jit3A_490 : i32
      %sign3A_492 = arith.constant 0 : i32
      %sign3A_493 = arith.cmpi sgt, %add3A_489, %sign3A_492 : i32
      %sign3A_494 = arith.extui %sign3A_493 : i1 to i32
      %sign3A_495 = arith.constant 0 : i32
      %sign3A_496 = arith.cmpi slt, %add3A_489, %sign3A_495 : i32
      %sign3A_497 = arith.extui %sign3A_496 : i1 to i32
      %sign3A_498 = arith.subi %sign3A_494, %sign3A_497 : i32
      %sign3A_499 = arith.constant 0 : i32
      %sign3A_500 = arith.cmpi sgt, %jit3A_490, %sign3A_499 : i32
      %sign3A_501 = arith.extui %sign3A_500 : i1 to i32
      %sign3A_502 = arith.constant 0 : i32
      %sign3A_503 = arith.cmpi slt, %jit3A_490, %sign3A_502 : i32
      %sign3A_504 = arith.extui %sign3A_503 : i1 to i32
      %sign3A_505 = arith.subi %sign3A_501, %sign3A_504 : i32
      %ne3A_506 = arith.cmpi ne, %sign3A_498, %sign3A_505 : i32
      %rem3A_507 = arith.remsi %add3A_489, %jit3A_490 : i32
      %ne3A_508 = arith.constant 0 : i32
      %ne3A_509 = arith.cmpi ne, %rem3A_507, %ne3A_508 : i32
      %and3A_510 = arith.andi %ne3A_506, %ne3A_509 : i1
      %sub3A_511 = arith.constant 1 : i32
      %sub3A_512 = arith.subi %div3A_491, %sub3A_511 : i32
      %select_n3A_513 = arith.select %and3A_510, %sub3A_512, %div3A_491 : i32
      %jit3A_514 = arith.constant 0 : i32
      %select_n3A_515 = arith.select %gt3A_487, %select_n3A_513, %jit3A_514 : i32
      %while3A_516 = arith.constant 0 : i32
      %while3A_517 = arith.subi %select_n3A_515, %while3A_516 : i32
      %while3A_518 = arith.addi %while3A_516, %while3A_517 : i32
      %while3A_519 = arith.constant 1 : i32
      %while3A_520 = arith.divsi %while3A_517, %while3A_519 : i32
      %while3A_521 = arith.muli %while3A_520, %while3A_519 : i32
      %while3A_522 = arith.addi %while3A_516, %while3A_521 : i32
      %while3A_523 = arith.constant 1 : i32
      %while3A_524 = scf.for %while3A_537 = %while3A_516 to %while3A_522 step %while3A_523 iter_args(%while3A_538 = %select_n3A_419) -> (i32)  : i32 {
        %add3A_539 = arith.constant 16 : i32
        %add3A_540 = arith.addi %while3A_538, %add3A_539 : i32
        %gt3A_541 = arith.constant 128 : i32
        %gt3A_542 = arith.cmpi sgt, %add3A_540, %gt3A_541 : i32
        %convert_element_type3A_543 = arith.extui %gt3A_542 : i1 to i32
        %cond3A_544 = arith.constant 0 : i32
        %cond3A_545 = arith.cmpi ne, %convert_element_type3A_543, %cond3A_544 : i32
        scf.if %cond3A_545 {
          %dma_start3A = arith.constant 0 : i32
          %dma_start3A_572 = arith.constant 0 : i32
          %dma_start3A_573 = tpu.memref_slice %arg9[%dma_start3A, %dma_start3A_572] : memref<20480x128xf32, #tpu.memory_space<hbm>> -> memref<20480x128xf32, #tpu.memory_space<hbm>>
          tpu.enqueue_indirect_dma source(%arg14 : memref<128x128xf32, #tpu.memory_space<vmem>>) target(%dma_start3A_573 : memref<20480x128xf32, #tpu.memory_space<hbm>>) offsets(%arg15 : memref<128xi32, #tpu.memory_space<vmem>>) semaphore(%arg18 : memref<!tpu.dma_semaphore, #tpu.memory_space<semaphore_mem>>)
          %dma_wait3A_574 = arith.constant 0 : i32
          %dma_wait3A_575 = arith.constant 0 : i32
          %dma_wait3A_576 = tpu.memref_slice %arg9[%dma_wait3A_574, %dma_wait3A_575] : memref<20480x128xf32, #tpu.memory_space<hbm>> -> memref<128x128xf32, #tpu.memory_space<hbm>>
          %dma_wait3A_577 = arith.constant 0 : i32
          %dma_wait3A_578 = arith.constant 0 : i32
          %dma_wait3A_579 = tpu.memref_slice %arg9[%dma_wait3A_577, %dma_wait3A_578] : memref<20480x128xf32, #tpu.memory_space<hbm>> -> memref<128x128xf32, #tpu.memory_space<hbm>>
          tpu.wait_dma2 semaphore(%arg18 : memref<!tpu.dma_semaphore, #tpu.memory_space<semaphore_mem>>) src(%dma_wait3A_579 : memref<128x128xf32, #tpu.memory_space<hbm>>) dst(%arg14 : memref<128x128xf32, #tpu.memory_space<vmem>>)
          %add3A_580 = arith.constant 0 : i32
          %add3A_581 = arith.addi %add3A_54, %add3A_580 : i32
          %add3A_582 = vector.broadcast %add3A_581 : i32 to vector<16xi32>
          %add3A_583 = arith.addi %add3A_582, %iota3A_176 : vector<16xi32>
          %swap3A_584 = arith.constant 0 : index
          %swap3A_585 = tpu.vector_load %arg15[%swap3A_584] {strides = array<i32>} : memref<128xi32, #tpu.memory_space<vmem>>, vector<16xi32>,
          tpu.vector_store %arg15[%swap3A_584], %add3A_583 {strides = array<i32>} : memref<128xi32, #tpu.memory_space<vmem>>, vector<16xi32>,
          %add3A_586 = arith.constant 16 : i32
          %add3A_587 = arith.addi %add3A_54, %add3A_586 : i32
          %add3A_588 = vector.broadcast %add3A_587 : i32 to vector<16xi32>
          %add3A_589 = arith.addi %add3A_588, %iota3A_176 : vector<16xi32>
          %swap3A_590 = arith.constant 16 : index
          %swap3A_591 = tpu.vector_load %arg15[%swap3A_590] {strides = array<i32>} : memref<128xi32, #tpu.memory_space<vmem>>, vector<16xi32>,
          tpu.vector_store %arg15[%swap3A_590], %add3A_589 {strides = array<i32>} : memref<128xi32, #tpu.memory_space<vmem>>, vector<16xi32>,
          %add3A_592 = arith.constant 32 : i32
          %add3A_593 = arith.addi %add3A_54, %add3A_592 : i32
          %add3A_594 = vector.broadcast %add3A_593 : i32 to vector<16xi32>
          %add3A_595 = arith.addi %add3A_594, %iota3A_176 : vector<16xi32>
          %swap3A_596 = arith.constant 32 : index
          %swap3A_597 = tpu.vector_load %arg15[%swap3A_596] {strides = array<i32>} : memref<128xi32, #tpu.memory_space<vmem>>, vector<16xi32>,
          tpu.vector_store %arg15[%swap3A_596], %add3A_595 {strides = array<i32>} : memref<128xi32, #tpu.memory_space<vmem>>, vector<16xi32>,
          %add3A_598 = arith.constant 48 : i32
          %add3A_599 = arith.addi %add3A_54, %add3A_598 : i32
          %add3A_600 = vector.broadcast %add3A_599 : i32 to vector<16xi32>
          %add3A_601 = arith.addi %add3A_600, %iota3A_176 : vector<16xi32>
          %swap3A_602 = arith.constant 48 : index
          %swap3A_603 = tpu.vector_load %arg15[%swap3A_602] {strides = array<i32>} : memref<128xi32, #tpu.memory_space<vmem>>, vector<16xi32>,
          tpu.vector_store %arg15[%swap3A_602], %add3A_601 {strides = array<i32>} : memref<128xi32, #tpu.memory_space<vmem>>, vector<16xi32>,
          %add3A_604 = arith.constant 64 : i32
          %add3A_605 = arith.addi %add3A_54, %add3A_604 : i32
          %add3A_606 = vector.broadcast %add3A_605 : i32 to vector<16xi32>
          %add3A_607 = arith.addi %add3A_606, %iota3A_176 : vector<16xi32>
          %swap3A_608 = arith.constant 64 : index
          %swap3A_609 = tpu.vector_load %arg15[%swap3A_608] {strides = array<i32>} : memref<128xi32, #tpu.memory_space<vmem>>, vector<16xi32>,
          tpu.vector_store %arg15[%swap3A_608], %add3A_607 {strides = array<i32>} : memref<128xi32, #tpu.memory_space<vmem>>, vector<16xi32>,
          %add3A_610 = arith.constant 80 : i32
          %add3A_611 = arith.addi %add3A_54, %add3A_610 : i32
          %add3A_612 = vector.broadcast %add3A_611 : i32 to vector<16xi32>
          %add3A_613 = arith.addi %add3A_612, %iota3A_176 : vector<16xi32>
          %swap3A_614 = arith.constant 80 : index
          %swap3A_615 = tpu.vector_load %arg15[%swap3A_614] {strides = array<i32>} : memref<128xi32, #tpu.memory_space<vmem>>, vector<16xi32>,
          tpu.vector_store %arg15[%swap3A_614], %add3A_613 {strides = array<i32>} : memref<128xi32, #tpu.memory_space<vmem>>, vector<16xi32>,
          %add3A_616 = arith.constant 96 : i32
          %add3A_617 = arith.addi %add3A_54, %add3A_616 : i32
          %add3A_618 = vector.broadcast %add3A_617 : i32 to vector<16xi32>
          %add3A_619 = arith.addi %add3A_618, %iota3A_176 : vector<16xi32>
          %swap3A_620 = arith.constant 96 : index
          %swap3A_621 = tpu.vector_load %arg15[%swap3A_620] {strides = array<i32>} : memref<128xi32, #tpu.memory_space<vmem>>, vector<16xi32>,
          tpu.vector_store %arg15[%swap3A_620], %add3A_619 {strides = array<i32>} : memref<128xi32, #tpu.memory_space<vmem>>, vector<16xi32>,
          %add3A_622 = arith.constant 112 : i32
          %add3A_623 = arith.addi %add3A_54, %add3A_622 : i32
          %add3A_624 = vector.broadcast %add3A_623 : i32 to vector<16xi32>
          %add3A_625 = arith.addi %add3A_624, %iota3A_176 : vector<16xi32>
          %swap3A_626 = arith.constant 112 : index
          %swap3A_627 = tpu.vector_load %arg15[%swap3A_626] {strides = array<i32>} : memref<128xi32, #tpu.memory_space<vmem>>, vector<16xi32>,
          tpu.vector_store %arg15[%swap3A_626], %add3A_625 {strides = array<i32>} : memref<128xi32, #tpu.memory_space<vmem>>, vector<16xi32>,
        } else {
        }
        %add3A_546 = arith.constant 16 : i32
        %add3A_547 = arith.addi %while3A_538, %add3A_546 : i32
        %gt3A_548 = arith.constant 128 : i32
        %gt3A_549 = arith.cmpi sgt, %add3A_547, %gt3A_548 : i32
        %jit3A_550 = arith.constant 0 : i32
        %select_n3A_551 = arith.select %gt3A_549, %jit3A_550, %while3A_538 : i32
        %mul3A_552 = arith.constant 16 : i32
        %mul3A_553 = arith.muli %while3A_537, %mul3A_552 : i32
        %get3A = arith.index_cast %mul3A_553 : i32 to index
        %get3A_554 = tpu.vector_load %arg11[%get3A] {strides = array<i32>} : memref<16416xi32, #tpu.memory_space<vmem>>, vector<16xi32>,
        %and3A_555 = arith.constant 1023 : i32
        %and3A_556 = vector.broadcast %and3A_555 : i32 to vector<16xi32>
        %and3A_557 = arith.andi %get3A_554, %and3A_556 : vector<16xi32>
        %shift_right_arithmetic3A = arith.constant 10 : i32
        %shift_right_arithmetic3A_558 = vector.broadcast %shift_right_arithmetic3A : i32 to vector<16xi32>
        %shift_right_arithmetic3A_559 = arith.shrsi %get3A_554, %shift_right_arithmetic3A_558 : vector<16xi32>
        %add3A_560 = vector.broadcast %select_n3A_551 : i32 to vector<16xi32>
        %add3A_561 = arith.addi %add3A_560, %iota3A_176 : vector<16xi32>
        %scan3A_562 = arith.constant 0 : i32
        %scan3A_563 = arith.constant 0 : i32
        %scan3A_564 = arith.constant 8 : i32
        %scan3A_565 = arith.addi %scan3A_563, %scan3A_564 : i32
        %scan3A_566 = arith.constant 1 : i32
        scf.for %scan3A_572 = %scan3A_563 to %scan3A_565 step %scan3A_566  : i32 {
          %mul3A_573 = arith.constant 8 : i32
          %mul3A_574 = arith.muli %scan3A_572, %mul3A_573 : i32
          %add3A_575 = arith.constant 0 : i32
          %add3A_576 = arith.addi %mul3A_574, %add3A_575 : i32
          %broadcast_in_dim3A = arith.constant 1 : i32
          %broadcast_in_dim3A_577 = vector.broadcast %broadcast_in_dim3A : i32 to vector<16xi32>
          %mul3A_578 = vector.broadcast %add3A_576 : i32 to vector<16xi32>
          %mul3A_579 = arith.muli %broadcast_in_dim3A_577, %mul3A_578 : vector<16xi32>
          %gather3A = tpu.vector_load_idx %arg13[%mul3A_579, %and3A_557] : memref<64x512xf32, #tpu.memory_space<vmem>>[vector<16xi32>, vector<16xi32>], vector<16xf32>,
          tpu.vector_store_idx %arg14[%add3A_561, %mul3A_579], %gather3A : memref<128x128xf32, #tpu.memory_space<vmem>>[vector<16xi32>, vector<16xi32>], vector<16xf32>,
          %mul3A_580 = arith.constant 8 : i32
          %mul3A_581 = arith.muli %scan3A_572, %mul3A_580 : i32
          %add3A_582 = arith.constant 1 : i32
          %add3A_583 = arith.addi %mul3A_581, %add3A_582 : i32
          %broadcast_in_dim3A_584 = arith.constant 1 : i32
          %broadcast_in_dim3A_585 = vector.broadcast %broadcast_in_dim3A_584 : i32 to vector<16xi32>
          %mul3A_586 = vector.broadcast %add3A_583 : i32 to vector<16xi32>
          %mul3A_587 = arith.muli %broadcast_in_dim3A_585, %mul3A_586 : vector<16xi32>
          %gather3A_588 = tpu.vector_load_idx %arg13[%mul3A_587, %and3A_557] : memref<64x512xf32, #tpu.memory_space<vmem>>[vector<16xi32>, vector<16xi32>], vector<16xf32>,
          tpu.vector_store_idx %arg14[%add3A_561, %mul3A_587], %gather3A_588 : memref<128x128xf32, #tpu.memory_space<vmem>>[vector<16xi32>, vector<16xi32>], vector<16xf32>,
          %mul3A_589 = arith.constant 8 : i32
          %mul3A_590 = arith.muli %scan3A_572, %mul3A_589 : i32
          %add3A_591 = arith.constant 2 : i32
          %add3A_592 = arith.addi %mul3A_590, %add3A_591 : i32
          %broadcast_in_dim3A_593 = arith.constant 1 : i32
          %broadcast_in_dim3A_594 = vector.broadcast %broadcast_in_dim3A_593 : i32 to vector<16xi32>
          %mul3A_595 = vector.broadcast %add3A_592 : i32 to vector<16xi32>
          %mul3A_596 = arith.muli %broadcast_in_dim3A_594, %mul3A_595 : vector<16xi32>
          %gather3A_597 = tpu.vector_load_idx %arg13[%mul3A_596, %and3A_557] : memref<64x512xf32, #tpu.memory_space<vmem>>[vector<16xi32>, vector<16xi32>], vector<16xf32>,
          tpu.vector_store_idx %arg14[%add3A_561, %mul3A_596], %gather3A_597 : memref<128x128xf32, #tpu.memory_space<vmem>>[vector<16xi32>, vector<16xi32>], vector<16xf32>,
          %mul3A_598 = arith.constant 8 : i32
          %mul3A_599 = arith.muli %scan3A_572, %mul3A_598 : i32
          %add3A_600 = arith.constant 3 : i32
          %add3A_601 = arith.addi %mul3A_599, %add3A_600 : i32
          %broadcast_in_dim3A_602 = arith.constant 1 : i32
          %broadcast_in_dim3A_603 = vector.broadcast %broadcast_in_dim3A_602 : i32 to vector<16xi32>
          %mul3A_604 = vector.broadcast %add3A_601 : i32 to vector<16xi32>
          %mul3A_605 = arith.muli %broadcast_in_dim3A_603, %mul3A_604 : vector<16xi32>
          %gather3A_606 = tpu.vector_load_idx %arg13[%mul3A_605, %and3A_557] : memref<64x512xf32, #tpu.memory_space<vmem>>[vector<16xi32>, vector<16xi32>], vector<16xf32>,
          tpu.vector_store_idx %arg14[%add3A_561, %mul3A_605], %gather3A_606 : memref<128x128xf32, #tpu.memory_space<vmem>>[vector<16xi32>, vector<16xi32>], vector<16xf32>,
          %mul3A_607 = arith.constant 8 : i32
          %mul3A_608 = arith.muli %scan3A_572, %mul3A_607 : i32
          %add3A_609 = arith.constant 4 : i32
          %add3A_610 = arith.addi %mul3A_608, %add3A_609 : i32
          %broadcast_in_dim3A_611 = arith.constant 1 : i32
          %broadcast_in_dim3A_612 = vector.broadcast %broadcast_in_dim3A_611 : i32 to vector<16xi32>
          %mul3A_613 = vector.broadcast %add3A_610 : i32 to vector<16xi32>
          %mul3A_614 = arith.muli %broadcast_in_dim3A_612, %mul3A_613 : vector<16xi32>
          %gather3A_615 = tpu.vector_load_idx %arg13[%mul3A_614, %and3A_557] : memref<64x512xf32, #tpu.memory_space<vmem>>[vector<16xi32>, vector<16xi32>], vector<16xf32>,
          tpu.vector_store_idx %arg14[%add3A_561, %mul3A_614], %gather3A_615 : memref<128x128xf32, #tpu.memory_space<vmem>>[vector<16xi32>, vector<16xi32>], vector<16xf32>,
          %mul3A_616 = arith.constant 8 : i32
          %mul3A_617 = arith.muli %scan3A_572, %mul3A_616 : i32
          %add3A_618 = arith.constant 5 : i32
          %add3A_619 = arith.addi %mul3A_617, %add3A_618 : i32
          %broadcast_in_dim3A_620 = arith.constant 1 : i32
          %broadcast_in_dim3A_621 = vector.broadcast %broadcast_in_dim3A_620 : i32 to vector<16xi32>
          %mul3A_622 = vector.broadcast %add3A_619 : i32 to vector<16xi32>
          %mul3A_623 = arith.muli %broadcast_in_dim3A_621, %mul3A_622 : vector<16xi32>
          %gather3A_624 = tpu.vector_load_idx %arg13[%mul3A_623, %and3A_557] : memref<64x512xf32, #tpu.memory_space<vmem>>[vector<16xi32>, vector<16xi32>], vector<16xf32>,
          tpu.vector_store_idx %arg14[%add3A_561, %mul3A_623], %gather3A_624 : memref<128x128xf32, #tpu.memory_space<vmem>>[vector<16xi32>, vector<16xi32>], vector<16xf32>,
          %mul3A_625 = arith.constant 8 : i32
          %mul3A_626 = arith.muli %scan3A_572, %mul3A_625 : i32
          %add3A_627 = arith.constant 6 : i32
          %add3A_628 = arith.addi %mul3A_626, %add3A_627 : i32
          %broadcast_in_dim3A_629 = arith.constant 1 : i32
          %broadcast_in_dim3A_630 = vector.broadcast %broadcast_in_dim3A_629 : i32 to vector<16xi32>
          %mul3A_631 = vector.broadcast %add3A_628 : i32 to vector<16xi32>
          %mul3A_632 = arith.muli %broadcast_in_dim3A_630, %mul3A_631 : vector<16xi32>
          %gather3A_633 = tpu.vector_load_idx %arg13[%mul3A_632, %and3A_557] : memref<64x512xf32, #tpu.memory_space<vmem>>[vector<16xi32>, vector<16xi32>], vector<16xf32>,
          tpu.vector_store_idx %arg14[%add3A_561, %mul3A_632], %gather3A_633 : memref<128x128xf32, #tpu.memory_space<vmem>>[vector<16xi32>, vector<16xi32>], vector<16xf32>,
          %mul3A_634 = arith.constant 8 : i32
          %mul3A_635 = arith.muli %scan3A_572, %mul3A_634 : i32
          %add3A_636 = arith.constant 7 : i32
          %add3A_637 = arith.addi %mul3A_635, %add3A_636 : i32
          %broadcast_in_dim3A_638 = arith.constant 1 : i32
          %broadcast_in_dim3A_639 = vector.broadcast %broadcast_in_dim3A_638 : i32 to vector<16xi32>
          %mul3A_640 = vector.broadcast %add3A_637 : i32 to vector<16xi32>
          %mul3A_641 = arith.muli %broadcast_in_dim3A_639, %mul3A_640 : vector<16xi32>
          %gather3A_642 = tpu.vector_load_idx %arg13[%mul3A_641, %and3A_557] : memref<64x512xf32, #tpu.memory_space<vmem>>[vector<16xi32>, vector<16xi32>], vector<16xf32>,
          tpu.vector_store_idx %arg14[%add3A_561, %mul3A_641], %gather3A_642 : memref<128x128xf32, #tpu.memory_space<vmem>>[vector<16xi32>, vector<16xi32>], vector<16xf32>,
        }
        %scan3A_567 = arith.constant 8 : i32
        %swap3A_568 = arith.index_cast %select_n3A_551 : i32 to index
        %swap3A_569 = tpu.vector_load %arg15[%swap3A_568] {strides = array<i32>} : memref<128xi32, #tpu.memory_space<vmem>>, vector<16xi32>,
        tpu.vector_store %arg15[%swap3A_568], %shift_right_arithmetic3A_559 {strides = array<i32>} : memref<128xi32, #tpu.memory_space<vmem>>, vector<16xi32>,
        %add3A_570 = arith.constant 16 : i32
        %add3A_571 = arith.addi %select_n3A_551, %add3A_570 : i32
        scf.yield %add3A_571 : i32
      }
      %while3A_525 = arith.constant 1 : i32
      %while3A_526 = scf.for %while3A_537 = %while3A_522 to %while3A_518 step %while3A_525 iter_args(%while3A_538 = %while3A_524) -> (i32)  : i32 {
        %add3A_539 = arith.constant 16 : i32
        %add3A_540 = arith.addi %while3A_538, %add3A_539 : i32
        %gt3A_541 = arith.constant 128 : i32
        %gt3A_542 = arith.cmpi sgt, %add3A_540, %gt3A_541 : i32
        %convert_element_type3A_543 = arith.extui %gt3A_542 : i1 to i32
        %cond3A_544 = arith.constant 0 : i32
        %cond3A_545 = arith.cmpi ne, %convert_element_type3A_543, %cond3A_544 : i32
        scf.if %cond3A_545 {
          %dma_start3A = arith.constant 0 : i32
          %dma_start3A_572 = arith.constant 0 : i32
          %dma_start3A_573 = tpu.memref_slice %arg9[%dma_start3A, %dma_start3A_572] : memref<20480x128xf32, #tpu.memory_space<hbm>> -> memref<20480x128xf32, #tpu.memory_space<hbm>>
          tpu.enqueue_indirect_dma source(%arg14 : memref<128x128xf32, #tpu.memory_space<vmem>>) target(%dma_start3A_573 : memref<20480x128xf32, #tpu.memory_space<hbm>>) offsets(%arg15 : memref<128xi32, #tpu.memory_space<vmem>>) semaphore(%arg18 : memref<!tpu.dma_semaphore, #tpu.memory_space<semaphore_mem>>)
          %dma_wait3A_574 = arith.constant 0 : i32
          %dma_wait3A_575 = arith.constant 0 : i32
          %dma_wait3A_576 = tpu.memref_slice %arg9[%dma_wait3A_574, %dma_wait3A_575] : memref<20480x128xf32, #tpu.memory_space<hbm>> -> memref<128x128xf32, #tpu.memory_space<hbm>>
          %dma_wait3A_577 = arith.constant 0 : i32
          %dma_wait3A_578 = arith.constant 0 : i32
          %dma_wait3A_579 = tpu.memref_slice %arg9[%dma_wait3A_577, %dma_wait3A_578] : memref<20480x128xf32, #tpu.memory_space<hbm>> -> memref<128x128xf32, #tpu.memory_space<hbm>>
          tpu.wait_dma2 semaphore(%arg18 : memref<!tpu.dma_semaphore, #tpu.memory_space<semaphore_mem>>) src(%dma_wait3A_579 : memref<128x128xf32, #tpu.memory_space<hbm>>) dst(%arg14 : memref<128x128xf32, #tpu.memory_space<vmem>>)
          %add3A_580 = arith.constant 0 : i32
          %add3A_581 = arith.addi %add3A_54, %add3A_580 : i32
          %add3A_582 = vector.broadcast %add3A_581 : i32 to vector<16xi32>
          %add3A_583 = arith.addi %add3A_582, %iota3A_176 : vector<16xi32>
          %swap3A_584 = arith.constant 0 : index
          %swap3A_585 = tpu.vector_load %arg15[%swap3A_584] {strides = array<i32>} : memref<128xi32, #tpu.memory_space<vmem>>, vector<16xi32>,
          tpu.vector_store %arg15[%swap3A_584], %add3A_583 {strides = array<i32>} : memref<128xi32, #tpu.memory_space<vmem>>, vector<16xi32>,
          %add3A_586 = arith.constant 16 : i32
          %add3A_587 = arith.addi %add3A_54, %add3A_586 : i32
          %add3A_588 = vector.broadcast %add3A_587 : i32 to vector<16xi32>
          %add3A_589 = arith.addi %add3A_588, %iota3A_176 : vector<16xi32>
          %swap3A_590 = arith.constant 16 : index
          %swap3A_591 = tpu.vector_load %arg15[%swap3A_590] {strides = array<i32>} : memref<128xi32, #tpu.memory_space<vmem>>, vector<16xi32>,
          tpu.vector_store %arg15[%swap3A_590], %add3A_589 {strides = array<i32>} : memref<128xi32, #tpu.memory_space<vmem>>, vector<16xi32>,
          %add3A_592 = arith.constant 32 : i32
          %add3A_593 = arith.addi %add3A_54, %add3A_592 : i32
          %add3A_594 = vector.broadcast %add3A_593 : i32 to vector<16xi32>
          %add3A_595 = arith.addi %add3A_594, %iota3A_176 : vector<16xi32>
          %swap3A_596 = arith.constant 32 : index
          %swap3A_597 = tpu.vector_load %arg15[%swap3A_596] {strides = array<i32>} : memref<128xi32, #tpu.memory_space<vmem>>, vector<16xi32>,
          tpu.vector_store %arg15[%swap3A_596], %add3A_595 {strides = array<i32>} : memref<128xi32, #tpu.memory_space<vmem>>, vector<16xi32>,
          %add3A_598 = arith.constant 48 : i32
          %add3A_599 = arith.addi %add3A_54, %add3A_598 : i32
          %add3A_600 = vector.broadcast %add3A_599 : i32 to vector<16xi32>
          %add3A_601 = arith.addi %add3A_600, %iota3A_176 : vector<16xi32>
          %swap3A_602 = arith.constant 48 : index
          %swap3A_603 = tpu.vector_load %arg15[%swap3A_602] {strides = array<i32>} : memref<128xi32, #tpu.memory_space<vmem>>, vector<16xi32>,
          tpu.vector_store %arg15[%swap3A_602], %add3A_601 {strides = array<i32>} : memref<128xi32, #tpu.memory_space<vmem>>, vector<16xi32>,
          %add3A_604 = arith.constant 64 : i32
          %add3A_605 = arith.addi %add3A_54, %add3A_604 : i32
          %add3A_606 = vector.broadcast %add3A_605 : i32 to vector<16xi32>
          %add3A_607 = arith.addi %add3A_606, %iota3A_176 : vector<16xi32>
          %swap3A_608 = arith.constant 64 : index
          %swap3A_609 = tpu.vector_load %arg15[%swap3A_608] {strides = array<i32>} : memref<128xi32, #tpu.memory_space<vmem>>, vector<16xi32>,
          tpu.vector_store %arg15[%swap3A_608], %add3A_607 {strides = array<i32>} : memref<128xi32, #tpu.memory_space<vmem>>, vector<16xi32>,
          %add3A_610 = arith.constant 80 : i32
          %add3A_611 = arith.addi %add3A_54, %add3A_610 : i32
          %add3A_612 = vector.broadcast %add3A_611 : i32 to vector<16xi32>
          %add3A_613 = arith.addi %add3A_612, %iota3A_176 : vector<16xi32>
          %swap3A_614 = arith.constant 80 : index
          %swap3A_615 = tpu.vector_load %arg15[%swap3A_614] {strides = array<i32>} : memref<128xi32, #tpu.memory_space<vmem>>, vector<16xi32>,
          tpu.vector_store %arg15[%swap3A_614], %add3A_613 {strides = array<i32>} : memref<128xi32, #tpu.memory_space<vmem>>, vector<16xi32>,
          %add3A_616 = arith.constant 96 : i32
          %add3A_617 = arith.addi %add3A_54, %add3A_616 : i32
          %add3A_618 = vector.broadcast %add3A_617 : i32 to vector<16xi32>
          %add3A_619 = arith.addi %add3A_618, %iota3A_176 : vector<16xi32>
          %swap3A_620 = arith.constant 96 : index
          %swap3A_621 = tpu.vector_load %arg15[%swap3A_620] {strides = array<i32>} : memref<128xi32, #tpu.memory_space<vmem>>, vector<16xi32>,
          tpu.vector_store %arg15[%swap3A_620], %add3A_619 {strides = array<i32>} : memref<128xi32, #tpu.memory_space<vmem>>, vector<16xi32>,
          %add3A_622 = arith.constant 112 : i32
          %add3A_623 = arith.addi %add3A_54, %add3A_622 : i32
          %add3A_624 = vector.broadcast %add3A_623 : i32 to vector<16xi32>
          %add3A_625 = arith.addi %add3A_624, %iota3A_176 : vector<16xi32>
          %swap3A_626 = arith.constant 112 : index
          %swap3A_627 = tpu.vector_load %arg15[%swap3A_626] {strides = array<i32>} : memref<128xi32, #tpu.memory_space<vmem>>, vector<16xi32>,
          tpu.vector_store %arg15[%swap3A_626], %add3A_625 {strides = array<i32>} : memref<128xi32, #tpu.memory_space<vmem>>, vector<16xi32>,
        } else {
        }
        %add3A_546 = arith.constant 16 : i32
        %add3A_547 = arith.addi %while3A_538, %add3A_546 : i32
        %gt3A_548 = arith.constant 128 : i32
        %gt3A_549 = arith.cmpi sgt, %add3A_547, %gt3A_548 : i32
        %jit3A_550 = arith.constant 0 : i32
        %select_n3A_551 = arith.select %gt3A_549, %jit3A_550, %while3A_538 : i32
        %mul3A_552 = arith.constant 16 : i32
        %mul3A_553 = arith.muli %while3A_537, %mul3A_552 : i32
        %get3A = arith.index_cast %mul3A_553 : i32 to index
        %get3A_554 = tpu.vector_load %arg11[%get3A] {strides = array<i32>} : memref<16416xi32, #tpu.memory_space<vmem>>, vector<16xi32>,
        %and3A_555 = arith.constant 1023 : i32
        %and3A_556 = vector.broadcast %and3A_555 : i32 to vector<16xi32>
        %and3A_557 = arith.andi %get3A_554, %and3A_556 : vector<16xi32>
        %shift_right_arithmetic3A = arith.constant 10 : i32
        %shift_right_arithmetic3A_558 = vector.broadcast %shift_right_arithmetic3A : i32 to vector<16xi32>
        %shift_right_arithmetic3A_559 = arith.shrsi %get3A_554, %shift_right_arithmetic3A_558 : vector<16xi32>
        %add3A_560 = vector.broadcast %select_n3A_551 : i32 to vector<16xi32>
        %add3A_561 = arith.addi %add3A_560, %iota3A_176 : vector<16xi32>
        %scan3A_562 = arith.constant 0 : i32
        %scan3A_563 = arith.constant 0 : i32
        %scan3A_564 = arith.constant 8 : i32
        %scan3A_565 = arith.addi %scan3A_563, %scan3A_564 : i32
        %scan3A_566 = arith.constant 1 : i32
        scf.for %scan3A_572 = %scan3A_563 to %scan3A_565 step %scan3A_566  : i32 {
          %mul3A_573 = arith.constant 8 : i32
          %mul3A_574 = arith.muli %scan3A_572, %mul3A_573 : i32
          %add3A_575 = arith.constant 0 : i32
          %add3A_576 = arith.addi %mul3A_574, %add3A_575 : i32
          %broadcast_in_dim3A = arith.constant 1 : i32
          %broadcast_in_dim3A_577 = vector.broadcast %broadcast_in_dim3A : i32 to vector<16xi32>
          %mul3A_578 = vector.broadcast %add3A_576 : i32 to vector<16xi32>
          %mul3A_579 = arith.muli %broadcast_in_dim3A_577, %mul3A_578 : vector<16xi32>
          %gather3A = tpu.vector_load_idx %arg13[%mul3A_579, %and3A_557] : memref<64x512xf32, #tpu.memory_space<vmem>>[vector<16xi32>, vector<16xi32>], vector<16xf32>,
          tpu.vector_store_idx %arg14[%add3A_561, %mul3A_579], %gather3A : memref<128x128xf32, #tpu.memory_space<vmem>>[vector<16xi32>, vector<16xi32>], vector<16xf32>,
          %mul3A_580 = arith.constant 8 : i32
          %mul3A_581 = arith.muli %scan3A_572, %mul3A_580 : i32
          %add3A_582 = arith.constant 1 : i32
          %add3A_583 = arith.addi %mul3A_581, %add3A_582 : i32
          %broadcast_in_dim3A_584 = arith.constant 1 : i32
          %broadcast_in_dim3A_585 = vector.broadcast %broadcast_in_dim3A_584 : i32 to vector<16xi32>
          %mul3A_586 = vector.broadcast %add3A_583 : i32 to vector<16xi32>
          %mul3A_587 = arith.muli %broadcast_in_dim3A_585, %mul3A_586 : vector<16xi32>
          %gather3A_588 = tpu.vector_load_idx %arg13[%mul3A_587, %and3A_557] : memref<64x512xf32, #tpu.memory_space<vmem>>[vector<16xi32>, vector<16xi32>], vector<16xf32>,
          tpu.vector_store_idx %arg14[%add3A_561, %mul3A_587], %gather3A_588 : memref<128x128xf32, #tpu.memory_space<vmem>>[vector<16xi32>, vector<16xi32>], vector<16xf32>,
          %mul3A_589 = arith.constant 8 : i32
          %mul3A_590 = arith.muli %scan3A_572, %mul3A_589 : i32
          %add3A_591 = arith.constant 2 : i32
          %add3A_592 = arith.addi %mul3A_590, %add3A_591 : i32
          %broadcast_in_dim3A_593 = arith.constant 1 : i32
          %broadcast_in_dim3A_594 = vector.broadcast %broadcast_in_dim3A_593 : i32 to vector<16xi32>
          %mul3A_595 = vector.broadcast %add3A_592 : i32 to vector<16xi32>
          %mul3A_596 = arith.muli %broadcast_in_dim3A_594, %mul3A_595 : vector<16xi32>
          %gather3A_597 = tpu.vector_load_idx %arg13[%mul3A_596, %and3A_557] : memref<64x512xf32, #tpu.memory_space<vmem>>[vector<16xi32>, vector<16xi32>], vector<16xf32>,
          tpu.vector_store_idx %arg14[%add3A_561, %mul3A_596], %gather3A_597 : memref<128x128xf32, #tpu.memory_space<vmem>>[vector<16xi32>, vector<16xi32>], vector<16xf32>,
          %mul3A_598 = arith.constant 8 : i32
          %mul3A_599 = arith.muli %scan3A_572, %mul3A_598 : i32
          %add3A_600 = arith.constant 3 : i32
          %add3A_601 = arith.addi %mul3A_599, %add3A_600 : i32
          %broadcast_in_dim3A_602 = arith.constant 1 : i32
          %broadcast_in_dim3A_603 = vector.broadcast %broadcast_in_dim3A_602 : i32 to vector<16xi32>
          %mul3A_604 = vector.broadcast %add3A_601 : i32 to vector<16xi32>
          %mul3A_605 = arith.muli %broadcast_in_dim3A_603, %mul3A_604 : vector<16xi32>
          %gather3A_606 = tpu.vector_load_idx %arg13[%mul3A_605, %and3A_557] : memref<64x512xf32, #tpu.memory_space<vmem>>[vector<16xi32>, vector<16xi32>], vector<16xf32>,
          tpu.vector_store_idx %arg14[%add3A_561, %mul3A_605], %gather3A_606 : memref<128x128xf32, #tpu.memory_space<vmem>>[vector<16xi32>, vector<16xi32>], vector<16xf32>,
          %mul3A_607 = arith.constant 8 : i32
          %mul3A_608 = arith.muli %scan3A_572, %mul3A_607 : i32
          %add3A_609 = arith.constant 4 : i32
          %add3A_610 = arith.addi %mul3A_608, %add3A_609 : i32
          %broadcast_in_dim3A_611 = arith.constant 1 : i32
          %broadcast_in_dim3A_612 = vector.broadcast %broadcast_in_dim3A_611 : i32 to vector<16xi32>
          %mul3A_613 = vector.broadcast %add3A_610 : i32 to vector<16xi32>
          %mul3A_614 = arith.muli %broadcast_in_dim3A_612, %mul3A_613 : vector<16xi32>
          %gather3A_615 = tpu.vector_load_idx %arg13[%mul3A_614, %and3A_557] : memref<64x512xf32, #tpu.memory_space<vmem>>[vector<16xi32>, vector<16xi32>], vector<16xf32>,
          tpu.vector_store_idx %arg14[%add3A_561, %mul3A_614], %gather3A_615 : memref<128x128xf32, #tpu.memory_space<vmem>>[vector<16xi32>, vector<16xi32>], vector<16xf32>,
          %mul3A_616 = arith.constant 8 : i32
          %mul3A_617 = arith.muli %scan3A_572, %mul3A_616 : i32
          %add3A_618 = arith.constant 5 : i32
          %add3A_619 = arith.addi %mul3A_617, %add3A_618 : i32
          %broadcast_in_dim3A_620 = arith.constant 1 : i32
          %broadcast_in_dim3A_621 = vector.broadcast %broadcast_in_dim3A_620 : i32 to vector<16xi32>
          %mul3A_622 = vector.broadcast %add3A_619 : i32 to vector<16xi32>
          %mul3A_623 = arith.muli %broadcast_in_dim3A_621, %mul3A_622 : vector<16xi32>
          %gather3A_624 = tpu.vector_load_idx %arg13[%mul3A_623, %and3A_557] : memref<64x512xf32, #tpu.memory_space<vmem>>[vector<16xi32>, vector<16xi32>], vector<16xf32>,
          tpu.vector_store_idx %arg14[%add3A_561, %mul3A_623], %gather3A_624 : memref<128x128xf32, #tpu.memory_space<vmem>>[vector<16xi32>, vector<16xi32>], vector<16xf32>,
          %mul3A_625 = arith.constant 8 : i32
          %mul3A_626 = arith.muli %scan3A_572, %mul3A_625 : i32
          %add3A_627 = arith.constant 6 : i32
          %add3A_628 = arith.addi %mul3A_626, %add3A_627 : i32
          %broadcast_in_dim3A_629 = arith.constant 1 : i32
          %broadcast_in_dim3A_630 = vector.broadcast %broadcast_in_dim3A_629 : i32 to vector<16xi32>
          %mul3A_631 = vector.broadcast %add3A_628 : i32 to vector<16xi32>
          %mul3A_632 = arith.muli %broadcast_in_dim3A_630, %mul3A_631 : vector<16xi32>
          %gather3A_633 = tpu.vector_load_idx %arg13[%mul3A_632, %and3A_557] : memref<64x512xf32, #tpu.memory_space<vmem>>[vector<16xi32>, vector<16xi32>], vector<16xf32>,
          tpu.vector_store_idx %arg14[%add3A_561, %mul3A_632], %gather3A_633 : memref<128x128xf32, #tpu.memory_space<vmem>>[vector<16xi32>, vector<16xi32>], vector<16xf32>,
          %mul3A_634 = arith.constant 8 : i32
          %mul3A_635 = arith.muli %scan3A_572, %mul3A_634 : i32
          %add3A_636 = arith.constant 7 : i32
          %add3A_637 = arith.addi %mul3A_635, %add3A_636 : i32
          %broadcast_in_dim3A_638 = arith.constant 1 : i32
          %broadcast_in_dim3A_639 = vector.broadcast %broadcast_in_dim3A_638 : i32 to vector<16xi32>
          %mul3A_640 = vector.broadcast %add3A_637 : i32 to vector<16xi32>
          %mul3A_641 = arith.muli %broadcast_in_dim3A_639, %mul3A_640 : vector<16xi32>
          %gather3A_642 = tpu.vector_load_idx %arg13[%mul3A_641, %and3A_557] : memref<64x512xf32, #tpu.memory_space<vmem>>[vector<16xi32>, vector<16xi32>], vector<16xf32>,
          tpu.vector_store_idx %arg14[%add3A_561, %mul3A_641], %gather3A_642 : memref<128x128xf32, #tpu.memory_space<vmem>>[vector<16xi32>, vector<16xi32>], vector<16xf32>,
        }
        %scan3A_567 = arith.constant 8 : i32
        %swap3A_568 = arith.index_cast %select_n3A_551 : i32 to index
        %swap3A_569 = tpu.vector_load %arg15[%swap3A_568] {strides = array<i32>} : memref<128xi32, #tpu.memory_space<vmem>>, vector<16xi32>,
        tpu.vector_store %arg15[%swap3A_568], %shift_right_arithmetic3A_559 {strides = array<i32>} : memref<128xi32, #tpu.memory_space<vmem>>, vector<16xi32>,
        %add3A_570 = arith.constant 16 : i32
        %add3A_571 = arith.addi %select_n3A_551, %add3A_570 : i32
        scf.yield %add3A_571 : i32
      }
      %gt3A_527 = arith.constant 112 : i32
      %gt3A_528 = arith.cmpi sgt, %while3A_526, %gt3A_527 : i32
      %convert_element_type3A_529 = arith.extui %gt3A_528 : i1 to i32
      %cond3A_530 = arith.constant 0 : i32
      %cond3A_531 = arith.cmpi ne, %convert_element_type3A_529, %cond3A_530 : i32
      scf.if %cond3A_531 {
        %dma_start3A = arith.constant 0 : i32
        %dma_start3A_537 = arith.constant 0 : i32
        %dma_start3A_538 = tpu.memref_slice %arg9[%dma_start3A, %dma_start3A_537] : memref<20480x128xf32, #tpu.memory_space<hbm>> -> memref<20480x128xf32, #tpu.memory_space<hbm>>
        tpu.enqueue_indirect_dma source(%arg14 : memref<128x128xf32, #tpu.memory_space<vmem>>) target(%dma_start3A_538 : memref<20480x128xf32, #tpu.memory_space<hbm>>) offsets(%arg15 : memref<128xi32, #tpu.memory_space<vmem>>) semaphore(%arg18 : memref<!tpu.dma_semaphore, #tpu.memory_space<semaphore_mem>>)
      } else {
      }
      %jit3A_532 = arith.constant 0 : i32
      %select_n3A_533 = arith.select %gt3A_528, %jit3A_532, %while3A_526 : i32
      %jit3A_534 = arith.constant 1 : i32
      %jit3A_535 = arith.constant 0 : i32
      %select_n3A_536 = arith.select %gt3A_528, %jit3A_534, %jit3A_535 : i32
      scf.yield %select_n3A_533, %select_n3A_536 : i32, i32
    }
    %scan3A_290 = arith.constant 31 : i32
    %dma_wait3A_291 = arith.constant 0 : i32
    %dma_wait3A_292 = arith.constant 0 : i32
    %dma_wait3A_293 = tpu.memref_slice %arg5[%dma_wait3A_291, %dma_wait3A_292] : memref<64x1000000xf32, #tpu.memory_space<hbm>> -> memref<64x512xf32, #tpu.memory_space<hbm>>
    %dma_wait3A_294 = arith.constant 0 : i32
    %dma_wait3A_295 = arith.constant 0 : i32
    %dma_wait3A_296 = tpu.memref_slice %arg5[%dma_wait3A_294, %dma_wait3A_295] : memref<64x1000000xf32, #tpu.memory_space<hbm>> -> memref<64x512xf32, #tpu.memory_space<hbm>>
    tpu.wait_dma2 semaphore(%arg16 : memref<!tpu.dma_semaphore, #tpu.memory_space<semaphore_mem>>) src(%dma_wait3A_296 : memref<64x512xf32, #tpu.memory_space<hbm>>) dst(%arg12 : memref<64x512xf32, #tpu.memory_space<vmem>>)
    %gt3A_297 = arith.constant 0 : i32
    %gt3A_298 = arith.cmpi sgt, %scan3A_289#1, %gt3A_297 : i32
    %convert_element_type3A_299 = arith.extui %gt3A_298 : i1 to i32
    %cond3A_300 = arith.constant 0 : i32
    %cond3A_301 = arith.cmpi ne, %convert_element_type3A_299, %cond3A_300 : i32
    scf.if %cond3A_301 {
      %dma_wait3A_307 = arith.constant 0 : i32
      %dma_wait3A_308 = arith.constant 0 : i32
      %dma_wait3A_309 = tpu.memref_slice %arg9[%dma_wait3A_307, %dma_wait3A_308] : memref<20480x128xf32, #tpu.memory_space<hbm>> -> memref<128x128xf32, #tpu.memory_space<hbm>>
      %dma_wait3A_310 = arith.constant 0 : i32
      %dma_wait3A_311 = arith.constant 0 : i32
      %dma_wait3A_312 = tpu.memref_slice %arg9[%dma_wait3A_310, %dma_wait3A_311] : memref<20480x128xf32, #tpu.memory_space<hbm>> -> memref<128x128xf32, #tpu.memory_space<hbm>>
      tpu.wait_dma2 semaphore(%arg18 : memref<!tpu.dma_semaphore, #tpu.memory_space<semaphore_mem>>) src(%dma_wait3A_312 : memref<128x128xf32, #tpu.memory_space<hbm>>) dst(%arg14 : memref<128x128xf32, #tpu.memory_space<vmem>>)
      %add3A_313 = arith.constant 0 : i32
      %add3A_314 = arith.addi %add3A_54, %add3A_313 : i32
      %add3A_315 = vector.broadcast %add3A_314 : i32 to vector<16xi32>
      %add3A_316 = arith.addi %add3A_315, %iota3A_176 : vector<16xi32>
      %swap3A_317 = arith.constant 0 : index
      %swap3A_318 = tpu.vector_load %arg15[%swap3A_317] {strides = array<i32>} : memref<128xi32, #tpu.memory_space<vmem>>, vector<16xi32>,
      tpu.vector_store %arg15[%swap3A_317], %add3A_316 {strides = array<i32>} : memref<128xi32, #tpu.memory_space<vmem>>, vector<16xi32>,
      %add3A_319 = arith.constant 16 : i32
      %add3A_320 = arith.addi %add3A_54, %add3A_319 : i32
      %add3A_321 = vector.broadcast %add3A_320 : i32 to vector<16xi32>
      %add3A_322 = arith.addi %add3A_321, %iota3A_176 : vector<16xi32>
      %swap3A_323 = arith.constant 16 : index
      %swap3A_324 = tpu.vector_load %arg15[%swap3A_323] {strides = array<i32>} : memref<128xi32, #tpu.memory_space<vmem>>, vector<16xi32>,
      tpu.vector_store %arg15[%swap3A_323], %add3A_322 {strides = array<i32>} : memref<128xi32, #tpu.memory_space<vmem>>, vector<16xi32>,
      %add3A_325 = arith.constant 32 : i32
      %add3A_326 = arith.addi %add3A_54, %add3A_325 : i32
      %add3A_327 = vector.broadcast %add3A_326 : i32 to vector<16xi32>
      %add3A_328 = arith.addi %add3A_327, %iota3A_176 : vector<16xi32>
      %swap3A_329 = arith.constant 32 : index
      %swap3A_330 = tpu.vector_load %arg15[%swap3A_329] {strides = array<i32>} : memref<128xi32, #tpu.memory_space<vmem>>, vector<16xi32>,
      tpu.vector_store %arg15[%swap3A_329], %add3A_328 {strides = array<i32>} : memref<128xi32, #tpu.memory_space<vmem>>, vector<16xi32>,
      %add3A_331 = arith.constant 48 : i32
      %add3A_332 = arith.addi %add3A_54, %add3A_331 : i32
      %add3A_333 = vector.broadcast %add3A_332 : i32 to vector<16xi32>
      %add3A_334 = arith.addi %add3A_333, %iota3A_176 : vector<16xi32>
      %swap3A_335 = arith.constant 48 : index
      %swap3A_336 = tpu.vector_load %arg15[%swap3A_335] {strides = array<i32>} : memref<128xi32, #tpu.memory_space<vmem>>, vector<16xi32>,
      tpu.vector_store %arg15[%swap3A_335], %add3A_334 {strides = array<i32>} : memref<128xi32, #tpu.memory_space<vmem>>, vector<16xi32>,
      %add3A_337 = arith.constant 64 : i32
      %add3A_338 = arith.addi %add3A_54, %add3A_337 : i32
      %add3A_339 = vector.broadcast %add3A_338 : i32 to vector<16xi32>
      %add3A_340 = arith.addi %add3A_339, %iota3A_176 : vector<16xi32>
      %swap3A_341 = arith.constant 64 : index
      %swap3A_342 = tpu.vector_load %arg15[%swap3A_341] {strides = array<i32>} : memref<128xi32, #tpu.memory_space<vmem>>, vector<16xi32>,
      tpu.vector_store %arg15[%swap3A_341], %add3A_340 {strides = array<i32>} : memref<128xi32, #tpu.memory_space<vmem>>, vector<16xi32>,
      %add3A_343 = arith.constant 80 : i32
      %add3A_344 = arith.addi %add3A_54, %add3A_343 : i32
      %add3A_345 = vector.broadcast %add3A_344 : i32 to vector<16xi32>
      %add3A_346 = arith.addi %add3A_345, %iota3A_176 : vector<16xi32>
      %swap3A_347 = arith.constant 80 : index
      %swap3A_348 = tpu.vector_load %arg15[%swap3A_347] {strides = array<i32>} : memref<128xi32, #tpu.memory_space<vmem>>, vector<16xi32>,
      tpu.vector_store %arg15[%swap3A_347], %add3A_346 {strides = array<i32>} : memref<128xi32, #tpu.memory_space<vmem>>, vector<16xi32>,
      %add3A_349 = arith.constant 96 : i32
      %add3A_350 = arith.addi %add3A_54, %add3A_349 : i32
      %add3A_351 = vector.broadcast %add3A_350 : i32 to vector<16xi32>
      %add3A_352 = arith.addi %add3A_351, %iota3A_176 : vector<16xi32>
      %swap3A_353 = arith.constant 96 : index
      %swap3A_354 = tpu.vector_load %arg15[%swap3A_353] {strides = array<i32>} : memref<128xi32, #tpu.memory_space<vmem>>, vector<16xi32>,
      tpu.vector_store %arg15[%swap3A_353], %add3A_352 {strides = array<i32>} : memref<128xi32, #tpu.memory_space<vmem>>, vector<16xi32>,
      %add3A_355 = arith.constant 112 : i32
      %add3A_356 = arith.addi %add3A_54, %add3A_355 : i32
      %add3A_357 = vector.broadcast %add3A_356 : i32 to vector<16xi32>
      %add3A_358 = arith.addi %add3A_357, %iota3A_176 : vector<16xi32>
      %swap3A_359 = arith.constant 112 : index
      %swap3A_360 = tpu.vector_load %arg15[%swap3A_359] {strides = array<i32>} : memref<128xi32, #tpu.memory_space<vmem>>, vector<16xi32>,
      tpu.vector_store %arg15[%swap3A_359], %add3A_358 {strides = array<i32>} : memref<128xi32, #tpu.memory_space<vmem>>, vector<16xi32>,
    } else {
    }
    %gt3A_302 = arith.constant 0 : i32
    %gt3A_303 = arith.cmpi sgt, %scan3A_289#0, %gt3A_302 : i32
    %convert_element_type3A_304 = arith.extui %gt3A_303 : i1 to i32
    %cond3A_305 = arith.constant 0 : i32
    %cond3A_306 = arith.cmpi ne, %convert_element_type3A_304, %cond3A_305 : i32
    scf.if %cond3A_306 {
      %dma_start3A = arith.constant 0 : i32
      %dma_start3A_307 = arith.constant 0 : i32
      %dma_start3A_308 = tpu.memref_slice %arg9[%dma_start3A, %dma_start3A_307] : memref<20480x128xf32, #tpu.memory_space<hbm>> -> memref<20480x128xf32, #tpu.memory_space<hbm>>
      tpu.enqueue_indirect_dma source(%arg14 : memref<128x128xf32, #tpu.memory_space<vmem>>) target(%dma_start3A_308 : memref<20480x128xf32, #tpu.memory_space<hbm>>) offsets(%arg15 : memref<128xi32, #tpu.memory_space<vmem>>) semaphore(%arg18 : memref<!tpu.dma_semaphore, #tpu.memory_space<semaphore_mem>>)
      %dma_wait3A_309 = arith.constant 0 : i32
      %dma_wait3A_310 = arith.constant 0 : i32
      %dma_wait3A_311 = tpu.memref_slice %arg9[%dma_wait3A_309, %dma_wait3A_310] : memref<20480x128xf32, #tpu.memory_space<hbm>> -> memref<128x128xf32, #tpu.memory_space<hbm>>
      %dma_wait3A_312 = arith.constant 0 : i32
      %dma_wait3A_313 = arith.constant 0 : i32
      %dma_wait3A_314 = tpu.memref_slice %arg9[%dma_wait3A_312, %dma_wait3A_313] : memref<20480x128xf32, #tpu.memory_space<hbm>> -> memref<128x128xf32, #tpu.memory_space<hbm>>
      tpu.wait_dma2 semaphore(%arg18 : memref<!tpu.dma_semaphore, #tpu.memory_space<semaphore_mem>>) src(%dma_wait3A_314 : memref<128x128xf32, #tpu.memory_space<hbm>>) dst(%arg14 : memref<128x128xf32, #tpu.memory_space<vmem>>)
      %add3A_315 = arith.constant 0 : i32
      %add3A_316 = arith.addi %add3A_54, %add3A_315 : i32
      %add3A_317 = vector.broadcast %add3A_316 : i32 to vector<16xi32>
      %add3A_318 = arith.addi %add3A_317, %iota3A_176 : vector<16xi32>
      %swap3A_319 = arith.constant 0 : index
      %swap3A_320 = tpu.vector_load %arg15[%swap3A_319] {strides = array<i32>} : memref<128xi32, #tpu.memory_space<vmem>>, vector<16xi32>,
      tpu.vector_store %arg15[%swap3A_319], %add3A_318 {strides = array<i32>} : memref<128xi32, #tpu.memory_space<vmem>>, vector<16xi32>,
      %add3A_321 = arith.constant 16 : i32
      %add3A_322 = arith.addi %add3A_54, %add3A_321 : i32
      %add3A_323 = vector.broadcast %add3A_322 : i32 to vector<16xi32>
      %add3A_324 = arith.addi %add3A_323, %iota3A_176 : vector<16xi32>
      %swap3A_325 = arith.constant 16 : index
      %swap3A_326 = tpu.vector_load %arg15[%swap3A_325] {strides = array<i32>} : memref<128xi32, #tpu.memory_space<vmem>>, vector<16xi32>,
      tpu.vector_store %arg15[%swap3A_325], %add3A_324 {strides = array<i32>} : memref<128xi32, #tpu.memory_space<vmem>>, vector<16xi32>,
      %add3A_327 = arith.constant 32 : i32
      %add3A_328 = arith.addi %add3A_54, %add3A_327 : i32
      %add3A_329 = vector.broadcast %add3A_328 : i32 to vector<16xi32>
      %add3A_330 = arith.addi %add3A_329, %iota3A_176 : vector<16xi32>
      %swap3A_331 = arith.constant 32 : index
      %swap3A_332 = tpu.vector_load %arg15[%swap3A_331] {strides = array<i32>} : memref<128xi32, #tpu.memory_space<vmem>>, vector<16xi32>,
      tpu.vector_store %arg15[%swap3A_331], %add3A_330 {strides = array<i32>} : memref<128xi32, #tpu.memory_space<vmem>>, vector<16xi32>,
      %add3A_333 = arith.constant 48 : i32
      %add3A_334 = arith.addi %add3A_54, %add3A_333 : i32
      %add3A_335 = vector.broadcast %add3A_334 : i32 to vector<16xi32>
      %add3A_336 = arith.addi %add3A_335, %iota3A_176 : vector<16xi32>
      %swap3A_337 = arith.constant 48 : index
      %swap3A_338 = tpu.vector_load %arg15[%swap3A_337] {strides = array<i32>} : memref<128xi32, #tpu.memory_space<vmem>>, vector<16xi32>,
      tpu.vector_store %arg15[%swap3A_337], %add3A_336 {strides = array<i32>} : memref<128xi32, #tpu.memory_space<vmem>>, vector<16xi32>,
      %add3A_339 = arith.constant 64 : i32
      %add3A_340 = arith.addi %add3A_54, %add3A_339 : i32
      %add3A_341 = vector.broadcast %add3A_340 : i32 to vector<16xi32>
      %add3A_342 = arith.addi %add3A_341, %iota3A_176 : vector<16xi32>
      %swap3A_343 = arith.constant 64 : index
      %swap3A_344 = tpu.vector_load %arg15[%swap3A_343] {strides = array<i32>} : memref<128xi32, #tpu.memory_space<vmem>>, vector<16xi32>,
      tpu.vector_store %arg15[%swap3A_343], %add3A_342 {strides = array<i32>} : memref<128xi32, #tpu.memory_space<vmem>>, vector<16xi32>,
      %add3A_345 = arith.constant 80 : i32
      %add3A_346 = arith.addi %add3A_54, %add3A_345 : i32
      %add3A_347 = vector.broadcast %add3A_346 : i32 to vector<16xi32>
      %add3A_348 = arith.addi %add3A_347, %iota3A_176 : vector<16xi32>
      %swap3A_349 = arith.constant 80 : index
      %swap3A_350 = tpu.vector_load %arg15[%swap3A_349] {strides = array<i32>} : memref<128xi32, #tpu.memory_space<vmem>>, vector<16xi32>,
      tpu.vector_store %arg15[%swap3A_349], %add3A_348 {strides = array<i32>} : memref<128xi32, #tpu.memory_space<vmem>>, vector<16xi32>,
      %add3A_351 = arith.constant 96 : i32
      %add3A_352 = arith.addi %add3A_54, %add3A_351 : i32
      %add3A_353 = vector.broadcast %add3A_352 : i32 to vector<16xi32>
      %add3A_354 = arith.addi %add3A_353, %iota3A_176 : vector<16xi32>
      %swap3A_355 = arith.constant 96 : index
      %swap3A_356 = tpu.vector_load %arg15[%swap3A_355] {strides = array<i32>} : memref<128xi32, #tpu.memory_space<vmem>>, vector<16xi32>,
      tpu.vector_store %arg15[%swap3A_355], %add3A_354 {strides = array<i32>} : memref<128xi32, #tpu.memory_space<vmem>>, vector<16xi32>,
      %add3A_357 = arith.constant 112 : i32
      %add3A_358 = arith.addi %add3A_54, %add3A_357 : i32
      %add3A_359 = vector.broadcast %add3A_358 : i32 to vector<16xi32>
      %add3A_360 = arith.addi %add3A_359, %iota3A_176 : vector<16xi32>
      %swap3A_361 = arith.constant 112 : index
      %swap3A_362 = tpu.vector_load %arg15[%swap3A_361] {strides = array<i32>} : memref<128xi32, #tpu.memory_space<vmem>>, vector<16xi32>,
      tpu.vector_store %arg15[%swap3A_361], %add3A_360 {strides = array<i32>} : memref<128xi32, #tpu.memory_space<vmem>>, vector<16xi32>,
    } else {
    }
    return
  }
}

module attributes {stable_mosaic.version = 14 : i64} {
  func.func @_dense_body(%arg0: i32, %arg1: memref<2048x128xf32, #tpu.memory_space<vmem>>, %arg2: memref<2048x128xf32, #tpu.memory_space<vmem>>, %arg3: memref<64x128xf32, #tpu.memory_space<vmem>>, %arg4: memref<1x128xf32, #tpu.memory_space<vmem>>, %arg5: memref<64x128xf32, #tpu.memory_space<vmem>>, %arg6: memref<1x128xf32, #tpu.memory_space<vmem>>, %arg7: memref<2048xf32, #tpu.memory_space<vmem>>) attributes {dimension_semantics = [#tpu.dimension_semantics<arbitrary>], iteration_bounds = array<i64: 8>, scalar_prefetch = 0 : i64, scratch_operands = 0 : i64, tpu.core_type = #tpu.core_type<tc>, window_params = [{transform_indices = @transform_0, window_bounds = array<i64: 2048, 128>}, {transform_indices = @transform_1, window_bounds = array<i64: 2048, 128>}, {pipeline_mode = #tpu.pipeline_mode<synchronous>, transform_indices = @transform_2, window_bounds = array<i64: 64, 128>}, {pipeline_mode = #tpu.pipeline_mode<synchronous>, transform_indices = @transform_3, window_bounds = array<i64: 1, 128>}, {pipeline_mode = #tpu.pipeline_mode<synchronous>, transform_indices = @transform_4, window_bounds = array<i64: 64, 128>}, {pipeline_mode = #tpu.pipeline_mode<synchronous>, transform_indices = @transform_5, window_bounds = array<i64: 1, 128>}, {transform_indices = @transform_6, window_bounds = array<i64: 2048>}]} {
    %get3A = arith.constant 0 : index
    %get3A_0 = arith.constant 0 : index
    %get3A_1 = vector.load %arg1[%get3A, %get3A_0] : memref<2048x128xf32, #tpu.memory_space<vmem>>, vector<2048x128xf32>
    %slice3A = vector.extract_strided_slice %get3A_1 {offsets = [0, 0], sizes = [2048, 64], strides = [1, 1]} : vector<2048x128xf32> to vector<2048x64xf32>
    %get3A_2 = arith.constant 0 : index
    %get3A_3 = arith.constant 0 : index
    %get3A_4 = vector.load %arg2[%get3A_2, %get3A_3] : memref<2048x128xf32, #tpu.memory_space<vmem>>, vector<2048x128xf32>
    %slice3A_5 = vector.extract_strided_slice %get3A_4 {offsets = [0, 0], sizes = [2048, 64], strides = [1, 1]} : vector<2048x128xf32> to vector<2048x64xf32>
    %get3A_6 = arith.constant 0 : index
    %get3A_7 = arith.constant 0 : index
    %get3A_8 = vector.load %arg3[%get3A_6, %get3A_7] : memref<64x128xf32, #tpu.memory_space<vmem>>, vector<64x128xf32>
    %dot_general3A = arith.constant dense<0.000000e+00> : vector<2048x128xf32>
    %dot_general3A_9 = tpu.matmul %slice3A, %get3A_8, %dot_general3A {dimension_numbers = #tpu.dot_dimension_numbers<[1], [0], [0], [1], [0, 0, 1, 1], [], []>, transpose_lhs_hint = false} : vector<2048x64xf32>, vector<64x128xf32>, vector<2048x128xf32> -> vector<2048x128xf32>
    %get3A_10 = arith.constant 0 : index
    %get3A_11 = arith.constant 0 : index
    %get3A_12 = vector.load %arg4[%get3A_10, %get3A_11] : memref<1x128xf32, #tpu.memory_space<vmem>>, vector<1x128xf32>
    %add3A = vector.broadcast %get3A_12 : vector<1x128xf32> to vector<2048x128xf32>
    %add3A_13 = arith.addf %dot_general3A_9, %add3A : vector<2048x128xf32>
    %max3A = arith.constant 0.000000e+00 : f32
    %max3A_14 = vector.broadcast %max3A : f32 to vector<2048x128xf32>
    %max3A_15 = arith.maximumf %add3A_13, %max3A_14 : vector<2048x128xf32>
    %get3A_16 = arith.constant 0 : index
    %get3A_17 = arith.constant 0 : index
    %get3A_18 = vector.load %arg5[%get3A_16, %get3A_17] : memref<64x128xf32, #tpu.memory_space<vmem>>, vector<64x128xf32>
    %dot_general3A_19 = arith.constant dense<0.000000e+00> : vector<2048x128xf32>
    %dot_general3A_20 = tpu.matmul %slice3A_5, %get3A_18, %dot_general3A_19 {dimension_numbers = #tpu.dot_dimension_numbers<[1], [0], [0], [1], [0, 0, 1, 1], [], []>, transpose_lhs_hint = false} : vector<2048x64xf32>, vector<64x128xf32>, vector<2048x128xf32> -> vector<2048x128xf32>
    %get3A_21 = arith.constant 0 : index
    %get3A_22 = arith.constant 0 : index
    %get3A_23 = vector.load %arg6[%get3A_21, %get3A_22] : memref<1x128xf32, #tpu.memory_space<vmem>>, vector<1x128xf32>
    %add3A_24 = vector.broadcast %get3A_23 : vector<1x128xf32> to vector<2048x128xf32>
    %add3A_25 = arith.addf %dot_general3A_20, %add3A_24 : vector<2048x128xf32>
    %max3A_26 = arith.constant 0.000000e+00 : f32
    %max3A_27 = vector.broadcast %max3A_26 : f32 to vector<2048x128xf32>
    %max3A_28 = arith.maximumf %add3A_25, %max3A_27 : vector<2048x128xf32>
    %mul3A = arith.mulf %max3A_15, %max3A_28 : vector<2048x128xf32>
    %reduce_sum3A = arith.constant dense<0.000000e+00> : vector<2048xf32>
    %reduce_sum3A_29 = vector.multi_reduction <add>, %mul3A, %reduce_sum3A [1] : vector<2048x128xf32> to vector<2048xf32>
    %swap3A = arith.constant 0 : index
    %swap3A_30 = vector.load %arg7[%swap3A] : memref<2048xf32, #tpu.memory_space<vmem>>, vector<2048xf32>
    tpu.vector_store %arg7[%swap3A], %reduce_sum3A_29 {strides = array<i32>} : memref<2048xf32, #tpu.memory_space<vmem>>, vector<2048xf32>,
    return
  }
  func.func @transform_0(%arg0: i32) -> (i32, i32) {
    %c0_i32 = arith.constant 0 : i32
    %c0_i32_0 = arith.constant 0 : i32
    return %arg0, %c0_i32 : i32, i32
  }
  func.func @transform_1(%arg0: i32) -> (i32, i32) {
    %c0_i32 = arith.constant 0 : i32
    %c0_i32_0 = arith.constant 0 : i32
    return %arg0, %c0_i32 : i32, i32
  }
  func.func @transform_2(%arg0: i32) -> (i32, i32) {
    %c0_i32 = arith.constant 0 : i32
    %c0_i32_0 = arith.constant 0 : i32
    %c0_i32_1 = arith.constant 0 : i32
    return %c0_i32, %c0_i32_0 : i32, i32
  }
  func.func @transform_3(%arg0: i32) -> (i32, i32) {
    %c0_i32 = arith.constant 0 : i32
    %c0_i32_0 = arith.constant 0 : i32
    %c0_i32_1 = arith.constant 0 : i32
    return %c0_i32, %c0_i32_0 : i32, i32
  }
  func.func @transform_4(%arg0: i32) -> (i32, i32) {
    %c0_i32 = arith.constant 0 : i32
    %c0_i32_0 = arith.constant 0 : i32
    %c0_i32_1 = arith.constant 0 : i32
    return %c0_i32, %c0_i32_0 : i32, i32
  }
  func.func @transform_5(%arg0: i32) -> (i32, i32) {
    %c0_i32 = arith.constant 0 : i32
    %c0_i32_0 = arith.constant 0 : i32
    %c0_i32_1 = arith.constant 0 : i32
    return %c0_i32, %c0_i32_0 : i32, i32
  }
  func.func @transform_6(%arg0: i32) -> i32 {
    %c0_i32 = arith.constant 0 : i32
    return %arg0 : i32
  }
}

</mosaic_0001>

<sc_bundles>
// kernel: kernel.4.cloned.1.call-start
scs
__scs_entry_jumppad:
0x0: {  	(pc) =	sbr.rel $0x88, $3  }
0x1: {  	(tag) =	ssettag $0x0;
	lr =	simm.s32 $0x1  }
0x2: {  	[smem:$0x3F99] =	sst lr;
	_ =	strace $0xD0000000  }
0x3: {  	_ = 	snop  }
0x4: {  	_ = 	snop  }
0x5: {  	_ = 	snop  }
0x6: {  	_ = 	snop  }
0x7: {  	_ = 	snop  }
__scs_overlays_trampoline_lowered:
0x8: {  	[smem:$0x3FA8] =	sst s0  }
0x9: {  	[smem:$0x3FA9] =	sst s1  }
0xa: {  	[smem:$0x3FAA] =	sst s2  }
0xb: {  	[smem:$0x3FAB] =	sst s3  }
0xc: {  	[smem:$0x3FAC] =	sst s4  }
0xd: {  	[smem:$0x3FAD] =	sst s5  }
0xe: {  	[smem:$0x3FAE] =	sst s6  }
0xf: {  	[smem:$0x3FAF] =	sst s7  }
0x10: {  	[smem:$0x3FB0] =	sst s8  }
0x11: {  	[smem:$0x3FB1] =	sst s9;
	s0 =	simm.s32 @!p0 $0x0  }
0x12: {  	s1 =	sld [smem:$0x3F97];
	s0 =	simm.s32 @p0 $0x1  }
0x13: {  	[smem:$0x3FB2] =	sst s0;
	s0 =	simm.s32 @!p1 $0x0  }
0x14: {  	s2 =	sld [smem:$0x3F96];
	s0 =	simm.s32 @p1 $0x1  }
0x15: {  	[smem:$0x3FB3] =	sst s0;
	s0 =	simm.s32 @!p2 $0x0  }
0x16: {  	s3 =	sld [smem:$0x3FDB];
	s0 =	simm.s32 @p2 $0x1  }
0x17: {  	s4 =	simm.s32 $0x1BF5;
	[smem:$0x3FB5] =	sst s0  }
0x18: {  	s0 =	sld [smem:$0x3F98];
	_ =	swait.ge [sflag:s4], $0x0  }
0x19: {  	s7 =	sld [smem:$0x3F99]  }
0x1a: {  	s8 =	sadd.s32 $0xFFFFE003, lr  }
0x1b: {  	s9 =	sadd.s32 $0xFFFFFEF7, lr;
	s5 =	simm.s32 $0xFFFFFFFF;
	p2 =	slt.u32 s8, $0xFFFFF086  }
0x1c: {  	p1 =	slt.u32 s9, $0xF7A;
	s5 =	simm.s32 @!p2 $0x0  }
0x1d: {  	s5 =	simm.s32 @p1 $0x1;
	p0 =	seq.s32 s7, s2  }
0x1e: {  	s7 =	smul.u32 @!p0 $0xF7A, s2;
	p2 =	seq.s32 @!p0 s5, $0x0  }
0x1f: {  	s9 =	smul.u32 $0xF7A, s1;
	s8 =	simm.s32 @!p0 $0x1BF5;
	p2 =	por !p2, p0  }
0x20: {  	[sflag:s8] =	ssyncset.s32 @!p0 $0xFFFFF086;
	s6 =	sadd.s32 @!p0 s3, s7;
	s7 =	simm.s32 @!p0 $0x108  }
0x21: {  	s3 =	sadd.s32 s3, s9;
	s6 =	sadd.s32 @!p0 $0x88, s6;
	s7 =	simm.s32 @p2 $0x1082  }
0x22: {  	[simem:s7], [sflag:s8] =	dma.local @!p0 [hbm:s6], $0xF7A  }
0x23: {  	s9 =	sor.u32 $0xD0000000, s2;
	s6 =	simm.s32 $0x108;
	_ =	swait.ge @!p0 [sflag:s8], $0x0  }
0x24: {  	s3 =	sadd.s32 $0x88, s3;
	s6 =	simm.s32 @!p1 $0x1082;
	[sflag:s4] =	ssyncset.s32 $0xFFFFF086  }
0x25: {  	[simem:s6], [sflag:s4] =	dma.local [hbm:s3], $0xF7A  }
0x26: {  	[smem:$0x3F99] =	sst s1;
	(tag) =	ssettag s2;
	_ =	strace s9  }
0x27: {  	s1 =	sld [smem:$0x3FA9]  }
0x28: {  	s2 =	sld [smem:$0x3FAA]  }
0x29: {  	s4 =	sld [smem:$0x3FAC]  }
0x2a: {  	p0 =	seq.s32 s5, $0x0;
	s5 =	sld [smem:$0x3FAD]  }
0x2b: {  	s6 =	sld [smem:$0x3FAE]  }
0x2c: {  	s7 =	sld [smem:$0x3FAF]  }
0x2d: {  	s3 =	simm.s32 $0x108;
	s8 =	sld [smem:$0x3FB0]  }
0x2e: {  	s3 =	simm.s32 @!p0 $0x1082;
	s9 =	sld [smem:$0x3FB1]  }
0x2f: {  	lr =	sadd.s32 s0, s3;
	s0 =	sld [smem:$0x3FA8]  }
0x30: {  	s3 =	sld [smem:$0x3FAB]  }
0x31: {  	[smem:$0x3FB4] =	sst s10  }
0x32: {  	s10 =	sld [smem:$0x3FB2];
	_ =	sdelay $0x3  }
0x33: {  	p0 =	seq.s32 s10, $0x1;
	s10 =	sld [smem:$0x3FB4];
	_ =	sdelay $0x3  }
0x34: {  	[smem:$0x3FB4] =	sst s10  }
0x35: {  	s10 =	sld [smem:$0x3FB3];
	_ =	sdelay $0x3  }
0x36: {  	p1 =	seq.s32 s10, $0x1;
	s10 =	sld [smem:$0x3FB4];
	_ =	sdelay $0x3  }
0x37: {  	[smem:$0x3FB4] =	sst s10  }
0x38: {  	s10 =	sld [smem:$0x3FB5]  }
0x39: {  	_ = 	snop;
	(pc) =	sbr.ind lr, $3  }
0x3a: {  	_ = 	snop  }
0x3b: {  	_ = 	snop  }
0x3c: {  	p2 =	seq.s32 s10, $0x1;
	s10 =	sld [smem:$0x3FB4]  }
0x3d: {  	_ =	shalt  }
0x3e: {  	_ =	shalt  }
0x3f: {  	_ =	shalt  }
0x40: {  	_ =	shalt  }
0x41: {  	_ =	shalt  }
0x42: {  	_ =	shalt  }
0x43: {  	_ =	shalt  }
0x44: {  	_ =	shalt  }
0x45: {  	_ =	shalt  }
0x46: {  	_ =	shalt  }
0x47: {  	_ =	shalt  }
0x48: {  	_ =	shalt  }
0x49: {  	_ =	shalt  }
0x4a: {  	_ =	shalt  }
0x4b: {  	_ =	shalt  }
0x4c: {  	_ =	shalt  }
0x4d: {  	_ =	shalt  }
0x4e: {  	_ =	shalt  }
0x4f: {  	_ =	shalt  }
0x50: {  	_ =	shalt  }
0x51: {  	_ =	shalt  }
0x52: {  	_ =	shalt  }
0x53: {  	_ =	shalt  }
0x54: {  	_ =	shalt  }
0x55: {  	_ =	shalt  }
0x56: {  	_ =	shalt  }
0x57: {  	_ =	shalt  }
0x58: {  	_ =	shalt  }
0x59: {  	_ =	shalt  }
0x5a: {  	_ =	shalt  }
0x5b: {  	_ =	shalt  }
0x5c: {  	_ =	shalt  }
0x5d: {  	_ =	shalt  }
0x5e: {  	_ =	shalt  }
0x5f: {  	_ =	shalt  }
0x60: {  	_ =	shalt  }
0x61: {  	_ =	shalt  }
0x62: {  	_ =	shalt  }
0x63: {  	_ =	shalt  }
0x64: {  	_ =	shalt  }
0x65: {  	_ =	shalt  }
0x66: {  	_ =	shalt  }
0x67: {  	_ =	shalt  }
0x68: {  	_ =	shalt  }
0x69: {  	_ =	shalt  }
0x6a: {  	_ =	shalt  }
0x6b: {  	_ =	shalt  }
0x6c: {  	_ =	shalt  }
0x6d: {  	_ =	shalt  }
0x6e: {  	_ =	shalt  }
0x6f: {  	_ =	shalt  }
0x70: {  	_ =	shalt  }
0x71: {  	_ =	shalt  }
0x72: {  	_ =	shalt  }
0x73: {  	_ =	shalt  }
0x74: {  	_ =	shalt  }
0x75: {  	_ =	shalt  }
0x76: {  	_ =	shalt  }
0x77: {  	_ =	shalt  }
0x78: {  	_ =	shalt  }
0x79: {  	_ =	shalt  }
0x7a: {  	_ =	shalt  }
0x7b: {  	_ =	shalt  }
0x7c: {  	_ =	shalt  }
0x7d: {  	_ =	shalt  }
0x7e: {  	_ =	shalt  }
0x7f: {  	_ =	shalt  }
0x80: {  	_ =	shalt  }
0x81: {  	_ =	shalt  }
0x82: {  	_ =	shalt  }
0x83: {  	_ =	shalt  }
0x84: {  	_ =	shalt  }
0x85: {  	_ =	shalt  }
0x86: {  	_ =	shalt  }
0x87: {  	_ =	shalt  }
.Lfunc_end0:
.L_simem_size_0:
called_computation_lowered:
.L_overlay_start_0:
0x88: {  	s2 =	sld [smem:$0x3FD9]  }
0x89: {  	s3 =	sld [smem:$0x3FFE];
	_ =	sdelay $0x1  }
0x8a: {  	s1 =	srdreg.scid  }
0x8b: {  	s0 =	sand.u32 $0x1, s1  }
0x8c: {  	s17 =	sshll.u32 s0, $0xA;
	s2 =	sadd.s32 s3, s2  }
0x8d: {  	s2 =	sadd.s32 s2, s17  }
0x8e: {  	[smem:$0x3FC0] =	sst s2  }
0x8f: {  	_ = 	snop  }
0x90: {  	s2 =	sld [smem:$0x3FC9]  }
0x91: {  	s18 =	sld [smem:$0x3FC8]  }
0x92: {  	s4 =	sld [smem:$0x3FC7]  }
0x93: {  	s5 =	sld [smem:$0x3FC6];
	(tm) =	ssettm $0x1  }
0x94: {  	s6 =	sld [smem:$0x3FFB];
	_ =	sdelay $0x3  }
0x95: {  	_ =	strace s6  }
0x96: {  	s6 =	sld [smem:$0x3FFC];
	_ =	sdelay $0x3  }
0x97: {  	_ =	strace s6  }
0x98: {  	s6 =	sld [smem:$0x3FFD];
	_ =	sdelay $0x3  }
0x99: {  	_ =	strace s6  }
0x9a: {  	_ =	strace $0x8FFFFFFF  }
0x9b: {  	s19 =	sld [smem:$0x3FDB];
	_ =	sdelay $0x1  }
0x9c: {  	s7 =	simm.s32 $_scs_section_size  }
0x9d: {  	s8 =	simm.s32 $_size__tile_overlayer_lowered;
	s9 =	simm.s32 $_tile_overlayer_lowered  }
0x9e: {  	s22 =	simm.s32 $0x1BFF;
	s21 =	sshll.u32 s9, $0x1;
	s6 =	sadd.s32 s7, s19  }
0x9f: {  	s10 =	simm.s32 $0x0;
	s20 =	sshll.u32 s8, $0x1;
	s8 =	sadd.s32 s21, s6  }
0xa0: {  	[timem:s10], [sflag:s22] =	dma.local [hbm:s8], s20  }
0xa1: {  	_ =	swait.ge [sflag:s22], s20  }
0xa2: {  	s7 =	ssub.s32 $0x0, s20;
	[sflag:s22] =	ssyncset.done $0x0  }
0xa3: {  	[sflag:s22] =	ssyncadd.s32 s7;
	_ =	sdelay $0x1  }
0xa4: {  	s23 =	simm.s32 $0x1B8B  }
0xa5: {  	_ =	swait.ge [sflag:s23], $0x1  }
0xa6: {  	[sflag:s23] =	ssyncset.done $0x0  }
0xa7: {  	s25 =	simm.s32 $0x1B8E;
	s24 =	sld [smem:$0x3FFE];
	[sflag:s23] =	ssyncadd.s32 $0xFFFFFFFF  }
0xa8: {  	s26 =	simm.s32 $execute0_lowered;
	[smem:$0x3FD2] =	sst s25  }
0xa9: {  	s8 =	sshll.u32 s26, $0x1;
	_ =	strace $0x80000046;
	[dreg:$0x1] =	wrdreg $0xFFFFFFFF  }
0xaa: {  	s28 =	simm.s32 $_size_execute0_lowered;
	s6 =	sadd.s32 s6, s8;
	[dreg:$0x0] =	wrdreg $0x0  }
0xab: {  	s8 =	sshll.u32 s28, $0x1;
	[dreg:$0x2] =	wrdreg s6  }
0xac: {  	[dreg:$0x3] =	wrdreg s8  }
0xad: {  	[dreg:$0x4] =	wrdreg $0xC0  }
0xae: {  	_ =	task [dreg:s10], $0x5FFFF  }
0xaf: {  	[dreg:$0x1] =	wrdreg $0xFFFFFFFF  }
0xb0: {  	[dreg:$0x0] =	wrdreg $0x60  }
0xb1: {  	[dreg:$0x2] =	wrdreg s2  }
0xb2: {  	[dreg:$0x3] =	wrdreg s18  }
0xb3: {  	[dreg:$0x4] =	wrdreg s4  }
0xb4: {  	[dreg:$0x5] =	wrdreg s5  }
0xb5: {  	[dreg:$0x6] =	wrdreg s24  }
0xb6: {  	[dreg:$0x7] =	wrdreg $0x9  }
0xb7: {  	_ =	task.clear_ibuf [dreg:s10], $0x8FFFF;
	_ =	strace $0x90000046  }
0xb8: {  	s29 =	simm.s32 $0x9;
	_ =	strace $0x80000048  }
0xb9: {  	_ =	swait.ge [sflag:s29], $0x1  }
0xba: {  	[sflag:s29] =	ssyncadd.s32 $0xFFFFFFFF  }
0xbb: {  	_ =	strace $0x90000048  }
0xbc: {  	_ =	sfence  }
0xbd: {  	s30 =	sld [smem:$0x0];
	_ =	sdelay $0x2  }
0xbe: {  	s31 =	sshll.u32 s1, $0xD;
	s1 =	sshrl.u32 s1, $0x2  }
0xbf: {  	s3 =	sand.u32 $0x4000, s31;
	s1 =	sadd.s32 s1, s30  }
0xc0: {  	s0 =	sor.u32 s3, s0;
	s1 =	sshll.u32 s1, $0x11  }
0xc1: {  	s0 =	sor.u32 s1, s0  }
0xc2: {  	s0 =	sadd.s32 $0x8F2B, s0  }
0xc3: {  	[sflag:s0] =	ssyncadd.remote.s32 $0x1  }
0xc4: {  	_ =	sfence.sel $0xFFFF  }
0xc5: {  	[dreg:$0x0] =	wrdreg $0xFFFFFFFF;
	(pc) =	sbr.abs _section_cstart, $3  }
0xc6: {  	[dreg:$0x1] =	wrdreg $0xFFFFFFFF  }
0xc7: {  	_ =	task.clear_ibuf [dreg:s10], $0x2FFFF;
	_ =	strace $0x9FFFFFFF  }
0xc8: {  	(tm) =	ssettm $0x7FFFFFFF  }
0xc9: {  	_ =	shalt  }
tec
execute0_lowered:
.L_overlay_start_1:
0x0: {  	(tag) =	ssettag $0x1  }
0x1: {  	s3 =	rddreg [dreg:$0x2]  }
0x2: {  	s4 =	rddreg [dreg:$0x3]  }
0x3: {  	s0 =	rddreg [dreg:$0x4];
	s6 =	simm.s32 $0x0;
	s1 =	srdreg.scid  }
0x4: {  	s2 =	stileid.u32;
	s19 =	simm.s32 $0x1;
	s22 =	simm.s32 $0x8100  }
0x5: {  	s23 =	simm.s32 $0x18100;
	[smem:$0x7FF] =	sst s6;
	s1 =	sand.u32 $0x1, s1  }
0x6: {  	s2 =	sshll.u32 s2, $0x1;
	s7 =	sadd.s32 $0x1400, s0;
	s8 =	sadd.s32 $0x2400, s0  }
0x7: {  	s9 =	sadd.s32 $0x3400, s0;
	s10 =	sadd.s32 $0x53400, s0;
	s5 =	ssub.s32 $0x2, s1  }
0x8: {  	_ =	strace $0x80000047;
	s1 =	sor.u32 s1, s2;
	s24 =	sshrl.u32 s5, $0x1  }
0x9: {  	s12 =	smul.u32 $0x7A14, s1;
	s1 =	sshll.u32 s1, $0x7;
	s25 =	ssub.s32 s5, s24  }
0xa: {  	s28 =	sor.u32 $0x4000, s1;
	s29 =	sor.u32 $0x4010, s1;
	s13 =	sor.u32 $0x4020, s1  }
0xb: {  	s15 =	sor.u32 $0x4030, s1;
	s16 =	sor.u32 $0x4040, s1;
	s17 =	sor.u32 $0x4050, s1  }
0xc: {  	v14 =	vlaneseq.u32;
	s18 =	sor.u32 $0x4060, s1;
	s1 =	sor.u32 $0x4070, s1;
	s24 =	simm.s32 $0x2  }
.Ltmp0:
0xd: {  	v12 =	vimm.s32 $0x0;
	v13 =	vmul.u32 $0x8000, v14;
	s11 =	sand.u32 $0xFFF80, s12;
	s26 =	sadd.s32 $0x7A14, s12;
	v0 =	vor.u32 s28, v14;
	(pc) =	sbr.rel .LBB2_1-.Ltmp0, $4  }
0xe: {  	v4 =	vor.u32 s16, v14;
	v5 =	vor.u32 s17, v14;
	s16 =	smax.u32 s25, $0x1;
	s17 =	simm.s32 $0x4080;
	v6 =	vor.u32 s18, v14;
	s18 =	simm.s32 $0x4  }
0xf: {  	v1 =	vor.u32 s29, v14;
	v2 =	vor.u32 s13, v14;
	v3 =	vor.u32 s15, v14;
	s25 =	simm.s32 $0x10100;
	s2 =	sand.u32 $0x1FFF80, s26;
	s30 =	sadd.s32 s3, s11  }
0x10: {  	v7 =	vor.u32 s1, v14;
	v14 =	vmul.u32 $0x80, v14;
	s13 =	ssub.s32 $0xF4040, s11;
	s31 =	sadd.s32 s4, s11;
	v8 =	vmov s11;
	[dreg:$0x6] =	wrdreg s30  }
0x11: {  	s14 =	sadd.s32 $0x400, s11;
	v10 =	vshll.u32 v0, $0xF;
	v11 =	vshll.u32 v0, $0xA;
	s26 =	simm.s32 $0x0;
	[dreg:$0x7] =	wrdreg s31;
	v9 =	vmov s2  }
.LBB2_61:
0x12: {  	_ =	swait.ge [sflag:s19], $0x8000  }
0x13: {  	[sflag:s19] =	ssyncset.done $0x0  }
0x14: {  	s0 =	simm.s32 @!p2 $0x3;
	[sflag:s19] =	ssyncadd.s32 $0xFFFF8000  }
0x15: {  	_ =	swait.ge @!p2 [sflag:s0], $0x4000  }
0x16: {  	[sflag:s0] =	ssyncset.done @!p2 $0x0  }
0x17: {  	[sflag:s0] =	ssyncadd.s32 @!p2 $0xFFFFC000  }
0x18: {  	[tilespmem:$0x1C100] =	vst @!p2 v0  }
0x19: {  	[tilespmem:$0x1C110] =	vst @!p2 v1  }
0x1a: {  	[tilespmem:$0x1C120] =	vst @!p2 v2  }
0x1b: {  	[tilespmem:$0x1C130] =	vst @!p2 v3  }
0x1c: {  	[tilespmem:$0x1C140] =	vst @!p2 v4  }
0x1d: {  	[tilespmem:$0x1C150] =	vst @!p2 v5  }
0x1e: {  	p0 =	slt.s32 s28, $0x1;
	[tilespmem:$0x1C160] =	vst @!p2 v6  }
0x1f: {  	s1 =	simm.s32 @!p0 $0x1C100;
	s2 =	simm.s32 @!p0 $0x18100;
	s0 =	simm.s32 @!p0 $0x80;
	[tilespmem:$0x1C170] =	vst @!p2 v7  }
0x20: {  	[hbm4b:s10+s0] =	stream.indirect.scatter @!p0 [tilespmem:s2], [sflag:$0x3], $0x80, s1, s0, $0xb8;
	[tilespmem:$0x1C180] =	vst v63  }
0x21: {  	s0 =	simm.s32 @!p0 $0x3  }
0x22: {  	_ =	swait.ge @!p0 [sflag:s0], $0x4000  }
0x23: {  	[sflag:s0] =	ssyncset.done @!p0 $0x0  }
0x24: {  	[sflag:s0] =	ssyncadd.s32 @!p0 $0xFFFFC000  }
0x25: {  	[tilespmem:$0x1C100] =	vst @!p0 v0  }
0x26: {  	s26 =	sadd.s32 $0x1, s26;
	[tilespmem:$0x1C110] =	vst @!p0 v1  }
0x27: {  	p1 =	sne.s32 s26, s16;
	[tilespmem:$0x1C120] =	vst @!p0 v2  }
.Ltmp1:
0x28: {  	[tilespmem:$0x1C130] =	vst @!p0 v3;
	(pc) =	sbr.rel @!p1 .LBB2_62-.Ltmp1, $4  }
0x29: {  	[tilespmem:$0x1C140] =	vst @!p0 v4  }
0x2a: {  	[tilespmem:$0x1C150] =	vst @!p0 v5  }
0x2b: {  	[tilespmem:$0x1C160] =	vst @!p0 v6  }
0x2c: {  	[tilespmem:$0x1C170] =	vst @!p0 v7  }
.LBB2_1:
0x2d: {  	[tilespmem:$0x1C100] =	vst v0  }
0x2e: {  	[tilespmem:$0x1C110] =	vst v1  }
0x2f: {  	[tilespmem:$0x1C120] =	vst v2  }
0x30: {  	[tilespmem:$0x1C130] =	vst v3  }
0x31: {  	[tilespmem:$0x1C140] =	vst v4  }
0x32: {  	[tilespmem:$0x1C150] =	vst v5  }
0x33: {  	[tilespmem:$0x1C160] =	vst v6  }
0x34: {  	[tilespmem:$0x1C170] =	vst v7;
	s0 =	rddreg [dreg:$0x0]  }
0x35: {  	[tilespmem:s17], [sflag:$0x4] =	stream.linear.gather [hbm4b:s0+s6], $0x4000, $0x38;
	[tilespmem:$0x1C180] =	vst v63  }
0x36: {  	_ =	swait.ge [sflag:s18], $0x4000  }
0x37: {  	[sflag:s18] =	ssyncset.done $0x0  }
0x38: {  	s30 =	simm.s32 $0x4090;
	[sflag:s18] =	ssyncadd.s32 $0xFFFFC000  }
0x39: {  	v15 =	vld [tilespmem:s30+$0xFFFFFFF0];
	_ =	sdelay $0x4  }
0x3a: {  	vm0 =	vge.s32 v15, v8;
	vm1 =	vlt.s32 v15, v9  }
0x3b: {  	vm0 =	vmand vm0, vm1  }
0x3c: {  	v16 =	vsel vm0, $0x1, v12  }
0x3d: {  	(xrf0) =	vadd.scan.msk.s32 $0xffff, v16;
	_ =	sdelay $0x2  }
0x3e: {  	v16 =	vmov s6  }
0x3f: {  	v16 =	vadd.s32 $0xFFFFFFFF, v16  }
0x40: {  	v16 =	vbroadcast v16, $0x0  }
0x41: {  	v17, _, _ =	vpop (xrf0)  }
0x42: {  	v16 =	vadd.s32 v17, v16;
	v17 =	vxor.u32 $0x80000000, v17  }
0x43: {  	s1 =	simm.s32 $0x0;
	v16 =	vnsel vm0, $0x401F, v16;
	(xrf0) =	vmax.scan.msk.u32 $0xffff, v17  }
0x44: {  	v17 =	vmov s1  }
0x45: {  	v17 =	vshll.u32 v17, $0xF  }
0x46: {  	v15 =	vsub.s32 v15, v8;
	v17 =	vor.u32 v13, v17  }
0x47: {  	v15 =	vor.u32 v17, v15  }
0x48: {  	[tilespmem:v16+s6+$0x0] =	vst.idx.msk $0xffff, v15  }
0x49: {  	v15 =	vld [tilespmem:s30+$0x0];
	v16, _, _ =	vpop (xrf0)  }
0x4a: {  	(v2sf) =	vpush v16, $0xF;
	_ =	sdelay $0x3  }
0x4b: {  	vm0 =	vge.s32 v15, v8;
	vm1 =	vlt.s32 v15, v9  }
0x4c: {  	vm0 =	vmand vm0, vm1  }
0x4d: {  	v16 =	vsel vm0, $0x1, v12  }
0x4e: {  	(xrf0) =	vadd.scan.msk.s32 $0xffff, v16;
	_ =	sdelay $0x5  }
0x4f: {  	v16, _, _ =	vpop (xrf0)  }
0x50: {  	v17 =	vxor.u32 $0x80000000, v16  }
0x51: {  	(xrf0) =	vmax.scan.msk.u32 $0xffff, v17;
	s31 =	spop (v2sf)  }
0x52: {  	s0 =	sadd.s32 $0x0, s31  }
0x53: {  	s5 =	sadd.s32 $0x80000000, s0  }
0x54: {  	v17 =	vmov s5  }
0x55: {  	v17 =	vadd.s32 $0xFFFFFFFF, v17  }
0x56: {  	v17 =	vbroadcast v17, $0x0  }
0x57: {  	v18, _, _ =	vpop (xrf0)  }
0x58: {  	(v2sf) =	vpush v18, $0xF;
	v16 =	vadd.s32 v16, v17  }
0x59: {  	s1 =	simm.s32 $0x10;
	v16 =	vnsel vm0, $0x401F, v16  }
0x5a: {  	v17 =	vmov s1  }
0x5b: {  	v17 =	vshll.u32 v17, $0xF  }
0x5c: {  	v15 =	vsub.s32 v15, v8;
	v17 =	vor.u32 v13, v17  }
0x5d: {  	v15 =	vor.u32 v17, v15  }
0x5e: {  	s0 =	simm.s32 $0x40B0;
	[tilespmem:v16+s6+$0x0] =	vst.idx.msk $0xffff, v15  }
0x5f: {  	v15 =	vld [tilespmem:s0+$0xFFFFFFF0];
	_ =	sdelay $0x4  }
0x60: {  	vm0 =	vge.s32 v15, v8;
	vm1 =	vlt.s32 v15, v9  }
0x61: {  	vm0 =	vmand vm0, vm1  }
0x62: {  	v16 =	vsel vm0, $0x1, v12  }
0x63: {  	s12 =	spop (v2sf);
	(xrf0) =	vadd.scan.msk.s32 $0xffff, v16  }
0x64: {  	s2 =	simm.s32 $0x2;
	v15 =	vsub.s32 v15, v8;
	s5 =	sadd.s32 s12, s5  }
.LBB2_2:
0x65: {  	s2 =	sadd.s32 $0x2, s2;
	s5 =	sadd.s32 $0x80000000, s5;
	s1 =	sadd.s32 $0x20, s1  }
0x66: {  	p0 =	slt.u32 s2, $0x3FE;
	v16 =	vmov s5  }
0x67: {  	v16 =	vadd.s32 $0xFFFFFFFF, v16  }
0x68: {  	v16 =	vbroadcast v16, $0x0  }
0x69: {  	v17, _, _ =	vpop (xrf0)  }
0x6a: {  	v16 =	vadd.s32 v17, v16;
	v17 =	vxor.u32 $0x80000000, v17  }
0x6b: {  	s12 =	sadd.s32 $0xFFFFFFF0, s1;
	v16 =	vnsel vm0, $0x401F, v16;
	(xrf0) =	vmax.scan.msk.u32 $0xffff, v17  }
0x6c: {  	v17 =	vmov s12  }
0x6d: {  	v17 =	vshll.u32 v17, $0xF  }
0x6e: {  	v17 =	vor.u32 v13, v17  }
0x6f: {  	v15 =	vor.u32 v17, v15  }
0x70: {  	[tilespmem:v16+s6+$0x0] =	vst.idx.msk $0xffff, v15  }
0x71: {  	v15 =	vld [tilespmem:s0+$0x0];
	v16, _, _ =	vpop (xrf0)  }
0x72: {  	(v2sf) =	vpush v16, $0xF;
	_ =	sdelay $0x3  }
0x73: {  	vm0 =	vge.s32 v15, v8;
	vm1 =	vlt.s32 v15, v9;
	v15 =	vsub.s32 v15, v8  }
0x74: {  	vm0 =	vmand vm0, vm1  }
0x75: {  	v16 =	vsel vm0, $0x1, v12  }
0x76: {  	(xrf0) =	vadd.scan.msk.s32 $0xffff, v16;
	_ =	sdelay $0x5  }
0x77: {  	v16, _, _ =	vpop (xrf0)  }
0x78: {  	v17 =	vxor.u32 $0x80000000, v16  }
0x79: {  	s12 =	spop (v2sf);
	(xrf0) =	vmax.scan.msk.u32 $0xffff, v17  }
0x7a: {  	s5 =	sadd.s32 s12, s5  }
0x7b: {  	s5 =	sadd.s32 $0x80000000, s5  }
0x7c: {  	v17 =	vmov s5  }
0x7d: {  	v17 =	vadd.s32 $0xFFFFFFFF, v17  }
0x7e: {  	v17 =	vbroadcast v17, $0x0  }
0x7f: {  	v18, _, _ =	vpop (xrf0)  }
0x80: {  	v16 =	vadd.s32 v16, v17;
	(v2sf) =	vpush v18, $0xF  }
0x81: {  	v16 =	vnsel vm0, $0x401F, v16  }
0x82: {  	v17 =	vmov s1  }
0x83: {  	v17 =	vshll.u32 v17, $0xF  }
0x84: {  	v17 =	vor.u32 v13, v17  }
0x85: {  	v15 =	vor.u32 v17, v15  }
0x86: {  	s0 =	sadd.s32 $0x20, s0;
	[tilespmem:v16+s6+$0x0] =	vst.idx.msk $0xffff, v15  }
0x87: {  	v15 =	vld [tilespmem:s0+$0xFFFFFFF0];
	_ =	sdelay $0x4  }
.Ltmp2:
0x88: {  	vm0 =	vge.s32 v15, v8;
	vm1 =	vlt.s32 v15, v9;
	v15 =	vsub.s32 v15, v8;
	(pc) =	sbr.rel @p0 .LBB2_2-.Ltmp2, $4  }
0x89: {  	vm0 =	vmand vm0, vm1  }
0x8a: {  	v16 =	vsel vm0, $0x1, v12  }
0x8b: {  	(xrf0) =	vadd.scan.msk.s32 $0xffff, v16;
	s12 =	spop (v2sf)  }
0x8c: {  	s5 =	sadd.s32 s12, s5  }
0x8d: {  	s2 =	sadd.s32 $0x80000000, s5  }
0x8e: {  	v16 =	vmov s2  }
0x8f: {  	v16 =	vadd.s32 $0xFFFFFFFF, v16  }
0x90: {  	v16 =	vbroadcast v16, $0x0  }
0x91: {  	v17, _, _ =	vpop (xrf0)  }
0x92: {  	s1 =	sadd.s32 $0x20, s1;
	v16 =	vadd.s32 v17, v16  }
0x93: {  	s15 =	sadd.s32 $0xFFFFFFF0, s1;
	v16 =	vnsel vm0, $0x401F, v16  }
0x94: {  	v18 =	vmov s15  }
0x95: {  	v18 =	vshll.u32 v18, $0xF  }
0x96: {  	v18 =	vor.u32 v13, v18  }
0x97: {  	v15 =	vor.u32 v18, v15  }
0x98: {  	[tilespmem:v16+s6+$0x0] =	vst.idx.msk $0xffff, v15  }
0x99: {  	v15 =	vld [tilespmem:s0+$0x0];
	_ =	sdelay $0x4  }
0x9a: {  	vm15 =	vge.s32 v15, v8;
	vm1 =	vlt.s32 v15, v9  }
0x9b: {  	v56 =	vxor.u32 $0x80000000, v17;
	vm0 =	vmand vm15, vm1  }
0x9c: {  	(xrf0) =	vmax.scan.msk.u32 $0xffff, v56;
	v57 =	vsel vm0, $0x1, v12  }
0x9d: {  	(xrf0) =	vadd.scan.msk.s32 $0xffff, v57;
	_ =	sdelay $0x4  }
0x9e: {  	v58, _, _ =	vpop (xrf0)  }
0x9f: {  	v59, _, _ =	vpop (xrf0)  }
0xa0: {  	v60 =	vxor.u32 $0x80000000, v59  }
0xa1: {  	(v2sf) =	vpush v58, $0xF;
	(xrf0) =	vmax.scan.msk.u32 $0xffff, v60;
	_ =	sdelay $0x5  }
0xa2: {  	v61, _, _ =	vpop (xrf0)  }
0xa3: {  	(v2sf) =	vpush v61, $0xF;
	_ =	sdelay $0x7  }
0xa4: {  	s20 =	spop (v2sf)  }
0xa5: {  	s0 =	sadd.s32 s20, s2  }
0xa6: {  	s0 =	sadd.s32 $0x80000000, s0  }
0xa7: {  	v62 =	vmov s0  }
0xa8: {  	v16 =	vadd.s32 $0xFFFFFFFF, v62  }
0xa9: {  	v16 =	vbroadcast v16, $0x0;
	_ =	sdelay $0x1  }
0xaa: {  	v16 =	vadd.s32 v59, v16;
	s21 =	spop (v2sf)  }
0xab: {  	v16 =	vnsel vm0, $0x401F, v16;
	s0 =	sadd.s32 s21, s0  }
0xac: {  	v63 =	vmov s1;
	s0 =	sadd.s32 $0x80000000, s0  }
0xad: {  	v17 =	vshll.u32 v63, $0xF;
	s2 =	simm.s32 $0x1;
	s31 =	sadd.s32 $0xF, s0  }
0xae: {  	v17 =	vor.u32 v13, v17;
	v15 =	vsub.s32 v15, v8;
	s21 =	rddreg [dreg:$0x6];
	s5 =	sand.u32 $0xF, s31;
	s12 =	sshra.s32 s31, $0x1F  }
0xaf: {  	v15 =	vor.u32 v17, v15;
	p0 =	slt.s32 s31, $0x1;
	p1 =	sne.s32 s5, $0x0;
	s15 =	sshrl.u32 s12, $0x1C  }
0xb0: {  	[tilespmem:v16+s6+$0x0] =	vst.idx.msk $0xffff, v15;
	s12 =	simm.s32 $0x7A1400;
	p0 =	por !p0, !p1;
	s1 =	sadd.s32 s15, s31  }
.Ltmp3:
0xb1: {  	[tilespmem:s0+$0x0] =	vst v10;
	s31 =	simm.s32 $0x1000;
	p0 =	por !p0, !p0;
	(pc) =	sbr.rel .LBB2_4-.Ltmp3, $4  }
0xb2: {  	[tilespmem:s22], [sflag:$0x1] =	stream.strided.gather [hbm4b:s21+s31], $0x8000, s12, s31, $0x38;
	[tilespmem:$0x1C180] =	vst v63  }
0xb3: {  	s20 =	sshra.s32 s1, $0x4;
	s2 =	simm.s32 @!p0 $0x0  }
0xb4: {  	s28 =	simm.s32 $0x0;
	s29 =	ssub.s32 s20, s2  }
0xb5: {  	p2 =	por $0x1, $0x1;
	s30 =	simm.s32 $0x0;
	p0 =	slt.s32 s29, $0x1  }
.LBB2_25:
0xb6: {  	p2 =	por $0x1, $0x1  }
0xb7: {  	s28 =	smov.u32 @p1 s28;
	p2 =	por @!p1 p2, p2  }
.LBB2_30:
0xb8: {  	s30 =	sadd.s32 $0x1, s30  }
0xb9: {  	p1 =	sne.s32 s30, $0x1F  }
.Ltmp4:
0xba: {  	_ = 	snop;
	(pc) =	sbr.rel @!p1 .LBB2_31-.Ltmp4, $1  }
0xbb: {  	_ =	sdelay $0x3  }
.LBB2_4:
0xbc: {  	s2 =	sshll.u32 s30, $0xA  }
0xbd: {  	s31 =	sor.u32 $0x200, s2  }
0xbe: {  	s0 =	sadd.s32 s11, s31  }
0xbf: {  	p1 =	slt.u32 s0, $0xF4041  }
0xc0: {  	s1 =	sadd.s32 @p1 s3, s0  }
0xc1: {  	s5 =	simm.s32 @p1 $0x1000;
	s12 =	simm.s32 @p1 $0x7A1400;
	s20 =	simm.s32 @p1 $0x10100  }
0xc2: {  	[tilespmem:s20], [sflag:$0x2] =	stream.strided.gather @p1 [hbm4b:s1+s5], $0x8000, s12, s5, $0x38;
	[tilespmem:$0x1C180] =	vst v63  }
.Ltmp5:
0xc3: {  	s1 =	simm.s32 @!p1 $0x0;
	s5 =	simm.s32 @!p1 $0x10100;
	(pc) =	sbr.rel @p0 .LBB2_11-.Ltmp5, $4  }
0xc4: {  	[tilespmem:s5], [sflag:$0x2] =	stream.linear.gather @!p1 [hbm4b:s7+s1], $0x8000, $0x38;
	[tilespmem:$0x1C180] =	vst v63  }
0xc5: {  	_ =	swait.ge [sflag:s19], $0x8000  }
0xc6: {  	[sflag:s19] =	ssyncset.done $0x0  }
0xc7: {  	p1 =	sne.s32 s29, $0x1;
	s1 =	simm.s32 $0x0;
	[sflag:s19] =	ssyncadd.s32 $0xFFFF8000  }
.Ltmp6:
0xc8: {  	(pc) =	sbr.rel @!p1 .LBB2_6-.Ltmp6, $3  }
0xc9: {  	_ =	sdelay $0x1  }
0xca: {  	s1 =	simm.s32 $0x0  }
0xcb: {  	v15 =	vmov s2;
	s2 =	sadd.s32 $0xFFFFFFFF, s29;
	p3 =	por $0x0, $0x0;
	v16 =	vld [tilespmem:s1+$0x0]  }
0xcc: {  	_ =	sdelay $0x3  }
0xcd: {  	v17 =	vand.u32 $0x7FFF, v16  }
0xce: {  	v17 =	vsub.s32 v17, v15  }
0xcf: {  	vm0 =	vlt.u32 v17, $0x200  }
0xd0: {  	v18 =	vsel vm0, $0x1, v12  }
0xd1: {  	(xrf0) =	vadd.scan.msk.s32 $0xffff, v18;
	_ =	sdelay $0x5  }
0xd2: {  	v19, _, _ =	vpop (xrf0)  }
0xd3: {  	v18 =	vmov s1;
	v20 =	vxor.u32 $0x80000000, v19  }
0xd4: {  	v18 =	vadd.s32 $0xFFFFFFFF, v18;
	(xrf0) =	vmax.scan.msk.u32 $0xffff, v20  }
0xd5: {  	v18 =	vbroadcast v18, $0x0;
	_ =	sdelay $0x1  }
0xd6: {  	v17 =	vnsel vm0, $0x0, v17;
	v18 =	vadd.s32 v19, v18  }
0xd7: {  	v16 =	vshra.s32 v16, $0x5;
	v18 =	vnsel vm0, $0x401F, v18  }
0xd8: {  	p4 =	sne.s32 s2, $0x1;
	v16 =	vand.u32 $0xFFFFFC00, v16  }
.Ltmp7:
0xd9: {  	v16 =	vor.u32 v16, v17;
	v17, _, _ =	vpop (xrf0);
	(pc) =	sbr.rel @!p4 .LBB2_8-.Ltmp7, $3  }
0xda: {  	(v2sf) =	vpush v17, $0xF;
	_ =	sdelay $0x1  }
0xdb: {  	s5 =	simm.s32 $0x10;
	[tilespmem:v18+s17+$0x0] =	vst.idx.msk $0xffff, v16  }
0xdc: {  	s20 =	sadd.s32 $0xFFFFFFFF, s2;
	p3 =	por $0x1, $0x1;
	s2 =	simm.s32 $0x0;
	v16 =	vld [tilespmem:s5+$0x0]  }
.LBB2_9:
0xdd: {  	p4 =	sne.s32 s20, $0x1;
	_ =	sdelay $0x3  }
0xde: {  	v17 =	vand.u32 $0x7FFF, v16;
	v16 =	vshra.s32 v16, $0x5  }
0xdf: {  	v17 =	vsub.s32 v17, v15  }
0xe0: {  	vm0 =	vlt.u32 v17, $0x200  }
0xe1: {  	v18 =	vsel vm0, $0x1, v12;
	v17 =	vnsel vm0, $0x0, v17  }
0xe2: {  	(xrf0) =	vadd.scan.msk.s32 $0xffff, v18;
	_ =	sdelay $0x2  }
0xe3: {  	s12 =	spop (v2sf)  }
0xe4: {  	s2 =	sadd.s32 s12, s2  }
0xe5: {  	s2 =	sadd.s32 $0x80000000, s2  }
0xe6: {  	v18 =	vmov s2;
	v19, _, _ =	vpop (xrf0)  }
0xe7: {  	v18 =	vadd.s32 $0xFFFFFFFF, v18;
	v20 =	vxor.u32 $0x80000000, v19  }
0xe8: {  	v18 =	vbroadcast v18, $0x0;
	(xrf0) =	vmax.scan.msk.u32 $0xffff, v20;
	_ =	sdelay $0x1  }
0xe9: {  	v18 =	vadd.s32 v19, v18  }
0xea: {  	v18 =	vnsel vm0, $0x401F, v18;
	_ =	sdelay $0x2  }
.Ltmp8:
0xeb: {  	v16 =	vand.u32 $0xFFFFFC00, v16;
	v19, _, _ =	vpop (xrf0);
	(pc) =	sbr.rel @p4 .LBB2_9-.Ltmp8, $4  }
0xec: {  	v16 =	vor.u32 v16, v17;
	(v2sf) =	vpush v19, $0xF  }
0xed: {  	[tilespmem:v18+s17+$0x0] =	vst.idx.msk $0xffff, v16  }
0xee: {  	s5 =	sadd.s32 $0x10, s5  }
0xef: {  	s20 =	sadd.s32 $0xFFFFFFFF, s20;
	v16 =	vld [tilespmem:s5+$0x0]  }
.LBB2_10:
0xf0: {  	_ =	sdelay $0x3  }
0xf1: {  	v17 =	vand.u32 $0x7FFF, v16  }
0xf2: {  	v15 =	vsub.s32 v17, v15  }
0xf3: {  	vm0 =	vlt.u32 v15, $0x200  }
0xf4: {  	v61 =	vsel vm0, $0x1, v12  }
0xf5: {  	(xrf0) =	vadd.scan.msk.s32 $0xffff, v61;
	_ =	sdelay $0x5  }
0xf6: {  	v17, _, _ =	vpop (xrf0)  }
0xf7: {  	v18 =	vxor.u32 $0x80000000, v17  }
0xf8: {  	(xrf0) =	vmax.scan.msk.u32 $0xffff, v18;
	_ =	sdelay $0x5  }
0xf9: {  	v18, _, _ =	vpop (xrf0)  }
0xfa: {  	(v2sf) =	vpush v18, $0xF;
	_ =	sdelay $0x2  }
0xfb: {  	s5 =	spop @p3 (v2sf)  }
0xfc: {  	s2 =	sadd.s32 @p3 s5, s2  }
0xfd: {  	s2 =	sadd.s32 @p3 $0x80000000, s2  }
0xfe: {  	s1 =	smov.u32 @p3 s2  }
0xff: {  	v62 =	vmov s1  }
0x100: {  	v18 =	vadd.s32 $0xFFFFFFFF, v62  }
0x101: {  	v18 =	vbroadcast v18, $0x0;
	_ =	sdelay $0x1  }
0x102: {  	v17 =	vadd.s32 v17, v18  }
0x103: {  	v17 =	vnsel vm0, $0x401F, v17;
	_ =	sdelay $0x1  }
0x104: {  	v63 =	vshra.s32 v16, $0x5  }
0x105: {  	v16 =	vand.u32 $0xFFFFFC00, v63;
	v15 =	vnsel vm0, $0x0, v15;
	s21 =	spop (v2sf)  }
0x106: {  	v15 =	vor.u32 v16, v15;
	s1 =	sadd.s32 s21, s1  }
0x107: {  	[tilespmem:v17+s17+$0x0] =	vst.idx.msk $0xffff, v15;
	s1 =	sadd.s32 $0x80000000, s1  }
.LBB2_11:
0x108: {  	[tilespmem:s1+$0x4080] =	vst v11;
	s2 =	simm.s32 @!p2 $0x3;
	s5 =	sadd.s32 $0xF, s1  }
0x109: {  	_ =	swait.ge @!p2 [sflag:s2], $0x4000;
	s20 =	sand.u32 $0xF, s5;
	s21 =	sshra.s32 s5, $0x1F  }
0x10a: {  	p4 =	slt.s32 s5, $0x1;
	[sflag:s2] =	ssyncset.done @!p2 $0x0;
	p3 =	sne.s32 s20, $0x0  }
0x10b: {  	[sflag:s2] =	ssyncadd.s32 @!p2 $0xFFFFC000;
	s2 =	sshrl.u32 s21, $0x1C;
	p3 =	por !p4, !p3  }
0x10c: {  	s2 =	sadd.s32 s2, s5;
	p3 =	por !p3, !p3;
	s5 =	simm.s32 $0x1  }
0x10d: {  	s2 =	sshra.s32 s2, $0x4;
	s5 =	simm.s32 @!p3 $0x0  }
0x10e: {  	[tilespmem:$0x1C100] =	vst @!p2 v0;
	p3 =	slt.s32 s1, $0x1;
	s5 =	ssub.s32 s2, s5  }
0x10f: {  	[tilespmem:$0x1C110] =	vst @!p2 v1;
	p4 =	slt.s32 @!p3 s5, $0x1  }
0x110: {  	[tilespmem:$0x1C120] =	vst @!p2 v2;
	p4 =	por p3, p4  }
.Ltmp9:
0x111: {  	[tilespmem:$0x1C130] =	vst @!p2 v3;
	(pc) =	sbr.rel @p4 .LBB2_12-.Ltmp9, $4  }
0x112: {  	[tilespmem:$0x1C140] =	vst @!p2 v4  }
0x113: {  	[tilespmem:$0x1C150] =	vst @!p2 v5  }
0x114: {  	[tilespmem:$0x1C160] =	vst @!p2 v6  }
0x115: {  	[tilespmem:$0x1C170] =	vst @!p2 v7;
	s1 =	simm.s32 $0x0  }
.LBB2_13:
0x116: {  	s2 =	sadd.s32 $0x10, s28  }
0x117: {  	p2 =	slt.s32 s2, $0x81  }
0x118: {  	s2 =	simm.s32 @!p2 $0x80;
	s12 =	simm.s32 @!p2 $0x1C100;
	s20 =	simm.s32 @!p2 $0x18100  }
0x119: {  	[hbm4b:s9+s2] =	stream.indirect.scatter @!p2 [tilespmem:s20], [sflag:$0x3], $0x80, s12, s2, $0xb8;
	[tilespmem:$0x1C180] =	vst v63  }
0x11a: {  	s2 =	simm.s32 @!p2 $0x3  }
0x11b: {  	_ =	swait.ge @!p2 [sflag:s2], $0x4000  }
0x11c: {  	[sflag:s2] =	ssyncset.done @!p2 $0x0  }
0x11d: {  	[sflag:s2] =	ssyncadd.s32 @!p2 $0xFFFFC000  }
0x11e: {  	[tilespmem:$0x1C100] =	vst @!p2 v0  }
0x11f: {  	[tilespmem:$0x1C110] =	vst @!p2 v1  }
0x120: {  	[tilespmem:$0x1C120] =	vst @!p2 v2  }
0x121: {  	[tilespmem:$0x1C130] =	vst @!p2 v3  }
0x122: {  	[tilespmem:$0x1C140] =	vst @!p2 v4  }
0x123: {  	[tilespmem:$0x1C150] =	vst @!p2 v5  }
0x124: {  	s21 =	sshll.u32 s1, $0x6;
	[tilespmem:$0x1C160] =	vst @!p2 v6  }
0x125: {  	s2 =	sshra.s32 s21, $0x2;
	[tilespmem:$0x1C170] =	vst @!p2 v7  }
0x126: {  	v15 =	vld [tilespmem:s2+$0x4080];
	_ =	sdelay $0x4  }
0x127: {  	s12 =	simm.s32 $0x0;
	v16 =	vshll.u32 v15, $0x3  }
0x128: {  	v18 =	vmov s12;
	v17 =	vand.u32 $0x7F, v15;
	v16 =	vand.u32 $0x1C00, v16  }
0x129: {  	v17 =	vor.u32 v17, v16;
	v16 =	vshll.u32 v18, $0x9  }
0x12a: {  	v19 =	vadd.s32 v17, v16  }
0x12b: {  	s28 =	simm.s32 @!p2 $0x0  }
0x12c: {  	s15 =	simm.s32 $0x1;
	v16 =	vmov s28  }
0x12d: {  	v18 =	vmov s15;
	v16 =	vshll.u32 v16, $0x7  }
0x12e: {  	v20 =	vshll.u32 v18, $0x9;
	v16 =	vadd.s32 v14, v16  }
0x12f: {  	v18 =	vor.u32 $0x80, v17;
	v20 =	vand.u32 $0x7000, v20;
	v21 =	vor.u32 s12, v16;
	v19 =	vld.idx.msk [tilespmem:v19+s22+$0x0], $0xffff  }
0x130: {  	v20 =	vadd.s32 v18, v20;
	_ =	sdelay $0x1  }
0x131: {  	s20 =	simm.s32 $0x2  }
0x132: {  	v22 =	vmov s20  }
0x133: {  	[tilespmem:v21+s23+$0x0] =	vst.idx.msk $0xffff, v19;
	v21 =	vshll.u32 v22, $0x9  }
0x134: {  	v19 =	vor.u32 $0x100, v17;
	v22 =	vor.u32 s15, v16;
	v20 =	vld.idx.msk [tilespmem:v20+s22+$0x0], $0xffff;
	v21 =	vand.u32 $0x7000, v21  }
0x135: {  	v21 =	vadd.s32 v19, v21;
	_ =	sdelay $0x1  }
0x136: {  	s21 =	simm.s32 $0x3  }
0x137: {  	v23 =	vmov s21  }
0x138: {  	[tilespmem:v22+s23+$0x0] =	vst.idx.msk $0xffff, v20;
	v22 =	vshll.u32 v23, $0x9  }
0x139: {  	v20 =	vor.u32 $0x180, v17;
	v23 =	vor.u32 s20, v16;
	v21 =	vld.idx.msk [tilespmem:v21+s22+$0x0], $0xffff;
	v22 =	vand.u32 $0x7000, v22  }
0x13a: {  	v22 =	vadd.s32 v20, v22;
	_ =	sdelay $0x1  }
0x13b: {  	s15 =	simm.s32 $0x4  }
0x13c: {  	v24 =	vmov s15  }
0x13d: {  	[tilespmem:v23+s23+$0x0] =	vst.idx.msk $0xffff, v21;
	v23 =	vshll.u32 v24, $0x9  }
0x13e: {  	v21 =	vor.u32 $0x200, v17;
	v24 =	vor.u32 s21, v16;
	v22 =	vld.idx.msk [tilespmem:v22+s22+$0x0], $0xffff;
	v23 =	vand.u32 $0x7000, v23  }
0x13f: {  	v23 =	vadd.s32 v21, v23;
	_ =	sdelay $0x1  }
0x140: {  	s20 =	simm.s32 $0x5  }
0x141: {  	v25 =	vmov s20  }
0x142: {  	[tilespmem:v24+s23+$0x0] =	vst.idx.msk $0xffff, v22;
	v24 =	vshll.u32 v25, $0x9  }
0x143: {  	v22 =	vor.u32 $0x280, v17;
	v25 =	vor.u32 s15, v16;
	v23 =	vld.idx.msk [tilespmem:v23+s22+$0x0], $0xffff;
	v24 =	vand.u32 $0x7000, v24  }
0x144: {  	v24 =	vadd.s32 v22, v24;
	_ =	sdelay $0x1  }
0x145: {  	s21 =	simm.s32 $0x6  }
0x146: {  	v26 =	vmov s21  }
0x147: {  	[tilespmem:v25+s23+$0x0] =	vst.idx.msk $0xffff, v23;
	v25 =	vshll.u32 v26, $0x9  }
0x148: {  	v23 =	vor.u32 $0x300, v17;
	v26 =	vor.u32 s20, v16;
	v24 =	vld.idx.msk [tilespmem:v24+s22+$0x0], $0xffff;
	v25 =	vand.u32 $0x7000, v25  }
0x149: {  	v25 =	vadd.s32 v23, v25;
	_ =	sdelay $0x2  }
0x14a: {  	s20 =	simm.s32 $0x7  }
0x14b: {  	[tilespmem:v26+s23+$0x0] =	vst.idx.msk $0xffff, v24;
	v24 =	vmov s20  }
0x14c: {  	v26 =	vld.idx.msk [tilespmem:v25+s22+$0x0], $0xffff;
	v25 =	vshll.u32 v24, $0x9  }
0x14d: {  	v27 =	vor.u32 s21, v16;
	v24 =	vor.u32 $0x380, v17;
	v25 =	vand.u32 $0x7000, v25  }
0x14e: {  	v25 =	vadd.s32 v24, v25;
	_ =	sdelay $0x3  }
0x14f: {  	s2 =	simm.s32 $0xF;
	s12 =	simm.s32 $0x8;
	s21 =	simm.s32 $0x17;
	[tilespmem:v27+s23+$0x0] =	vst.idx.msk $0xffff, v26  }
.LBB2_14:
0x150: {  	p2 =	sne.s32 s21, $0x3F;
	v26 =	vmov s12;
	v25 =	vld.idx.msk [tilespmem:v25+s22+$0x0], $0xffff  }
0x151: {  	v27 =	vor.u32 s20, v16;
	s20 =	smov.u32 s2;
	s2 =	smov.u32 s21;
	v26 =	vshll.u32 v26, $0x9  }
0x152: {  	v26 =	vadd.s32 v17, v26;
	_ =	sdelay $0x2  }
0x153: {  	s15 =	sadd.s32 $0xFFFFFFFA, s20  }
0x154: {  	v28 =	vmov s15;
	[tilespmem:v27+s23+$0x0] =	vst.idx.msk $0xffff, v25  }
0x155: {  	v25 =	vld.idx.msk [tilespmem:v26+s22+$0x0], $0xffff;
	v26 =	vshll.u32 v28, $0x9  }
0x156: {  	v27 =	vor.u32 s12, v16;
	v26 =	vand.u32 $0x7000, v26  }
0x157: {  	v26 =	vadd.s32 v18, v26;
	_ =	sdelay $0x2  }
0x158: {  	s12 =	sadd.s32 $0xFFFFFFFB, s20  }
0x159: {  	[tilespmem:v27+s23+$0x0] =	vst.idx.msk $0xffff, v25;
	v25 =	vmov s12  }
0x15a: {  	v26 =	vld.idx.msk [tilespmem:v26+s22+$0x0], $0xffff;
	v25 =	vshll.u32 v25, $0x9  }
0x15b: {  	v27 =	vor.u32 s15, v16;
	v25 =	vand.u32 $0x7000, v25  }
0x15c: {  	v25 =	vadd.s32 v19, v25;
	_ =	sdelay $0x2  }
0x15d: {  	s15 =	sadd.s32 $0xFFFFFFFC, s20  }
0x15e: {  	[tilespmem:v27+s23+$0x0] =	vst.idx.msk $0xffff, v26;
	v26 =	vmov s15  }
0x15f: {  	v25 =	vld.idx.msk [tilespmem:v25+s22+$0x0], $0xffff;
	v26 =	vshll.u32 v26, $0x9  }
0x160: {  	v27 =	vor.u32 s12, v16;
	v26 =	vand.u32 $0x7000, v26  }
0x161: {  	v26 =	vadd.s32 v20, v26;
	_ =	sdelay $0x2  }
0x162: {  	s12 =	sadd.s32 $0xFFFFFFFD, s20  }
0x163: {  	[tilespmem:v27+s23+$0x0] =	vst.idx.msk $0xffff, v25;
	v25 =	vmov s12  }
0x164: {  	v26 =	vld.idx.msk [tilespmem:v26+s22+$0x0], $0xffff;
	v25 =	vshll.u32 v25, $0x9  }
0x165: {  	v27 =	vor.u32 s15, v16;
	v25 =	vand.u32 $0x7000, v25  }
0x166: {  	v25 =	vadd.s32 v21, v25;
	_ =	sdelay $0x2  }
0x167: {  	s15 =	sadd.s32 $0xFFFFFFFE, s20  }
0x168: {  	[tilespmem:v27+s23+$0x0] =	vst.idx.msk $0xffff, v26;
	v26 =	vmov s15  }
0x169: {  	v25 =	vld.idx.msk [tilespmem:v25+s22+$0x0], $0xffff;
	v26 =	vshll.u32 v26, $0x9  }
0x16a: {  	v27 =	vor.u32 s12, v16;
	v26 =	vand.u32 $0x7000, v26  }
0x16b: {  	v26 =	vadd.s32 v22, v26;
	_ =	sdelay $0x2  }
0x16c: {  	s12 =	sadd.s32 $0xFFFFFFFF, s20  }
0x16d: {  	[tilespmem:v27+s23+$0x0] =	vst.idx.msk $0xffff, v25;
	v25 =	vmov s12  }
0x16e: {  	v26 =	vld.idx.msk [tilespmem:v26+s22+$0x0], $0xffff;
	v25 =	vshll.u32 v25, $0x9  }
0x16f: {  	v27 =	vor.u32 s15, v16;
	v25 =	vand.u32 $0x7000, v25  }
0x170: {  	v25 =	vadd.s32 v23, v25;
	_ =	sdelay $0x3  }
0x171: {  	[tilespmem:v27+s23+$0x0] =	vst.idx.msk $0xffff, v26;
	v26 =	vmov s20  }
0x172: {  	v27 =	vld.idx.msk [tilespmem:v25+s22+$0x0], $0xffff;
	v25 =	vshll.u32 v26, $0x9  }
0x173: {  	v26 =	vor.u32 s12, v16;
	v25 =	vand.u32 $0x7000, v25  }
.Ltmp10:
0x174: {  	v25 =	vadd.s32 v24, v25;
	(pc) =	sbr.rel @p2 .LBB2_14-.Ltmp10, $2  }
0x175: {  	_ =	sdelay $0x2  }
0x176: {  	s21 =	sadd.s32 $0x8, s21;
	s12 =	sadd.s32 $0xFFFFFFF9, s2;
	[tilespmem:v26+s23+$0x0] =	vst.idx.msk $0xffff, v27  }
0x177: {  	_ =	sdelay $0x2  }
0x178: {  	v26 =	vmov s12  }
0x179: {  	v25 =	vld.idx.msk [tilespmem:v25+s22+$0x0], $0xffff;
	v27 =	vor.u32 s20, v16;
	v26 =	vshll.u32 v26, $0x9  }
0x17a: {  	v17 =	vadd.s32 v17, v26;
	_ =	sdelay $0x1  }
0x17b: {  	s15 =	sadd.s32 $0xFFFFFFFA, s2  }
0x17c: {  	v42 =	vmov s15  }
0x17d: {  	v43 =	vshll.u32 v42, $0x9;
	[tilespmem:v27+s23+$0x0] =	vst.idx.msk $0xffff, v25  }
0x17e: {  	v44 =	vor.u32 s12, v16;
	v25 =	vand.u32 $0x7000, v43;
	v17 =	vld.idx.msk [tilespmem:v17+s22+$0x0], $0xffff  }
0x17f: {  	v18 =	vadd.s32 v18, v25;
	_ =	sdelay $0x1  }
0x180: {  	s21 =	sadd.s32 $0xFFFFFFFB, s2  }
0x181: {  	v45 =	vmov s21  }
0x182: {  	v46 =	vshll.u32 v45, $0x9;
	[tilespmem:v44+s23+$0x0] =	vst.idx.msk $0xffff, v17  }
0x183: {  	v47 =	vor.u32 s15, v16;
	v17 =	vand.u32 $0x7000, v46;
	v18 =	vld.idx.msk [tilespmem:v18+s22+$0x0], $0xffff  }
0x184: {  	v17 =	vadd.s32 v19, v17;
	_ =	sdelay $0x1  }
0x185: {  	s20 =	sadd.s32 $0xFFFFFFFC, s2  }
0x186: {  	v48 =	vmov s20  }
0x187: {  	v49 =	vshll.u32 v48, $0x9;
	[tilespmem:v47+s23+$0x0] =	vst.idx.msk $0xffff, v18  }
0x188: {  	v50 =	vor.u32 s21, v16;
	v18 =	vand.u32 $0x7000, v49;
	v17 =	vld.idx.msk [tilespmem:v17+s22+$0x0], $0xffff  }
0x189: {  	v18 =	vadd.s32 v20, v18;
	_ =	sdelay $0x1  }
0x18a: {  	s21 =	sadd.s32 $0xFFFFFFFD, s2  }
0x18b: {  	v51 =	vmov s21  }
0x18c: {  	v52 =	vshll.u32 v51, $0x9;
	[tilespmem:v50+s23+$0x0] =	vst.idx.msk $0xffff, v17  }
0x18d: {  	v53 =	vor.u32 s20, v16;
	v17 =	vand.u32 $0x7000, v52;
	v18 =	vld.idx.msk [tilespmem:v18+s22+$0x0], $0xffff  }
0x18e: {  	v17 =	vadd.s32 v21, v17;
	_ =	sdelay $0x1  }
0x18f: {  	s20 =	sadd.s32 $0xFFFFFFFE, s2  }
0x190: {  	v54 =	vmov s20  }
0x191: {  	v55 =	vshll.u32 v54, $0x9;
	[tilespmem:v53+s23+$0x0] =	vst.idx.msk $0xffff, v18  }
0x192: {  	v56 =	vor.u32 s21, v16;
	v18 =	vand.u32 $0x7000, v55;
	v17 =	vld.idx.msk [tilespmem:v17+s22+$0x0], $0xffff  }
0x193: {  	v18 =	vadd.s32 v22, v18;
	_ =	sdelay $0x1  }
0x194: {  	s21 =	sadd.s32 $0xFFFFFFFF, s2  }
0x195: {  	v57 =	vmov s21  }
0x196: {  	v58 =	vshll.u32 v57, $0x9;
	[tilespmem:v56+s23+$0x0] =	vst.idx.msk $0xffff, v17  }
0x197: {  	v59 =	vor.u32 s20, v16;
	v17 =	vand.u32 $0x7000, v58;
	v18 =	vld.idx.msk [tilespmem:v18+s22+$0x0], $0xffff  }
0x198: {  	v17 =	vadd.s32 v23, v17;
	_ =	sdelay $0x2  }
0x199: {  	v60 =	vmov s2  }
0x19a: {  	v61 =	vshll.u32 v60, $0x9;
	[tilespmem:v59+s23+$0x0] =	vst.idx.msk $0xffff, v18  }
0x19b: {  	v62 =	vor.u32 s21, v16;
	v18 =	vand.u32 $0x7000, v61;
	v17 =	vld.idx.msk [tilespmem:v17+s22+$0x0], $0xffff  }
0x19c: {  	v18 =	vadd.s32 v24, v18;
	_ =	sdelay $0x3  }
0x19d: {  	[tilespmem:v62+s23+$0x0] =	vst.idx.msk $0xffff, v17  }
0x19e: {  	v63 =	vor.u32 s2, v16;
	s1 =	sadd.s32 $0x1, s1;
	v17 =	vld.idx.msk [tilespmem:v18+s22+$0x0], $0xffff  }
0x19f: {  	p2 =	sgt.s32 s5, s1  }
.Ltmp11:
0x1a0: {  	_ = 	snop;
	(pc) =	sbr.rel @p2 .LBB2_13-.Ltmp11, $3  }
0x1a1: {  	_ =	sdelay $0x1  }
0x1a2: {  	v15 =	vshra.s32 v15, $0xA;
	[tilespmem:v63+s23+$0x0] =	vst.idx.msk $0xffff, v17  }
0x1a3: {  	[tilespmem:s28+$0x1C100] =	vst v15;
	s28 =	sadd.s32 $0x10, s28  }
.Ltmp12:
0x1a4: {  	p3 =	slt.s32 s28, $0x71;
	(pc) =	sbr.rel .LBB2_17-.Ltmp12, $4  }
0x1a5: {  	p2 =	por $0x0, $0x0;
	s1 =	simm.s32 @!p3 $0x80  }
0x1a6: {  	s2 =	simm.s32 @!p3 $0x1C100;
	s5 =	simm.s32 @!p3 $0x18100;
	p4 =	por @!p3 $0x1, $0x1  }
0x1a7: {  	[hbm4b:s9+s1] =	stream.indirect.scatter @!p3 [tilespmem:s5], [sflag:$0x3], $0x80, s2, s1, $0xb8;
	[tilespmem:$0x1C180] =	vst v63  }
0x1a8: {  	s28 =	simm.s32 @!p3 $0x0;
	p2 =	por @!p3 p4, p4  }
.LBB2_12:
0x1a9: {  	p2 =	por $0x0, $0x0  }
0x1aa: {  	s28 =	smov.u32 @p3 s28;
	p2 =	por @!p3 p2, p2  }
.LBB2_17:
0x1ab: {  	s1 =	sshll.u32 s30, $0x1  }
0x1ac: {  	s1 =	smin.u32 s1, $0x3B  }
0x1ad: {  	s1 =	sshll.u32 s1, $0x9  }
0x1ae: {  	s1 =	sadd.s32 s1, s14  }
0x1af: {  	p3 =	slt.u32 s1, $0xF4041  }
0x1b0: {  	s1 =	sadd.s32 @p3 s3, s1  }
0x1b1: {  	s2 =	simm.s32 @p3 $0x1000;
	s5 =	simm.s32 @p3 $0x7A1400;
	s12 =	simm.s32 @p3 $0x8100  }
0x1b2: {  	[tilespmem:s12], [sflag:$0x1] =	stream.strided.gather @p3 [hbm4b:s1+s2], $0x8000, s5, s2, $0x38;
	[tilespmem:$0x1C180] =	vst v63  }
.Ltmp13:
0x1b3: {  	s1 =	simm.s32 @!p3 $0x0;
	s2 =	simm.s32 @!p3 $0x8100;
	(pc) =	sbr.rel @p0 .LBB2_24-.Ltmp13, $4  }
0x1b4: {  	[tilespmem:s2], [sflag:$0x1] =	stream.linear.gather @!p3 [hbm4b:s7+s1], $0x8000, $0x38;
	[tilespmem:$0x1C180] =	vst v63  }
0x1b5: {  	_ =	swait.ge [sflag:s24], $0x8000  }
0x1b6: {  	[sflag:s24] =	ssyncset.done $0x0  }
0x1b7: {  	s5 =	simm.s32 $0x0;
	s1 =	simm.s32 $0x0;
	[sflag:s24] =	ssyncadd.s32 $0xFFFF8000  }
.Ltmp14:
0x1b8: {  	(pc) =	sbr.rel @!p1 .LBB2_19-.Ltmp14, $4  }
0x1b9: {  	_ = 	snop  }
0x1ba: {  	p3 =	sgt.u32 s0, $0xF4040  }
0x1bb: {  	s0 =	simm.s32 $0x0;
	s31 =	smov.u32 @p3 s13  }
0x1bc: {  	s1 =	sadd.s32 $0xFFFFFFFF, s29;
	v16 =	vld [tilespmem:s0+$0x0];
	p3 =	por $0x0, $0x0;
	v15 =	vmov s31  }
0x1bd: {  	_ =	sdelay $0x3  }
0x1be: {  	v17 =	vand.u32 $0x7FFF, v16  }
0x1bf: {  	v17 =	vsub.s32 v17, v15  }
0x1c0: {  	vm0 =	vlt.u32 v17, $0x200  }
0x1c1: {  	v18 =	vsel vm0, $0x1, v12  }
0x1c2: {  	(xrf0) =	vadd.scan.msk.s32 $0xffff, v18;
	_ =	sdelay $0x5  }
0x1c3: {  	v19, _, _ =	vpop (xrf0)  }
0x1c4: {  	v18 =	vmov s0;
	v20 =	vxor.u32 $0x80000000, v19  }
0x1c5: {  	v18 =	vadd.s32 $0xFFFFFFFF, v18;
	(xrf0) =	vmax.scan.msk.u32 $0xffff, v20  }
0x1c6: {  	v18 =	vbroadcast v18, $0x0;
	_ =	sdelay $0x1  }
0x1c7: {  	v17 =	vnsel vm0, $0x0, v17;
	v18 =	vadd.s32 v19, v18  }
0x1c8: {  	v16 =	vshra.s32 v16, $0x5;
	v18 =	vnsel vm0, $0x401F, v18  }
0x1c9: {  	p1 =	sne.s32 s1, $0x1;
	v16 =	vand.u32 $0xFFFFFC00, v16  }
.Ltmp15:
0x1ca: {  	v16 =	vor.u32 v16, v17;
	v17, _, _ =	vpop (xrf0);
	(pc) =	sbr.rel @!p1 .LBB2_21-.Ltmp15, $3  }
0x1cb: {  	(v2sf) =	vpush v17, $0xF;
	_ =	sdelay $0x1  }
0x1cc: {  	s2 =	simm.s32 $0x10;
	[tilespmem:v18+s17+$0x0] =	vst.idx.msk $0xffff, v16  }
0x1cd: {  	s20 =	sadd.s32 $0xFFFFFFFF, s1;
	p3 =	por $0x1, $0x1;
	s1 =	simm.s32 $0x0;
	v16 =	vld [tilespmem:s2+$0x0]  }
.LBB2_22:
0x1ce: {  	p1 =	sne.s32 s20, $0x1;
	_ =	sdelay $0x3  }
0x1cf: {  	v17 =	vand.u32 $0x7FFF, v16;
	v16 =	vshra.s32 v16, $0x5  }
0x1d0: {  	v17 =	vsub.s32 v17, v15  }
0x1d1: {  	vm0 =	vlt.u32 v17, $0x200  }
0x1d2: {  	v18 =	vsel vm0, $0x1, v12;
	v17 =	vnsel vm0, $0x0, v17  }
0x1d3: {  	(xrf0) =	vadd.scan.msk.s32 $0xffff, v18;
	_ =	sdelay $0x2  }
0x1d4: {  	s12 =	spop (v2sf)  }
0x1d5: {  	s1 =	sadd.s32 s12, s1  }
0x1d6: {  	s1 =	sadd.s32 $0x80000000, s1  }
0x1d7: {  	v18 =	vmov s1;
	v19, _, _ =	vpop (xrf0)  }
0x1d8: {  	v18 =	vadd.s32 $0xFFFFFFFF, v18;
	v20 =	vxor.u32 $0x80000000, v19  }
0x1d9: {  	v18 =	vbroadcast v18, $0x0;
	(xrf0) =	vmax.scan.msk.u32 $0xffff, v20;
	_ =	sdelay $0x1  }
0x1da: {  	v18 =	vadd.s32 v19, v18  }
0x1db: {  	v18 =	vnsel vm0, $0x401F, v18;
	_ =	sdelay $0x2  }
.Ltmp16:
0x1dc: {  	v16 =	vand.u32 $0xFFFFFC00, v16;
	v19, _, _ =	vpop (xrf0);
	(pc) =	sbr.rel @p1 .LBB2_22-.Ltmp16, $4  }
0x1dd: {  	v16 =	vor.u32 v16, v17;
	(v2sf) =	vpush v19, $0xF  }
0x1de: {  	[tilespmem:v18+s17+$0x0] =	vst.idx.msk $0xffff, v16  }
0x1df: {  	s2 =	sadd.s32 $0x10, s2  }
0x1e0: {  	s20 =	sadd.s32 $0xFFFFFFFF, s20;
	v16 =	vld [tilespmem:s2+$0x0]  }
.LBB2_23:
0x1e1: {  	_ =	sdelay $0x3  }
0x1e2: {  	v17 =	vand.u32 $0x7FFF, v16  }
0x1e3: {  	v15 =	vsub.s32 v17, v15  }
0x1e4: {  	vm0 =	vlt.u32 v15, $0x200  }
0x1e5: {  	v61 =	vsel vm0, $0x1, v12  }
0x1e6: {  	(xrf0) =	vadd.scan.msk.s32 $0xffff, v61;
	_ =	sdelay $0x5  }
0x1e7: {  	v17, _, _ =	vpop (xrf0)  }
0x1e8: {  	v18 =	vxor.u32 $0x80000000, v17  }
0x1e9: {  	(xrf0) =	vmax.scan.msk.u32 $0xffff, v18;
	_ =	sdelay $0x5  }
0x1ea: {  	v18, _, _ =	vpop (xrf0)  }
0x1eb: {  	(v2sf) =	vpush v18, $0xF;
	_ =	sdelay $0x2  }
0x1ec: {  	s2 =	spop @p3 (v2sf)  }
0x1ed: {  	s1 =	sadd.s32 @p3 s2, s1  }
0x1ee: {  	s1 =	sadd.s32 @p3 $0x80000000, s1  }
0x1ef: {  	s0 =	smov.u32 @p3 s1  }
0x1f0: {  	v62 =	vmov s0  }
0x1f1: {  	v18 =	vadd.s32 $0xFFFFFFFF, v62  }
0x1f2: {  	v18 =	vbroadcast v18, $0x0;
	_ =	sdelay $0x1  }
0x1f3: {  	v17 =	vadd.s32 v17, v18  }
0x1f4: {  	v17 =	vnsel vm0, $0x401F, v17;
	_ =	sdelay $0x1  }
0x1f5: {  	v63 =	vshra.s32 v16, $0x5  }
0x1f6: {  	v16 =	vand.u32 $0xFFFFFC00, v63;
	v15 =	vnsel vm0, $0x0, v15;
	s31 =	spop (v2sf)  }
0x1f7: {  	v15 =	vor.u32 v16, v15;
	s0 =	sadd.s32 s31, s0  }
0x1f8: {  	[tilespmem:v17+s17+$0x0] =	vst.idx.msk $0xffff, v15;
	s1 =	sadd.s32 $0x80000000, s0  }
.LBB2_24:
0x1f9: {  	[tilespmem:s1+$0x4080] =	vst v11;
	s0 =	simm.s32 @p2 $0x3;
	s2 =	sadd.s32 $0xF, s1  }
0x1fa: {  	_ =	swait.ge @p2 [sflag:s0], $0x4000;
	s21 =	sand.u32 $0xF, s2;
	s31 =	sshra.s32 s2, $0x1F  }
0x1fb: {  	p3 =	slt.s32 s2, $0x1;
	[sflag:s0] =	ssyncset.done @p2 $0x0;
	p1 =	sne.s32 s21, $0x0  }
0x1fc: {  	[sflag:s0] =	ssyncadd.s32 @p2 $0xFFFFC000;
	s0 =	sshrl.u32 s31, $0x1C;
	p1 =	por !p3, !p1  }
0x1fd: {  	s0 =	sadd.s32 s0, s2;
	p1 =	por !p1, !p1;
	s2 =	simm.s32 $0x1  }
0x1fe: {  	s0 =	sshra.s32 s0, $0x4;
	s2 =	simm.s32 @!p1 $0x0  }
0x1ff: {  	[tilespmem:$0x1C100] =	vst @p2 v0;
	p1 =	slt.s32 s1, $0x1;
	s0 =	ssub.s32 s0, s2  }
0x200: {  	[tilespmem:$0x1C110] =	vst @p2 v1;
	p3 =	slt.s32 @!p1 s0, $0x1  }
0x201: {  	[tilespmem:$0x1C120] =	vst @p2 v2;
	p3 =	por p1, p3  }
.Ltmp17:
0x202: {  	[tilespmem:$0x1C130] =	vst @p2 v3;
	(pc) =	sbr.rel @p3 .LBB2_25-.Ltmp17, $4  }
0x203: {  	[tilespmem:$0x1C140] =	vst @p2 v4  }
0x204: {  	[tilespmem:$0x1C150] =	vst @p2 v5  }
0x205: {  	[tilespmem:$0x1C160] =	vst @p2 v6  }
0x206: {  	[tilespmem:$0x1C170] =	vst @p2 v7  }
.LBB2_26:
0x207: {  	s1 =	sadd.s32 $0x10, s28  }
0x208: {  	p1 =	slt.s32 s1, $0x81  }
0x209: {  	s1 =	simm.s32 @!p1 $0x80;
	s2 =	simm.s32 @!p1 $0x1C100;
	s12 =	simm.s32 @!p1 $0x18100  }
0x20a: {  	[hbm4b:s9+s1] =	stream.indirect.scatter @!p1 [tilespmem:s12], [sflag:$0x3], $0x80, s2, s1, $0xb8;
	[tilespmem:$0x1C180] =	vst v63  }
0x20b: {  	s1 =	simm.s32 @!p1 $0x3  }
0x20c: {  	_ =	swait.ge @!p1 [sflag:s1], $0x4000  }
0x20d: {  	[sflag:s1] =	ssyncset.done @!p1 $0x0  }
0x20e: {  	[sflag:s1] =	ssyncadd.s32 @!p1 $0xFFFFC000  }
0x20f: {  	[tilespmem:$0x1C100] =	vst @!p1 v0  }
0x210: {  	[tilespmem:$0x1C110] =	vst @!p1 v1  }
0x211: {  	[tilespmem:$0x1C120] =	vst @!p1 v2  }
0x212: {  	[tilespmem:$0x1C130] =	vst @!p1 v3  }
0x213: {  	[tilespmem:$0x1C140] =	vst @!p1 v4  }
0x214: {  	[tilespmem:$0x1C150] =	vst @!p1 v5  }
0x215: {  	s20 =	sshll.u32 s5, $0x6;
	[tilespmem:$0x1C160] =	vst @!p1 v6  }
0x216: {  	s1 =	sshra.s32 s20, $0x2;
	[tilespmem:$0x1C170] =	vst @!p1 v7  }
0x217: {  	v15 =	vld [tilespmem:s1+$0x4080];
	_ =	sdelay $0x4  }
0x218: {  	s21 =	simm.s32 $0x0;
	v16 =	vshll.u32 v15, $0x3  }
0x219: {  	v18 =	vmov s21;
	v17 =	vand.u32 $0x7F, v15;
	v16 =	vand.u32 $0x1C00, v16  }
0x21a: {  	v17 =	vor.u32 v17, v16;
	v16 =	vshll.u32 v18, $0x9  }
0x21b: {  	v19 =	vadd.s32 v17, v16  }
0x21c: {  	s28 =	simm.s32 @!p1 $0x0  }
0x21d: {  	s31 =	simm.s32 $0x1;
	v16 =	vmov s28  }
0x21e: {  	v18 =	vmov s31;
	v16 =	vshll.u32 v16, $0x7  }
0x21f: {  	v20 =	vshll.u32 v18, $0x9;
	v16 =	vadd.s32 v14, v16  }
0x220: {  	v18 =	vor.u32 $0x80, v17;
	v20 =	vand.u32 $0x7000, v20;
	v21 =	vor.u32 s21, v16;
	v19 =	vld.idx.msk [tilespmem:v19+s25+$0x0], $0xffff  }
0x221: {  	v20 =	vadd.s32 v18, v20;
	_ =	sdelay $0x1  }
0x222: {  	s12 =	simm.s32 $0x2  }
0x223: {  	v22 =	vmov s12  }
0x224: {  	[tilespmem:v21+s23+$0x0] =	vst.idx.msk $0xffff, v19;
	v21 =	vshll.u32 v22, $0x9  }
0x225: {  	v19 =	vor.u32 $0x100, v17;
	v22 =	vor.u32 s31, v16;
	v20 =	vld.idx.msk [tilespmem:v20+s25+$0x0], $0xffff;
	v21 =	vand.u32 $0x7000, v21  }
0x226: {  	v21 =	vadd.s32 v19, v21;
	_ =	sdelay $0x1  }
0x227: {  	s15 =	simm.s32 $0x3  }
0x228: {  	v23 =	vmov s15  }
0x229: {  	[tilespmem:v22+s23+$0x0] =	vst.idx.msk $0xffff, v20;
	v22 =	vshll.u32 v23, $0x9  }
0x22a: {  	v20 =	vor.u32 $0x180, v17;
	v23 =	vor.u32 s12, v16;
	v21 =	vld.idx.msk [tilespmem:v21+s25+$0x0], $0xffff;
	v22 =	vand.u32 $0x7000, v22  }
0x22b: {  	v22 =	vadd.s32 v20, v22;
	_ =	sdelay $0x1  }
0x22c: {  	s20 =	simm.s32 $0x4  }
0x22d: {  	v24 =	vmov s20  }
0x22e: {  	[tilespmem:v23+s23+$0x0] =	vst.idx.msk $0xffff, v21;
	v23 =	vshll.u32 v24, $0x9  }
0x22f: {  	v21 =	vor.u32 $0x200, v17;
	v24 =	vor.u32 s15, v16;
	v22 =	vld.idx.msk [tilespmem:v22+s25+$0x0], $0xffff;
	v23 =	vand.u32 $0x7000, v23  }
0x230: {  	v23 =	vadd.s32 v21, v23;
	_ =	sdelay $0x1  }
0x231: {  	s21 =	simm.s32 $0x5  }
0x232: {  	v25 =	vmov s21  }
0x233: {  	[tilespmem:v24+s23+$0x0] =	vst.idx.msk $0xffff, v22;
	v24 =	vshll.u32 v25, $0x9  }
0x234: {  	v22 =	vor.u32 $0x280, v17;
	v25 =	vor.u32 s20, v16;
	v23 =	vld.idx.msk [tilespmem:v23+s25+$0x0], $0xffff;
	v24 =	vand.u32 $0x7000, v24  }
0x235: {  	v24 =	vadd.s32 v22, v24;
	_ =	sdelay $0x1  }
0x236: {  	s31 =	simm.s32 $0x6  }
0x237: {  	v26 =	vmov s31  }
0x238: {  	[tilespmem:v25+s23+$0x0] =	vst.idx.msk $0xffff, v23;
	v25 =	vshll.u32 v26, $0x9  }
0x239: {  	v23 =	vor.u32 $0x300, v17;
	v26 =	vor.u32 s21, v16;
	v24 =	vld.idx.msk [tilespmem:v24+s25+$0x0], $0xffff;
	v25 =	vand.u32 $0x7000, v25  }
0x23a: {  	v25 =	vadd.s32 v23, v25;
	_ =	sdelay $0x2  }
0x23b: {  	s2 =	simm.s32 $0x7  }
0x23c: {  	[tilespmem:v26+s23+$0x0] =	vst.idx.msk $0xffff, v24;
	v24 =	vmov s2  }
0x23d: {  	v26 =	vld.idx.msk [tilespmem:v25+s25+$0x0], $0xffff;
	v25 =	vshll.u32 v24, $0x9  }
0x23e: {  	v27 =	vor.u32 s31, v16;
	v24 =	vor.u32 $0x380, v17;
	v25 =	vand.u32 $0x7000, v25  }
0x23f: {  	v25 =	vadd.s32 v24, v25;
	_ =	sdelay $0x3  }
0x240: {  	s1 =	simm.s32 $0xF;
	s12 =	simm.s32 $0x8;
	s20 =	simm.s32 $0x17;
	[tilespmem:v27+s23+$0x0] =	vst.idx.msk $0xffff, v26  }
.LBB2_27:
0x241: {  	p1 =	sne.s32 s20, $0x3F;
	v26 =	vmov s12;
	v25 =	vld.idx.msk [tilespmem:v25+s25+$0x0], $0xffff  }
0x242: {  	v27 =	vor.u32 s2, v16;
	s2 =	smov.u32 s1;
	s1 =	smov.u32 s20;
	v26 =	vshll.u32 v26, $0x9  }
0x243: {  	v26 =	vadd.s32 v17, v26;
	_ =	sdelay $0x2  }
0x244: {  	s15 =	sadd.s32 $0xFFFFFFFA, s2  }
0x245: {  	v28 =	vmov s15;
	[tilespmem:v27+s23+$0x0] =	vst.idx.msk $0xffff, v25  }
0x246: {  	v25 =	vld.idx.msk [tilespmem:v26+s25+$0x0], $0xffff;
	v26 =	vshll.u32 v28, $0x9  }
0x247: {  	v27 =	vor.u32 s12, v16;
	v26 =	vand.u32 $0x7000, v26  }
0x248: {  	v26 =	vadd.s32 v18, v26;
	_ =	sdelay $0x2  }
0x249: {  	s12 =	sadd.s32 $0xFFFFFFFB, s2  }
0x24a: {  	[tilespmem:v27+s23+$0x0] =	vst.idx.msk $0xffff, v25;
	v25 =	vmov s12  }
0x24b: {  	v26 =	vld.idx.msk [tilespmem:v26+s25+$0x0], $0xffff;
	v25 =	vshll.u32 v25, $0x9  }
0x24c: {  	v27 =	vor.u32 s15, v16;
	v25 =	vand.u32 $0x7000, v25  }
0x24d: {  	v25 =	vadd.s32 v19, v25;
	_ =	sdelay $0x2  }
0x24e: {  	s15 =	sadd.s32 $0xFFFFFFFC, s2  }
0x24f: {  	[tilespmem:v27+s23+$0x0] =	vst.idx.msk $0xffff, v26;
	v26 =	vmov s15  }
0x250: {  	v25 =	vld.idx.msk [tilespmem:v25+s25+$0x0], $0xffff;
	v26 =	vshll.u32 v26, $0x9  }
0x251: {  	v27 =	vor.u32 s12, v16;
	v26 =	vand.u32 $0x7000, v26  }
0x252: {  	v26 =	vadd.s32 v20, v26;
	_ =	sdelay $0x2  }
0x253: {  	s12 =	sadd.s32 $0xFFFFFFFD, s2  }
0x254: {  	[tilespmem:v27+s23+$0x0] =	vst.idx.msk $0xffff, v25;
	v25 =	vmov s12  }
0x255: {  	v26 =	vld.idx.msk [tilespmem:v26+s25+$0x0], $0xffff;
	v25 =	vshll.u32 v25, $0x9  }
0x256: {  	v27 =	vor.u32 s15, v16;
	v25 =	vand.u32 $0x7000, v25  }
0x257: {  	v25 =	vadd.s32 v21, v25;
	_ =	sdelay $0x2  }
0x258: {  	s15 =	sadd.s32 $0xFFFFFFFE, s2  }
0x259: {  	[tilespmem:v27+s23+$0x0] =	vst.idx.msk $0xffff, v26;
	v26 =	vmov s15  }
0x25a: {  	v25 =	vld.idx.msk [tilespmem:v25+s25+$0x0], $0xffff;
	v26 =	vshll.u32 v26, $0x9  }
0x25b: {  	v27 =	vor.u32 s12, v16;
	v26 =	vand.u32 $0x7000, v26  }
0x25c: {  	v26 =	vadd.s32 v22, v26;
	_ =	sdelay $0x2  }
0x25d: {  	s12 =	sadd.s32 $0xFFFFFFFF, s2  }
0x25e: {  	[tilespmem:v27+s23+$0x0] =	vst.idx.msk $0xffff, v25;
	v25 =	vmov s12  }
0x25f: {  	v26 =	vld.idx.msk [tilespmem:v26+s25+$0x0], $0xffff;
	v25 =	vshll.u32 v25, $0x9  }
0x260: {  	v27 =	vor.u32 s15, v16;
	v25 =	vand.u32 $0x7000, v25  }
0x261: {  	v25 =	vadd.s32 v23, v25;
	_ =	sdelay $0x3  }
0x262: {  	[tilespmem:v27+s23+$0x0] =	vst.idx.msk $0xffff, v26;
	v26 =	vmov s2  }
0x263: {  	v27 =	vld.idx.msk [tilespmem:v25+s25+$0x0], $0xffff;
	v25 =	vshll.u32 v26, $0x9  }
0x264: {  	v26 =	vor.u32 s12, v16;
	v25 =	vand.u32 $0x7000, v25  }
.Ltmp18:
0x265: {  	v25 =	vadd.s32 v24, v25;
	(pc) =	sbr.rel @p1 .LBB2_27-.Ltmp18, $2  }
0x266: {  	_ =	sdelay $0x2  }
0x267: {  	s20 =	sadd.s32 $0x8, s20;
	s12 =	sadd.s32 $0xFFFFFFF9, s1;
	[tilespmem:v26+s23+$0x0] =	vst.idx.msk $0xffff, v27  }
0x268: {  	_ =	sdelay $0x2  }
0x269: {  	v26 =	vmov s12  }
0x26a: {  	v25 =	vld.idx.msk [tilespmem:v25+s25+$0x0], $0xffff;
	v27 =	vor.u32 s2, v16;
	v26 =	vshll.u32 v26, $0x9  }
0x26b: {  	v17 =	vadd.s32 v17, v26;
	_ =	sdelay $0x1  }
0x26c: {  	s21 =	sadd.s32 $0xFFFFFFFA, s1  }
0x26d: {  	v42 =	vmov s21  }
0x26e: {  	v43 =	vshll.u32 v42, $0x9;
	[tilespmem:v27+s23+$0x0] =	vst.idx.msk $0xffff, v25  }
0x26f: {  	v44 =	vor.u32 s12, v16;
	v25 =	vand.u32 $0x7000, v43;
	v17 =	vld.idx.msk [tilespmem:v17+s25+$0x0], $0xffff  }
0x270: {  	v18 =	vadd.s32 v18, v25;
	_ =	sdelay $0x1  }
0x271: {  	s31 =	sadd.s32 $0xFFFFFFFB, s1  }
0x272: {  	v45 =	vmov s31  }
0x273: {  	v46 =	vshll.u32 v45, $0x9;
	[tilespmem:v44+s23+$0x0] =	vst.idx.msk $0xffff, v17  }
0x274: {  	v47 =	vor.u32 s21, v16;
	v17 =	vand.u32 $0x7000, v46;
	v18 =	vld.idx.msk [tilespmem:v18+s25+$0x0], $0xffff  }
0x275: {  	v17 =	vadd.s32 v19, v17;
	_ =	sdelay $0x1  }
0x276: {  	s15 =	sadd.s32 $0xFFFFFFFC, s1  }
0x277: {  	v48 =	vmov s15  }
0x278: {  	v49 =	vshll.u32 v48, $0x9;
	[tilespmem:v47+s23+$0x0] =	vst.idx.msk $0xffff, v18  }
0x279: {  	v50 =	vor.u32 s31, v16;
	v18 =	vand.u32 $0x7000, v49;
	v17 =	vld.idx.msk [tilespmem:v17+s25+$0x0], $0xffff  }
0x27a: {  	v18 =	vadd.s32 v20, v18;
	_ =	sdelay $0x1  }
0x27b: {  	s20 =	sadd.s32 $0xFFFFFFFD, s1  }
0x27c: {  	v51 =	vmov s20  }
0x27d: {  	v52 =	vshll.u32 v51, $0x9;
	[tilespmem:v50+s23+$0x0] =	vst.idx.msk $0xffff, v17  }
0x27e: {  	v53 =	vor.u32 s15, v16;
	v17 =	vand.u32 $0x7000, v52;
	v18 =	vld.idx.msk [tilespmem:v18+s25+$0x0], $0xffff  }
0x27f: {  	v17 =	vadd.s32 v21, v17;
	_ =	sdelay $0x1  }
0x280: {  	s21 =	sadd.s32 $0xFFFFFFFE, s1  }
0x281: {  	v54 =	vmov s21  }
0x282: {  	v55 =	vshll.u32 v54, $0x9;
	[tilespmem:v53+s23+$0x0] =	vst.idx.msk $0xffff, v18  }
0x283: {  	v56 =	vor.u32 s20, v16;
	v18 =	vand.u32 $0x7000, v55;
	v17 =	vld.idx.msk [tilespmem:v17+s25+$0x0], $0xffff  }
0x284: {  	v18 =	vadd.s32 v22, v18;
	_ =	sdelay $0x1  }
0x285: {  	s31 =	sadd.s32 $0xFFFFFFFF, s1  }
0x286: {  	v57 =	vmov s31  }
0x287: {  	v58 =	vshll.u32 v57, $0x9;
	[tilespmem:v56+s23+$0x0] =	vst.idx.msk $0xffff, v17  }
0x288: {  	v59 =	vor.u32 s21, v16;
	v17 =	vand.u32 $0x7000, v58;
	v18 =	vld.idx.msk [tilespmem:v18+s25+$0x0], $0xffff  }
0x289: {  	v17 =	vadd.s32 v23, v17;
	_ =	sdelay $0x2  }
0x28a: {  	v60 =	vmov s1  }
0x28b: {  	v61 =	vshll.u32 v60, $0x9;
	[tilespmem:v59+s23+$0x0] =	vst.idx.msk $0xffff, v18  }
0x28c: {  	v62 =	vor.u32 s31, v16;
	v18 =	vand.u32 $0x7000, v61;
	v17 =	vld.idx.msk [tilespmem:v17+s25+$0x0], $0xffff  }
0x28d: {  	v18 =	vadd.s32 v24, v18;
	_ =	sdelay $0x3  }
0x28e: {  	[tilespmem:v62+s23+$0x0] =	vst.idx.msk $0xffff, v17  }
0x28f: {  	v63 =	vor.u32 s1, v16;
	s5 =	sadd.s32 $0x1, s5;
	v17 =	vld.idx.msk [tilespmem:v18+s25+$0x0], $0xffff  }
0x290: {  	p1 =	sgt.s32 s0, s5  }
.Ltmp19:
0x291: {  	_ = 	snop;
	(pc) =	sbr.rel @p1 .LBB2_26-.Ltmp19, $3  }
0x292: {  	_ =	sdelay $0x1  }
0x293: {  	v15 =	vshra.s32 v15, $0xA;
	[tilespmem:v63+s23+$0x0] =	vst.idx.msk $0xffff, v17  }
0x294: {  	[tilespmem:s28+$0x1C100] =	vst v15;
	s28 =	sadd.s32 $0x10, s28  }
.Ltmp20:
0x295: {  	p1 =	slt.s32 s28, $0x71;
	(pc) =	sbr.rel .LBB2_30-.Ltmp20, $4  }
0x296: {  	p2 =	por $0x1, $0x1;
	s0 =	simm.s32 @!p1 $0x80  }
0x297: {  	s1 =	simm.s32 @!p1 $0x1C100;
	s2 =	simm.s32 @!p1 $0x18100;
	p3 =	por @!p1 $0x0, $0x0  }
0x298: {  	[hbm4b:s9+s0] =	stream.indirect.scatter @!p1 [tilespmem:s2], [sflag:$0x3], $0x80, s1, s0, $0xb8;
	[tilespmem:$0x1C180] =	vst v63  }
0x299: {  	s28 =	simm.s32 @!p1 $0x0;
	p2 =	por @!p1 p3, p3  }
.LBB2_6:
.Ltmp21:
0x29a: {  	(pc) =	sbr.rel .LBB2_10-.Ltmp21, $2  }
0x29b: {  	_ =	sdelay $0x2  }
0x29c: {  	s2 =	simm.s32 $0x0  }
.LBB2_19:
.Ltmp22:
0x29d: {  	(pc) =	sbr.rel .LBB2_23-.Ltmp22, $2  }
0x29e: {  	_ =	sdelay $0x2  }
0x29f: {  	s1 =	simm.s32 $0x0  }
.LBB2_8:
.Ltmp23:
0x2a0: {  	(pc) =	sbr.rel .LBB2_10-.Ltmp23, $2  }
0x2a1: {  	_ =	sdelay $0x2  }
0x2a2: {  	s2 =	simm.s32 $0x0  }
.LBB2_21:
.Ltmp24:
0x2a3: {  	(pc) =	sbr.rel .LBB2_23-.Ltmp24, $2  }
0x2a4: {  	_ =	sdelay $0x2  }
0x2a5: {  	s1 =	simm.s32 $0x0  }
.LBB2_31:
0x2a6: {  	_ =	swait.ge [sflag:s19], $0x8000  }
0x2a7: {  	[sflag:s19] =	ssyncset.done $0x0  }
0x2a8: {  	s0 =	simm.s32 @!p2 $0x3;
	[sflag:s19] =	ssyncadd.s32 $0xFFFF8000  }
0x2a9: {  	_ =	swait.ge @!p2 [sflag:s0], $0x4000  }
0x2aa: {  	[sflag:s0] =	ssyncset.done @!p2 $0x0  }
0x2ab: {  	[sflag:s0] =	ssyncadd.s32 @!p2 $0xFFFFC000  }
0x2ac: {  	[tilespmem:$0x1C100] =	vst @!p2 v0  }
0x2ad: {  	[tilespmem:$0x1C110] =	vst @!p2 v1  }
0x2ae: {  	[tilespmem:$0x1C120] =	vst @!p2 v2  }
0x2af: {  	[tilespmem:$0x1C130] =	vst @!p2 v3  }
0x2b0: {  	[tilespmem:$0x1C140] =	vst @!p2 v4  }
0x2b1: {  	[tilespmem:$0x1C150] =	vst @!p2 v5  }
0x2b2: {  	p0 =	slt.s32 s28, $0x1;
	[tilespmem:$0x1C160] =	vst @!p2 v6  }
0x2b3: {  	s1 =	simm.s32 @!p0 $0x1C100;
	s2 =	simm.s32 @!p0 $0x18100;
	s0 =	simm.s32 @!p0 $0x80;
	[tilespmem:$0x1C170] =	vst @!p2 v7  }
0x2b4: {  	[hbm4b:s9+s0] =	stream.indirect.scatter @!p0 [tilespmem:s2], [sflag:$0x3], $0x80, s1, s0, $0xb8;
	[tilespmem:$0x1C180] =	vst v63  }
0x2b5: {  	s0 =	simm.s32 @!p0 $0x3  }
0x2b6: {  	_ =	swait.ge @!p0 [sflag:s0], $0x4000  }
0x2b7: {  	[sflag:s0] =	ssyncset.done @!p0 $0x0  }
0x2b8: {  	[sflag:s0] =	ssyncadd.s32 @!p0 $0xFFFFC000  }
0x2b9: {  	[tilespmem:$0x1C100] =	vst v0  }
0x2ba: {  	[tilespmem:$0x1C110] =	vst v1  }
0x2bb: {  	[tilespmem:$0x1C120] =	vst v2  }
0x2bc: {  	[tilespmem:$0x1C130] =	vst v3  }
0x2bd: {  	[tilespmem:$0x1C140] =	vst v4  }
0x2be: {  	[tilespmem:$0x1C150] =	vst v5  }
0x2bf: {  	[tilespmem:$0x1C160] =	vst v6  }
0x2c0: {  	s21 =	simm.s32 $0x0;
	[tilespmem:$0x1C170] =	vst v7;
	s28 =	rddreg [dreg:$0x1]  }
0x2c1: {  	[tilespmem:s17], [sflag:$0x4] =	stream.linear.gather [hbm4b:s28+s21], $0x4000, $0x38;
	[tilespmem:$0x1C180] =	vst v63  }
0x2c2: {  	_ =	swait.ge [sflag:s18], $0x4000  }
0x2c3: {  	[sflag:s18] =	ssyncset.done $0x0  }
0x2c4: {  	s29 =	simm.s32 $0x4090;
	[sflag:s18] =	ssyncadd.s32 $0xFFFFC000  }
0x2c5: {  	v15 =	vld [tilespmem:s29+$0xFFFFFFF0];
	_ =	sdelay $0x4  }
0x2c6: {  	vm0 =	vge.s32 v15, v8;
	vm1 =	vlt.s32 v15, v9  }
0x2c7: {  	vm0 =	vmand vm0, vm1  }
0x2c8: {  	v16 =	vsel vm0, $0x1, v12  }
0x2c9: {  	(xrf0) =	vadd.scan.msk.s32 $0xffff, v16;
	_ =	sdelay $0x2  }
0x2ca: {  	v16 =	vmov s21  }
0x2cb: {  	v16 =	vadd.s32 $0xFFFFFFFF, v16  }
0x2cc: {  	v16 =	vbroadcast v16, $0x0  }
0x2cd: {  	v17, _, _ =	vpop (xrf0)  }
0x2ce: {  	v16 =	vadd.s32 v17, v16;
	v17 =	vxor.u32 $0x80000000, v17  }
0x2cf: {  	s30 =	simm.s32 $0x0;
	v16 =	vnsel vm0, $0x401F, v16;
	(xrf0) =	vmax.scan.msk.u32 $0xffff, v17  }
0x2d0: {  	v17 =	vmov s30  }
0x2d1: {  	v17 =	vshll.u32 v17, $0xF  }
0x2d2: {  	v15 =	vsub.s32 v15, v8;
	v17 =	vor.u32 v13, v17  }
0x2d3: {  	v15 =	vor.u32 v17, v15  }
0x2d4: {  	[tilespmem:v16+s6+$0x0] =	vst.idx.msk $0xffff, v15  }
0x2d5: {  	v15 =	vld [tilespmem:s29+$0x0];
	v16, _, _ =	vpop (xrf0)  }
0x2d6: {  	(v2sf) =	vpush v16, $0xF;
	_ =	sdelay $0x3  }
0x2d7: {  	vm0 =	vge.s32 v15, v8;
	vm1 =	vlt.s32 v15, v9  }
0x2d8: {  	vm0 =	vmand vm0, vm1  }
0x2d9: {  	v16 =	vsel vm0, $0x1, v12  }
0x2da: {  	(xrf0) =	vadd.scan.msk.s32 $0xffff, v16;
	_ =	sdelay $0x5  }
0x2db: {  	v16, _, _ =	vpop (xrf0)  }
0x2dc: {  	v17 =	vxor.u32 $0x80000000, v16  }
0x2dd: {  	(xrf0) =	vmax.scan.msk.u32 $0xffff, v17;
	s31 =	spop (v2sf)  }
0x2de: {  	s0 =	sadd.s32 $0x0, s31  }
0x2df: {  	s5 =	sadd.s32 $0x80000000, s0  }
0x2e0: {  	v17 =	vmov s5  }
0x2e1: {  	v17 =	vadd.s32 $0xFFFFFFFF, v17  }
0x2e2: {  	v17 =	vbroadcast v17, $0x0  }
0x2e3: {  	v18, _, _ =	vpop (xrf0)  }
0x2e4: {  	(v2sf) =	vpush v18, $0xF;
	v16 =	vadd.s32 v16, v17  }
0x2e5: {  	s1 =	simm.s32 $0x10;
	v16 =	vnsel vm0, $0x401F, v16  }
0x2e6: {  	v17 =	vmov s1  }
0x2e7: {  	v17 =	vshll.u32 v17, $0xF  }
0x2e8: {  	v15 =	vsub.s32 v15, v8;
	v17 =	vor.u32 v13, v17  }
0x2e9: {  	v15 =	vor.u32 v17, v15  }
0x2ea: {  	s0 =	simm.s32 $0x40B0;
	[tilespmem:v16+s6+$0x0] =	vst.idx.msk $0xffff, v15  }
0x2eb: {  	v15 =	vld [tilespmem:s0+$0xFFFFFFF0];
	_ =	sdelay $0x4  }
0x2ec: {  	vm0 =	vge.s32 v15, v8;
	vm1 =	vlt.s32 v15, v9  }
0x2ed: {  	vm0 =	vmand vm0, vm1  }
0x2ee: {  	v16 =	vsel vm0, $0x1, v12  }
0x2ef: {  	s12 =	spop (v2sf);
	(xrf0) =	vadd.scan.msk.s32 $0xffff, v16  }
0x2f0: {  	s2 =	simm.s32 $0x2;
	v15 =	vsub.s32 v15, v8;
	s5 =	sadd.s32 s12, s5  }
.LBB2_32:
0x2f1: {  	s2 =	sadd.s32 $0x2, s2;
	s5 =	sadd.s32 $0x80000000, s5;
	s1 =	sadd.s32 $0x20, s1  }
0x2f2: {  	p0 =	slt.u32 s2, $0x3FE;
	v16 =	vmov s5  }
0x2f3: {  	v16 =	vadd.s32 $0xFFFFFFFF, v16  }
0x2f4: {  	v16 =	vbroadcast v16, $0x0  }
0x2f5: {  	v17, _, _ =	vpop (xrf0)  }
0x2f6: {  	v16 =	vadd.s32 v17, v16;
	v17 =	vxor.u32 $0x80000000, v17  }
0x2f7: {  	s12 =	sadd.s32 $0xFFFFFFF0, s1;
	v16 =	vnsel vm0, $0x401F, v16;
	(xrf0) =	vmax.scan.msk.u32 $0xffff, v17  }
0x2f8: {  	v17 =	vmov s12  }
0x2f9: {  	v17 =	vshll.u32 v17, $0xF  }
0x2fa: {  	v17 =	vor.u32 v13, v17  }
0x2fb: {  	v15 =	vor.u32 v17, v15  }
0x2fc: {  	[tilespmem:v16+s6+$0x0] =	vst.idx.msk $0xffff, v15  }
0x2fd: {  	v15 =	vld [tilespmem:s0+$0x0];
	v16, _, _ =	vpop (xrf0)  }
0x2fe: {  	(v2sf) =	vpush v16, $0xF;
	_ =	sdelay $0x3  }
0x2ff: {  	vm0 =	vge.s32 v15, v8;
	vm1 =	vlt.s32 v15, v9;
	v15 =	vsub.s32 v15, v8  }
0x300: {  	vm0 =	vmand vm0, vm1  }
0x301: {  	v16 =	vsel vm0, $0x1, v12  }
0x302: {  	(xrf0) =	vadd.scan.msk.s32 $0xffff, v16;
	_ =	sdelay $0x5  }
0x303: {  	v16, _, _ =	vpop (xrf0)  }
0x304: {  	v17 =	vxor.u32 $0x80000000, v16  }
0x305: {  	s12 =	spop (v2sf);
	(xrf0) =	vmax.scan.msk.u32 $0xffff, v17  }
0x306: {  	s5 =	sadd.s32 s12, s5  }
0x307: {  	s5 =	sadd.s32 $0x80000000, s5  }
0x308: {  	v17 =	vmov s5  }
0x309: {  	v17 =	vadd.s32 $0xFFFFFFFF, v17  }
0x30a: {  	v17 =	vbroadcast v17, $0x0  }
0x30b: {  	v18, _, _ =	vpop (xrf0)  }
0x30c: {  	v16 =	vadd.s32 v16, v17;
	(v2sf) =	vpush v18, $0xF  }
0x30d: {  	v16 =	vnsel vm0, $0x401F, v16  }
0x30e: {  	v17 =	vmov s1  }
0x30f: {  	v17 =	vshll.u32 v17, $0xF  }
0x310: {  	v17 =	vor.u32 v13, v17  }
0x311: {  	v15 =	vor.u32 v17, v15  }
0x312: {  	s0 =	sadd.s32 $0x20, s0;
	[tilespmem:v16+s6+$0x0] =	vst.idx.msk $0xffff, v15  }
0x313: {  	v15 =	vld [tilespmem:s0+$0xFFFFFFF0];
	_ =	sdelay $0x4  }
.Ltmp25:
0x314: {  	vm0 =	vge.s32 v15, v8;
	vm1 =	vlt.s32 v15, v9;
	v15 =	vsub.s32 v15, v8;
	(pc) =	sbr.rel @p0 .LBB2_32-.Ltmp25, $4  }
0x315: {  	vm0 =	vmand vm0, vm1  }
0x316: {  	v16 =	vsel vm0, $0x1, v12  }
0x317: {  	(xrf0) =	vadd.scan.msk.s32 $0xffff, v16;
	s12 =	spop (v2sf)  }
0x318: {  	s5 =	sadd.s32 s12, s5  }
0x319: {  	s2 =	sadd.s32 $0x80000000, s5  }
0x31a: {  	v16 =	vmov s2  }
0x31b: {  	v16 =	vadd.s32 $0xFFFFFFFF, v16  }
0x31c: {  	v16 =	vbroadcast v16, $0x0  }
0x31d: {  	v17, _, _ =	vpop (xrf0)  }
0x31e: {  	s1 =	sadd.s32 $0x20, s1;
	v16 =	vadd.s32 v17, v16  }
0x31f: {  	s15 =	sadd.s32 $0xFFFFFFF0, s1;
	v16 =	vnsel vm0, $0x401F, v16  }
0x320: {  	v18 =	vmov s15  }
0x321: {  	v18 =	vshll.u32 v18, $0xF  }
0x322: {  	v18 =	vor.u32 v13, v18  }
0x323: {  	v15 =	vor.u32 v18, v15  }
0x324: {  	[tilespmem:v16+s6+$0x0] =	vst.idx.msk $0xffff, v15  }
0x325: {  	v15 =	vld [tilespmem:s0+$0x0];
	_ =	sdelay $0x4  }
0x326: {  	vm15 =	vge.s32 v15, v8;
	vm1 =	vlt.s32 v15, v9  }
0x327: {  	v56 =	vxor.u32 $0x80000000, v17;
	vm0 =	vmand vm15, vm1  }
0x328: {  	(xrf0) =	vmax.scan.msk.u32 $0xffff, v56;
	v57 =	vsel vm0, $0x1, v12  }
0x329: {  	(xrf0) =	vadd.scan.msk.s32 $0xffff, v57;
	_ =	sdelay $0x4  }
0x32a: {  	v58, _, _ =	vpop (xrf0)  }
0x32b: {  	v59, _, _ =	vpop (xrf0)  }
0x32c: {  	v60 =	vxor.u32 $0x80000000, v59  }
0x32d: {  	(v2sf) =	vpush v58, $0xF;
	(xrf0) =	vmax.scan.msk.u32 $0xffff, v60;
	_ =	sdelay $0x5  }
0x32e: {  	v61, _, _ =	vpop (xrf0)  }
0x32f: {  	(v2sf) =	vpush v61, $0xF;
	_ =	sdelay $0x7  }
0x330: {  	s20 =	spop (v2sf)  }
0x331: {  	s0 =	sadd.s32 s20, s2  }
0x332: {  	s0 =	sadd.s32 $0x80000000, s0  }
0x333: {  	v62 =	vmov s0  }
0x334: {  	v16 =	vadd.s32 $0xFFFFFFFF, v62  }
0x335: {  	v16 =	vbroadcast v16, $0x0;
	_ =	sdelay $0x1  }
0x336: {  	v16 =	vadd.s32 v59, v16;
	s21 =	spop (v2sf)  }
0x337: {  	v16 =	vnsel vm0, $0x401F, v16;
	s0 =	sadd.s32 s21, s0  }
0x338: {  	v63 =	vmov s1;
	s0 =	sadd.s32 $0x80000000, s0  }
0x339: {  	v17 =	vshll.u32 v63, $0xF;
	s2 =	simm.s32 $0x1;
	s31 =	sadd.s32 $0xF, s0  }
0x33a: {  	v17 =	vor.u32 v13, v17;
	v15 =	vsub.s32 v15, v8;
	s21 =	rddreg [dreg:$0x7];
	s5 =	sand.u32 $0xF, s31;
	s12 =	sshra.s32 s31, $0x1F  }
0x33b: {  	v15 =	vor.u32 v17, v15;
	p0 =	slt.s32 s31, $0x1;
	p1 =	sne.s32 s5, $0x0;
	s15 =	sshrl.u32 s12, $0x1C  }
0x33c: {  	[tilespmem:v16+s6+$0x0] =	vst.idx.msk $0xffff, v15;
	s12 =	simm.s32 $0x7A1400;
	p0 =	por !p0, !p1;
	s1 =	sadd.s32 s15, s31  }
.Ltmp26:
0x33d: {  	[tilespmem:s0+$0x0] =	vst v10;
	s31 =	simm.s32 $0x1000;
	p0 =	por !p0, !p0;
	(pc) =	sbr.rel .LBB2_34-.Ltmp26, $4  }
0x33e: {  	[tilespmem:s22], [sflag:$0x1] =	stream.strided.gather [hbm4b:s21+s31], $0x8000, s12, s31, $0x38;
	[tilespmem:$0x1C180] =	vst v63  }
0x33f: {  	s20 =	sshra.s32 s1, $0x4;
	s2 =	simm.s32 @!p0 $0x0  }
0x340: {  	s28 =	simm.s32 $0x0;
	s29 =	ssub.s32 s20, s2  }
0x341: {  	p2 =	por $0x1, $0x1;
	s30 =	simm.s32 $0x0;
	p0 =	slt.s32 s29, $0x1  }
.LBB2_55:
0x342: {  	p2 =	por $0x1, $0x1  }
0x343: {  	s28 =	smov.u32 @p1 s28;
	p2 =	por @!p1 p2, p2  }
.LBB2_60:
0x344: {  	s30 =	sadd.s32 $0x1, s30  }
0x345: {  	p1 =	sne.s32 s30, $0x1F  }
.Ltmp27:
0x346: {  	_ = 	snop;
	(pc) =	sbr.rel @!p1 .LBB2_61-.Ltmp27, $1  }
0x347: {  	_ =	sdelay $0x3  }
.LBB2_34:
0x348: {  	s2 =	sshll.u32 s30, $0xA  }
0x349: {  	s31 =	sor.u32 $0x200, s2  }
0x34a: {  	s0 =	sadd.s32 s11, s31  }
0x34b: {  	p1 =	slt.u32 s0, $0xF4041  }
0x34c: {  	s1 =	sadd.s32 @p1 s4, s0  }
0x34d: {  	s5 =	simm.s32 @p1 $0x1000;
	s12 =	simm.s32 @p1 $0x7A1400;
	s15 =	simm.s32 @p1 $0x10100  }
0x34e: {  	[tilespmem:s15], [sflag:$0x2] =	stream.strided.gather @p1 [hbm4b:s1+s5], $0x8000, s12, s5, $0x38;
	[tilespmem:$0x1C180] =	vst v63  }
.Ltmp28:
0x34f: {  	s1 =	simm.s32 @!p1 $0x0;
	s5 =	simm.s32 @!p1 $0x10100;
	(pc) =	sbr.rel @p0 .LBB2_41-.Ltmp28, $4  }
0x350: {  	[tilespmem:s5], [sflag:$0x2] =	stream.linear.gather @!p1 [hbm4b:s8+s1], $0x8000, $0x38;
	[tilespmem:$0x1C180] =	vst v63  }
0x351: {  	_ =	swait.ge [sflag:s19], $0x8000  }
0x352: {  	[sflag:s19] =	ssyncset.done $0x0  }
0x353: {  	p1 =	sne.s32 s29, $0x1;
	s1 =	simm.s32 $0x0;
	[sflag:s19] =	ssyncadd.s32 $0xFFFF8000  }
.Ltmp29:
0x354: {  	(pc) =	sbr.rel @!p1 .LBB2_36-.Ltmp29, $3  }
0x355: {  	_ =	sdelay $0x1  }
0x356: {  	s1 =	simm.s32 $0x0  }
0x357: {  	v15 =	vmov s2;
	s2 =	sadd.s32 $0xFFFFFFFF, s29;
	p3 =	por $0x0, $0x0;
	v16 =	vld [tilespmem:s1+$0x0]  }
0x358: {  	_ =	sdelay $0x3  }
0x359: {  	v17 =	vand.u32 $0x7FFF, v16  }
0x35a: {  	v17 =	vsub.s32 v17, v15  }
0x35b: {  	vm0 =	vlt.u32 v17, $0x200  }
0x35c: {  	v18 =	vsel vm0, $0x1, v12  }
0x35d: {  	(xrf0) =	vadd.scan.msk.s32 $0xffff, v18;
	_ =	sdelay $0x5  }
0x35e: {  	v19, _, _ =	vpop (xrf0)  }
0x35f: {  	v18 =	vmov s1;
	v20 =	vxor.u32 $0x80000000, v19  }
0x360: {  	v18 =	vadd.s32 $0xFFFFFFFF, v18;
	(xrf0) =	vmax.scan.msk.u32 $0xffff, v20  }
0x361: {  	v18 =	vbroadcast v18, $0x0;
	_ =	sdelay $0x1  }
0x362: {  	v17 =	vnsel vm0, $0x0, v17;
	v18 =	vadd.s32 v19, v18  }
0x363: {  	v16 =	vshra.s32 v16, $0x5;
	v18 =	vnsel vm0, $0x401F, v18  }
0x364: {  	p4 =	sne.s32 s2, $0x1;
	v16 =	vand.u32 $0xFFFFFC00, v16  }
.Ltmp30:
0x365: {  	v16 =	vor.u32 v16, v17;
	v17, _, _ =	vpop (xrf0);
	(pc) =	sbr.rel @!p4 .LBB2_38-.Ltmp30, $3  }
0x366: {  	(v2sf) =	vpush v17, $0xF;
	_ =	sdelay $0x1  }
0x367: {  	s5 =	simm.s32 $0x10;
	[tilespmem:v18+s17+$0x0] =	vst.idx.msk $0xffff, v16  }
0x368: {  	s20 =	sadd.s32 $0xFFFFFFFF, s2;
	p3 =	por $0x1, $0x1;
	s2 =	simm.s32 $0x0;
	v16 =	vld [tilespmem:s5+$0x0]  }
.LBB2_39:
0x369: {  	p4 =	sne.s32 s20, $0x1;
	_ =	sdelay $0x3  }
0x36a: {  	v17 =	vand.u32 $0x7FFF, v16;
	v16 =	vshra.s32 v16, $0x5  }
0x36b: {  	v17 =	vsub.s32 v17, v15  }
0x36c: {  	vm0 =	vlt.u32 v17, $0x200  }
0x36d: {  	v18 =	vsel vm0, $0x1, v12;
	v17 =	vnsel vm0, $0x0, v17  }
0x36e: {  	(xrf0) =	vadd.scan.msk.s32 $0xffff, v18;
	_ =	sdelay $0x2  }
0x36f: {  	s12 =	spop (v2sf)  }
0x370: {  	s2 =	sadd.s32 s12, s2  }
0x371: {  	s2 =	sadd.s32 $0x80000000, s2  }
0x372: {  	v18 =	vmov s2;
	v19, _, _ =	vpop (xrf0)  }
0x373: {  	v18 =	vadd.s32 $0xFFFFFFFF, v18;
	v20 =	vxor.u32 $0x80000000, v19  }
0x374: {  	v18 =	vbroadcast v18, $0x0;
	(xrf0) =	vmax.scan.msk.u32 $0xffff, v20;
	_ =	sdelay $0x1  }
0x375: {  	v18 =	vadd.s32 v19, v18  }
0x376: {  	v18 =	vnsel vm0, $0x401F, v18;
	_ =	sdelay $0x2  }
.Ltmp31:
0x377: {  	v16 =	vand.u32 $0xFFFFFC00, v16;
	v19, _, _ =	vpop (xrf0);
	(pc) =	sbr.rel @p4 .LBB2_39-.Ltmp31, $4  }
0x378: {  	v16 =	vor.u32 v16, v17;
	(v2sf) =	vpush v19, $0xF  }
0x379: {  	[tilespmem:v18+s17+$0x0] =	vst.idx.msk $0xffff, v16  }
0x37a: {  	s5 =	sadd.s32 $0x10, s5  }
0x37b: {  	s20 =	sadd.s32 $0xFFFFFFFF, s20;
	v16 =	vld [tilespmem:s5+$0x0]  }
.LBB2_40:
0x37c: {  	_ =	sdelay $0x3  }
0x37d: {  	v17 =	vand.u32 $0x7FFF, v16  }
0x37e: {  	v15 =	vsub.s32 v17, v15  }
0x37f: {  	vm0 =	vlt.u32 v15, $0x200  }
0x380: {  	v61 =	vsel vm0, $0x1, v12  }
0x381: {  	(xrf0) =	vadd.scan.msk.s32 $0xffff, v61;
	_ =	sdelay $0x5  }
0x382: {  	v17, _, _ =	vpop (xrf0)  }
0x383: {  	v18 =	vxor.u32 $0x80000000, v17  }
0x384: {  	(xrf0) =	vmax.scan.msk.u32 $0xffff, v18;
	_ =	sdelay $0x5  }
0x385: {  	v18, _, _ =	vpop (xrf0)  }
0x386: {  	(v2sf) =	vpush v18, $0xF;
	_ =	sdelay $0x2  }
0x387: {  	s5 =	spop @p3 (v2sf)  }
0x388: {  	s2 =	sadd.s32 @p3 s5, s2  }
0x389: {  	s2 =	sadd.s32 @p3 $0x80000000, s2  }
0x38a: {  	s1 =	smov.u32 @p3 s2  }
0x38b: {  	v62 =	vmov s1  }
0x38c: {  	v18 =	vadd.s32 $0xFFFFFFFF, v62  }
0x38d: {  	v18 =	vbroadcast v18, $0x0;
	_ =	sdelay $0x1  }
0x38e: {  	v17 =	vadd.s32 v17, v18  }
0x38f: {  	v17 =	vnsel vm0, $0x401F, v17;
	_ =	sdelay $0x1  }
0x390: {  	v63 =	vshra.s32 v16, $0x5  }
0x391: {  	v16 =	vand.u32 $0xFFFFFC00, v63;
	v15 =	vnsel vm0, $0x0, v15;
	s21 =	spop (v2sf)  }
0x392: {  	v15 =	vor.u32 v16, v15;
	s1 =	sadd.s32 s21, s1  }
0x393: {  	[tilespmem:v17+s17+$0x0] =	vst.idx.msk $0xffff, v15;
	s1 =	sadd.s32 $0x80000000, s1  }
.LBB2_41:
0x394: {  	[tilespmem:s1+$0x4080] =	vst v11;
	s2 =	simm.s32 @!p2 $0x3;
	s5 =	sadd.s32 $0xF, s1  }
0x395: {  	_ =	swait.ge @!p2 [sflag:s2], $0x4000;
	s20 =	sand.u32 $0xF, s5;
	s21 =	sshra.s32 s5, $0x1F  }
0x396: {  	p4 =	slt.s32 s5, $0x1;
	[sflag:s2] =	ssyncset.done @!p2 $0x0;
	p3 =	sne.s32 s20, $0x0  }
0x397: {  	[sflag:s2] =	ssyncadd.s32 @!p2 $0xFFFFC000;
	s2 =	sshrl.u32 s21, $0x1C;
	p3 =	por !p4, !p3  }
0x398: {  	s2 =	sadd.s32 s2, s5;
	p3 =	por !p3, !p3;
	s5 =	simm.s32 $0x1  }
0x399: {  	s2 =	sshra.s32 s2, $0x4;
	s5 =	simm.s32 @!p3 $0x0  }
0x39a: {  	[tilespmem:$0x1C100] =	vst @!p2 v0;
	p3 =	slt.s32 s1, $0x1;
	s5 =	ssub.s32 s2, s5  }
0x39b: {  	[tilespmem:$0x1C110] =	vst @!p2 v1;
	p4 =	slt.s32 @!p3 s5, $0x1  }
0x39c: {  	[tilespmem:$0x1C120] =	vst @!p2 v2;
	p4 =	por p3, p4  }
.Ltmp32:
0x39d: {  	[tilespmem:$0x1C130] =	vst @!p2 v3;
	(pc) =	sbr.rel @p4 .LBB2_42-.Ltmp32, $4  }
0x39e: {  	[tilespmem:$0x1C140] =	vst @!p2 v4  }
0x39f: {  	[tilespmem:$0x1C150] =	vst @!p2 v5  }
0x3a0: {  	[tilespmem:$0x1C160] =	vst @!p2 v6  }
0x3a1: {  	[tilespmem:$0x1C170] =	vst @!p2 v7;
	s1 =	simm.s32 $0x0  }
.LBB2_43:
0x3a2: {  	s2 =	sadd.s32 $0x10, s28  }
0x3a3: {  	p2 =	slt.s32 s2, $0x81  }
0x3a4: {  	s2 =	simm.s32 @!p2 $0x80;
	s12 =	simm.s32 @!p2 $0x1C100;
	s15 =	simm.s32 @!p2 $0x18100  }
0x3a5: {  	[hbm4b:s10+s2] =	stream.indirect.scatter @!p2 [tilespmem:s15], [sflag:$0x3], $0x80, s12, s2, $0xb8;
	[tilespmem:$0x1C180] =	vst v63  }
0x3a6: {  	s2 =	simm.s32 @!p2 $0x3  }
0x3a7: {  	_ =	swait.ge @!p2 [sflag:s2], $0x4000  }
0x3a8: {  	[sflag:s2] =	ssyncset.done @!p2 $0x0  }
0x3a9: {  	[sflag:s2] =	ssyncadd.s32 @!p2 $0xFFFFC000  }
0x3aa: {  	[tilespmem:$0x1C100] =	vst @!p2 v0  }
0x3ab: {  	[tilespmem:$0x1C110] =	vst @!p2 v1  }
0x3ac: {  	[tilespmem:$0x1C120] =	vst @!p2 v2  }
0x3ad: {  	[tilespmem:$0x1C130] =	vst @!p2 v3  }
0x3ae: {  	[tilespmem:$0x1C140] =	vst @!p2 v4  }
0x3af: {  	[tilespmem:$0x1C150] =	vst @!p2 v5  }
0x3b0: {  	s21 =	sshll.u32 s1, $0x6;
	[tilespmem:$0x1C160] =	vst @!p2 v6  }
0x3b1: {  	s2 =	sshra.s32 s21, $0x2;
	[tilespmem:$0x1C170] =	vst @!p2 v7  }
0x3b2: {  	v15 =	vld [tilespmem:s2+$0x4080];
	_ =	sdelay $0x4  }
0x3b3: {  	s12 =	simm.s32 $0x0;
	v16 =	vshll.u32 v15, $0x3  }
0x3b4: {  	v18 =	vmov s12;
	v17 =	vand.u32 $0x7F, v15;
	v16 =	vand.u32 $0x1C00, v16  }
0x3b5: {  	v17 =	vor.u32 v17, v16;
	v16 =	vshll.u32 v18, $0x9  }
0x3b6: {  	v19 =	vadd.s32 v17, v16  }
0x3b7: {  	s28 =	simm.s32 @!p2 $0x0  }
0x3b8: {  	s15 =	simm.s32 $0x1;
	v16 =	vmov s28  }
0x3b9: {  	v18 =	vmov s15;
	v16 =	vshll.u32 v16, $0x7  }
0x3ba: {  	v20 =	vshll.u32 v18, $0x9;
	v16 =	vadd.s32 v14, v16  }
0x3bb: {  	v18 =	vor.u32 $0x80, v17;
	v20 =	vand.u32 $0x7000, v20;
	v21 =	vor.u32 s12, v16;
	v19 =	vld.idx.msk [tilespmem:v19+s22+$0x0], $0xffff  }
0x3bc: {  	v20 =	vadd.s32 v18, v20;
	_ =	sdelay $0x1  }
0x3bd: {  	s20 =	simm.s32 $0x2  }
0x3be: {  	v22 =	vmov s20  }
0x3bf: {  	[tilespmem:v21+s23+$0x0] =	vst.idx.msk $0xffff, v19;
	v21 =	vshll.u32 v22, $0x9  }
0x3c0: {  	v19 =	vor.u32 $0x100, v17;
	v22 =	vor.u32 s15, v16;
	v20 =	vld.idx.msk [tilespmem:v20+s22+$0x0], $0xffff;
	v21 =	vand.u32 $0x7000, v21  }
0x3c1: {  	v21 =	vadd.s32 v19, v21;
	_ =	sdelay $0x1  }
0x3c2: {  	s21 =	simm.s32 $0x3  }
0x3c3: {  	v23 =	vmov s21  }
0x3c4: {  	[tilespmem:v22+s23+$0x0] =	vst.idx.msk $0xffff, v20;
	v22 =	vshll.u32 v23, $0x9  }
0x3c5: {  	v20 =	vor.u32 $0x180, v17;
	v23 =	vor.u32 s20, v16;
	v21 =	vld.idx.msk [tilespmem:v21+s22+$0x0], $0xffff;
	v22 =	vand.u32 $0x7000, v22  }
0x3c6: {  	v22 =	vadd.s32 v20, v22;
	_ =	sdelay $0x1  }
0x3c7: {  	s15 =	simm.s32 $0x4  }
0x3c8: {  	v24 =	vmov s15  }
0x3c9: {  	[tilespmem:v23+s23+$0x0] =	vst.idx.msk $0xffff, v21;
	v23 =	vshll.u32 v24, $0x9  }
0x3ca: {  	v21 =	vor.u32 $0x200, v17;
	v24 =	vor.u32 s21, v16;
	v22 =	vld.idx.msk [tilespmem:v22+s22+$0x0], $0xffff;
	v23 =	vand.u32 $0x7000, v23  }
0x3cb: {  	v23 =	vadd.s32 v21, v23;
	_ =	sdelay $0x1  }
0x3cc: {  	s20 =	simm.s32 $0x5  }
0x3cd: {  	v25 =	vmov s20  }
0x3ce: {  	[tilespmem:v24+s23+$0x0] =	vst.idx.msk $0xffff, v22;
	v24 =	vshll.u32 v25, $0x9  }
0x3cf: {  	v22 =	vor.u32 $0x280, v17;
	v25 =	vor.u32 s15, v16;
	v23 =	vld.idx.msk [tilespmem:v23+s22+$0x0], $0xffff;
	v24 =	vand.u32 $0x7000, v24  }
0x3d0: {  	v24 =	vadd.s32 v22, v24;
	_ =	sdelay $0x1  }
0x3d1: {  	s21 =	simm.s32 $0x6  }
0x3d2: {  	v26 =	vmov s21  }
0x3d3: {  	[tilespmem:v25+s23+$0x0] =	vst.idx.msk $0xffff, v23;
	v25 =	vshll.u32 v26, $0x9  }
0x3d4: {  	v23 =	vor.u32 $0x300, v17;
	v26 =	vor.u32 s20, v16;
	v24 =	vld.idx.msk [tilespmem:v24+s22+$0x0], $0xffff;
	v25 =	vand.u32 $0x7000, v25  }
0x3d5: {  	v25 =	vadd.s32 v23, v25;
	_ =	sdelay $0x2  }
0x3d6: {  	s20 =	simm.s32 $0x7  }
0x3d7: {  	[tilespmem:v26+s23+$0x0] =	vst.idx.msk $0xffff, v24;
	v24 =	vmov s20  }
0x3d8: {  	v26 =	vld.idx.msk [tilespmem:v25+s22+$0x0], $0xffff;
	v25 =	vshll.u32 v24, $0x9  }
0x3d9: {  	v27 =	vor.u32 s21, v16;
	v24 =	vor.u32 $0x380, v17;
	v25 =	vand.u32 $0x7000, v25  }
0x3da: {  	v25 =	vadd.s32 v24, v25;
	_ =	sdelay $0x3  }
0x3db: {  	s2 =	simm.s32 $0xF;
	s12 =	simm.s32 $0x8;
	s21 =	simm.s32 $0x17;
	[tilespmem:v27+s23+$0x0] =	vst.idx.msk $0xffff, v26  }
.LBB2_44:
0x3dc: {  	p2 =	sne.s32 s21, $0x3F;
	v26 =	vmov s12;
	v25 =	vld.idx.msk [tilespmem:v25+s22+$0x0], $0xffff  }
0x3dd: {  	v27 =	vor.u32 s20, v16;
	s20 =	smov.u32 s2;
	s2 =	smov.u32 s21;
	v26 =	vshll.u32 v26, $0x9  }
0x3de: {  	v26 =	vadd.s32 v17, v26;
	_ =	sdelay $0x2  }
0x3df: {  	s15 =	sadd.s32 $0xFFFFFFFA, s20  }
0x3e0: {  	v28 =	vmov s15;
	[tilespmem:v27+s23+$0x0] =	vst.idx.msk $0xffff, v25  }
0x3e1: {  	v25 =	vld.idx.msk [tilespmem:v26+s22+$0x0], $0xffff;
	v26 =	vshll.u32 v28, $0x9  }
0x3e2: {  	v27 =	vor.u32 s12, v16;
	v26 =	vand.u32 $0x7000, v26  }
0x3e3: {  	v26 =	vadd.s32 v18, v26;
	_ =	sdelay $0x2  }
0x3e4: {  	s12 =	sadd.s32 $0xFFFFFFFB, s20  }
0x3e5: {  	[tilespmem:v27+s23+$0x0] =	vst.idx.msk $0xffff, v25;
	v25 =	vmov s12  }
0x3e6: {  	v26 =	vld.idx.msk [tilespmem:v26+s22+$0x0], $0xffff;
	v25 =	vshll.u32 v25, $0x9  }
0x3e7: {  	v27 =	vor.u32 s15, v16;
	v25 =	vand.u32 $0x7000, v25  }
0x3e8: {  	v25 =	vadd.s32 v19, v25;
	_ =	sdelay $0x2  }
0x3e9: {  	s15 =	sadd.s32 $0xFFFFFFFC, s20  }
0x3ea: {  	[tilespmem:v27+s23+$0x0] =	vst.idx.msk $0xffff, v26;
	v26 =	vmov s15  }
0x3eb: {  	v25 =	vld.idx.msk [tilespmem:v25+s22+$0x0], $0xffff;
	v26 =	vshll.u32 v26, $0x9  }
0x3ec: {  	v27 =	vor.u32 s12, v16;
	v26 =	vand.u32 $0x7000, v26  }
0x3ed: {  	v26 =	vadd.s32 v20, v26;
	_ =	sdelay $0x2  }
0x3ee: {  	s12 =	sadd.s32 $0xFFFFFFFD, s20  }
0x3ef: {  	[tilespmem:v27+s23+$0x0] =	vst.idx.msk $0xffff, v25;
	v25 =	vmov s12  }
0x3f0: {  	v26 =	vld.idx.msk [tilespmem:v26+s22+$0x0], $0xffff;
	v25 =	vshll.u32 v25, $0x9  }
0x3f1: {  	v27 =	vor.u32 s15, v16;
	v25 =	vand.u32 $0x7000, v25  }
0x3f2: {  	v25 =	vadd.s32 v21, v25;
	_ =	sdelay $0x2  }
0x3f3: {  	s15 =	sadd.s32 $0xFFFFFFFE, s20  }
0x3f4: {  	[tilespmem:v27+s23+$0x0] =	vst.idx.msk $0xffff, v26;
	v26 =	vmov s15  }
0x3f5: {  	v25 =	vld.idx.msk [tilespmem:v25+s22+$0x0], $0xffff;
	v26 =	vshll.u32 v26, $0x9  }
0x3f6: {  	v27 =	vor.u32 s12, v16;
	v26 =	vand.u32 $0x7000, v26  }
0x3f7: {  	v26 =	vadd.s32 v22, v26;
	_ =	sdelay $0x2  }
0x3f8: {  	s12 =	sadd.s32 $0xFFFFFFFF, s20  }
0x3f9: {  	[tilespmem:v27+s23+$0x0] =	vst.idx.msk $0xffff, v25;
	v25 =	vmov s12  }
0x3fa: {  	v26 =	vld.idx.msk [tilespmem:v26+s22+$0x0], $0xffff;
	v25 =	vshll.u32 v25, $0x9  }
0x3fb: {  	v27 =	vor.u32 s15, v16;
	v25 =	vand.u32 $0x7000, v25  }
0x3fc: {  	v25 =	vadd.s32 v23, v25;
	_ =	sdelay $0x3  }
0x3fd: {  	[tilespmem:v27+s23+$0x0] =	vst.idx.msk $0xffff, v26;
	v26 =	vmov s20  }
0x3fe: {  	v27 =	vld.idx.msk [tilespmem:v25+s22+$0x0], $0xffff;
	v25 =	vshll.u32 v26, $0x9  }
0x3ff: {  	v26 =	vor.u32 s12, v16;
	v25 =	vand.u32 $0x7000, v25  }
.Ltmp33:
0x400: {  	v25 =	vadd.s32 v24, v25;
	(pc) =	sbr.rel @p2 .LBB2_44-.Ltmp33, $2  }
0x401: {  	_ =	sdelay $0x2  }
0x402: {  	s21 =	sadd.s32 $0x8, s21;
	s12 =	sadd.s32 $0xFFFFFFF9, s2;
	[tilespmem:v26+s23+$0x0] =	vst.idx.msk $0xffff, v27  }
0x403: {  	_ =	sdelay $0x2  }
0x404: {  	v26 =	vmov s12  }
0x405: {  	v25 =	vld.idx.msk [tilespmem:v25+s22+$0x0], $0xffff;
	v27 =	vor.u32 s20, v16;
	v26 =	vshll.u32 v26, $0x9  }
0x406: {  	v17 =	vadd.s32 v17, v26;
	_ =	sdelay $0x1  }
0x407: {  	s15 =	sadd.s32 $0xFFFFFFFA, s2  }
0x408: {  	v42 =	vmov s15  }
0x409: {  	v43 =	vshll.u32 v42, $0x9;
	[tilespmem:v27+s23+$0x0] =	vst.idx.msk $0xffff, v25  }
0x40a: {  	v44 =	vor.u32 s12, v16;
	v25 =	vand.u32 $0x7000, v43;
	v17 =	vld.idx.msk [tilespmem:v17+s22+$0x0], $0xffff  }
0x40b: {  	v18 =	vadd.s32 v18, v25;
	_ =	sdelay $0x1  }
0x40c: {  	s21 =	sadd.s32 $0xFFFFFFFB, s2  }
0x40d: {  	v45 =	vmov s21  }
0x40e: {  	v46 =	vshll.u32 v45, $0x9;
	[tilespmem:v44+s23+$0x0] =	vst.idx.msk $0xffff, v17  }
0x40f: {  	v47 =	vor.u32 s15, v16;
	v17 =	vand.u32 $0x7000, v46;
	v18 =	vld.idx.msk [tilespmem:v18+s22+$0x0], $0xffff  }
0x410: {  	v17 =	vadd.s32 v19, v17;
	_ =	sdelay $0x1  }
0x411: {  	s20 =	sadd.s32 $0xFFFFFFFC, s2  }
0x412: {  	v48 =	vmov s20  }
0x413: {  	v49 =	vshll.u32 v48, $0x9;
	[tilespmem:v47+s23+$0x0] =	vst.idx.msk $0xffff, v18  }
0x414: {  	v50 =	vor.u32 s21, v16;
	v18 =	vand.u32 $0x7000, v49;
	v17 =	vld.idx.msk [tilespmem:v17+s22+$0x0], $0xffff  }
0x415: {  	v18 =	vadd.s32 v20, v18;
	_ =	sdelay $0x1  }
0x416: {  	s21 =	sadd.s32 $0xFFFFFFFD, s2  }
0x417: {  	v51 =	vmov s21  }
0x418: {  	v52 =	vshll.u32 v51, $0x9;
	[tilespmem:v50+s23+$0x0] =	vst.idx.msk $0xffff, v17  }
0x419: {  	v53 =	vor.u32 s20, v16;
	v17 =	vand.u32 $0x7000, v52;
	v18 =	vld.idx.msk [tilespmem:v18+s22+$0x0], $0xffff  }
0x41a: {  	v17 =	vadd.s32 v21, v17;
	_ =	sdelay $0x1  }
0x41b: {  	s20 =	sadd.s32 $0xFFFFFFFE, s2  }
0x41c: {  	v54 =	vmov s20  }
0x41d: {  	v55 =	vshll.u32 v54, $0x9;
	[tilespmem:v53+s23+$0x0] =	vst.idx.msk $0xffff, v18  }
0x41e: {  	v56 =	vor.u32 s21, v16;
	v18 =	vand.u32 $0x7000, v55;
	v17 =	vld.idx.msk [tilespmem:v17+s22+$0x0], $0xffff  }
0x41f: {  	v18 =	vadd.s32 v22, v18;
	_ =	sdelay $0x1  }
0x420: {  	s21 =	sadd.s32 $0xFFFFFFFF, s2  }
0x421: {  	v57 =	vmov s21  }
0x422: {  	v58 =	vshll.u32 v57, $0x9;
	[tilespmem:v56+s23+$0x0] =	vst.idx.msk $0xffff, v17  }
0x423: {  	v59 =	vor.u32 s20, v16;
	v17 =	vand.u32 $0x7000, v58;
	v18 =	vld.idx.msk [tilespmem:v18+s22+$0x0], $0xffff  }
0x424: {  	v17 =	vadd.s32 v23, v17;
	_ =	sdelay $0x2  }
0x425: {  	v60 =	vmov s2  }
0x426: {  	v61 =	vshll.u32 v60, $0x9;
	[tilespmem:v59+s23+$0x0] =	vst.idx.msk $0xffff, v18  }
0x427: {  	v62 =	vor.u32 s21, v16;
	v18 =	vand.u32 $0x7000, v61;
	v17 =	vld.idx.msk [tilespmem:v17+s22+$0x0], $0xffff  }
0x428: {  	v18 =	vadd.s32 v24, v18;
	_ =	sdelay $0x3  }
0x429: {  	[tilespmem:v62+s23+$0x0] =	vst.idx.msk $0xffff, v17  }
0x42a: {  	v63 =	vor.u32 s2, v16;
	s1 =	sadd.s32 $0x1, s1;
	v17 =	vld.idx.msk [tilespmem:v18+s22+$0x0], $0xffff  }
0x42b: {  	p2 =	sgt.s32 s5, s1  }
.Ltmp34:
0x42c: {  	_ = 	snop;
	(pc) =	sbr.rel @p2 .LBB2_43-.Ltmp34, $3  }
0x42d: {  	_ =	sdelay $0x1  }
0x42e: {  	v15 =	vshra.s32 v15, $0xA;
	[tilespmem:v63+s23+$0x0] =	vst.idx.msk $0xffff, v17  }
0x42f: {  	[tilespmem:s28+$0x1C100] =	vst v15;
	s28 =	sadd.s32 $0x10, s28  }
.Ltmp35:
0x430: {  	p3 =	slt.s32 s28, $0x71;
	(pc) =	sbr.rel .LBB2_47-.Ltmp35, $4  }
0x431: {  	p2 =	por $0x0, $0x0;
	s1 =	simm.s32 @!p3 $0x80  }
0x432: {  	s2 =	simm.s32 @!p3 $0x1C100;
	s5 =	simm.s32 @!p3 $0x18100;
	p4 =	por @!p3 $0x1, $0x1  }
0x433: {  	[hbm4b:s10+s1] =	stream.indirect.scatter @!p3 [tilespmem:s5], [sflag:$0x3], $0x80, s2, s1, $0xb8;
	[tilespmem:$0x1C180] =	vst v63  }
0x434: {  	s28 =	simm.s32 @!p3 $0x0;
	p2 =	por @!p3 p4, p4  }
.LBB2_42:
0x435: {  	p2 =	por $0x0, $0x0  }
0x436: {  	s28 =	smov.u32 @p3 s28;
	p2 =	por @!p3 p2, p2  }
.LBB2_47:
0x437: {  	s1 =	sshll.u32 s30, $0x1  }
0x438: {  	s1 =	smin.u32 s1, $0x3B  }
0x439: {  	s1 =	sshll.u32 s1, $0x9  }
0x43a: {  	s1 =	sadd.s32 s1, s14  }
0x43b: {  	p3 =	slt.u32 s1, $0xF4041  }
0x43c: {  	s1 =	sadd.s32 @p3 s4, s1  }
0x43d: {  	s2 =	simm.s32 @p3 $0x1000;
	s5 =	simm.s32 @p3 $0x7A1400;
	s12 =	simm.s32 @p3 $0x8100  }
0x43e: {  	[tilespmem:s12], [sflag:$0x1] =	stream.strided.gather @p3 [hbm4b:s1+s2], $0x8000, s5, s2, $0x38;
	[tilespmem:$0x1C180] =	vst v63  }
.Ltmp36:
0x43f: {  	s1 =	simm.s32 @!p3 $0x0;
	s2 =	simm.s32 @!p3 $0x8100;
	(pc) =	sbr.rel @p0 .LBB2_54-.Ltmp36, $4  }
0x440: {  	[tilespmem:s2], [sflag:$0x1] =	stream.linear.gather @!p3 [hbm4b:s8+s1], $0x8000, $0x38;
	[tilespmem:$0x1C180] =	vst v63  }
0x441: {  	_ =	swait.ge [sflag:s24], $0x8000  }
0x442: {  	[sflag:s24] =	ssyncset.done $0x0  }
0x443: {  	s5 =	simm.s32 $0x0;
	s1 =	simm.s32 $0x0;
	[sflag:s24] =	ssyncadd.s32 $0xFFFF8000  }
.Ltmp37:
0x444: {  	(pc) =	sbr.rel @!p1 .LBB2_49-.Ltmp37, $4  }
0x445: {  	_ = 	snop  }
0x446: {  	p3 =	sgt.u32 s0, $0xF4040  }
0x447: {  	s0 =	simm.s32 $0x0;
	s31 =	smov.u32 @p3 s13  }
0x448: {  	s1 =	sadd.s32 $0xFFFFFFFF, s29;
	v16 =	vld [tilespmem:s0+$0x0];
	p3 =	por $0x0, $0x0;
	v15 =	vmov s31  }
0x449: {  	_ =	sdelay $0x3  }
0x44a: {  	v17 =	vand.u32 $0x7FFF, v16  }
0x44b: {  	v17 =	vsub.s32 v17, v15  }
0x44c: {  	vm0 =	vlt.u32 v17, $0x200  }
0x44d: {  	v18 =	vsel vm0, $0x1, v12  }
0x44e: {  	(xrf0) =	vadd.scan.msk.s32 $0xffff, v18;
	_ =	sdelay $0x5  }
0x44f: {  	v19, _, _ =	vpop (xrf0)  }
0x450: {  	v18 =	vmov s0;
	v20 =	vxor.u32 $0x80000000, v19  }
0x451: {  	v18 =	vadd.s32 $0xFFFFFFFF, v18;
	(xrf0) =	vmax.scan.msk.u32 $0xffff, v20  }
0x452: {  	v18 =	vbroadcast v18, $0x0;
	_ =	sdelay $0x1  }
0x453: {  	v17 =	vnsel vm0, $0x0, v17;
	v18 =	vadd.s32 v19, v18  }
0x454: {  	v16 =	vshra.s32 v16, $0x5;
	v18 =	vnsel vm0, $0x401F, v18  }
0x455: {  	p1 =	sne.s32 s1, $0x1;
	v16 =	vand.u32 $0xFFFFFC00, v16  }
.Ltmp38:
0x456: {  	v16 =	vor.u32 v16, v17;
	v17, _, _ =	vpop (xrf0);
	(pc) =	sbr.rel @!p1 .LBB2_51-.Ltmp38, $3  }
0x457: {  	(v2sf) =	vpush v17, $0xF;
	_ =	sdelay $0x1  }
0x458: {  	s2 =	simm.s32 $0x10;
	[tilespmem:v18+s17+$0x0] =	vst.idx.msk $0xffff, v16  }
0x459: {  	s20 =	sadd.s32 $0xFFFFFFFF, s1;
	p3 =	por $0x1, $0x1;
	s1 =	simm.s32 $0x0;
	v16 =	vld [tilespmem:s2+$0x0]  }
.LBB2_52:
0x45a: {  	p1 =	sne.s32 s20, $0x1;
	_ =	sdelay $0x3  }
0x45b: {  	v17 =	vand.u32 $0x7FFF, v16;
	v16 =	vshra.s32 v16, $0x5  }
0x45c: {  	v17 =	vsub.s32 v17, v15  }
0x45d: {  	vm0 =	vlt.u32 v17, $0x200  }
0x45e: {  	v18 =	vsel vm0, $0x1, v12;
	v17 =	vnsel vm0, $0x0, v17  }
0x45f: {  	(xrf0) =	vadd.scan.msk.s32 $0xffff, v18;
	_ =	sdelay $0x2  }
0x460: {  	s12 =	spop (v2sf)  }
0x461: {  	s1 =	sadd.s32 s12, s1  }
0x462: {  	s1 =	sadd.s32 $0x80000000, s1  }
0x463: {  	v18 =	vmov s1;
	v19, _, _ =	vpop (xrf0)  }
0x464: {  	v18 =	vadd.s32 $0xFFFFFFFF, v18;
	v20 =	vxor.u32 $0x80000000, v19  }
0x465: {  	v18 =	vbroadcast v18, $0x0;
	(xrf0) =	vmax.scan.msk.u32 $0xffff, v20;
	_ =	sdelay $0x1  }
0x466: {  	v18 =	vadd.s32 v19, v18  }
0x467: {  	v18 =	vnsel vm0, $0x401F, v18;
	_ =	sdelay $0x2  }
.Ltmp39:
0x468: {  	v16 =	vand.u32 $0xFFFFFC00, v16;
	v19, _, _ =	vpop (xrf0);
	(pc) =	sbr.rel @p1 .LBB2_52-.Ltmp39, $4  }
0x469: {  	v16 =	vor.u32 v16, v17;
	(v2sf) =	vpush v19, $0xF  }
0x46a: {  	[tilespmem:v18+s17+$0x0] =	vst.idx.msk $0xffff, v16  }
0x46b: {  	s2 =	sadd.s32 $0x10, s2  }
0x46c: {  	s20 =	sadd.s32 $0xFFFFFFFF, s20;
	v16 =	vld [tilespmem:s2+$0x0]  }
.LBB2_53:
0x46d: {  	_ =	sdelay $0x3  }
0x46e: {  	v17 =	vand.u32 $0x7FFF, v16  }
0x46f: {  	v15 =	vsub.s32 v17, v15  }
0x470: {  	vm0 =	vlt.u32 v15, $0x200  }
0x471: {  	v61 =	vsel vm0, $0x1, v12  }
0x472: {  	(xrf0) =	vadd.scan.msk.s32 $0xffff, v61;
	_ =	sdelay $0x5  }
0x473: {  	v17, _, _ =	vpop (xrf0)  }
0x474: {  	v18 =	vxor.u32 $0x80000000, v17  }
0x475: {  	(xrf0) =	vmax.scan.msk.u32 $0xffff, v18;
	_ =	sdelay $0x5  }
0x476: {  	v18, _, _ =	vpop (xrf0)  }
0x477: {  	(v2sf) =	vpush v18, $0xF;
	_ =	sdelay $0x2  }
0x478: {  	s2 =	spop @p3 (v2sf)  }
0x479: {  	s1 =	sadd.s32 @p3 s2, s1  }
0x47a: {  	s1 =	sadd.s32 @p3 $0x80000000, s1  }
0x47b: {  	s0 =	smov.u32 @p3 s1  }
0x47c: {  	v62 =	vmov s0  }
0x47d: {  	v18 =	vadd.s32 $0xFFFFFFFF, v62  }
0x47e: {  	v18 =	vbroadcast v18, $0x0;
	_ =	sdelay $0x1  }
0x47f: {  	v17 =	vadd.s32 v17, v18  }
0x480: {  	v17 =	vnsel vm0, $0x401F, v17;
	_ =	sdelay $0x1  }
0x481: {  	v63 =	vshra.s32 v16, $0x5  }
0x482: {  	v16 =	vand.u32 $0xFFFFFC00, v63;
	v15 =	vnsel vm0, $0x0, v15;
	s31 =	spop (v2sf)  }
0x483: {  	v15 =	vor.u32 v16, v15;
	s0 =	sadd.s32 s31, s0  }
0x484: {  	[tilespmem:v17+s17+$0x0] =	vst.idx.msk $0xffff, v15;
	s1 =	sadd.s32 $0x80000000, s0  }
.LBB2_54:
0x485: {  	[tilespmem:s1+$0x4080] =	vst v11;
	s0 =	simm.s32 @p2 $0x3;
	s2 =	sadd.s32 $0xF, s1  }
0x486: {  	_ =	swait.ge @p2 [sflag:s0], $0x4000;
	s21 =	sand.u32 $0xF, s2;
	s31 =	sshra.s32 s2, $0x1F  }
0x487: {  	p3 =	slt.s32 s2, $0x1;
	[sflag:s0] =	ssyncset.done @p2 $0x0;
	p1 =	sne.s32 s21, $0x0  }
0x488: {  	[sflag:s0] =	ssyncadd.s32 @p2 $0xFFFFC000;
	s0 =	sshrl.u32 s31, $0x1C;
	p1 =	por !p3, !p1  }
0x489: {  	s0 =	sadd.s32 s0, s2;
	p1 =	por !p1, !p1;
	s2 =	simm.s32 $0x1  }
0x48a: {  	s0 =	sshra.s32 s0, $0x4;
	s2 =	simm.s32 @!p1 $0x0  }
0x48b: {  	[tilespmem:$0x1C100] =	vst @p2 v0;
	p1 =	slt.s32 s1, $0x1;
	s0 =	ssub.s32 s0, s2  }
0x48c: {  	[tilespmem:$0x1C110] =	vst @p2 v1;
	p3 =	slt.s32 @!p1 s0, $0x1  }
0x48d: {  	[tilespmem:$0x1C120] =	vst @p2 v2;
	p3 =	por p1, p3  }
.Ltmp40:
0x48e: {  	[tilespmem:$0x1C130] =	vst @p2 v3;
	(pc) =	sbr.rel @p3 .LBB2_55-.Ltmp40, $4  }
0x48f: {  	[tilespmem:$0x1C140] =	vst @p2 v4  }
0x490: {  	[tilespmem:$0x1C150] =	vst @p2 v5  }
0x491: {  	[tilespmem:$0x1C160] =	vst @p2 v6  }
0x492: {  	[tilespmem:$0x1C170] =	vst @p2 v7  }
.LBB2_56:
0x493: {  	s1 =	sadd.s32 $0x10, s28  }
0x494: {  	p1 =	slt.s32 s1, $0x81  }
0x495: {  	s1 =	simm.s32 @!p1 $0x80;
	s2 =	simm.s32 @!p1 $0x1C100;
	s12 =	simm.s32 @!p1 $0x18100  }
0x496: {  	[hbm4b:s10+s1] =	stream.indirect.scatter @!p1 [tilespmem:s12], [sflag:$0x3], $0x80, s2, s1, $0xb8;
	[tilespmem:$0x1C180] =	vst v63  }
0x497: {  	s1 =	simm.s32 @!p1 $0x3  }
0x498: {  	_ =	swait.ge @!p1 [sflag:s1], $0x4000  }
0x499: {  	[sflag:s1] =	ssyncset.done @!p1 $0x0  }
0x49a: {  	[sflag:s1] =	ssyncadd.s32 @!p1 $0xFFFFC000  }
0x49b: {  	[tilespmem:$0x1C100] =	vst @!p1 v0  }
0x49c: {  	[tilespmem:$0x1C110] =	vst @!p1 v1  }
0x49d: {  	[tilespmem:$0x1C120] =	vst @!p1 v2  }
0x49e: {  	[tilespmem:$0x1C130] =	vst @!p1 v3  }
0x49f: {  	[tilespmem:$0x1C140] =	vst @!p1 v4  }
0x4a0: {  	[tilespmem:$0x1C150] =	vst @!p1 v5  }
0x4a1: {  	s20 =	sshll.u32 s5, $0x6;
	[tilespmem:$0x1C160] =	vst @!p1 v6  }
0x4a2: {  	s1 =	sshra.s32 s20, $0x2;
	[tilespmem:$0x1C170] =	vst @!p1 v7  }
0x4a3: {  	v15 =	vld [tilespmem:s1+$0x4080];
	_ =	sdelay $0x4  }
0x4a4: {  	s21 =	simm.s32 $0x0;
	v16 =	vshll.u32 v15, $0x3  }
0x4a5: {  	v18 =	vmov s21;
	v17 =	vand.u32 $0x7F, v15;
	v16 =	vand.u32 $0x1C00, v16  }
0x4a6: {  	v17 =	vor.u32 v17, v16;
	v16 =	vshll.u32 v18, $0x9  }
0x4a7: {  	v19 =	vadd.s32 v17, v16  }
0x4a8: {  	s28 =	simm.s32 @!p1 $0x0  }
0x4a9: {  	s31 =	simm.s32 $0x1;
	v16 =	vmov s28  }
0x4aa: {  	v18 =	vmov s31;
	v16 =	vshll.u32 v16, $0x7  }
0x4ab: {  	v20 =	vshll.u32 v18, $0x9;
	v16 =	vadd.s32 v14, v16  }
0x4ac: {  	v18 =	vor.u32 $0x80, v17;
	v20 =	vand.u32 $0x7000, v20;
	v21 =	vor.u32 s21, v16;
	v19 =	vld.idx.msk [tilespmem:v19+s25+$0x0], $0xffff  }
0x4ad: {  	v20 =	vadd.s32 v18, v20;
	_ =	sdelay $0x1  }
0x4ae: {  	s12 =	simm.s32 $0x2  }
0x4af: {  	v22 =	vmov s12  }
0x4b0: {  	[tilespmem:v21+s23+$0x0] =	vst.idx.msk $0xffff, v19;
	v21 =	vshll.u32 v22, $0x9  }
0x4b1: {  	v19 =	vor.u32 $0x100, v17;
	v22 =	vor.u32 s31, v16;
	v20 =	vld.idx.msk [tilespmem:v20+s25+$0x0], $0xffff;
	v21 =	vand.u32 $0x7000, v21  }
0x4b2: {  	v21 =	vadd.s32 v19, v21;
	_ =	sdelay $0x1  }
0x4b3: {  	s15 =	simm.s32 $0x3  }
0x4b4: {  	v23 =	vmov s15  }
0x4b5: {  	[tilespmem:v22+s23+$0x0] =	vst.idx.msk $0xffff, v20;
	v22 =	vshll.u32 v23, $0x9  }
0x4b6: {  	v20 =	vor.u32 $0x180, v17;
	v23 =	vor.u32 s12, v16;
	v21 =	vld.idx.msk [tilespmem:v21+s25+$0x0], $0xffff;
	v22 =	vand.u32 $0x7000, v22  }
0x4b7: {  	v22 =	vadd.s32 v20, v22;
	_ =	sdelay $0x1  }
0x4b8: {  	s20 =	simm.s32 $0x4  }
0x4b9: {  	v24 =	vmov s20  }
0x4ba: {  	[tilespmem:v23+s23+$0x0] =	vst.idx.msk $0xffff, v21;
	v23 =	vshll.u32 v24, $0x9  }
0x4bb: {  	v21 =	vor.u32 $0x200, v17;
	v24 =	vor.u32 s15, v16;
	v22 =	vld.idx.msk [tilespmem:v22+s25+$0x0], $0xffff;
	v23 =	vand.u32 $0x7000, v23  }
0x4bc: {  	v23 =	vadd.s32 v21, v23;
	_ =	sdelay $0x1  }
0x4bd: {  	s21 =	simm.s32 $0x5  }
0x4be: {  	v25 =	vmov s21  }
0x4bf: {  	[tilespmem:v24+s23+$0x0] =	vst.idx.msk $0xffff, v22;
	v24 =	vshll.u32 v25, $0x9  }
0x4c0: {  	v22 =	vor.u32 $0x280, v17;
	v25 =	vor.u32 s20, v16;
	v23 =	vld.idx.msk [tilespmem:v23+s25+$0x0], $0xffff;
	v24 =	vand.u32 $0x7000, v24  }
0x4c1: {  	v24 =	vadd.s32 v22, v24;
	_ =	sdelay $0x1  }
0x4c2: {  	s31 =	simm.s32 $0x6  }
0x4c3: {  	v26 =	vmov s31  }
0x4c4: {  	[tilespmem:v25+s23+$0x0] =	vst.idx.msk $0xffff, v23;
	v25 =	vshll.u32 v26, $0x9  }
0x4c5: {  	v23 =	vor.u32 $0x300, v17;
	v26 =	vor.u32 s21, v16;
	v24 =	vld.idx.msk [tilespmem:v24+s25+$0x0], $0xffff;
	v25 =	vand.u32 $0x7000, v25  }
0x4c6: {  	v25 =	vadd.s32 v23, v25;
	_ =	sdelay $0x2  }
0x4c7: {  	s2 =	simm.s32 $0x7  }
0x4c8: {  	[tilespmem:v26+s23+$0x0] =	vst.idx.msk $0xffff, v24;
	v24 =	vmov s2  }
0x4c9: {  	v26 =	vld.idx.msk [tilespmem:v25+s25+$0x0], $0xffff;
	v25 =	vshll.u32 v24, $0x9  }
0x4ca: {  	v27 =	vor.u32 s31, v16;
	v24 =	vor.u32 $0x380, v17;
	v25 =	vand.u32 $0x7000, v25  }
0x4cb: {  	v25 =	vadd.s32 v24, v25;
	_ =	sdelay $0x3  }
0x4cc: {  	s1 =	simm.s32 $0xF;
	s12 =	simm.s32 $0x8;
	s20 =	simm.s32 $0x17;
	[tilespmem:v27+s23+$0x0] =	vst.idx.msk $0xffff, v26  }
.LBB2_57:
0x4cd: {  	p1 =	sne.s32 s20, $0x3F;
	v26 =	vmov s12;
	v25 =	vld.idx.msk [tilespmem:v25+s25+$0x0], $0xffff  }
0x4ce: {  	v27 =	vor.u32 s2, v16;
	s2 =	smov.u32 s1;
	s1 =	smov.u32 s20;
	v26 =	vshll.u32 v26, $0x9  }
0x4cf: {  	v26 =	vadd.s32 v17, v26;
	_ =	sdelay $0x2  }
0x4d0: {  	s15 =	sadd.s32 $0xFFFFFFFA, s2  }
0x4d1: {  	v28 =	vmov s15;
	[tilespmem:v27+s23+$0x0] =	vst.idx.msk $0xffff, v25  }
0x4d2: {  	v25 =	vld.idx.msk [tilespmem:v26+s25+$0x0], $0xffff;
	v26 =	vshll.u32 v28, $0x9  }
0x4d3: {  	v27 =	vor.u32 s12, v16;
	v26 =	vand.u32 $0x7000, v26  }
0x4d4: {  	v26 =	vadd.s32 v18, v26;
	_ =	sdelay $0x2  }
0x4d5: {  	s12 =	sadd.s32 $0xFFFFFFFB, s2  }
0x4d6: {  	[tilespmem:v27+s23+$0x0] =	vst.idx.msk $0xffff, v25;
	v25 =	vmov s12  }
0x4d7: {  	v26 =	vld.idx.msk [tilespmem:v26+s25+$0x0], $0xffff;
	v25 =	vshll.u32 v25, $0x9  }
0x4d8: {  	v27 =	vor.u32 s15, v16;
	v25 =	vand.u32 $0x7000, v25  }
0x4d9: {  	v25 =	vadd.s32 v19, v25;
	_ =	sdelay $0x2  }
0x4da: {  	s15 =	sadd.s32 $0xFFFFFFFC, s2  }
0x4db: {  	[tilespmem:v27+s23+$0x0] =	vst.idx.msk $0xffff, v26;
	v26 =	vmov s15  }
0x4dc: {  	v25 =	vld.idx.msk [tilespmem:v25+s25+$0x0], $0xffff;
	v26 =	vshll.u32 v26, $0x9  }
0x4dd: {  	v27 =	vor.u32 s12, v16;
	v26 =	vand.u32 $0x7000, v26  }
0x4de: {  	v26 =	vadd.s32 v20, v26;
	_ =	sdelay $0x2  }
0x4df: {  	s12 =	sadd.s32 $0xFFFFFFFD, s2  }
0x4e0: {  	[tilespmem:v27+s23+$0x0] =	vst.idx.msk $0xffff, v25;
	v25 =	vmov s12  }
0x4e1: {  	v26 =	vld.idx.msk [tilespmem:v26+s25+$0x0], $0xffff;
	v25 =	vshll.u32 v25, $0x9  }
0x4e2: {  	v27 =	vor.u32 s15, v16;
	v25 =	vand.u32 $0x7000, v25  }
0x4e3: {  	v25 =	vadd.s32 v21, v25;
	_ =	sdelay $0x2  }
0x4e4: {  	s15 =	sadd.s32 $0xFFFFFFFE, s2  }
0x4e5: {  	[tilespmem:v27+s23+$0x0] =	vst.idx.msk $0xffff, v26;
	v26 =	vmov s15  }
0x4e6: {  	v25 =	vld.idx.msk [tilespmem:v25+s25+$0x0], $0xffff;
	v26 =	vshll.u32 v26, $0x9  }
0x4e7: {  	v27 =	vor.u32 s12, v16;
	v26 =	vand.u32 $0x7000, v26  }
0x4e8: {  	v26 =	vadd.s32 v22, v26;
	_ =	sdelay $0x2  }
0x4e9: {  	s12 =	sadd.s32 $0xFFFFFFFF, s2  }
0x4ea: {  	[tilespmem:v27+s23+$0x0] =	vst.idx.msk $0xffff, v25;
	v25 =	vmov s12  }
0x4eb: {  	v26 =	vld.idx.msk [tilespmem:v26+s25+$0x0], $0xffff;
	v25 =	vshll.u32 v25, $0x9  }
0x4ec: {  	v27 =	vor.u32 s15, v16;
	v25 =	vand.u32 $0x7000, v25  }
0x4ed: {  	v25 =	vadd.s32 v23, v25;
	_ =	sdelay $0x3  }
0x4ee: {  	[tilespmem:v27+s23+$0x0] =	vst.idx.msk $0xffff, v26;
	v26 =	vmov s2  }
0x4ef: {  	v27 =	vld.idx.msk [tilespmem:v25+s25+$0x0], $0xffff;
	v25 =	vshll.u32 v26, $0x9  }
0x4f0: {  	v26 =	vor.u32 s12, v16;
	v25 =	vand.u32 $0x7000, v25  }
.Ltmp41:
0x4f1: {  	v25 =	vadd.s32 v24, v25;
	(pc) =	sbr.rel @p1 .LBB2_57-.Ltmp41, $2  }
0x4f2: {  	_ =	sdelay $0x2  }
0x4f3: {  	s20 =	sadd.s32 $0x8, s20;
	s12 =	sadd.s32 $0xFFFFFFF9, s1;
	[tilespmem:v26+s23+$0x0] =	vst.idx.msk $0xffff, v27  }
0x4f4: {  	_ =	sdelay $0x2  }
0x4f5: {  	v26 =	vmov s12  }
0x4f6: {  	v25 =	vld.idx.msk [tilespmem:v25+s25+$0x0], $0xffff;
	v27 =	vor.u32 s2, v16;
	v26 =	vshll.u32 v26, $0x9  }
0x4f7: {  	v17 =	vadd.s32 v17, v26;
	_ =	sdelay $0x1  }
0x4f8: {  	s21 =	sadd.s32 $0xFFFFFFFA, s1  }
0x4f9: {  	v42 =	vmov s21  }
0x4fa: {  	v43 =	vshll.u32 v42, $0x9;
	[tilespmem:v27+s23+$0x0] =	vst.idx.msk $0xffff, v25  }
0x4fb: {  	v44 =	vor.u32 s12, v16;
	v25 =	vand.u32 $0x7000, v43;
	v17 =	vld.idx.msk [tilespmem:v17+s25+$0x0], $0xffff  }
0x4fc: {  	v18 =	vadd.s32 v18, v25;
	_ =	sdelay $0x1  }
0x4fd: {  	s31 =	sadd.s32 $0xFFFFFFFB, s1  }
0x4fe: {  	v45 =	vmov s31  }
0x4ff: {  	v46 =	vshll.u32 v45, $0x9;
	[tilespmem:v44+s23+$0x0] =	vst.idx.msk $0xffff, v17  }
0x500: {  	v47 =	vor.u32 s21, v16;
	v17 =	vand.u32 $0x7000, v46;
	v18 =	vld.idx.msk [tilespmem:v18+s25+$0x0], $0xffff  }
0x501: {  	v17 =	vadd.s32 v19, v17;
	_ =	sdelay $0x1  }
0x502: {  	s15 =	sadd.s32 $0xFFFFFFFC, s1  }
0x503: {  	v48 =	vmov s15  }
0x504: {  	v49 =	vshll.u32 v48, $0x9;
	[tilespmem:v47+s23+$0x0] =	vst.idx.msk $0xffff, v18  }
0x505: {  	v50 =	vor.u32 s31, v16;
	v18 =	vand.u32 $0x7000, v49;
	v17 =	vld.idx.msk [tilespmem:v17+s25+$0x0], $0xffff  }
0x506: {  	v18 =	vadd.s32 v20, v18;
	_ =	sdelay $0x1  }
0x507: {  	s20 =	sadd.s32 $0xFFFFFFFD, s1  }
0x508: {  	v51 =	vmov s20  }
0x509: {  	v52 =	vshll.u32 v51, $0x9;
	[tilespmem:v50+s23+$0x0] =	vst.idx.msk $0xffff, v17  }
0x50a: {  	v53 =	vor.u32 s15, v16;
	v17 =	vand.u32 $0x7000, v52;
	v18 =	vld.idx.msk [tilespmem:v18+s25+$0x0], $0xffff  }
0x50b: {  	v17 =	vadd.s32 v21, v17;
	_ =	sdelay $0x1  }
0x50c: {  	s21 =	sadd.s32 $0xFFFFFFFE, s1  }
0x50d: {  	v54 =	vmov s21  }
0x50e: {  	v55 =	vshll.u32 v54, $0x9;
	[tilespmem:v53+s23+$0x0] =	vst.idx.msk $0xffff, v18  }
0x50f: {  	v56 =	vor.u32 s20, v16;
	v18 =	vand.u32 $0x7000, v55;
	v17 =	vld.idx.msk [tilespmem:v17+s25+$0x0], $0xffff  }
0x510: {  	v18 =	vadd.s32 v22, v18;
	_ =	sdelay $0x1  }
0x511: {  	s31 =	sadd.s32 $0xFFFFFFFF, s1  }
0x512: {  	v57 =	vmov s31  }
0x513: {  	v58 =	vshll.u32 v57, $0x9;
	[tilespmem:v56+s23+$0x0] =	vst.idx.msk $0xffff, v17  }
0x514: {  	v59 =	vor.u32 s21, v16;
	v17 =	vand.u32 $0x7000, v58;
	v18 =	vld.idx.msk [tilespmem:v18+s25+$0x0], $0xffff  }
0x515: {  	v17 =	vadd.s32 v23, v17;
	_ =	sdelay $0x2  }
0x516: {  	v60 =	vmov s1  }
0x517: {  	v61 =	vshll.u32 v60, $0x9;
	[tilespmem:v59+s23+$0x0] =	vst.idx.msk $0xffff, v18  }
0x518: {  	v62 =	vor.u32 s31, v16;
	v18 =	vand.u32 $0x7000, v61;
	v17 =	vld.idx.msk [tilespmem:v17+s25+$0x0], $0xffff  }
0x519: {  	v18 =	vadd.s32 v24, v18;
	_ =	sdelay $0x3  }
0x51a: {  	[tilespmem:v62+s23+$0x0] =	vst.idx.msk $0xffff, v17  }
0x51b: {  	v63 =	vor.u32 s1, v16;
	s5 =	sadd.s32 $0x1, s5;
	v17 =	vld.idx.msk [tilespmem:v18+s25+$0x0], $0xffff  }
0x51c: {  	p1 =	sgt.s32 s0, s5  }
.Ltmp42:
0x51d: {  	_ = 	snop;
	(pc) =	sbr.rel @p1 .LBB2_56-.Ltmp42, $3  }
0x51e: {  	_ =	sdelay $0x1  }
0x51f: {  	v15 =	vshra.s32 v15, $0xA;
	[tilespmem:v63+s23+$0x0] =	vst.idx.msk $0xffff, v17  }
0x520: {  	[tilespmem:s28+$0x1C100] =	vst v15;
	s28 =	sadd.s32 $0x10, s28  }
.Ltmp43:
0x521: {  	p1 =	slt.s32 s28, $0x71;
	(pc) =	sbr.rel .LBB2_60-.Ltmp43, $4  }
0x522: {  	p2 =	por $0x1, $0x1;
	s0 =	simm.s32 @!p1 $0x80  }
0x523: {  	s1 =	simm.s32 @!p1 $0x1C100;
	s2 =	simm.s32 @!p1 $0x18100;
	p3 =	por @!p1 $0x0, $0x0  }
0x524: {  	[hbm4b:s10+s0] =	stream.indirect.scatter @!p1 [tilespmem:s2], [sflag:$0x3], $0x80, s1, s0, $0xb8;
	[tilespmem:$0x1C180] =	vst v63  }
0x525: {  	s28 =	simm.s32 @!p1 $0x0;
	p2 =	por @!p1 p3, p3  }
.LBB2_36:
.Ltmp44:
0x526: {  	(pc) =	sbr.rel .LBB2_40-.Ltmp44, $2  }
0x527: {  	_ =	sdelay $0x2  }
0x528: {  	s2 =	simm.s32 $0x0  }
.LBB2_49:
.Ltmp45:
0x529: {  	(pc) =	sbr.rel .LBB2_53-.Ltmp45, $2  }
0x52a: {  	_ =	sdelay $0x2  }
0x52b: {  	s1 =	simm.s32 $0x0  }
.LBB2_38:
.Ltmp46:
0x52c: {  	(pc) =	sbr.rel .LBB2_40-.Ltmp46, $2  }
0x52d: {  	_ =	sdelay $0x2  }
0x52e: {  	s2 =	simm.s32 $0x0  }
.LBB2_51:
.Ltmp47:
0x52f: {  	(pc) =	sbr.rel .LBB2_53-.Ltmp47, $2  }
0x530: {  	_ =	sdelay $0x2  }
0x531: {  	s1 =	simm.s32 $0x0  }
.LBB2_62:
0x532: {  	_ =	sfence.sel $0x180000  }
0x533: {  	[bflag:$0x0] =	sbarrier.arrive $0xFFFF  }
0x534: {  	_ =	strace $0x90000047  }
0x535: {  	s0 =	stileid.u32;
	[bflag:$0x2] =	sbarrier.arrive $0xFFFF  }
0x536: {  	p0 =	sne.s32 s0, $0x0;
	s0 =	rddreg [dreg:$0x5]  }
0x537: {  	s0 =	sadd.s32 @!p0 $0x100000, s0  }
0x538: {  	[sflag:s0] =	ssyncadd.tile.s32 @!p0 $0x1;
	_ =	shalt  }
.Lfunc_end2:
_tile_overlayer_lowered:
.L_overlay_start_2:
0x539: {  	(tag) =	ssettag $0x2  }
0x53a: {  	s0 =	rddreg [dreg:$0x0];
	s2 =	stileid.u32  }
0x53b: {  	s1 =	rddreg [dreg:$0x1];
	p0 =	sne.s32 s2, $0x0  }
0x53c: {  	s3 =	rddreg [dreg:$0x2];
	[bflag:$0x3] =	sbarrier.arrive $0xFFFF;
	s2 =	simm.s32 @!p0 $0x1C04  }
0x53d: {  	[timem:s3], [sflag:s2] =	dma.local @!p0 [hbm:s0], s1  }
0x53e: {  	s0 =	simm.s32 @!p0 $0x4  }
0x53f: {  	_ =	swait.ge @!p0 [sflag:s0], s1  }
0x540: {  	s1 =	ssub.s32 @!p0 $0x0, s1;
	[sflag:s0] =	ssyncset.done @!p0 $0x0  }
0x541: {  	[sflag:s0] =	ssyncadd.s32 @!p0 s1  }
0x542: {  	[bflag:$0x3] =	sbarrier.arrive $0xFFFF  }
0x543: {  	_ =	shalt  }

</sc_bundles>
